<compile_context>
chip_gen: v7x
topology: tpu7x:2x2x1
jax: 0.10.2.dev20260603
libtpu: 0.0.44.dev20260713+nightly
codegen_flags: <defaults>
</compile_context>

<pallas_src>
import functools

import jax
import jax.numpy as jnp
from jax import lax
from jax.experimental import pallas as pl
from jax.experimental.pallas import tpu as pltpu
from jax.experimental.pallas import tpu_sc as plsc

N = 10000
E = 320000
IN_DIM = 128
HID = 256
L = 4

NC = 2
NS = 16
K = 96
WPT = 210
EPAD = NS * WPT * K
NPAD = 10240
ROWS_PER_SUB = NPAD // NS
HALF = HID // 2
ZCH = 16
NB = 2
NBUF = 3
CH = 30
NCH = WPT // CH
CHD = 21


def _ln(x, g, b):
    m = x.mean(-1, keepdims=True)
    v = ((x - m) ** 2).mean(-1, keepdims=True)
    return (x - m) * jax.lax.rsqrt(v + 1e-5) * g + b


def _gelu(x):
    return 0.5 * x * (1.0 + lax.erf(x * (2.0 ** -0.5)))



def _zero_shared(zb, dest, r0, nrows, width):
    zeros16 = jnp.zeros((16,), jnp.float32)
    zrows = zb.shape[0]

    def zrow(i, carry):
        for j in range(width // 16):
            zb[i, pl.ds(j * 16, 16)] = zeros16
        return carry

    lax.fori_loop(0, zrows, zrow, 0)

    def zcopy(i, carry):
        pltpu.sync_copy(zb, dest.at[pl.ds(r0 + i * zrows, zrows)])
        return carry

    lax.fori_loop(0, nrows // zrows, zcopy, 0)


def _sc_body(xp, src_h, dst_h, zq, agg, src_c, dst_c, rows0, rows1, rows2,
             zbuf, acc, sg0, sg1, sg2):
    rows = (rows0, rows1, rows2)
    sg = (sg0, sg1, sg2)

    c = lax.axis_index("c")
    s = lax.axis_index("s")
    r0 = s * ROWS_PER_SUB

    pltpu.sync_copy(zq, zbuf)

    def zcopy(i, carry):
        pltpu.sync_copy(zbuf, acc.at[pl.ds(r0 + i * ZCH, ZCH)])
        return carry

    lax.fori_loop(0, ROWS_PER_SUB // ZCH, zcopy, 0)
    plsc.subcore_barrier()

    table = xp.at[c]

    def start_gather(w, b):
        pltpu.make_async_copy(table.at[src_c.at[w]], rows[b], sg[b]).start()

    def wait_gather(w, b):
        pltpu.make_async_copy(table.at[src_c.at[w]], rows[b], sg[b]).wait()

    def scatter(w, b):
        pltpu.sync_copy(rows[b], acc.at[dst_c.at[w]], add=True)

    def chunk(c2, carry):
        pltpu.sync_copy(src_h.at[s].at[pl.ds(c2 * CH, CH)], src_c)
        pltpu.sync_copy(dst_h.at[s].at[pl.ds(c2 * CH, CH)], dst_c)
        for b in range(NB):
            start_gather(b, b)

        def step(g, carry2):
            for j in range(NBUF):
                w = g * NBUF + j
                wait_gather(w, j)
                start_gather(w + NB, (j + NB) % NBUF)
                scatter(w, j)
            return carry2

        lax.fori_loop(0, (CH - NBUF) // NBUF, step, 0)
        for w in range(CH - NBUF, CH):
            b = w % NBUF
            wait_gather(w, b)
            if w + NB < CH:
                start_gather(w + NB, (w + NB) % NBUF)
            scatter(w, b)
        return carry

    lax.fori_loop(0, NCH, chunk, 0)

    plsc.subcore_barrier()
    pltpu.sync_copy(acc.at[pl.ds(r0, ROWS_PER_SUB)],
                    agg.at[c].at[pl.ds(r0, ROWS_PER_SUB)])


WPD = EPAD // (NC * NS) // K


def _sc_deg_body(dst_h, deg, dst_c, ones_v, zdbuf, dacc):
    c = lax.axis_index("c")
    s = lax.axis_index("s")
    wid = s * NC + c
    r0 = s * ROWS_PER_SUB

    _zero_shared(zdbuf, dacc, r0, ROWS_PER_SUB, 16)

    def orow(i, carry):
        ones_v[i, pl.ds(0, 16)] = jnp.ones((16,), jnp.float32)
        return carry

    lax.fori_loop(0, K, orow, 0)
    plsc.subcore_barrier()

    def chunk(c2, carry):
        pltpu.sync_copy(dst_h.at[wid].at[pl.ds(c2 * CHD, CHD)], dst_c)

        def step(w, carry2):
            pltpu.sync_copy(ones_v, dacc.at[dst_c.at[w]], add=True)
            return carry2

        lax.fori_loop(0, CHD, step, 0)
        return carry

    lax.fori_loop(0, WPD // CHD, chunk, 0)

    plsc.subcore_barrier()
    pltpu.sync_copy(dacc.at[pl.ds(r0, ROWS_PER_SUB)],
                    deg.at[c].at[pl.ds(r0, ROWS_PER_SUB)])


def _make_sc():
    scratch = [
        pltpu.VMEM((CH, K), jnp.int32),
        pltpu.VMEM((CH, K), jnp.int32),
        pltpu.VMEM((K, HALF), jnp.int16),
        pltpu.VMEM((K, HALF), jnp.int16),
        pltpu.VMEM((K, HALF), jnp.int16),
        pltpu.VMEM((ZCH, HALF), jnp.int16),
        pltpu.VMEM_SHARED((NPAD, HALF), jnp.int16),
        pltpu.SemaphoreType.DMA, pltpu.SemaphoreType.DMA,
        pltpu.SemaphoreType.DMA,
    ]
    mesh = plsc.VectorSubcoreMesh(core_axis_name="c", subcore_axis_name="s",
                                  num_cores=NC, num_subcores=NS)
    return pl.kernel(
        _sc_body,
        out_type=jax.ShapeDtypeStruct((NC, NPAD, HALF), jnp.int16),
        mesh=mesh,
        scratch_types=scratch,
        compiler_params=pltpu.CompilerParams(use_tc_tiling_on_sc=False),
        name="sc_segsum",
    )


def _make_sc_deg():
    scratch = [
        pltpu.VMEM((CHD, K), jnp.int32),
        pltpu.VMEM((K, 16), jnp.float32),
        pltpu.VMEM((64, 16), jnp.float32),
        pltpu.VMEM_SHARED((NPAD, 16), jnp.float32),
    ]
    mesh = plsc.VectorSubcoreMesh(core_axis_name="c", subcore_axis_name="s",
                                  num_cores=NC, num_subcores=NS)
    return pl.kernel(
        _sc_deg_body,
        out_type=jax.ShapeDtypeStruct((NC, NPAD, 16), jnp.float32),
        mesh=mesh,
        scratch_types=scratch,
        compiler_params=pltpu.CompilerParams(use_tc_tiling_on_sc=False),
        name="sc_deg",
    )


_sc_cache = {}


def _sc_segsum(xp, src, dst, zq):
    if "agg" not in _sc_cache:
        _sc_cache["agg"] = _make_sc()
    return _sc_cache["agg"](xp, src, dst, zq)


def _sc_degcount(dst):
    if "deg" not in _sc_cache:
        _sc_cache["deg"] = _make_sc_deg()
    return _sc_cache["deg"](dst)



R = 1000
G = N // R


def _row(spec_shape):
    nd = len(spec_shape)
    if nd == 2:
        return pl.BlockSpec((R, spec_shape[1]), lambda i: (i, 0))
    return pl.BlockSpec((spec_shape[0], R, spec_shape[2]), lambda i: (0, i, 0))


def _full(shape):
    nd = len(shape)
    return pl.BlockSpec(shape, lambda i: (0,) * nd)


def _in_proj_body(x, w1, b1, w2, b2, lg, lb, blg, blb, wp, bp, wr, scl,
                  xcur_o, xq_o, xr_o):
    h = _gelu(jnp.dot(x[...], w1[...], preferred_element_type=jnp.float32)
              + b1[...])
    h = jnp.dot(h, w2[...], preferred_element_type=jnp.float32) + b2[...]
    h = _ln(h, lg[...], lb[...])
    xcur_o[...] = h
    xln = _ln(h, blg[...], blb[...])
    xp = jnp.maximum(
        jnp.dot(xln, wp[...], preferred_element_type=jnp.float32) + bp[...],
        0.0)
    xq = jnp.round(xp * scl[0, 0]).astype(jnp.int16)
    xq_o[0] = xq[:, :HALF]
    xq_o[1] = xq[:, HALF:]
    xr_o[...] = jnp.dot(xln, wr[...], preferred_element_type=jnp.float32)


def _in_proj(x, W1, b1, W2, b2, lg, lb, blg, blb, wp, bp, wr, scl):
    return pl.pallas_call(
        _in_proj_body,
        grid=(G,),
        in_specs=[
            _row((N, IN_DIM)),
            _full((IN_DIM, 2 * HID)), _full((1, 2 * HID)),
            _full((2 * HID, HID)), _full((1, HID)),
            _full((1, HID)), _full((1, HID)),
            _full((1, HID)), _full((1, HID)),
            _full((HID, HID)), _full((1, HID)),
            _full((HID, HID)), _full((1, 1)),
        ],
        out_specs=[_row((N, HID)), _row((2, N, HALF)), _row((N, HID))],
        out_shape=[
            jax.ShapeDtypeStruct((N, HID), jnp.float32),
            jax.ShapeDtypeStruct((NC, N, HALF), jnp.int16),
            jax.ShapeDtypeStruct((N, HID), jnp.float32),
        ],
        name="tc_in_proj",
    )(x, W1, b1, W2, b2, lg, lb, blg, blb, wp, bp, wr, scl)


def _post_body(last, xcur, xr, agg, deg, isc, scln, wl, bl, wg, bg,
               blg, blb, wp, bp, wr, *outs):
    d = deg[0, :, 0:1] + deg[1, :, 0:1]
    aggf = jnp.concatenate([agg[0], agg[1]], axis=-1).astype(jnp.float32)
    mean = aggf * (isc[0, 0] / jnp.maximum(d, 1.0))
    out = (jnp.dot(mean, wl[...], preferred_element_type=jnp.float32)
           + bl[...] + xr[...])
    nrm = jnp.sqrt(jnp.sum(out * out, axis=-1, keepdims=True))
    out = out / jnp.maximum(nrm, 1e-12)
    hi = xcur[...] + _gelu(out)
    xc = xcur[...]
    gate_in = jnp.concatenate([xc, hi], axis=-1)
    g = jax.nn.sigmoid(
        jnp.dot(gate_in, wg[...], preferred_element_type=jnp.float32)
        + bg[...])
    xnew = xc + g * hi
    if last:
        outs[0][...] = _ln(xnew, blg[...], blb[...])
    else:
        xcur_o, xq_o, xr_o = outs
        xcur_o[...] = xnew
        xln = _ln(xnew, blg[...], blb[...])
        xp = jnp.maximum(
            jnp.dot(xln, wp[...], preferred_element_type=jnp.float32)
            + bp[...], 0.0)
        xq = jnp.round(xp * scln[0, 0]).astype(jnp.int16)
        xq_o[0] = xq[:, :HALF]
        xq_o[1] = xq[:, HALF:]
        xr_o[...] = jnp.dot(xln, wr[...], preferred_element_type=jnp.float32)


def _post(last, xcur, xr, agg, deg, isc, scln, wl, bl, wg, bg, blg, blb, wp,
          bp, wr):
    if last:
        out_specs = [_row((N, HID))]
        out_shape = [jax.ShapeDtypeStruct((N, HID), jnp.float32)]
    else:
        out_specs = [_row((N, HID)), _row((2, N, HALF)), _row((N, HID))]
        out_shape = [
            jax.ShapeDtypeStruct((N, HID), jnp.float32),
            jax.ShapeDtypeStruct((NC, N, HALF), jnp.int16),
            jax.ShapeDtypeStruct((N, HID), jnp.float32),
        ]
    res = pl.pallas_call(
        functools.partial(_post_body, last),
        grid=(G,),
        in_specs=[
            _row((N, HID)), _row((N, HID)),
            _row((2, N, HALF)),
            pl.BlockSpec((2, R, 16), lambda i: (0, i, 0)),
            _full((1, 1)), _full((1, 1)),
            _full((HID, HID)), _full((1, HID)),
            _full((2 * HID, HID)), _full((1, HID)),
            _full((1, HID)), _full((1, HID)),
            _full((HID, HID)), _full((1, HID)),
            _full((HID, HID)),
        ],
        out_specs=out_specs,
        out_shape=out_shape,
        name="tc_post_last" if last else "tc_post",
    )(xcur, xr, agg, deg, isc, scln, wl, bl, wg, bg, blg, blb, wp, bp, wr)
    return res



def kernel(x, edge_index, W1, b1, W2, b2, ln_in_g, ln_in_b, Wp, bp, Wl, bl,
           Wr, blk_ln_g, blk_ln_b, Wg, bg, fn_g, fn_b):
    npad_e = EPAD - E
    fill = jnp.arange(npad_e, dtype=jnp.int32)
    src = jnp.concatenate([edge_index[0], fill % N]).reshape(NS, WPT, K)
    dst = jnp.concatenate([edge_index[1], N + fill % (NPAD - N)]
                          ).reshape(NS, WPT, K)
    r2 = lambda a: a.reshape(1, -1)

    deg = _sc_degcount(dst.reshape(NC * NS, WPD, K))
    dmx = jnp.maximum(jnp.max(deg[0, :N, 0] + deg[1, :N, 0]), 1.0)
    bounds = (16.0 * jnp.sqrt(jnp.max(jnp.sum(Wp * Wp, axis=1), axis=-1))
              + jnp.max(jnp.abs(bp), axis=-1))
    scl = 30000.0 / (jnp.maximum(bounds, 1e-30) * dmx)
    isc = (1.0 / scl).reshape(L, 1, 1)
    scl = scl.reshape(L, 1, 1)
    zq = jnp.zeros((ZCH, HALF), jnp.int16)

    xcur, xq, xr = _in_proj(
        x, W1, r2(b1), W2, r2(b2), r2(ln_in_g), r2(ln_in_b),
        r2(blk_ln_g[0]), r2(blk_ln_b[0]), Wp[0], r2(bp[0]), Wr[0], scl[0])

    for i in range(L):
        agg = _sc_segsum(xq, src, dst, zq)
        last = i == L - 1
        if last:
            nblg, nblb = fn_g, fn_b
            nwp, nbp, nwr, nscl = Wp[0], bp[0], Wr[0], scl[0]
        else:
            nblg, nblb = blk_ln_g[i + 1], blk_ln_b[i + 1]
            nwp, nbp, nwr, nscl = Wp[i + 1], bp[i + 1], Wr[i + 1], scl[i + 1]
        res = _post(last, xcur, xr, agg, deg, isc[i], nscl, Wl[i], r2(bl[i]),
                    Wg[i], r2(bg[i]), r2(nblg), r2(nblb), nwp, r2(nbp), nwr)
        if last:
            return res[0]
        xcur, xq, xr = res

# --- scband reference (transcript-rebuilt; emitter-appended) ---
"""Pipeline reference for scband-hgnnexpert-20538533609922 (READ-ONLY COPY).

The authoritative reference and input builder live on the scoring server;
editing this copy changes nothing except your own understanding.
"""

import jax, jax.numpy as jnp
import numpy as np

N_NODES = 10000
N_EDGES = 320000
IN_DIM = 128
HID = 256
L = 4


def _ln(x, g, b):
    m = x.mean(-1, keepdims=True)
    v = ((x - m) ** 2).mean(-1, keepdims=True)
    return (x - m) / jnp.sqrt(v + 1e-5) * g + b


def _sage(x, src, dst, Wp, bp, Wl, bl, Wr):
    # SAGEConv(project=True, normalize=True, aggr='mean')
    xp = jax.nn.relu(x @ Wp + bp)
    msg = xp[src]
    agg = jax.ops.segment_sum(msg, dst, num_segments=x.shape[0])
    deg = jax.ops.segment_sum(jnp.ones((src.shape[0], 1), x.dtype), dst, num_segments=x.shape[0])
    mean = agg / jnp.clip(deg, 1.0)
    out = mean @ Wl + bl + x @ Wr
    nrm = jnp.linalg.norm(out, axis=-1, keepdims=True)
    return out / jnp.clip(nrm, 1e-12)


def setup_inputs(seed: int = 0) -> dict:
    key = jax.random.key(seed)
    ks = jax.random.split(key, 32)

    def w(k, shape, scale):
        return jax.random.normal(k, shape, dtype=jnp.float32) * scale

    inp = {}
    inp['x'] = jax.random.normal(ks[0], (N_NODES, IN_DIM), dtype=jnp.float32)
    inp['edge_index'] = jax.random.randint(ks[1], (2, N_EDGES), 0, N_NODES, dtype=jnp.int32)
    # input_proj: Linear(in, 2h) -> GELU -> Linear(2h, h) -> LayerNorm
    inp['W1'] = w(ks[2], (IN_DIM, HID * 2), (2.0 / IN_DIM) ** 0.5)
    inp['b1'] = jnp.zeros((HID * 2,), jnp.float32)
    inp['W2'] = w(ks[3], (HID * 2, HID), (2.0 / (HID * 2)) ** 0.5)
    inp['b2'] = jnp.zeros((HID,), jnp.float32)
    inp['ln_in_g'] = jnp.ones((HID,), jnp.float32)
    inp['ln_in_b'] = jnp.zeros((HID,), jnp.float32)
    # per-layer SAGEConv params (stacked over L layers)
    s = (2.0 / HID) ** 0.5
    inp['Wp'] = w(ks[4], (L, HID, HID), s)
    inp['bp'] = jnp.zeros((L, HID), jnp.float32)
    inp['Wl'] = w(ks[5], (L, HID, HID), s)
    inp['bl'] = jnp.zeros((L, HID), jnp.float32)
    inp['Wr'] = w(ks[6], (L, HID, HID), s)
    # per-layer residual-block LayerNorm
    inp['blk_ln_g'] = jnp.ones((L, HID), jnp.float32)
    inp['blk_ln_b'] = jnp.zeros((L, HID), jnp.float32)
    # per-layer GatedResidual: Linear(2h, h) + sigmoid
    inp['Wg'] = w(ks[7], (L, HID * 2, HID), (2.0 / (HID * 2)) ** 0.5)
    inp['bg'] = jnp.zeros((L, HID), jnp.float32)
    # final LayerNorm
    inp['fn_g'] = jnp.ones((HID,), jnp.float32)
    inp['fn_b'] = jnp.zeros((HID,), jnp.float32)
    return inp


def reference(x, edge_index, W1, b1, W2, b2, ln_in_g, ln_in_b, Wp, bp, Wl, bl, Wr, blk_ln_g, blk_ln_b, Wg, bg, fn_g, fn_b):
    src, dst = edge_index[0], edge_index[1]
    # input_proj
    h = jax.nn.gelu(x @ W1 + b1, approximate=False) @ W2 + b2
    h = _ln(h, ln_in_g, ln_in_b)
    xcur = h
    for i in range(L):
        # GNNResidualBlock: pre-LN -> SAGEConv -> GELU -> (dropout=eval identity) -> residual add
        hi = _sage(_ln(xcur, blk_ln_g[i], blk_ln_b[i]), src, dst, Wp[i], bp[i], Wl[i], bl[i], Wr[i])
        hi = jax.nn.gelu(hi, approximate=False)
        hi = xcur + hi
        # GatedResidual
        g = jax.nn.sigmoid(jnp.concatenate([xcur, hi], axis=-1) @ Wg[i] + bg[i])
        xcur = xcur + g * hi
    out = _ln(xcur, fn_g, fn_b)
    # dropout in eval mode is identity
    return out

if __name__ == "__main__":
    import jax
    _d = setup_inputs()
    print(jax.jit(kernel)(*tuple(_d.values())))

</pallas_src>

<mosaic_0001>
#map = affine_map<(d0, d1) -> (0, 0, 0)>
module attributes {stable_mosaic.version = 14 : i64} {
  func.func @sc_deg(%arg0: i32, %arg1: i32, %arg2: memref<32x105x96xi32, #tpu.memory_space<hbm>>, %arg3: memref<2x10240x16xf32, #tpu.memory_space<hbm>>, %arg4: memref<21x96xi32, #tpu.memory_space<vmem>>, %arg5: memref<96x16xf32, #tpu.memory_space<vmem>>, %arg6: memref<64x16xf32, #tpu.memory_space<vmem>>, %arg7: memref<10240x16xf32, #tpu.memory_space<vmem_shared>>) attributes {dimension_semantics = [#tpu.dimension_semantics<core_parallel>, #tpu.dimension_semantics<subcore_parallel>], iteration_bounds = array<i64: 2, 16>, scalar_prefetch = 0 : i64, scratch_operands = 4 : i64, tpu.core_type = #tpu.core_type<sc_vector_subcore>, window_params = [{transform_indices = #map}, {transform_indices = #map}]} {
    %mul3A = arith.constant 2 : i32
    %mul3A_0 = arith.muli %arg1, %mul3A : i32
    %add3A = arith.addi %mul3A_0, %arg0 : i32
    %mul3A_1 = arith.constant 640 : i32
    %mul3A_2 = arith.muli %arg1, %mul3A_1 : i32
    %broadcast_in_dim3A = arith.constant 0.000000e+00 : f32
    %broadcast_in_dim3A_3 = vector.broadcast %broadcast_in_dim3A : f32 to vector<16xf32>
    %scan3A = arith.constant 0 : i32
    %scan3A_4 = arith.constant 0 : i32
    %scan3A_5 = arith.constant 64 : i32
    %scan3A_6 = arith.addi %scan3A_4, %scan3A_5 : i32
    %scan3A_7 = arith.constant 1 : i32
    scf.for %scan3A_28 = %scan3A_4 to %scan3A_6 step %scan3A_7  : i32 {
      %swap3A = arith.index_cast %scan3A_28 : i32 to index
      %swap3A_29 = arith.constant 0 : index
      %swap3A_30 = tpu.vector_load %arg6[%swap3A, %swap3A_29] {strides = array<i32>} : memref<64x16xf32, #tpu.memory_space<vmem>>, vector<1x16xf32>,
      %swap3A_31 = vector.shape_cast %swap3A_30 : vector<1x16xf32> to vector<16xf32>
      %swap3A_32 = vector.shape_cast %broadcast_in_dim3A_3 : vector<16xf32> to vector<1x16xf32>
      tpu.vector_store %arg6[%swap3A, %swap3A_29], %swap3A_32 {strides = array<i32>} : memref<64x16xf32, #tpu.memory_space<vmem>>, vector<1x16xf32>,
    }
    %scan3A_8 = arith.constant 64 : i32
    %scan3A_9 = arith.constant 0 : i32
    %scan3A_10 = arith.constant 0 : i32
    %scan3A_11 = arith.constant 10 : i32
    %scan3A_12 = arith.addi %scan3A_10, %scan3A_11 : i32
    %scan3A_13 = arith.constant 1 : i32
    scf.for %scan3A_28 = %scan3A_10 to %scan3A_12 step %scan3A_13  : i32 {
      %mul3A_29 = arith.constant 64 : i32
      %mul3A_30 = arith.muli %scan3A_28, %mul3A_29 : i32
      %add3A_31 = arith.addi %mul3A_2, %mul3A_30 : i32
      "tpu.region"() ({
        %run_scoped3A = tpu.sem_alloc : memref<!tpu.dma_semaphore, #tpu.memory_space<semaphore_mem>>
        %dma_start3A = arith.constant 0 : i32
        %dma_start3A_32 = tpu.memref_slice %arg7[%add3A_31, %dma_start3A] : memref<10240x16xf32, #tpu.memory_space<vmem_shared>> -> memref<64x16xf32, #tpu.memory_space<vmem_shared>>
        %dma_start3A_33 = arith.constant 0 : i32
        %dma_start3A_34 = tpu.memref_slice %arg7[%add3A_31, %dma_start3A_33] : memref<10240x16xf32, #tpu.memory_space<vmem_shared>> -> memref<64x16xf32, #tpu.memory_space<vmem_shared>>
        tpu.enqueue_dma source(%arg6 : memref<64x16xf32, #tpu.memory_space<vmem>>) target(%dma_start3A_34 : memref<64x16xf32, #tpu.memory_space<vmem_shared>>) target_semaphore(%run_scoped3A : memref<!tpu.dma_semaphore, #tpu.memory_space<semaphore_mem>>)
        %dma_wait3A = arith.constant 0 : i32
        %dma_wait3A_35 = tpu.memref_slice %arg7[%add3A_31, %dma_wait3A] : memref<10240x16xf32, #tpu.memory_space<vmem_shared>> -> memref<64x16xf32, #tpu.memory_space<vmem_shared>>
        %dma_wait3A_36 = arith.constant 0 : i32
        %dma_wait3A_37 = tpu.memref_slice %arg7[%add3A_31, %dma_wait3A_36] : memref<10240x16xf32, #tpu.memory_space<vmem_shared>> -> memref<64x16xf32, #tpu.memory_space<vmem_shared>>
        tpu.wait_dma2 semaphore(%run_scoped3A : memref<!tpu.dma_semaphore, #tpu.memory_space<semaphore_mem>>) src(%arg6 : memref<64x16xf32, #tpu.memory_space<vmem>>) dst(%dma_wait3A_37 : memref<64x16xf32, #tpu.memory_space<vmem_shared>>)
        tpu.yield
      }) : () -> ()
    }
    %scan3A_14 = arith.constant 10 : i32
    %scan3A_15 = arith.constant 0 : i32
    %scan3A_16 = arith.constant 0 : i32
    %scan3A_17 = arith.constant 96 : i32
    %scan3A_18 = arith.addi %scan3A_16, %scan3A_17 : i32
    %scan3A_19 = arith.constant 1 : i32
    scf.for %scan3A_28 = %scan3A_16 to %scan3A_18 step %scan3A_19  : i32 {
      %broadcast_in_dim3A_29 = arith.constant 1.000000e+00 : f32
      %broadcast_in_dim3A_30 = vector.broadcast %broadcast_in_dim3A_29 : f32 to vector<16xf32>
      %swap3A = arith.index_cast %scan3A_28 : i32 to index
      %swap3A_31 = arith.constant 0 : index
      %swap3A_32 = tpu.vector_load %arg5[%swap3A, %swap3A_31] {strides = array<i32>} : memref<96x16xf32, #tpu.memory_space<vmem>>, vector<1x16xf32>,
      %swap3A_33 = vector.shape_cast %swap3A_32 : vector<1x16xf32> to vector<16xf32>
      %swap3A_34 = vector.shape_cast %broadcast_in_dim3A_30 : vector<16xf32> to vector<1x16xf32>
      tpu.vector_store %arg5[%swap3A, %swap3A_31], %swap3A_34 {strides = array<i32>} : memref<96x16xf32, #tpu.memory_space<vmem>>, vector<1x16xf32>,
    }
    %scan3A_20 = arith.constant 96 : i32
    %barrier3A = arith.constant 0 : index
    tpu.barrier barrier_id(%barrier3A)
    %scan3A_21 = arith.constant 0 : i32
    %scan3A_22 = arith.constant 0 : i32
    %scan3A_23 = arith.constant 5 : i32
    %scan3A_24 = arith.addi %scan3A_22, %scan3A_23 : i32
    %scan3A_25 = arith.constant 1 : i32
    scf.for %scan3A_28 = %scan3A_22 to %scan3A_24 step %scan3A_25  : i32 {
      %mul3A_29 = arith.constant 21 : i32
      %mul3A_30 = arith.muli %scan3A_28, %mul3A_29 : i32
      "tpu.region"() ({
        %run_scoped3A = tpu.sem_alloc : memref<!tpu.dma_semaphore, #tpu.memory_space<semaphore_mem>>
        %dma_start3A = arith.constant 0 : i32
        %dma_start3A_37 = arith.constant 0 : i32
        %dma_start3A_38 = tpu.memref_slice %arg2[%add3A, %dma_start3A, %dma_start3A_37] : memref<32x105x96xi32, #tpu.memory_space<hbm>> -> memref<1x105x96xi32, #tpu.memory_space<hbm>>
        %dma_start3A_39 = tpu.memref_squeeze %dma_start3A_38 : memref<1x105x96xi32, #tpu.memory_space<hbm>> -> memref<105x96xi32, #tpu.memory_space<hbm>>
        %dma_start3A_40 = arith.constant 0 : i32
        %dma_start3A_41 = tpu.memref_slice %dma_start3A_39[%mul3A_30, %dma_start3A_40] : memref<105x96xi32, #tpu.memory_space<hbm>> -> memref<21x96xi32, #tpu.memory_space<hbm>>
        %dma_start3A_42 = arith.constant 0 : i32
        %dma_start3A_43 = arith.constant 0 : i32
        %dma_start3A_44 = tpu.memref_slice %arg2[%add3A, %dma_start3A_42, %dma_start3A_43] : memref<32x105x96xi32, #tpu.memory_space<hbm>> -> memref<1x105x96xi32, #tpu.memory_space<hbm>>
        %dma_start3A_45 = tpu.memref_squeeze %dma_start3A_44 : memref<1x105x96xi32, #tpu.memory_space<hbm>> -> memref<105x96xi32, #tpu.memory_space<hbm>>
        %dma_start3A_46 = arith.constant 0 : i32
        %dma_start3A_47 = tpu.memref_slice %dma_start3A_45[%mul3A_30, %dma_start3A_46] : memref<105x96xi32, #tpu.memory_space<hbm>> -> memref<21x96xi32, #tpu.memory_space<hbm>>
        tpu.enqueue_dma source(%dma_start3A_47 : memref<21x96xi32, #tpu.memory_space<hbm>>) target(%arg4 : memref<21x96xi32, #tpu.memory_space<vmem>>) target_semaphore(%run_scoped3A : memref<!tpu.dma_semaphore, #tpu.memory_space<semaphore_mem>>)
        %dma_wait3A = arith.constant 0 : i32
        %dma_wait3A_48 = arith.constant 0 : i32
        %dma_wait3A_49 = tpu.memref_slice %arg2[%add3A, %dma_wait3A, %dma_wait3A_48] : memref<32x105x96xi32, #tpu.memory_space<hbm>> -> memref<1x105x96xi32, #tpu.memory_space<hbm>>
        %dma_wait3A_50 = tpu.memref_squeeze %dma_wait3A_49 : memref<1x105x96xi32, #tpu.memory_space<hbm>> -> memref<105x96xi32, #tpu.memory_space<hbm>>
        %dma_wait3A_51 = arith.constant 0 : i32
        %dma_wait3A_52 = tpu.memref_slice %dma_wait3A_50[%mul3A_30, %dma_wait3A_51] : memref<105x96xi32, #tpu.memory_space<hbm>> -> memref<21x96xi32, #tpu.memory_space<hbm>>
        %dma_wait3A_53 = arith.constant 0 : i32
        %dma_wait3A_54 = arith.constant 0 : i32
        %dma_wait3A_55 = tpu.memref_slice %arg2[%add3A, %dma_wait3A_53, %dma_wait3A_54] : memref<32x105x96xi32, #tpu.memory_space<hbm>> -> memref<1x105x96xi32, #tpu.memory_space<hbm>>
        %dma_wait3A_56 = tpu.memref_squeeze %dma_wait3A_55 : memref<1x105x96xi32, #tpu.memory_space<hbm>> -> memref<105x96xi32, #tpu.memory_space<hbm>>
        %dma_wait3A_57 = arith.constant 0 : i32
        %dma_wait3A_58 = tpu.memref_slice %dma_wait3A_56[%mul3A_30, %dma_wait3A_57] : memref<105x96xi32, #tpu.memory_space<hbm>> -> memref<21x96xi32, #tpu.memory_space<hbm>>
        tpu.wait_dma2 semaphore(%run_scoped3A : memref<!tpu.dma_semaphore, #tpu.memory_space<semaphore_mem>>) src(%dma_wait3A_58 : memref<21x96xi32, #tpu.memory_space<hbm>>) dst(%arg4 : memref<21x96xi32, #tpu.memory_space<vmem>>)
        tpu.yield
      }) : () -> ()
      %scan3A_31 = arith.constant 0 : i32
      %scan3A_32 = arith.constant 0 : i32
      %scan3A_33 = arith.constant 21 : i32
      %scan3A_34 = arith.addi %scan3A_32, %scan3A_33 : i32
      %scan3A_35 = arith.constant 1 : i32
      scf.for %scan3A_37 = %scan3A_32 to %scan3A_34 step %scan3A_35  : i32 {
        "tpu.region"() ({
          %run_scoped3A = tpu.sem_alloc : memref<!tpu.dma_semaphore, #tpu.memory_space<semaphore_mem>>
          %dma_start3A = arith.constant 0 : i32
          %dma_start3A_38 = tpu.memref_slice %arg4[%scan3A_37, %dma_start3A] : memref<21x96xi32, #tpu.memory_space<vmem>> -> memref<1x96xi32, #tpu.memory_space<vmem>>
          %dma_start3A_39 = tpu.memref_squeeze %dma_start3A_38 : memref<1x96xi32, #tpu.memory_space<vmem>> -> memref<96xi32, #tpu.memory_space<vmem>>
          %dma_start3A_40 = arith.constant 0 : i32
          %dma_start3A_41 = arith.constant 0 : i32
          %dma_start3A_42 = tpu.memref_slice %arg7[%dma_start3A_40, %dma_start3A_41] : memref<10240x16xf32, #tpu.memory_space<vmem_shared>> -> memref<10240x16xf32, #tpu.memory_space<vmem_shared>>
          tpu.enqueue_indirect_dma source(%arg5 : memref<96x16xf32, #tpu.memory_space<vmem>>) target(%dma_start3A_42 : memref<10240x16xf32, #tpu.memory_space<vmem_shared>>) offsets(%dma_start3A_39 : memref<96xi32, #tpu.memory_space<vmem>>) semaphore(%run_scoped3A : memref<!tpu.dma_semaphore, #tpu.memory_space<semaphore_mem>>) {add = true}
          %dma_wait3A = arith.constant 0 : i32
          %dma_wait3A_43 = tpu.memref_slice %arg4[%scan3A_37, %dma_wait3A] : memref<21x96xi32, #tpu.memory_space<vmem>> -> memref<1x96xi32, #tpu.memory_space<vmem>>
          %dma_wait3A_44 = tpu.memref_squeeze %dma_wait3A_43 : memref<1x96xi32, #tpu.memory_space<vmem>> -> memref<96xi32, #tpu.memory_space<vmem>>
          %dma_wait3A_45 = arith.constant 0 : i32
          %dma_wait3A_46 = arith.constant 0 : i32
          %dma_wait3A_47 = tpu.memref_slice %arg7[%dma_wait3A_45, %dma_wait3A_46] : memref<10240x16xf32, #tpu.memory_space<vmem_shared>> -> memref<10240x16xf32, #tpu.memory_space<vmem_shared>>
          tpu.wait_indirect_dma semaphore(%run_scoped3A : memref<!tpu.dma_semaphore, #tpu.memory_space<semaphore_mem>>) src(%arg5 : memref<96x16xf32, #tpu.memory_space<vmem>>) dst(%dma_wait3A_47 : memref<10240x16xf32, #tpu.memory_space<vmem_shared>>)
          tpu.yield
        }) : () -> ()
      }
      %scan3A_36 = arith.constant 21 : i32
    }
    %scan3A_26 = arith.constant 5 : i32
    %barrier3A_27 = arith.constant 0 : index
    tpu.barrier barrier_id(%barrier3A_27)
    "tpu.region"() ({
      %run_scoped3A = tpu.sem_alloc : memref<!tpu.dma_semaphore, #tpu.memory_space<semaphore_mem>>
      %dma_start3A = arith.constant 0 : i32
      %dma_start3A_28 = arith.constant 0 : i32
      %dma_start3A_29 = tpu.memref_slice %arg3[%arg0, %dma_start3A, %dma_start3A_28] : memref<2x10240x16xf32, #tpu.memory_space<hbm>> -> memref<1x10240x16xf32, #tpu.memory_space<hbm>>
      %dma_start3A_30 = tpu.memref_squeeze %dma_start3A_29 : memref<1x10240x16xf32, #tpu.memory_space<hbm>> -> memref<10240x16xf32, #tpu.memory_space<hbm>>
      %dma_start3A_31 = arith.constant 0 : i32
      %dma_start3A_32 = tpu.memref_slice %dma_start3A_30[%mul3A_2, %dma_start3A_31] : memref<10240x16xf32, #tpu.memory_space<hbm>> -> memref<640x16xf32, #tpu.memory_space<hbm>>
      %dma_start3A_33 = arith.constant 0 : i32
      %dma_start3A_34 = tpu.memref_slice %arg7[%mul3A_2, %dma_start3A_33] : memref<10240x16xf32, #tpu.memory_space<vmem_shared>> -> memref<640x16xf32, #tpu.memory_space<vmem_shared>>
      tpu.enqueue_dma source(%dma_start3A_34 : memref<640x16xf32, #tpu.memory_space<vmem_shared>>) target(%dma_start3A_32 : memref<640x16xf32, #tpu.memory_space<hbm>>) target_semaphore(%run_scoped3A : memref<!tpu.dma_semaphore, #tpu.memory_space<semaphore_mem>>)
      %dma_wait3A = arith.constant 0 : i32
      %dma_wait3A_35 = arith.constant 0 : i32
      %dma_wait3A_36 = tpu.memref_slice %arg3[%arg0, %dma_wait3A, %dma_wait3A_35] : memref<2x10240x16xf32, #tpu.memory_space<hbm>> -> memref<1x10240x16xf32, #tpu.memory_space<hbm>>
      %dma_wait3A_37 = tpu.memref_squeeze %dma_wait3A_36 : memref<1x10240x16xf32, #tpu.memory_space<hbm>> -> memref<10240x16xf32, #tpu.memory_space<hbm>>
      %dma_wait3A_38 = arith.constant 0 : i32
      %dma_wait3A_39 = tpu.memref_slice %dma_wait3A_37[%mul3A_2, %dma_wait3A_38] : memref<10240x16xf32, #tpu.memory_space<hbm>> -> memref<640x16xf32, #tpu.memory_space<hbm>>
      %dma_wait3A_40 = arith.constant 0 : i32
      %dma_wait3A_41 = tpu.memref_slice %arg7[%mul3A_2, %dma_wait3A_40] : memref<10240x16xf32, #tpu.memory_space<vmem_shared>> -> memref<640x16xf32, #tpu.memory_space<vmem_shared>>
      tpu.wait_dma2 semaphore(%run_scoped3A : memref<!tpu.dma_semaphore, #tpu.memory_space<semaphore_mem>>) src(%dma_wait3A_41 : memref<640x16xf32, #tpu.memory_space<vmem_shared>>) dst(%dma_wait3A_39 : memref<640x16xf32, #tpu.memory_space<hbm>>)
      tpu.yield
    }) : () -> ()
    return
  }
}

#map = affine_map<(d0, d1) -> (0, 0, 0)>
#map1 = affine_map<(d0, d1) -> (0, 0)>
module attributes {stable_mosaic.version = 14 : i64} {
  func.func @sc_segsum(%arg0: i32, %arg1: i32, %arg2: memref<2x10000x128xi16, #tpu.memory_space<hbm>>, %arg3: memref<16x210x96xi32, #tpu.memory_space<hbm>>, %arg4: memref<16x210x96xi32, #tpu.memory_space<hbm>>, %arg5: memref<16x128xi16, #tpu.memory_space<hbm>>, %arg6: memref<2x10240x128xi16, #tpu.memory_space<hbm>>, %arg7: memref<30x96xi32, #tpu.memory_space<vmem>>, %arg8: memref<30x96xi32, #tpu.memory_space<vmem>>, %arg9: memref<96x128xi16, #tpu.memory_space<vmem>>, %arg10: memref<96x128xi16, #tpu.memory_space<vmem>>, %arg11: memref<96x128xi16, #tpu.memory_space<vmem>>, %arg12: memref<16x128xi16, #tpu.memory_space<vmem>>, %arg13: memref<10240x128xi16, #tpu.memory_space<vmem_shared>>, %arg14: memref<!tpu.dma_semaphore, #tpu.memory_space<semaphore_mem>>, %arg15: memref<!tpu.dma_semaphore, #tpu.memory_space<semaphore_mem>>, %arg16: memref<!tpu.dma_semaphore, #tpu.memory_space<semaphore_mem>>) attributes {dimension_semantics = [#tpu.dimension_semantics<core_parallel>, #tpu.dimension_semantics<subcore_parallel>], iteration_bounds = array<i64: 2, 16>, scalar_prefetch = 0 : i64, scratch_operands = 10 : i64, tpu.core_type = #tpu.core_type<sc_vector_subcore>, window_params = [{transform_indices = #map}, {transform_indices = #map}, {transform_indices = #map}, {transform_indices = #map1}, {transform_indices = #map}]} {
    %mul3A = arith.constant 640 : i32
    %mul3A_0 = arith.muli %arg1, %mul3A : i32
    "tpu.region"() ({
      %run_scoped3A = tpu.sem_alloc : memref<!tpu.dma_semaphore, #tpu.memory_space<semaphore_mem>>
      tpu.enqueue_dma source(%arg5 : memref<16x128xi16, #tpu.memory_space<hbm>>) target(%arg12 : memref<16x128xi16, #tpu.memory_space<vmem>>) target_semaphore(%run_scoped3A : memref<!tpu.dma_semaphore, #tpu.memory_space<semaphore_mem>>)
      tpu.wait_dma2 semaphore(%run_scoped3A : memref<!tpu.dma_semaphore, #tpu.memory_space<semaphore_mem>>) src(%arg5 : memref<16x128xi16, #tpu.memory_space<hbm>>) dst(%arg12 : memref<16x128xi16, #tpu.memory_space<vmem>>)
      tpu.yield
    }) : () -> ()
    %scan3A = arith.constant 0 : i32
    %scan3A_1 = arith.constant 0 : i32
    %scan3A_2 = arith.constant 40 : i32
    %scan3A_3 = arith.addi %scan3A_1, %scan3A_2 : i32
    %scan3A_4 = arith.constant 1 : i32
    scf.for %scan3A_13 = %scan3A_1 to %scan3A_3 step %scan3A_4  : i32 {
      %mul3A_14 = arith.constant 16 : i32
      %mul3A_15 = arith.muli %scan3A_13, %mul3A_14 : i32
      %add3A = arith.addi %mul3A_0, %mul3A_15 : i32
      "tpu.region"() ({
        %run_scoped3A = tpu.sem_alloc : memref<!tpu.dma_semaphore, #tpu.memory_space<semaphore_mem>>
        %dma_start3A = arith.constant 0 : i32
        %dma_start3A_16 = tpu.memref_slice %arg13[%add3A, %dma_start3A] : memref<10240x128xi16, #tpu.memory_space<vmem_shared>> -> memref<16x128xi16, #tpu.memory_space<vmem_shared>>
        %dma_start3A_17 = arith.constant 0 : i32
        %dma_start3A_18 = tpu.memref_slice %arg13[%add3A, %dma_start3A_17] : memref<10240x128xi16, #tpu.memory_space<vmem_shared>> -> memref<16x128xi16, #tpu.memory_space<vmem_shared>>
        tpu.enqueue_dma source(%arg12 : memref<16x128xi16, #tpu.memory_space<vmem>>) target(%dma_start3A_18 : memref<16x128xi16, #tpu.memory_space<vmem_shared>>) target_semaphore(%run_scoped3A : memref<!tpu.dma_semaphore, #tpu.memory_space<semaphore_mem>>)
        %dma_wait3A = arith.constant 0 : i32
        %dma_wait3A_19 = tpu.memref_slice %arg13[%add3A, %dma_wait3A] : memref<10240x128xi16, #tpu.memory_space<vmem_shared>> -> memref<16x128xi16, #tpu.memory_space<vmem_shared>>
        %dma_wait3A_20 = arith.constant 0 : i32
        %dma_wait3A_21 = tpu.memref_slice %arg13[%add3A, %dma_wait3A_20] : memref<10240x128xi16, #tpu.memory_space<vmem_shared>> -> memref<16x128xi16, #tpu.memory_space<vmem_shared>>
        tpu.wait_dma2 semaphore(%run_scoped3A : memref<!tpu.dma_semaphore, #tpu.memory_space<semaphore_mem>>) src(%arg12 : memref<16x128xi16, #tpu.memory_space<vmem>>) dst(%dma_wait3A_21 : memref<16x128xi16, #tpu.memory_space<vmem_shared>>)
        tpu.yield
      }) : () -> ()
    }
    %scan3A_5 = arith.constant 40 : i32
    %barrier3A = arith.constant 0 : index
    tpu.barrier barrier_id(%barrier3A)
    %scan3A_6 = arith.constant 0 : i32
    %scan3A_7 = arith.constant 0 : i32
    %scan3A_8 = arith.constant 7 : i32
    %scan3A_9 = arith.addi %scan3A_7, %scan3A_8 : i32
    %scan3A_10 = arith.constant 1 : i32
    scf.for %scan3A_13 = %scan3A_7 to %scan3A_9 step %scan3A_10  : i32 {
      %mul3A_14 = arith.constant 30 : i32
      %mul3A_15 = arith.muli %scan3A_13, %mul3A_14 : i32
      "tpu.region"() ({
        %run_scoped3A_90 = tpu.sem_alloc : memref<!tpu.dma_semaphore, #tpu.memory_space<semaphore_mem>>
        %dma_start3A_91 = arith.constant 0 : i32
        %dma_start3A_92 = arith.constant 0 : i32
        %dma_start3A_93 = tpu.memref_slice %arg3[%arg1, %dma_start3A_91, %dma_start3A_92] : memref<16x210x96xi32, #tpu.memory_space<hbm>> -> memref<1x210x96xi32, #tpu.memory_space<hbm>>
        %dma_start3A_94 = tpu.memref_squeeze %dma_start3A_93 : memref<1x210x96xi32, #tpu.memory_space<hbm>> -> memref<210x96xi32, #tpu.memory_space<hbm>>
        %dma_start3A_95 = arith.constant 0 : i32
        %dma_start3A_96 = tpu.memref_slice %dma_start3A_94[%mul3A_15, %dma_start3A_95] : memref<210x96xi32, #tpu.memory_space<hbm>> -> memref<30x96xi32, #tpu.memory_space<hbm>>
        %dma_start3A_97 = arith.constant 0 : i32
        %dma_start3A_98 = arith.constant 0 : i32
        %dma_start3A_99 = tpu.memref_slice %arg3[%arg1, %dma_start3A_97, %dma_start3A_98] : memref<16x210x96xi32, #tpu.memory_space<hbm>> -> memref<1x210x96xi32, #tpu.memory_space<hbm>>
        %dma_start3A_100 = tpu.memref_squeeze %dma_start3A_99 : memref<1x210x96xi32, #tpu.memory_space<hbm>> -> memref<210x96xi32, #tpu.memory_space<hbm>>
        %dma_start3A_101 = arith.constant 0 : i32
        %dma_start3A_102 = tpu.memref_slice %dma_start3A_100[%mul3A_15, %dma_start3A_101] : memref<210x96xi32, #tpu.memory_space<hbm>> -> memref<30x96xi32, #tpu.memory_space<hbm>>
        tpu.enqueue_dma source(%dma_start3A_102 : memref<30x96xi32, #tpu.memory_space<hbm>>) target(%arg7 : memref<30x96xi32, #tpu.memory_space<vmem>>) target_semaphore(%run_scoped3A_90 : memref<!tpu.dma_semaphore, #tpu.memory_space<semaphore_mem>>)
        %dma_wait3A_103 = arith.constant 0 : i32
        %dma_wait3A_104 = arith.constant 0 : i32
        %dma_wait3A_105 = tpu.memref_slice %arg3[%arg1, %dma_wait3A_103, %dma_wait3A_104] : memref<16x210x96xi32, #tpu.memory_space<hbm>> -> memref<1x210x96xi32, #tpu.memory_space<hbm>>
        %dma_wait3A_106 = tpu.memref_squeeze %dma_wait3A_105 : memref<1x210x96xi32, #tpu.memory_space<hbm>> -> memref<210x96xi32, #tpu.memory_space<hbm>>
        %dma_wait3A_107 = arith.constant 0 : i32
        %dma_wait3A_108 = tpu.memref_slice %dma_wait3A_106[%mul3A_15, %dma_wait3A_107] : memref<210x96xi32, #tpu.memory_space<hbm>> -> memref<30x96xi32, #tpu.memory_space<hbm>>
        %dma_wait3A_109 = arith.constant 0 : i32
        %dma_wait3A_110 = arith.constant 0 : i32
        %dma_wait3A_111 = tpu.memref_slice %arg3[%arg1, %dma_wait3A_109, %dma_wait3A_110] : memref<16x210x96xi32, #tpu.memory_space<hbm>> -> memref<1x210x96xi32, #tpu.memory_space<hbm>>
        %dma_wait3A_112 = tpu.memref_squeeze %dma_wait3A_111 : memref<1x210x96xi32, #tpu.memory_space<hbm>> -> memref<210x96xi32, #tpu.memory_space<hbm>>
        %dma_wait3A_113 = arith.constant 0 : i32
        %dma_wait3A_114 = tpu.memref_slice %dma_wait3A_112[%mul3A_15, %dma_wait3A_113] : memref<210x96xi32, #tpu.memory_space<hbm>> -> memref<30x96xi32, #tpu.memory_space<hbm>>
        tpu.wait_dma2 semaphore(%run_scoped3A_90 : memref<!tpu.dma_semaphore, #tpu.memory_space<semaphore_mem>>) src(%dma_wait3A_114 : memref<30x96xi32, #tpu.memory_space<hbm>>) dst(%arg7 : memref<30x96xi32, #tpu.memory_space<vmem>>)
        tpu.yield
      }) : () -> ()
      %mul3A_16 = arith.constant 30 : i32
      %mul3A_17 = arith.muli %scan3A_13, %mul3A_16 : i32
      "tpu.region"() ({
        %run_scoped3A_90 = tpu.sem_alloc : memref<!tpu.dma_semaphore, #tpu.memory_space<semaphore_mem>>
        %dma_start3A_91 = arith.constant 0 : i32
        %dma_start3A_92 = arith.constant 0 : i32
        %dma_start3A_93 = tpu.memref_slice %arg4[%arg1, %dma_start3A_91, %dma_start3A_92] : memref<16x210x96xi32, #tpu.memory_space<hbm>> -> memref<1x210x96xi32, #tpu.memory_space<hbm>>
        %dma_start3A_94 = tpu.memref_squeeze %dma_start3A_93 : memref<1x210x96xi32, #tpu.memory_space<hbm>> -> memref<210x96xi32, #tpu.memory_space<hbm>>
        %dma_start3A_95 = arith.constant 0 : i32
        %dma_start3A_96 = tpu.memref_slice %dma_start3A_94[%mul3A_17, %dma_start3A_95] : memref<210x96xi32, #tpu.memory_space<hbm>> -> memref<30x96xi32, #tpu.memory_space<hbm>>
        %dma_start3A_97 = arith.constant 0 : i32
        %dma_start3A_98 = arith.constant 0 : i32
        %dma_start3A_99 = tpu.memref_slice %arg4[%arg1, %dma_start3A_97, %dma_start3A_98] : memref<16x210x96xi32, #tpu.memory_space<hbm>> -> memref<1x210x96xi32, #tpu.memory_space<hbm>>
        %dma_start3A_100 = tpu.memref_squeeze %dma_start3A_99 : memref<1x210x96xi32, #tpu.memory_space<hbm>> -> memref<210x96xi32, #tpu.memory_space<hbm>>
        %dma_start3A_101 = arith.constant 0 : i32
        %dma_start3A_102 = tpu.memref_slice %dma_start3A_100[%mul3A_17, %dma_start3A_101] : memref<210x96xi32, #tpu.memory_space<hbm>> -> memref<30x96xi32, #tpu.memory_space<hbm>>
        tpu.enqueue_dma source(%dma_start3A_102 : memref<30x96xi32, #tpu.memory_space<hbm>>) target(%arg8 : memref<30x96xi32, #tpu.memory_space<vmem>>) target_semaphore(%run_scoped3A_90 : memref<!tpu.dma_semaphore, #tpu.memory_space<semaphore_mem>>)
        %dma_wait3A_103 = arith.constant 0 : i32
        %dma_wait3A_104 = arith.constant 0 : i32
        %dma_wait3A_105 = tpu.memref_slice %arg4[%arg1, %dma_wait3A_103, %dma_wait3A_104] : memref<16x210x96xi32, #tpu.memory_space<hbm>> -> memref<1x210x96xi32, #tpu.memory_space<hbm>>
        %dma_wait3A_106 = tpu.memref_squeeze %dma_wait3A_105 : memref<1x210x96xi32, #tpu.memory_space<hbm>> -> memref<210x96xi32, #tpu.memory_space<hbm>>
        %dma_wait3A_107 = arith.constant 0 : i32
        %dma_wait3A_108 = tpu.memref_slice %dma_wait3A_106[%mul3A_17, %dma_wait3A_107] : memref<210x96xi32, #tpu.memory_space<hbm>> -> memref<30x96xi32, #tpu.memory_space<hbm>>
        %dma_wait3A_109 = arith.constant 0 : i32
        %dma_wait3A_110 = arith.constant 0 : i32
        %dma_wait3A_111 = tpu.memref_slice %arg4[%arg1, %dma_wait3A_109, %dma_wait3A_110] : memref<16x210x96xi32, #tpu.memory_space<hbm>> -> memref<1x210x96xi32, #tpu.memory_space<hbm>>
        %dma_wait3A_112 = tpu.memref_squeeze %dma_wait3A_111 : memref<1x210x96xi32, #tpu.memory_space<hbm>> -> memref<210x96xi32, #tpu.memory_space<hbm>>
        %dma_wait3A_113 = arith.constant 0 : i32
        %dma_wait3A_114 = tpu.memref_slice %dma_wait3A_112[%mul3A_17, %dma_wait3A_113] : memref<210x96xi32, #tpu.memory_space<hbm>> -> memref<30x96xi32, #tpu.memory_space<hbm>>
        tpu.wait_dma2 semaphore(%run_scoped3A_90 : memref<!tpu.dma_semaphore, #tpu.memory_space<semaphore_mem>>) src(%dma_wait3A_114 : memref<30x96xi32, #tpu.memory_space<hbm>>) dst(%arg8 : memref<30x96xi32, #tpu.memory_space<vmem>>)
        tpu.yield
      }) : () -> ()
      %dma_start3A = arith.constant 0 : i32
      %dma_start3A_18 = arith.constant 0 : i32
      %dma_start3A_19 = tpu.memref_slice %arg7[%dma_start3A, %dma_start3A_18] : memref<30x96xi32, #tpu.memory_space<vmem>> -> memref<1x96xi32, #tpu.memory_space<vmem>>
      %dma_start3A_20 = tpu.memref_squeeze %dma_start3A_19 : memref<1x96xi32, #tpu.memory_space<vmem>> -> memref<96xi32, #tpu.memory_space<vmem>>
      %dma_start3A_21 = arith.constant 0 : i32
      %dma_start3A_22 = arith.constant 0 : i32
      %dma_start3A_23 = tpu.memref_slice %arg2[%arg0, %dma_start3A_21, %dma_start3A_22] : memref<2x10000x128xi16, #tpu.memory_space<hbm>> -> memref<1x10000x128xi16, #tpu.memory_space<hbm>>
      %dma_start3A_24 = tpu.memref_squeeze %dma_start3A_23 : memref<1x10000x128xi16, #tpu.memory_space<hbm>> -> memref<10000x128xi16, #tpu.memory_space<hbm>>
      %dma_start3A_25 = arith.constant 0 : i32
      %dma_start3A_26 = arith.constant 0 : i32
      %dma_start3A_27 = tpu.memref_slice %dma_start3A_24[%dma_start3A_25, %dma_start3A_26] : memref<10000x128xi16, #tpu.memory_space<hbm>> -> memref<10000x128xi16, #tpu.memory_space<hbm>>
      tpu.enqueue_indirect_dma source(%dma_start3A_27 : memref<10000x128xi16, #tpu.memory_space<hbm>>) target(%arg9 : memref<96x128xi16, #tpu.memory_space<vmem>>) offsets(%dma_start3A_20 : memref<96xi32, #tpu.memory_space<vmem>>) semaphore(%arg14 : memref<!tpu.dma_semaphore, #tpu.memory_space<semaphore_mem>>)
      %dma_start3A_28 = arith.constant 1 : i32
      %dma_start3A_29 = arith.constant 0 : i32
      %dma_start3A_30 = tpu.memref_slice %arg7[%dma_start3A_28, %dma_start3A_29] : memref<30x96xi32, #tpu.memory_space<vmem>> -> memref<1x96xi32, #tpu.memory_space<vmem>>
      %dma_start3A_31 = tpu.memref_squeeze %dma_start3A_30 : memref<1x96xi32, #tpu.memory_space<vmem>> -> memref<96xi32, #tpu.memory_space<vmem>>
      %dma_start3A_32 = arith.constant 0 : i32
      %dma_start3A_33 = arith.constant 0 : i32
      %dma_start3A_34 = tpu.memref_slice %arg2[%arg0, %dma_start3A_32, %dma_start3A_33] : memref<2x10000x128xi16, #tpu.memory_space<hbm>> -> memref<1x10000x128xi16, #tpu.memory_space<hbm>>
      %dma_start3A_35 = tpu.memref_squeeze %dma_start3A_34 : memref<1x10000x128xi16, #tpu.memory_space<hbm>> -> memref<10000x128xi16, #tpu.memory_space<hbm>>
      %dma_start3A_36 = arith.constant 0 : i32
      %dma_start3A_37 = arith.constant 0 : i32
      %dma_start3A_38 = tpu.memref_slice %dma_start3A_35[%dma_start3A_36, %dma_start3A_37] : memref<10000x128xi16, #tpu.memory_space<hbm>> -> memref<10000x128xi16, #tpu.memory_space<hbm>>
      tpu.enqueue_indirect_dma source(%dma_start3A_38 : memref<10000x128xi16, #tpu.memory_space<hbm>>) target(%arg10 : memref<96x128xi16, #tpu.memory_space<vmem>>) offsets(%dma_start3A_31 : memref<96xi32, #tpu.memory_space<vmem>>) semaphore(%arg15 : memref<!tpu.dma_semaphore, #tpu.memory_space<semaphore_mem>>)
      %scan3A_39 = arith.constant 0 : i32
      %scan3A_40 = arith.constant 0 : i32
      %scan3A_41 = arith.constant 9 : i32
      %scan3A_42 = arith.addi %scan3A_40, %scan3A_41 : i32
      %scan3A_43 = arith.constant 1 : i32
      scf.for %scan3A_90 = %scan3A_40 to %scan3A_42 step %scan3A_43  : i32 {
        %mul3A_91 = arith.constant 3 : i32
        %mul3A_92 = arith.muli %scan3A_90, %mul3A_91 : i32
        %add3A = arith.constant 0 : i32
        %add3A_93 = arith.addi %mul3A_92, %add3A : i32
        %dma_wait3A_94 = arith.constant 0 : i32
        %dma_wait3A_95 = tpu.memref_slice %arg7[%add3A_93, %dma_wait3A_94] : memref<30x96xi32, #tpu.memory_space<vmem>> -> memref<1x96xi32, #tpu.memory_space<vmem>>
        %dma_wait3A_96 = tpu.memref_squeeze %dma_wait3A_95 : memref<1x96xi32, #tpu.memory_space<vmem>> -> memref<96xi32, #tpu.memory_space<vmem>>
        %dma_wait3A_97 = arith.constant 0 : i32
        %dma_wait3A_98 = arith.constant 0 : i32
        %dma_wait3A_99 = tpu.memref_slice %arg2[%arg0, %dma_wait3A_97, %dma_wait3A_98] : memref<2x10000x128xi16, #tpu.memory_space<hbm>> -> memref<1x10000x128xi16, #tpu.memory_space<hbm>>
        %dma_wait3A_100 = tpu.memref_squeeze %dma_wait3A_99 : memref<1x10000x128xi16, #tpu.memory_space<hbm>> -> memref<10000x128xi16, #tpu.memory_space<hbm>>
        %dma_wait3A_101 = arith.constant 0 : i32
        %dma_wait3A_102 = arith.constant 0 : i32
        %dma_wait3A_103 = tpu.memref_slice %dma_wait3A_100[%dma_wait3A_101, %dma_wait3A_102] : memref<10000x128xi16, #tpu.memory_space<hbm>> -> memref<10000x128xi16, #tpu.memory_space<hbm>>
        tpu.wait_indirect_dma semaphore(%arg14 : memref<!tpu.dma_semaphore, #tpu.memory_space<semaphore_mem>>) src(%dma_wait3A_103 : memref<10000x128xi16, #tpu.memory_space<hbm>>) dst(%arg9 : memref<96x128xi16, #tpu.memory_space<vmem>>)
        %add3A_104 = arith.constant 2 : i32
        %add3A_105 = arith.addi %add3A_93, %add3A_104 : i32
        %dma_start3A_106 = arith.constant 0 : i32
        %dma_start3A_107 = tpu.memref_slice %arg7[%add3A_105, %dma_start3A_106] : memref<30x96xi32, #tpu.memory_space<vmem>> -> memref<1x96xi32, #tpu.memory_space<vmem>>
        %dma_start3A_108 = tpu.memref_squeeze %dma_start3A_107 : memref<1x96xi32, #tpu.memory_space<vmem>> -> memref<96xi32, #tpu.memory_space<vmem>>
        %dma_start3A_109 = arith.constant 0 : i32
        %dma_start3A_110 = arith.constant 0 : i32
        %dma_start3A_111 = tpu.memref_slice %arg2[%arg0, %dma_start3A_109, %dma_start3A_110] : memref<2x10000x128xi16, #tpu.memory_space<hbm>> -> memref<1x10000x128xi16, #tpu.memory_space<hbm>>
        %dma_start3A_112 = tpu.memref_squeeze %dma_start3A_111 : memref<1x10000x128xi16, #tpu.memory_space<hbm>> -> memref<10000x128xi16, #tpu.memory_space<hbm>>
        %dma_start3A_113 = arith.constant 0 : i32
        %dma_start3A_114 = arith.constant 0 : i32
        %dma_start3A_115 = tpu.memref_slice %dma_start3A_112[%dma_start3A_113, %dma_start3A_114] : memref<10000x128xi16, #tpu.memory_space<hbm>> -> memref<10000x128xi16, #tpu.memory_space<hbm>>
        tpu.enqueue_indirect_dma source(%dma_start3A_115 : memref<10000x128xi16, #tpu.memory_space<hbm>>) target(%arg11 : memref<96x128xi16, #tpu.memory_space<vmem>>) offsets(%dma_start3A_108 : memref<96xi32, #tpu.memory_space<vmem>>) semaphore(%arg16 : memref<!tpu.dma_semaphore, #tpu.memory_space<semaphore_mem>>)
        "tpu.region"() ({
          %run_scoped3A_168 = tpu.sem_alloc : memref<!tpu.dma_semaphore, #tpu.memory_space<semaphore_mem>>
          %dma_start3A_169 = arith.constant 0 : i32
          %dma_start3A_170 = tpu.memref_slice %arg8[%add3A_93, %dma_start3A_169] : memref<30x96xi32, #tpu.memory_space<vmem>> -> memref<1x96xi32, #tpu.memory_space<vmem>>
          %dma_start3A_171 = tpu.memref_squeeze %dma_start3A_170 : memref<1x96xi32, #tpu.memory_space<vmem>> -> memref<96xi32, #tpu.memory_space<vmem>>
          %dma_start3A_172 = arith.constant 0 : i32
          %dma_start3A_173 = arith.constant 0 : i32
          %dma_start3A_174 = tpu.memref_slice %arg13[%dma_start3A_172, %dma_start3A_173] : memref<10240x128xi16, #tpu.memory_space<vmem_shared>> -> memref<10240x128xi16, #tpu.memory_space<vmem_shared>>
          tpu.enqueue_indirect_dma source(%arg9 : memref<96x128xi16, #tpu.memory_space<vmem>>) target(%dma_start3A_174 : memref<10240x128xi16, #tpu.memory_space<vmem_shared>>) offsets(%dma_start3A_171 : memref<96xi32, #tpu.memory_space<vmem>>) semaphore(%run_scoped3A_168 : memref<!tpu.dma_semaphore, #tpu.memory_space<semaphore_mem>>) {add = true}
          %dma_wait3A_175 = arith.constant 0 : i32
          %dma_wait3A_176 = tpu.memref_slice %arg8[%add3A_93, %dma_wait3A_175] : memref<30x96xi32, #tpu.memory_space<vmem>> -> memref<1x96xi32, #tpu.memory_space<vmem>>
          %dma_wait3A_177 = tpu.memref_squeeze %dma_wait3A_176 : memref<1x96xi32, #tpu.memory_space<vmem>> -> memref<96xi32, #tpu.memory_space<vmem>>
          %dma_wait3A_178 = arith.constant 0 : i32
          %dma_wait3A_179 = arith.constant 0 : i32
          %dma_wait3A_180 = tpu.memref_slice %arg13[%dma_wait3A_178, %dma_wait3A_179] : memref<10240x128xi16, #tpu.memory_space<vmem_shared>> -> memref<10240x128xi16, #tpu.memory_space<vmem_shared>>
          tpu.wait_indirect_dma semaphore(%run_scoped3A_168 : memref<!tpu.dma_semaphore, #tpu.memory_space<semaphore_mem>>) src(%arg9 : memref<96x128xi16, #tpu.memory_space<vmem>>) dst(%dma_wait3A_180 : memref<10240x128xi16, #tpu.memory_space<vmem_shared>>)
          tpu.yield
        }) : () -> ()
        %mul3A_116 = arith.constant 3 : i32
        %mul3A_117 = arith.muli %scan3A_90, %mul3A_116 : i32
        %add3A_118 = arith.constant 1 : i32
        %add3A_119 = arith.addi %mul3A_117, %add3A_118 : i32
        %dma_wait3A_120 = arith.constant 0 : i32
        %dma_wait3A_121 = tpu.memref_slice %arg7[%add3A_119, %dma_wait3A_120] : memref<30x96xi32, #tpu.memory_space<vmem>> -> memref<1x96xi32, #tpu.memory_space<vmem>>
        %dma_wait3A_122 = tpu.memref_squeeze %dma_wait3A_121 : memref<1x96xi32, #tpu.memory_space<vmem>> -> memref<96xi32, #tpu.memory_space<vmem>>
        %dma_wait3A_123 = arith.constant 0 : i32
        %dma_wait3A_124 = arith.constant 0 : i32
        %dma_wait3A_125 = tpu.memref_slice %arg2[%arg0, %dma_wait3A_123, %dma_wait3A_124] : memref<2x10000x128xi16, #tpu.memory_space<hbm>> -> memref<1x10000x128xi16, #tpu.memory_space<hbm>>
        %dma_wait3A_126 = tpu.memref_squeeze %dma_wait3A_125 : memref<1x10000x128xi16, #tpu.memory_space<hbm>> -> memref<10000x128xi16, #tpu.memory_space<hbm>>
        %dma_wait3A_127 = arith.constant 0 : i32
        %dma_wait3A_128 = arith.constant 0 : i32
        %dma_wait3A_129 = tpu.memref_slice %dma_wait3A_126[%dma_wait3A_127, %dma_wait3A_128] : memref<10000x128xi16, #tpu.memory_space<hbm>> -> memref<10000x128xi16, #tpu.memory_space<hbm>>
        tpu.wait_indirect_dma semaphore(%arg15 : memref<!tpu.dma_semaphore, #tpu.memory_space<semaphore_mem>>) src(%dma_wait3A_129 : memref<10000x128xi16, #tpu.memory_space<hbm>>) dst(%arg10 : memref<96x128xi16, #tpu.memory_space<vmem>>)
        %add3A_130 = arith.constant 2 : i32
        %add3A_131 = arith.addi %add3A_119, %add3A_130 : i32
        %dma_start3A_132 = arith.constant 0 : i32
        %dma_start3A_133 = tpu.memref_slice %arg7[%add3A_131, %dma_start3A_132] : memref<30x96xi32, #tpu.memory_space<vmem>> -> memref<1x96xi32, #tpu.memory_space<vmem>>
        %dma_start3A_134 = tpu.memref_squeeze %dma_start3A_133 : memref<1x96xi32, #tpu.memory_space<vmem>> -> memref<96xi32, #tpu.memory_space<vmem>>
        %dma_start3A_135 = arith.constant 0 : i32
        %dma_start3A_136 = arith.constant 0 : i32
        %dma_start3A_137 = tpu.memref_slice %arg2[%arg0, %dma_start3A_135, %dma_start3A_136] : memref<2x10000x128xi16, #tpu.memory_space<hbm>> -> memref<1x10000x128xi16, #tpu.memory_space<hbm>>
        %dma_start3A_138 = tpu.memref_squeeze %dma_start3A_137 : memref<1x10000x128xi16, #tpu.memory_space<hbm>> -> memref<10000x128xi16, #tpu.memory_space<hbm>>
        %dma_start3A_139 = arith.constant 0 : i32
        %dma_start3A_140 = arith.constant 0 : i32
        %dma_start3A_141 = tpu.memref_slice %dma_start3A_138[%dma_start3A_139, %dma_start3A_140] : memref<10000x128xi16, #tpu.memory_space<hbm>> -> memref<10000x128xi16, #tpu.memory_space<hbm>>
        tpu.enqueue_indirect_dma source(%dma_start3A_141 : memref<10000x128xi16, #tpu.memory_space<hbm>>) target(%arg9 : memref<96x128xi16, #tpu.memory_space<vmem>>) offsets(%dma_start3A_134 : memref<96xi32, #tpu.memory_space<vmem>>) semaphore(%arg14 : memref<!tpu.dma_semaphore, #tpu.memory_space<semaphore_mem>>)
        "tpu.region"() ({
          %run_scoped3A_168 = tpu.sem_alloc : memref<!tpu.dma_semaphore, #tpu.memory_space<semaphore_mem>>
          %dma_start3A_169 = arith.constant 0 : i32
          %dma_start3A_170 = tpu.memref_slice %arg8[%add3A_119, %dma_start3A_169] : memref<30x96xi32, #tpu.memory_space<vmem>> -> memref<1x96xi32, #tpu.memory_space<vmem>>
          %dma_start3A_171 = tpu.memref_squeeze %dma_start3A_170 : memref<1x96xi32, #tpu.memory_space<vmem>> -> memref<96xi32, #tpu.memory_space<vmem>>
          %dma_start3A_172 = arith.constant 0 : i32
          %dma_start3A_173 = arith.constant 0 : i32
          %dma_start3A_174 = tpu.memref_slice %arg13[%dma_start3A_172, %dma_start3A_173] : memref<10240x128xi16, #tpu.memory_space<vmem_shared>> -> memref<10240x128xi16, #tpu.memory_space<vmem_shared>>
          tpu.enqueue_indirect_dma source(%arg10 : memref<96x128xi16, #tpu.memory_space<vmem>>) target(%dma_start3A_174 : memref<10240x128xi16, #tpu.memory_space<vmem_shared>>) offsets(%dma_start3A_171 : memref<96xi32, #tpu.memory_space<vmem>>) semaphore(%run_scoped3A_168 : memref<!tpu.dma_semaphore, #tpu.memory_space<semaphore_mem>>) {add = true}
          %dma_wait3A_175 = arith.constant 0 : i32
          %dma_wait3A_176 = tpu.memref_slice %arg8[%add3A_119, %dma_wait3A_175] : memref<30x96xi32, #tpu.memory_space<vmem>> -> memref<1x96xi32, #tpu.memory_space<vmem>>
          %dma_wait3A_177 = tpu.memref_squeeze %dma_wait3A_176 : memref<1x96xi32, #tpu.memory_space<vmem>> -> memref<96xi32, #tpu.memory_space<vmem>>
          %dma_wait3A_178 = arith.constant 0 : i32
          %dma_wait3A_179 = arith.constant 0 : i32
          %dma_wait3A_180 = tpu.memref_slice %arg13[%dma_wait3A_178, %dma_wait3A_179] : memref<10240x128xi16, #tpu.memory_space<vmem_shared>> -> memref<10240x128xi16, #tpu.memory_space<vmem_shared>>
          tpu.wait_indirect_dma semaphore(%run_scoped3A_168 : memref<!tpu.dma_semaphore, #tpu.memory_space<semaphore_mem>>) src(%arg10 : memref<96x128xi16, #tpu.memory_space<vmem>>) dst(%dma_wait3A_180 : memref<10240x128xi16, #tpu.memory_space<vmem_shared>>)
          tpu.yield
        }) : () -> ()
        %mul3A_142 = arith.constant 3 : i32
        %mul3A_143 = arith.muli %scan3A_90, %mul3A_142 : i32
        %add3A_144 = arith.constant 2 : i32
        %add3A_145 = arith.addi %mul3A_143, %add3A_144 : i32
        %dma_wait3A_146 = arith.constant 0 : i32
        %dma_wait3A_147 = tpu.memref_slice %arg7[%add3A_145, %dma_wait3A_146] : memref<30x96xi32, #tpu.memory_space<vmem>> -> memref<1x96xi32, #tpu.memory_space<vmem>>
        %dma_wait3A_148 = tpu.memref_squeeze %dma_wait3A_147 : memref<1x96xi32, #tpu.memory_space<vmem>> -> memref<96xi32, #tpu.memory_space<vmem>>
        %dma_wait3A_149 = arith.constant 0 : i32
        %dma_wait3A_150 = arith.constant 0 : i32
        %dma_wait3A_151 = tpu.memref_slice %arg2[%arg0, %dma_wait3A_149, %dma_wait3A_150] : memref<2x10000x128xi16, #tpu.memory_space<hbm>> -> memref<1x10000x128xi16, #tpu.memory_space<hbm>>
        %dma_wait3A_152 = tpu.memref_squeeze %dma_wait3A_151 : memref<1x10000x128xi16, #tpu.memory_space<hbm>> -> memref<10000x128xi16, #tpu.memory_space<hbm>>
        %dma_wait3A_153 = arith.constant 0 : i32
        %dma_wait3A_154 = arith.constant 0 : i32
        %dma_wait3A_155 = tpu.memref_slice %dma_wait3A_152[%dma_wait3A_153, %dma_wait3A_154] : memref<10000x128xi16, #tpu.memory_space<hbm>> -> memref<10000x128xi16, #tpu.memory_space<hbm>>
        tpu.wait_indirect_dma semaphore(%arg16 : memref<!tpu.dma_semaphore, #tpu.memory_space<semaphore_mem>>) src(%dma_wait3A_155 : memref<10000x128xi16, #tpu.memory_space<hbm>>) dst(%arg11 : memref<96x128xi16, #tpu.memory_space<vmem>>)
        %add3A_156 = arith.constant 2 : i32
        %add3A_157 = arith.addi %add3A_145, %add3A_156 : i32
        %dma_start3A_158 = arith.constant 0 : i32
        %dma_start3A_159 = tpu.memref_slice %arg7[%add3A_157, %dma_start3A_158] : memref<30x96xi32, #tpu.memory_space<vmem>> -> memref<1x96xi32, #tpu.memory_space<vmem>>
        %dma_start3A_160 = tpu.memref_squeeze %dma_start3A_159 : memref<1x96xi32, #tpu.memory_space<vmem>> -> memref<96xi32, #tpu.memory_space<vmem>>
        %dma_start3A_161 = arith.constant 0 : i32
        %dma_start3A_162 = arith.constant 0 : i32
        %dma_start3A_163 = tpu.memref_slice %arg2[%arg0, %dma_start3A_161, %dma_start3A_162] : memref<2x10000x128xi16, #tpu.memory_space<hbm>> -> memref<1x10000x128xi16, #tpu.memory_space<hbm>>
        %dma_start3A_164 = tpu.memref_squeeze %dma_start3A_163 : memref<1x10000x128xi16, #tpu.memory_space<hbm>> -> memref<10000x128xi16, #tpu.memory_space<hbm>>
        %dma_start3A_165 = arith.constant 0 : i32
        %dma_start3A_166 = arith.constant 0 : i32
        %dma_start3A_167 = tpu.memref_slice %dma_start3A_164[%dma_start3A_165, %dma_start3A_166] : memref<10000x128xi16, #tpu.memory_space<hbm>> -> memref<10000x128xi16, #tpu.memory_space<hbm>>
        tpu.enqueue_indirect_dma source(%dma_start3A_167 : memref<10000x128xi16, #tpu.memory_space<hbm>>) target(%arg10 : memref<96x128xi16, #tpu.memory_space<vmem>>) offsets(%dma_start3A_160 : memref<96xi32, #tpu.memory_space<vmem>>) semaphore(%arg15 : memref<!tpu.dma_semaphore, #tpu.memory_space<semaphore_mem>>)
        "tpu.region"() ({
          %run_scoped3A_168 = tpu.sem_alloc : memref<!tpu.dma_semaphore, #tpu.memory_space<semaphore_mem>>
          %dma_start3A_169 = arith.constant 0 : i32
          %dma_start3A_170 = tpu.memref_slice %arg8[%add3A_145, %dma_start3A_169] : memref<30x96xi32, #tpu.memory_space<vmem>> -> memref<1x96xi32, #tpu.memory_space<vmem>>
          %dma_start3A_171 = tpu.memref_squeeze %dma_start3A_170 : memref<1x96xi32, #tpu.memory_space<vmem>> -> memref<96xi32, #tpu.memory_space<vmem>>
          %dma_start3A_172 = arith.constant 0 : i32
          %dma_start3A_173 = arith.constant 0 : i32
          %dma_start3A_174 = tpu.memref_slice %arg13[%dma_start3A_172, %dma_start3A_173] : memref<10240x128xi16, #tpu.memory_space<vmem_shared>> -> memref<10240x128xi16, #tpu.memory_space<vmem_shared>>
          tpu.enqueue_indirect_dma source(%arg11 : memref<96x128xi16, #tpu.memory_space<vmem>>) target(%dma_start3A_174 : memref<10240x128xi16, #tpu.memory_space<vmem_shared>>) offsets(%dma_start3A_171 : memref<96xi32, #tpu.memory_space<vmem>>) semaphore(%run_scoped3A_168 : memref<!tpu.dma_semaphore, #tpu.memory_space<semaphore_mem>>) {add = true}
          %dma_wait3A_175 = arith.constant 0 : i32
          %dma_wait3A_176 = tpu.memref_slice %arg8[%add3A_145, %dma_wait3A_175] : memref<30x96xi32, #tpu.memory_space<vmem>> -> memref<1x96xi32, #tpu.memory_space<vmem>>
          %dma_wait3A_177 = tpu.memref_squeeze %dma_wait3A_176 : memref<1x96xi32, #tpu.memory_space<vmem>> -> memref<96xi32, #tpu.memory_space<vmem>>
          %dma_wait3A_178 = arith.constant 0 : i32
          %dma_wait3A_179 = arith.constant 0 : i32
          %dma_wait3A_180 = tpu.memref_slice %arg13[%dma_wait3A_178, %dma_wait3A_179] : memref<10240x128xi16, #tpu.memory_space<vmem_shared>> -> memref<10240x128xi16, #tpu.memory_space<vmem_shared>>
          tpu.wait_indirect_dma semaphore(%run_scoped3A_168 : memref<!tpu.dma_semaphore, #tpu.memory_space<semaphore_mem>>) src(%arg11 : memref<96x128xi16, #tpu.memory_space<vmem>>) dst(%dma_wait3A_180 : memref<10240x128xi16, #tpu.memory_space<vmem_shared>>)
          tpu.yield
        }) : () -> ()
      }
      %scan3A_44 = arith.constant 9 : i32
      %dma_wait3A = arith.constant 27 : i32
      %dma_wait3A_45 = arith.constant 0 : i32
      %dma_wait3A_46 = tpu.memref_slice %arg7[%dma_wait3A, %dma_wait3A_45] : memref<30x96xi32, #tpu.memory_space<vmem>> -> memref<1x96xi32, #tpu.memory_space<vmem>>
      %dma_wait3A_47 = tpu.memref_squeeze %dma_wait3A_46 : memref<1x96xi32, #tpu.memory_space<vmem>> -> memref<96xi32, #tpu.memory_space<vmem>>
      %dma_wait3A_48 = arith.constant 0 : i32
      %dma_wait3A_49 = arith.constant 0 : i32
      %dma_wait3A_50 = tpu.memref_slice %arg2[%arg0, %dma_wait3A_48, %dma_wait3A_49] : memref<2x10000x128xi16, #tpu.memory_space<hbm>> -> memref<1x10000x128xi16, #tpu.memory_space<hbm>>
      %dma_wait3A_51 = tpu.memref_squeeze %dma_wait3A_50 : memref<1x10000x128xi16, #tpu.memory_space<hbm>> -> memref<10000x128xi16, #tpu.memory_space<hbm>>
      %dma_wait3A_52 = arith.constant 0 : i32
      %dma_wait3A_53 = arith.constant 0 : i32
      %dma_wait3A_54 = tpu.memref_slice %dma_wait3A_51[%dma_wait3A_52, %dma_wait3A_53] : memref<10000x128xi16, #tpu.memory_space<hbm>> -> memref<10000x128xi16, #tpu.memory_space<hbm>>
      tpu.wait_indirect_dma semaphore(%arg14 : memref<!tpu.dma_semaphore, #tpu.memory_space<semaphore_mem>>) src(%dma_wait3A_54 : memref<10000x128xi16, #tpu.memory_space<hbm>>) dst(%arg9 : memref<96x128xi16, #tpu.memory_space<vmem>>)
      %dma_start3A_55 = arith.constant 29 : i32
      %dma_start3A_56 = arith.constant 0 : i32
      %dma_start3A_57 = tpu.memref_slice %arg7[%dma_start3A_55, %dma_start3A_56] : memref<30x96xi32, #tpu.memory_space<vmem>> -> memref<1x96xi32, #tpu.memory_space<vmem>>
      %dma_start3A_58 = tpu.memref_squeeze %dma_start3A_57 : memref<1x96xi32, #tpu.memory_space<vmem>> -> memref<96xi32, #tpu.memory_space<vmem>>
      %dma_start3A_59 = arith.constant 0 : i32
      %dma_start3A_60 = arith.constant 0 : i32
      %dma_start3A_61 = tpu.memref_slice %arg2[%arg0, %dma_start3A_59, %dma_start3A_60] : memref<2x10000x128xi16, #tpu.memory_space<hbm>> -> memref<1x10000x128xi16, #tpu.memory_space<hbm>>
      %dma_start3A_62 = tpu.memref_squeeze %dma_start3A_61 : memref<1x10000x128xi16, #tpu.memory_space<hbm>> -> memref<10000x128xi16, #tpu.memory_space<hbm>>
      %dma_start3A_63 = arith.constant 0 : i32
      %dma_start3A_64 = arith.constant 0 : i32
      %dma_start3A_65 = tpu.memref_slice %dma_start3A_62[%dma_start3A_63, %dma_start3A_64] : memref<10000x128xi16, #tpu.memory_space<hbm>> -> memref<10000x128xi16, #tpu.memory_space<hbm>>
      tpu.enqueue_indirect_dma source(%dma_start3A_65 : memref<10000x128xi16, #tpu.memory_space<hbm>>) target(%arg11 : memref<96x128xi16, #tpu.memory_space<vmem>>) offsets(%dma_start3A_58 : memref<96xi32, #tpu.memory_space<vmem>>) semaphore(%arg16 : memref<!tpu.dma_semaphore, #tpu.memory_space<semaphore_mem>>)
      %run_scoped3A = arith.constant 27 : i32
      "tpu.region"() ({
        %run_scoped3A_90 = tpu.sem_alloc : memref<!tpu.dma_semaphore, #tpu.memory_space<semaphore_mem>>
        %dma_start3A_91 = arith.constant 0 : i32
        %dma_start3A_92 = tpu.memref_slice %arg8[%run_scoped3A, %dma_start3A_91] : memref<30x96xi32, #tpu.memory_space<vmem>> -> memref<1x96xi32, #tpu.memory_space<vmem>>
        %dma_start3A_93 = tpu.memref_squeeze %dma_start3A_92 : memref<1x96xi32, #tpu.memory_space<vmem>> -> memref<96xi32, #tpu.memory_space<vmem>>
        %dma_start3A_94 = arith.constant 0 : i32
        %dma_start3A_95 = arith.constant 0 : i32
        %dma_start3A_96 = tpu.memref_slice %arg13[%dma_start3A_94, %dma_start3A_95] : memref<10240x128xi16, #tpu.memory_space<vmem_shared>> -> memref<10240x128xi16, #tpu.memory_space<vmem_shared>>
        tpu.enqueue_indirect_dma source(%arg9 : memref<96x128xi16, #tpu.memory_space<vmem>>) target(%dma_start3A_96 : memref<10240x128xi16, #tpu.memory_space<vmem_shared>>) offsets(%dma_start3A_93 : memref<96xi32, #tpu.memory_space<vmem>>) semaphore(%run_scoped3A_90 : memref<!tpu.dma_semaphore, #tpu.memory_space<semaphore_mem>>) {add = true}
        %dma_wait3A_97 = arith.constant 0 : i32
        %dma_wait3A_98 = tpu.memref_slice %arg8[%run_scoped3A, %dma_wait3A_97] : memref<30x96xi32, #tpu.memory_space<vmem>> -> memref<1x96xi32, #tpu.memory_space<vmem>>
        %dma_wait3A_99 = tpu.memref_squeeze %dma_wait3A_98 : memref<1x96xi32, #tpu.memory_space<vmem>> -> memref<96xi32, #tpu.memory_space<vmem>>
        %dma_wait3A_100 = arith.constant 0 : i32
        %dma_wait3A_101 = arith.constant 0 : i32
        %dma_wait3A_102 = tpu.memref_slice %arg13[%dma_wait3A_100, %dma_wait3A_101] : memref<10240x128xi16, #tpu.memory_space<vmem_shared>> -> memref<10240x128xi16, #tpu.memory_space<vmem_shared>>
        tpu.wait_indirect_dma semaphore(%run_scoped3A_90 : memref<!tpu.dma_semaphore, #tpu.memory_space<semaphore_mem>>) src(%arg9 : memref<96x128xi16, #tpu.memory_space<vmem>>) dst(%dma_wait3A_102 : memref<10240x128xi16, #tpu.memory_space<vmem_shared>>)
        tpu.yield
      }) : () -> ()
      %dma_wait3A_66 = arith.constant 28 : i32
      %dma_wait3A_67 = arith.constant 0 : i32
      %dma_wait3A_68 = tpu.memref_slice %arg7[%dma_wait3A_66, %dma_wait3A_67] : memref<30x96xi32, #tpu.memory_space<vmem>> -> memref<1x96xi32, #tpu.memory_space<vmem>>
      %dma_wait3A_69 = tpu.memref_squeeze %dma_wait3A_68 : memref<1x96xi32, #tpu.memory_space<vmem>> -> memref<96xi32, #tpu.memory_space<vmem>>
      %dma_wait3A_70 = arith.constant 0 : i32
      %dma_wait3A_71 = arith.constant 0 : i32
      %dma_wait3A_72 = tpu.memref_slice %arg2[%arg0, %dma_wait3A_70, %dma_wait3A_71] : memref<2x10000x128xi16, #tpu.memory_space<hbm>> -> memref<1x10000x128xi16, #tpu.memory_space<hbm>>
      %dma_wait3A_73 = tpu.memref_squeeze %dma_wait3A_72 : memref<1x10000x128xi16, #tpu.memory_space<hbm>> -> memref<10000x128xi16, #tpu.memory_space<hbm>>
      %dma_wait3A_74 = arith.constant 0 : i32
      %dma_wait3A_75 = arith.constant 0 : i32
      %dma_wait3A_76 = tpu.memref_slice %dma_wait3A_73[%dma_wait3A_74, %dma_wait3A_75] : memref<10000x128xi16, #tpu.memory_space<hbm>> -> memref<10000x128xi16, #tpu.memory_space<hbm>>
      tpu.wait_indirect_dma semaphore(%arg15 : memref<!tpu.dma_semaphore, #tpu.memory_space<semaphore_mem>>) src(%dma_wait3A_76 : memref<10000x128xi16, #tpu.memory_space<hbm>>) dst(%arg10 : memref<96x128xi16, #tpu.memory_space<vmem>>)
      %run_scoped3A_77 = arith.constant 28 : i32
      "tpu.region"() ({
        %run_scoped3A_90 = tpu.sem_alloc : memref<!tpu.dma_semaphore, #tpu.memory_space<semaphore_mem>>
        %dma_start3A_91 = arith.constant 0 : i32
        %dma_start3A_92 = tpu.memref_slice %arg8[%run_scoped3A_77, %dma_start3A_91] : memref<30x96xi32, #tpu.memory_space<vmem>> -> memref<1x96xi32, #tpu.memory_space<vmem>>
        %dma_start3A_93 = tpu.memref_squeeze %dma_start3A_92 : memref<1x96xi32, #tpu.memory_space<vmem>> -> memref<96xi32, #tpu.memory_space<vmem>>
        %dma_start3A_94 = arith.constant 0 : i32
        %dma_start3A_95 = arith.constant 0 : i32
        %dma_start3A_96 = tpu.memref_slice %arg13[%dma_start3A_94, %dma_start3A_95] : memref<10240x128xi16, #tpu.memory_space<vmem_shared>> -> memref<10240x128xi16, #tpu.memory_space<vmem_shared>>
        tpu.enqueue_indirect_dma source(%arg10 : memref<96x128xi16, #tpu.memory_space<vmem>>) target(%dma_start3A_96 : memref<10240x128xi16, #tpu.memory_space<vmem_shared>>) offsets(%dma_start3A_93 : memref<96xi32, #tpu.memory_space<vmem>>) semaphore(%run_scoped3A_90 : memref<!tpu.dma_semaphore, #tpu.memory_space<semaphore_mem>>) {add = true}
        %dma_wait3A_97 = arith.constant 0 : i32
        %dma_wait3A_98 = tpu.memref_slice %arg8[%run_scoped3A_77, %dma_wait3A_97] : memref<30x96xi32, #tpu.memory_space<vmem>> -> memref<1x96xi32, #tpu.memory_space<vmem>>
        %dma_wait3A_99 = tpu.memref_squeeze %dma_wait3A_98 : memref<1x96xi32, #tpu.memory_space<vmem>> -> memref<96xi32, #tpu.memory_space<vmem>>
        %dma_wait3A_100 = arith.constant 0 : i32
        %dma_wait3A_101 = arith.constant 0 : i32
        %dma_wait3A_102 = tpu.memref_slice %arg13[%dma_wait3A_100, %dma_wait3A_101] : memref<10240x128xi16, #tpu.memory_space<vmem_shared>> -> memref<10240x128xi16, #tpu.memory_space<vmem_shared>>
        tpu.wait_indirect_dma semaphore(%run_scoped3A_90 : memref<!tpu.dma_semaphore, #tpu.memory_space<semaphore_mem>>) src(%arg10 : memref<96x128xi16, #tpu.memory_space<vmem>>) dst(%dma_wait3A_102 : memref<10240x128xi16, #tpu.memory_space<vmem_shared>>)
        tpu.yield
      }) : () -> ()
      %dma_wait3A_78 = arith.constant 29 : i32
      %dma_wait3A_79 = arith.constant 0 : i32
      %dma_wait3A_80 = tpu.memref_slice %arg7[%dma_wait3A_78, %dma_wait3A_79] : memref<30x96xi32, #tpu.memory_space<vmem>> -> memref<1x96xi32, #tpu.memory_space<vmem>>
      %dma_wait3A_81 = tpu.memref_squeeze %dma_wait3A_80 : memref<1x96xi32, #tpu.memory_space<vmem>> -> memref<96xi32, #tpu.memory_space<vmem>>
      %dma_wait3A_82 = arith.constant 0 : i32
      %dma_wait3A_83 = arith.constant 0 : i32
      %dma_wait3A_84 = tpu.memref_slice %arg2[%arg0, %dma_wait3A_82, %dma_wait3A_83] : memref<2x10000x128xi16, #tpu.memory_space<hbm>> -> memref<1x10000x128xi16, #tpu.memory_space<hbm>>
      %dma_wait3A_85 = tpu.memref_squeeze %dma_wait3A_84 : memref<1x10000x128xi16, #tpu.memory_space<hbm>> -> memref<10000x128xi16, #tpu.memory_space<hbm>>
      %dma_wait3A_86 = arith.constant 0 : i32
      %dma_wait3A_87 = arith.constant 0 : i32
      %dma_wait3A_88 = tpu.memref_slice %dma_wait3A_85[%dma_wait3A_86, %dma_wait3A_87] : memref<10000x128xi16, #tpu.memory_space<hbm>> -> memref<10000x128xi16, #tpu.memory_space<hbm>>
      tpu.wait_indirect_dma semaphore(%arg16 : memref<!tpu.dma_semaphore, #tpu.memory_space<semaphore_mem>>) src(%dma_wait3A_88 : memref<10000x128xi16, #tpu.memory_space<hbm>>) dst(%arg11 : memref<96x128xi16, #tpu.memory_space<vmem>>)
      %run_scoped3A_89 = arith.constant 29 : i32
      "tpu.region"() ({
        %run_scoped3A_90 = tpu.sem_alloc : memref<!tpu.dma_semaphore, #tpu.memory_space<semaphore_mem>>
        %dma_start3A_91 = arith.constant 0 : i32
        %dma_start3A_92 = tpu.memref_slice %arg8[%run_scoped3A_89, %dma_start3A_91] : memref<30x96xi32, #tpu.memory_space<vmem>> -> memref<1x96xi32, #tpu.memory_space<vmem>>
        %dma_start3A_93 = tpu.memref_squeeze %dma_start3A_92 : memref<1x96xi32, #tpu.memory_space<vmem>> -> memref<96xi32, #tpu.memory_space<vmem>>
        %dma_start3A_94 = arith.constant 0 : i32
        %dma_start3A_95 = arith.constant 0 : i32
        %dma_start3A_96 = tpu.memref_slice %arg13[%dma_start3A_94, %dma_start3A_95] : memref<10240x128xi16, #tpu.memory_space<vmem_shared>> -> memref<10240x128xi16, #tpu.memory_space<vmem_shared>>
        tpu.enqueue_indirect_dma source(%arg11 : memref<96x128xi16, #tpu.memory_space<vmem>>) target(%dma_start3A_96 : memref<10240x128xi16, #tpu.memory_space<vmem_shared>>) offsets(%dma_start3A_93 : memref<96xi32, #tpu.memory_space<vmem>>) semaphore(%run_scoped3A_90 : memref<!tpu.dma_semaphore, #tpu.memory_space<semaphore_mem>>) {add = true}
        %dma_wait3A_97 = arith.constant 0 : i32
        %dma_wait3A_98 = tpu.memref_slice %arg8[%run_scoped3A_89, %dma_wait3A_97] : memref<30x96xi32, #tpu.memory_space<vmem>> -> memref<1x96xi32, #tpu.memory_space<vmem>>
        %dma_wait3A_99 = tpu.memref_squeeze %dma_wait3A_98 : memref<1x96xi32, #tpu.memory_space<vmem>> -> memref<96xi32, #tpu.memory_space<vmem>>
        %dma_wait3A_100 = arith.constant 0 : i32
        %dma_wait3A_101 = arith.constant 0 : i32
        %dma_wait3A_102 = tpu.memref_slice %arg13[%dma_wait3A_100, %dma_wait3A_101] : memref<10240x128xi16, #tpu.memory_space<vmem_shared>> -> memref<10240x128xi16, #tpu.memory_space<vmem_shared>>
        tpu.wait_indirect_dma semaphore(%run_scoped3A_90 : memref<!tpu.dma_semaphore, #tpu.memory_space<semaphore_mem>>) src(%arg11 : memref<96x128xi16, #tpu.memory_space<vmem>>) dst(%dma_wait3A_102 : memref<10240x128xi16, #tpu.memory_space<vmem_shared>>)
        tpu.yield
      }) : () -> ()
    }
    %scan3A_11 = arith.constant 7 : i32
    %barrier3A_12 = arith.constant 0 : index
    tpu.barrier barrier_id(%barrier3A_12)
    "tpu.region"() ({
      %run_scoped3A = tpu.sem_alloc : memref<!tpu.dma_semaphore, #tpu.memory_space<semaphore_mem>>
      %dma_start3A = arith.constant 0 : i32
      %dma_start3A_13 = arith.constant 0 : i32
      %dma_start3A_14 = tpu.memref_slice %arg6[%arg0, %dma_start3A, %dma_start3A_13] : memref<2x10240x128xi16, #tpu.memory_space<hbm>> -> memref<1x10240x128xi16, #tpu.memory_space<hbm>>
      %dma_start3A_15 = tpu.memref_squeeze %dma_start3A_14 : memref<1x10240x128xi16, #tpu.memory_space<hbm>> -> memref<10240x128xi16, #tpu.memory_space<hbm>>
      %dma_start3A_16 = arith.constant 0 : i32
      %dma_start3A_17 = tpu.memref_slice %dma_start3A_15[%mul3A_0, %dma_start3A_16] : memref<10240x128xi16, #tpu.memory_space<hbm>> -> memref<640x128xi16, #tpu.memory_space<hbm>>
      %dma_start3A_18 = arith.constant 0 : i32
      %dma_start3A_19 = tpu.memref_slice %arg13[%mul3A_0, %dma_start3A_18] : memref<10240x128xi16, #tpu.memory_space<vmem_shared>> -> memref<640x128xi16, #tpu.memory_space<vmem_shared>>
      tpu.enqueue_dma source(%dma_start3A_19 : memref<640x128xi16, #tpu.memory_space<vmem_shared>>) target(%dma_start3A_17 : memref<640x128xi16, #tpu.memory_space<hbm>>) target_semaphore(%run_scoped3A : memref<!tpu.dma_semaphore, #tpu.memory_space<semaphore_mem>>)
      %dma_wait3A = arith.constant 0 : i32
      %dma_wait3A_20 = arith.constant 0 : i32
      %dma_wait3A_21 = tpu.memref_slice %arg6[%arg0, %dma_wait3A, %dma_wait3A_20] : memref<2x10240x128xi16, #tpu.memory_space<hbm>> -> memref<1x10240x128xi16, #tpu.memory_space<hbm>>
      %dma_wait3A_22 = tpu.memref_squeeze %dma_wait3A_21 : memref<1x10240x128xi16, #tpu.memory_space<hbm>> -> memref<10240x128xi16, #tpu.memory_space<hbm>>
      %dma_wait3A_23 = arith.constant 0 : i32
      %dma_wait3A_24 = tpu.memref_slice %dma_wait3A_22[%mul3A_0, %dma_wait3A_23] : memref<10240x128xi16, #tpu.memory_space<hbm>> -> memref<640x128xi16, #tpu.memory_space<hbm>>
      %dma_wait3A_25 = arith.constant 0 : i32
      %dma_wait3A_26 = tpu.memref_slice %arg13[%mul3A_0, %dma_wait3A_25] : memref<10240x128xi16, #tpu.memory_space<vmem_shared>> -> memref<640x128xi16, #tpu.memory_space<vmem_shared>>
      tpu.wait_dma2 semaphore(%run_scoped3A : memref<!tpu.dma_semaphore, #tpu.memory_space<semaphore_mem>>) src(%dma_wait3A_26 : memref<640x128xi16, #tpu.memory_space<vmem_shared>>) dst(%dma_wait3A_24 : memref<640x128xi16, #tpu.memory_space<hbm>>)
      tpu.yield
    }) : () -> ()
    return
  }
}

#map = affine_map<(d0, d1) -> (0, 0, 0)>
#map1 = affine_map<(d0, d1) -> (0, 0)>
module attributes {stable_mosaic.version = 14 : i64} {
  func.func @sc_segsum(%arg0: i32, %arg1: i32, %arg2: memref<2x10000x128xi16, #tpu.memory_space<hbm>>, %arg3: memref<16x210x96xi32, #tpu.memory_space<hbm>>, %arg4: memref<16x210x96xi32, #tpu.memory_space<hbm>>, %arg5: memref<16x128xi16, #tpu.memory_space<hbm>>, %arg6: memref<2x10240x128xi16, #tpu.memory_space<hbm>>, %arg7: memref<30x96xi32, #tpu.memory_space<vmem>>, %arg8: memref<30x96xi32, #tpu.memory_space<vmem>>, %arg9: memref<96x128xi16, #tpu.memory_space<vmem>>, %arg10: memref<96x128xi16, #tpu.memory_space<vmem>>, %arg11: memref<96x128xi16, #tpu.memory_space<vmem>>, %arg12: memref<16x128xi16, #tpu.memory_space<vmem>>, %arg13: memref<10240x128xi16, #tpu.memory_space<vmem_shared>>, %arg14: memref<!tpu.dma_semaphore, #tpu.memory_space<semaphore_mem>>, %arg15: memref<!tpu.dma_semaphore, #tpu.memory_space<semaphore_mem>>, %arg16: memref<!tpu.dma_semaphore, #tpu.memory_space<semaphore_mem>>) attributes {dimension_semantics = [#tpu.dimension_semantics<core_parallel>, #tpu.dimension_semantics<subcore_parallel>], iteration_bounds = array<i64: 2, 16>, scalar_prefetch = 0 : i64, scratch_operands = 10 : i64, tpu.core_type = #tpu.core_type<sc_vector_subcore>, window_params = [{transform_indices = #map}, {transform_indices = #map}, {transform_indices = #map}, {transform_indices = #map1}, {transform_indices = #map}]} {
    %mul3A = arith.constant 640 : i32
    %mul3A_0 = arith.muli %arg1, %mul3A : i32
    "tpu.region"() ({
      %run_scoped3A = tpu.sem_alloc : memref<!tpu.dma_semaphore, #tpu.memory_space<semaphore_mem>>
      tpu.enqueue_dma source(%arg5 : memref<16x128xi16, #tpu.memory_space<hbm>>) target(%arg12 : memref<16x128xi16, #tpu.memory_space<vmem>>) target_semaphore(%run_scoped3A : memref<!tpu.dma_semaphore, #tpu.memory_space<semaphore_mem>>)
      tpu.wait_dma2 semaphore(%run_scoped3A : memref<!tpu.dma_semaphore, #tpu.memory_space<semaphore_mem>>) src(%arg5 : memref<16x128xi16, #tpu.memory_space<hbm>>) dst(%arg12 : memref<16x128xi16, #tpu.memory_space<vmem>>)
      tpu.yield
    }) : () -> ()
    %scan3A = arith.constant 0 : i32
    %scan3A_1 = arith.constant 0 : i32
    %scan3A_2 = arith.constant 40 : i32
    %scan3A_3 = arith.addi %scan3A_1, %scan3A_2 : i32
    %scan3A_4 = arith.constant 1 : i32
    scf.for %scan3A_13 = %scan3A_1 to %scan3A_3 step %scan3A_4  : i32 {
      %mul3A_14 = arith.constant 16 : i32
      %mul3A_15 = arith.muli %scan3A_13, %mul3A_14 : i32
      %add3A = arith.addi %mul3A_0, %mul3A_15 : i32
      "tpu.region"() ({
        %run_scoped3A = tpu.sem_alloc : memref<!tpu.dma_semaphore, #tpu.memory_space<semaphore_mem>>
        %dma_start3A = arith.constant 0 : i32
        %dma_start3A_16 = tpu.memref_slice %arg13[%add3A, %dma_start3A] : memref<10240x128xi16, #tpu.memory_space<vmem_shared>> -> memref<16x128xi16, #tpu.memory_space<vmem_shared>>
        %dma_start3A_17 = arith.constant 0 : i32
        %dma_start3A_18 = tpu.memref_slice %arg13[%add3A, %dma_start3A_17] : memref<10240x128xi16, #tpu.memory_space<vmem_shared>> -> memref<16x128xi16, #tpu.memory_space<vmem_shared>>
        tpu.enqueue_dma source(%arg12 : memref<16x128xi16, #tpu.memory_space<vmem>>) target(%dma_start3A_18 : memref<16x128xi16, #tpu.memory_space<vmem_shared>>) target_semaphore(%run_scoped3A : memref<!tpu.dma_semaphore, #tpu.memory_space<semaphore_mem>>)
        %dma_wait3A = arith.constant 0 : i32
        %dma_wait3A_19 = tpu.memref_slice %arg13[%add3A, %dma_wait3A] : memref<10240x128xi16, #tpu.memory_space<vmem_shared>> -> memref<16x128xi16, #tpu.memory_space<vmem_shared>>
        %dma_wait3A_20 = arith.constant 0 : i32
        %dma_wait3A_21 = tpu.memref_slice %arg13[%add3A, %dma_wait3A_20] : memref<10240x128xi16, #tpu.memory_space<vmem_shared>> -> memref<16x128xi16, #tpu.memory_space<vmem_shared>>
        tpu.wait_dma2 semaphore(%run_scoped3A : memref<!tpu.dma_semaphore, #tpu.memory_space<semaphore_mem>>) src(%arg12 : memref<16x128xi16, #tpu.memory_space<vmem>>) dst(%dma_wait3A_21 : memref<16x128xi16, #tpu.memory_space<vmem_shared>>)
        tpu.yield
      }) : () -> ()
    }
    %scan3A_5 = arith.constant 40 : i32
    %barrier3A = arith.constant 0 : index
    tpu.barrier barrier_id(%barrier3A)
    %scan3A_6 = arith.constant 0 : i32
    %scan3A_7 = arith.constant 0 : i32
    %scan3A_8 = arith.constant 7 : i32
    %scan3A_9 = arith.addi %scan3A_7, %scan3A_8 : i32
    %scan3A_10 = arith.constant 1 : i32
    scf.for %scan3A_13 = %scan3A_7 to %scan3A_9 step %scan3A_10  : i32 {
      %mul3A_14 = arith.constant 30 : i32
      %mul3A_15 = arith.muli %scan3A_13, %mul3A_14 : i32
      "tpu.region"() ({
        %run_scoped3A_90 = tpu.sem_alloc : memref<!tpu.dma_semaphore, #tpu.memory_space<semaphore_mem>>
        %dma_start3A_91 = arith.constant 0 : i32
        %dma_start3A_92 = arith.constant 0 : i32
        %dma_start3A_93 = tpu.memref_slice %arg3[%arg1, %dma_start3A_91, %dma_start3A_92] : memref<16x210x96xi32, #tpu.memory_space<hbm>> -> memref<1x210x96xi32, #tpu.memory_space<hbm>>
        %dma_start3A_94 = tpu.memref_squeeze %dma_start3A_93 : memref<1x210x96xi32, #tpu.memory_space<hbm>> -> memref<210x96xi32, #tpu.memory_space<hbm>>
        %dma_start3A_95 = arith.constant 0 : i32
        %dma_start3A_96 = tpu.memref_slice %dma_start3A_94[%mul3A_15, %dma_start3A_95] : memref<210x96xi32, #tpu.memory_space<hbm>> -> memref<30x96xi32, #tpu.memory_space<hbm>>
        %dma_start3A_97 = arith.constant 0 : i32
        %dma_start3A_98 = arith.constant 0 : i32
        %dma_start3A_99 = tpu.memref_slice %arg3[%arg1, %dma_start3A_97, %dma_start3A_98] : memref<16x210x96xi32, #tpu.memory_space<hbm>> -> memref<1x210x96xi32, #tpu.memory_space<hbm>>
        %dma_start3A_100 = tpu.memref_squeeze %dma_start3A_99 : memref<1x210x96xi32, #tpu.memory_space<hbm>> -> memref<210x96xi32, #tpu.memory_space<hbm>>
        %dma_start3A_101 = arith.constant 0 : i32
        %dma_start3A_102 = tpu.memref_slice %dma_start3A_100[%mul3A_15, %dma_start3A_101] : memref<210x96xi32, #tpu.memory_space<hbm>> -> memref<30x96xi32, #tpu.memory_space<hbm>>
        tpu.enqueue_dma source(%dma_start3A_102 : memref<30x96xi32, #tpu.memory_space<hbm>>) target(%arg7 : memref<30x96xi32, #tpu.memory_space<vmem>>) target_semaphore(%run_scoped3A_90 : memref<!tpu.dma_semaphore, #tpu.memory_space<semaphore_mem>>)
        %dma_wait3A_103 = arith.constant 0 : i32
        %dma_wait3A_104 = arith.constant 0 : i32
        %dma_wait3A_105 = tpu.memref_slice %arg3[%arg1, %dma_wait3A_103, %dma_wait3A_104] : memref<16x210x96xi32, #tpu.memory_space<hbm>> -> memref<1x210x96xi32, #tpu.memory_space<hbm>>
        %dma_wait3A_106 = tpu.memref_squeeze %dma_wait3A_105 : memref<1x210x96xi32, #tpu.memory_space<hbm>> -> memref<210x96xi32, #tpu.memory_space<hbm>>
        %dma_wait3A_107 = arith.constant 0 : i32
        %dma_wait3A_108 = tpu.memref_slice %dma_wait3A_106[%mul3A_15, %dma_wait3A_107] : memref<210x96xi32, #tpu.memory_space<hbm>> -> memref<30x96xi32, #tpu.memory_space<hbm>>
        %dma_wait3A_109 = arith.constant 0 : i32
        %dma_wait3A_110 = arith.constant 0 : i32
        %dma_wait3A_111 = tpu.memref_slice %arg3[%arg1, %dma_wait3A_109, %dma_wait3A_110] : memref<16x210x96xi32, #tpu.memory_space<hbm>> -> memref<1x210x96xi32, #tpu.memory_space<hbm>>
        %dma_wait3A_112 = tpu.memref_squeeze %dma_wait3A_111 : memref<1x210x96xi32, #tpu.memory_space<hbm>> -> memref<210x96xi32, #tpu.memory_space<hbm>>
        %dma_wait3A_113 = arith.constant 0 : i32
        %dma_wait3A_114 = tpu.memref_slice %dma_wait3A_112[%mul3A_15, %dma_wait3A_113] : memref<210x96xi32, #tpu.memory_space<hbm>> -> memref<30x96xi32, #tpu.memory_space<hbm>>
        tpu.wait_dma2 semaphore(%run_scoped3A_90 : memref<!tpu.dma_semaphore, #tpu.memory_space<semaphore_mem>>) src(%dma_wait3A_114 : memref<30x96xi32, #tpu.memory_space<hbm>>) dst(%arg7 : memref<30x96xi32, #tpu.memory_space<vmem>>)
        tpu.yield
      }) : () -> ()
      %mul3A_16 = arith.constant 30 : i32
      %mul3A_17 = arith.muli %scan3A_13, %mul3A_16 : i32
      "tpu.region"() ({
        %run_scoped3A_90 = tpu.sem_alloc : memref<!tpu.dma_semaphore, #tpu.memory_space<semaphore_mem>>
        %dma_start3A_91 = arith.constant 0 : i32
        %dma_start3A_92 = arith.constant 0 : i32
        %dma_start3A_93 = tpu.memref_slice %arg4[%arg1, %dma_start3A_91, %dma_start3A_92] : memref<16x210x96xi32, #tpu.memory_space<hbm>> -> memref<1x210x96xi32, #tpu.memory_space<hbm>>
        %dma_start3A_94 = tpu.memref_squeeze %dma_start3A_93 : memref<1x210x96xi32, #tpu.memory_space<hbm>> -> memref<210x96xi32, #tpu.memory_space<hbm>>
        %dma_start3A_95 = arith.constant 0 : i32
        %dma_start3A_96 = tpu.memref_slice %dma_start3A_94[%mul3A_17, %dma_start3A_95] : memref<210x96xi32, #tpu.memory_space<hbm>> -> memref<30x96xi32, #tpu.memory_space<hbm>>
        %dma_start3A_97 = arith.constant 0 : i32
        %dma_start3A_98 = arith.constant 0 : i32
        %dma_start3A_99 = tpu.memref_slice %arg4[%arg1, %dma_start3A_97, %dma_start3A_98] : memref<16x210x96xi32, #tpu.memory_space<hbm>> -> memref<1x210x96xi32, #tpu.memory_space<hbm>>
        %dma_start3A_100 = tpu.memref_squeeze %dma_start3A_99 : memref<1x210x96xi32, #tpu.memory_space<hbm>> -> memref<210x96xi32, #tpu.memory_space<hbm>>
        %dma_start3A_101 = arith.constant 0 : i32
        %dma_start3A_102 = tpu.memref_slice %dma_start3A_100[%mul3A_17, %dma_start3A_101] : memref<210x96xi32, #tpu.memory_space<hbm>> -> memref<30x96xi32, #tpu.memory_space<hbm>>
        tpu.enqueue_dma source(%dma_start3A_102 : memref<30x96xi32, #tpu.memory_space<hbm>>) target(%arg8 : memref<30x96xi32, #tpu.memory_space<vmem>>) target_semaphore(%run_scoped3A_90 : memref<!tpu.dma_semaphore, #tpu.memory_space<semaphore_mem>>)
        %dma_wait3A_103 = arith.constant 0 : i32
        %dma_wait3A_104 = arith.constant 0 : i32
        %dma_wait3A_105 = tpu.memref_slice %arg4[%arg1, %dma_wait3A_103, %dma_wait3A_104] : memref<16x210x96xi32, #tpu.memory_space<hbm>> -> memref<1x210x96xi32, #tpu.memory_space<hbm>>
        %dma_wait3A_106 = tpu.memref_squeeze %dma_wait3A_105 : memref<1x210x96xi32, #tpu.memory_space<hbm>> -> memref<210x96xi32, #tpu.memory_space<hbm>>
        %dma_wait3A_107 = arith.constant 0 : i32
        %dma_wait3A_108 = tpu.memref_slice %dma_wait3A_106[%mul3A_17, %dma_wait3A_107] : memref<210x96xi32, #tpu.memory_space<hbm>> -> memref<30x96xi32, #tpu.memory_space<hbm>>
        %dma_wait3A_109 = arith.constant 0 : i32
        %dma_wait3A_110 = arith.constant 0 : i32
        %dma_wait3A_111 = tpu.memref_slice %arg4[%arg1, %dma_wait3A_109, %dma_wait3A_110] : memref<16x210x96xi32, #tpu.memory_space<hbm>> -> memref<1x210x96xi32, #tpu.memory_space<hbm>>
        %dma_wait3A_112 = tpu.memref_squeeze %dma_wait3A_111 : memref<1x210x96xi32, #tpu.memory_space<hbm>> -> memref<210x96xi32, #tpu.memory_space<hbm>>
        %dma_wait3A_113 = arith.constant 0 : i32
        %dma_wait3A_114 = tpu.memref_slice %dma_wait3A_112[%mul3A_17, %dma_wait3A_113] : memref<210x96xi32, #tpu.memory_space<hbm>> -> memref<30x96xi32, #tpu.memory_space<hbm>>
        tpu.wait_dma2 semaphore(%run_scoped3A_90 : memref<!tpu.dma_semaphore, #tpu.memory_space<semaphore_mem>>) src(%dma_wait3A_114 : memref<30x96xi32, #tpu.memory_space<hbm>>) dst(%arg8 : memref<30x96xi32, #tpu.memory_space<vmem>>)
        tpu.yield
      }) : () -> ()
      %dma_start3A = arith.constant 0 : i32
      %dma_start3A_18 = arith.constant 0 : i32
      %dma_start3A_19 = tpu.memref_slice %arg7[%dma_start3A, %dma_start3A_18] : memref<30x96xi32, #tpu.memory_space<vmem>> -> memref<1x96xi32, #tpu.memory_space<vmem>>
      %dma_start3A_20 = tpu.memref_squeeze %dma_start3A_19 : memref<1x96xi32, #tpu.memory_space<vmem>> -> memref<96xi32, #tpu.memory_space<vmem>>
      %dma_start3A_21 = arith.constant 0 : i32
      %dma_start3A_22 = arith.constant 0 : i32
      %dma_start3A_23 = tpu.memref_slice %arg2[%arg0, %dma_start3A_21, %dma_start3A_22] : memref<2x10000x128xi16, #tpu.memory_space<hbm>> -> memref<1x10000x128xi16, #tpu.memory_space<hbm>>
      %dma_start3A_24 = tpu.memref_squeeze %dma_start3A_23 : memref<1x10000x128xi16, #tpu.memory_space<hbm>> -> memref<10000x128xi16, #tpu.memory_space<hbm>>
      %dma_start3A_25 = arith.constant 0 : i32
      %dma_start3A_26 = arith.constant 0 : i32
      %dma_start3A_27 = tpu.memref_slice %dma_start3A_24[%dma_start3A_25, %dma_start3A_26] : memref<10000x128xi16, #tpu.memory_space<hbm>> -> memref<10000x128xi16, #tpu.memory_space<hbm>>
      tpu.enqueue_indirect_dma source(%dma_start3A_27 : memref<10000x128xi16, #tpu.memory_space<hbm>>) target(%arg9 : memref<96x128xi16, #tpu.memory_space<vmem>>) offsets(%dma_start3A_20 : memref<96xi32, #tpu.memory_space<vmem>>) semaphore(%arg14 : memref<!tpu.dma_semaphore, #tpu.memory_space<semaphore_mem>>)
      %dma_start3A_28 = arith.constant 1 : i32
      %dma_start3A_29 = arith.constant 0 : i32
      %dma_start3A_30 = tpu.memref_slice %arg7[%dma_start3A_28, %dma_start3A_29] : memref<30x96xi32, #tpu.memory_space<vmem>> -> memref<1x96xi32, #tpu.memory_space<vmem>>
      %dma_start3A_31 = tpu.memref_squeeze %dma_start3A_30 : memref<1x96xi32, #tpu.memory_space<vmem>> -> memref<96xi32, #tpu.memory_space<vmem>>
      %dma_start3A_32 = arith.constant 0 : i32
      %dma_start3A_33 = arith.constant 0 : i32
      %dma_start3A_34 = tpu.memref_slice %arg2[%arg0, %dma_start3A_32, %dma_start3A_33] : memref<2x10000x128xi16, #tpu.memory_space<hbm>> -> memref<1x10000x128xi16, #tpu.memory_space<hbm>>
      %dma_start3A_35 = tpu.memref_squeeze %dma_start3A_34 : memref<1x10000x128xi16, #tpu.memory_space<hbm>> -> memref<10000x128xi16, #tpu.memory_space<hbm>>
      %dma_start3A_36 = arith.constant 0 : i32
      %dma_start3A_37 = arith.constant 0 : i32
      %dma_start3A_38 = tpu.memref_slice %dma_start3A_35[%dma_start3A_36, %dma_start3A_37] : memref<10000x128xi16, #tpu.memory_space<hbm>> -> memref<10000x128xi16, #tpu.memory_space<hbm>>
      tpu.enqueue_indirect_dma source(%dma_start3A_38 : memref<10000x128xi16, #tpu.memory_space<hbm>>) target(%arg10 : memref<96x128xi16, #tpu.memory_space<vmem>>) offsets(%dma_start3A_31 : memref<96xi32, #tpu.memory_space<vmem>>) semaphore(%arg15 : memref<!tpu.dma_semaphore, #tpu.memory_space<semaphore_mem>>)
      %scan3A_39 = arith.constant 0 : i32
      %scan3A_40 = arith.constant 0 : i32
      %scan3A_41 = arith.constant 9 : i32
      %scan3A_42 = arith.addi %scan3A_40, %scan3A_41 : i32
      %scan3A_43 = arith.constant 1 : i32
      scf.for %scan3A_90 = %scan3A_40 to %scan3A_42 step %scan3A_43  : i32 {
        %mul3A_91 = arith.constant 3 : i32
        %mul3A_92 = arith.muli %scan3A_90, %mul3A_91 : i32
        %add3A = arith.constant 0 : i32
        %add3A_93 = arith.addi %mul3A_92, %add3A : i32
        %dma_wait3A_94 = arith.constant 0 : i32
        %dma_wait3A_95 = tpu.memref_slice %arg7[%add3A_93, %dma_wait3A_94] : memref<30x96xi32, #tpu.memory_space<vmem>> -> memref<1x96xi32, #tpu.memory_space<vmem>>
        %dma_wait3A_96 = tpu.memref_squeeze %dma_wait3A_95 : memref<1x96xi32, #tpu.memory_space<vmem>> -> memref<96xi32, #tpu.memory_space<vmem>>
        %dma_wait3A_97 = arith.constant 0 : i32
        %dma_wait3A_98 = arith.constant 0 : i32
        %dma_wait3A_99 = tpu.memref_slice %arg2[%arg0, %dma_wait3A_97, %dma_wait3A_98] : memref<2x10000x128xi16, #tpu.memory_space<hbm>> -> memref<1x10000x128xi16, #tpu.memory_space<hbm>>
        %dma_wait3A_100 = tpu.memref_squeeze %dma_wait3A_99 : memref<1x10000x128xi16, #tpu.memory_space<hbm>> -> memref<10000x128xi16, #tpu.memory_space<hbm>>
        %dma_wait3A_101 = arith.constant 0 : i32
        %dma_wait3A_102 = arith.constant 0 : i32
        %dma_wait3A_103 = tpu.memref_slice %dma_wait3A_100[%dma_wait3A_101, %dma_wait3A_102] : memref<10000x128xi16, #tpu.memory_space<hbm>> -> memref<10000x128xi16, #tpu.memory_space<hbm>>
        tpu.wait_indirect_dma semaphore(%arg14 : memref<!tpu.dma_semaphore, #tpu.memory_space<semaphore_mem>>) src(%dma_wait3A_103 : memref<10000x128xi16, #tpu.memory_space<hbm>>) dst(%arg9 : memref<96x128xi16, #tpu.memory_space<vmem>>)
        %add3A_104 = arith.constant 2 : i32
        %add3A_105 = arith.addi %add3A_93, %add3A_104 : i32
        %dma_start3A_106 = arith.constant 0 : i32
        %dma_start3A_107 = tpu.memref_slice %arg7[%add3A_105, %dma_start3A_106] : memref<30x96xi32, #tpu.memory_space<vmem>> -> memref<1x96xi32, #tpu.memory_space<vmem>>
        %dma_start3A_108 = tpu.memref_squeeze %dma_start3A_107 : memref<1x96xi32, #tpu.memory_space<vmem>> -> memref<96xi32, #tpu.memory_space<vmem>>
        %dma_start3A_109 = arith.constant 0 : i32
        %dma_start3A_110 = arith.constant 0 : i32
        %dma_start3A_111 = tpu.memref_slice %arg2[%arg0, %dma_start3A_109, %dma_start3A_110] : memref<2x10000x128xi16, #tpu.memory_space<hbm>> -> memref<1x10000x128xi16, #tpu.memory_space<hbm>>
        %dma_start3A_112 = tpu.memref_squeeze %dma_start3A_111 : memref<1x10000x128xi16, #tpu.memory_space<hbm>> -> memref<10000x128xi16, #tpu.memory_space<hbm>>
        %dma_start3A_113 = arith.constant 0 : i32
        %dma_start3A_114 = arith.constant 0 : i32
        %dma_start3A_115 = tpu.memref_slice %dma_start3A_112[%dma_start3A_113, %dma_start3A_114] : memref<10000x128xi16, #tpu.memory_space<hbm>> -> memref<10000x128xi16, #tpu.memory_space<hbm>>
        tpu.enqueue_indirect_dma source(%dma_start3A_115 : memref<10000x128xi16, #tpu.memory_space<hbm>>) target(%arg11 : memref<96x128xi16, #tpu.memory_space<vmem>>) offsets(%dma_start3A_108 : memref<96xi32, #tpu.memory_space<vmem>>) semaphore(%arg16 : memref<!tpu.dma_semaphore, #tpu.memory_space<semaphore_mem>>)
        "tpu.region"() ({
          %run_scoped3A_168 = tpu.sem_alloc : memref<!tpu.dma_semaphore, #tpu.memory_space<semaphore_mem>>
          %dma_start3A_169 = arith.constant 0 : i32
          %dma_start3A_170 = tpu.memref_slice %arg8[%add3A_93, %dma_start3A_169] : memref<30x96xi32, #tpu.memory_space<vmem>> -> memref<1x96xi32, #tpu.memory_space<vmem>>
          %dma_start3A_171 = tpu.memref_squeeze %dma_start3A_170 : memref<1x96xi32, #tpu.memory_space<vmem>> -> memref<96xi32, #tpu.memory_space<vmem>>
          %dma_start3A_172 = arith.constant 0 : i32
          %dma_start3A_173 = arith.constant 0 : i32
          %dma_start3A_174 = tpu.memref_slice %arg13[%dma_start3A_172, %dma_start3A_173] : memref<10240x128xi16, #tpu.memory_space<vmem_shared>> -> memref<10240x128xi16, #tpu.memory_space<vmem_shared>>
          tpu.enqueue_indirect_dma source(%arg9 : memref<96x128xi16, #tpu.memory_space<vmem>>) target(%dma_start3A_174 : memref<10240x128xi16, #tpu.memory_space<vmem_shared>>) offsets(%dma_start3A_171 : memref<96xi32, #tpu.memory_space<vmem>>) semaphore(%run_scoped3A_168 : memref<!tpu.dma_semaphore, #tpu.memory_space<semaphore_mem>>) {add = true}
          %dma_wait3A_175 = arith.constant 0 : i32
          %dma_wait3A_176 = tpu.memref_slice %arg8[%add3A_93, %dma_wait3A_175] : memref<30x96xi32, #tpu.memory_space<vmem>> -> memref<1x96xi32, #tpu.memory_space<vmem>>
          %dma_wait3A_177 = tpu.memref_squeeze %dma_wait3A_176 : memref<1x96xi32, #tpu.memory_space<vmem>> -> memref<96xi32, #tpu.memory_space<vmem>>
          %dma_wait3A_178 = arith.constant 0 : i32
          %dma_wait3A_179 = arith.constant 0 : i32
          %dma_wait3A_180 = tpu.memref_slice %arg13[%dma_wait3A_178, %dma_wait3A_179] : memref<10240x128xi16, #tpu.memory_space<vmem_shared>> -> memref<10240x128xi16, #tpu.memory_space<vmem_shared>>
          tpu.wait_indirect_dma semaphore(%run_scoped3A_168 : memref<!tpu.dma_semaphore, #tpu.memory_space<semaphore_mem>>) src(%arg9 : memref<96x128xi16, #tpu.memory_space<vmem>>) dst(%dma_wait3A_180 : memref<10240x128xi16, #tpu.memory_space<vmem_shared>>)
          tpu.yield
        }) : () -> ()
        %mul3A_116 = arith.constant 3 : i32
        %mul3A_117 = arith.muli %scan3A_90, %mul3A_116 : i32
        %add3A_118 = arith.constant 1 : i32
        %add3A_119 = arith.addi %mul3A_117, %add3A_118 : i32
        %dma_wait3A_120 = arith.constant 0 : i32
        %dma_wait3A_121 = tpu.memref_slice %arg7[%add3A_119, %dma_wait3A_120] : memref<30x96xi32, #tpu.memory_space<vmem>> -> memref<1x96xi32, #tpu.memory_space<vmem>>
        %dma_wait3A_122 = tpu.memref_squeeze %dma_wait3A_121 : memref<1x96xi32, #tpu.memory_space<vmem>> -> memref<96xi32, #tpu.memory_space<vmem>>
        %dma_wait3A_123 = arith.constant 0 : i32
        %dma_wait3A_124 = arith.constant 0 : i32
        %dma_wait3A_125 = tpu.memref_slice %arg2[%arg0, %dma_wait3A_123, %dma_wait3A_124] : memref<2x10000x128xi16, #tpu.memory_space<hbm>> -> memref<1x10000x128xi16, #tpu.memory_space<hbm>>
        %dma_wait3A_126 = tpu.memref_squeeze %dma_wait3A_125 : memref<1x10000x128xi16, #tpu.memory_space<hbm>> -> memref<10000x128xi16, #tpu.memory_space<hbm>>
        %dma_wait3A_127 = arith.constant 0 : i32
        %dma_wait3A_128 = arith.constant 0 : i32
        %dma_wait3A_129 = tpu.memref_slice %dma_wait3A_126[%dma_wait3A_127, %dma_wait3A_128] : memref<10000x128xi16, #tpu.memory_space<hbm>> -> memref<10000x128xi16, #tpu.memory_space<hbm>>
        tpu.wait_indirect_dma semaphore(%arg15 : memref<!tpu.dma_semaphore, #tpu.memory_space<semaphore_mem>>) src(%dma_wait3A_129 : memref<10000x128xi16, #tpu.memory_space<hbm>>) dst(%arg10 : memref<96x128xi16, #tpu.memory_space<vmem>>)
        %add3A_130 = arith.constant 2 : i32
        %add3A_131 = arith.addi %add3A_119, %add3A_130 : i32
        %dma_start3A_132 = arith.constant 0 : i32
        %dma_start3A_133 = tpu.memref_slice %arg7[%add3A_131, %dma_start3A_132] : memref<30x96xi32, #tpu.memory_space<vmem>> -> memref<1x96xi32, #tpu.memory_space<vmem>>
        %dma_start3A_134 = tpu.memref_squeeze %dma_start3A_133 : memref<1x96xi32, #tpu.memory_space<vmem>> -> memref<96xi32, #tpu.memory_space<vmem>>
        %dma_start3A_135 = arith.constant 0 : i32
        %dma_start3A_136 = arith.constant 0 : i32
        %dma_start3A_137 = tpu.memref_slice %arg2[%arg0, %dma_start3A_135, %dma_start3A_136] : memref<2x10000x128xi16, #tpu.memory_space<hbm>> -> memref<1x10000x128xi16, #tpu.memory_space<hbm>>
        %dma_start3A_138 = tpu.memref_squeeze %dma_start3A_137 : memref<1x10000x128xi16, #tpu.memory_space<hbm>> -> memref<10000x128xi16, #tpu.memory_space<hbm>>
        %dma_start3A_139 = arith.constant 0 : i32
        %dma_start3A_140 = arith.constant 0 : i32
        %dma_start3A_141 = tpu.memref_slice %dma_start3A_138[%dma_start3A_139, %dma_start3A_140] : memref<10000x128xi16, #tpu.memory_space<hbm>> -> memref<10000x128xi16, #tpu.memory_space<hbm>>
        tpu.enqueue_indirect_dma source(%dma_start3A_141 : memref<10000x128xi16, #tpu.memory_space<hbm>>) target(%arg9 : memref<96x128xi16, #tpu.memory_space<vmem>>) offsets(%dma_start3A_134 : memref<96xi32, #tpu.memory_space<vmem>>) semaphore(%arg14 : memref<!tpu.dma_semaphore, #tpu.memory_space<semaphore_mem>>)
        "tpu.region"() ({
          %run_scoped3A_168 = tpu.sem_alloc : memref<!tpu.dma_semaphore, #tpu.memory_space<semaphore_mem>>
          %dma_start3A_169 = arith.constant 0 : i32
          %dma_start3A_170 = tpu.memref_slice %arg8[%add3A_119, %dma_start3A_169] : memref<30x96xi32, #tpu.memory_space<vmem>> -> memref<1x96xi32, #tpu.memory_space<vmem>>
          %dma_start3A_171 = tpu.memref_squeeze %dma_start3A_170 : memref<1x96xi32, #tpu.memory_space<vmem>> -> memref<96xi32, #tpu.memory_space<vmem>>
          %dma_start3A_172 = arith.constant 0 : i32
          %dma_start3A_173 = arith.constant 0 : i32
          %dma_start3A_174 = tpu.memref_slice %arg13[%dma_start3A_172, %dma_start3A_173] : memref<10240x128xi16, #tpu.memory_space<vmem_shared>> -> memref<10240x128xi16, #tpu.memory_space<vmem_shared>>
          tpu.enqueue_indirect_dma source(%arg10 : memref<96x128xi16, #tpu.memory_space<vmem>>) target(%dma_start3A_174 : memref<10240x128xi16, #tpu.memory_space<vmem_shared>>) offsets(%dma_start3A_171 : memref<96xi32, #tpu.memory_space<vmem>>) semaphore(%run_scoped3A_168 : memref<!tpu.dma_semaphore, #tpu.memory_space<semaphore_mem>>) {add = true}
          %dma_wait3A_175 = arith.constant 0 : i32
          %dma_wait3A_176 = tpu.memref_slice %arg8[%add3A_119, %dma_wait3A_175] : memref<30x96xi32, #tpu.memory_space<vmem>> -> memref<1x96xi32, #tpu.memory_space<vmem>>
          %dma_wait3A_177 = tpu.memref_squeeze %dma_wait3A_176 : memref<1x96xi32, #tpu.memory_space<vmem>> -> memref<96xi32, #tpu.memory_space<vmem>>
          %dma_wait3A_178 = arith.constant 0 : i32
          %dma_wait3A_179 = arith.constant 0 : i32
          %dma_wait3A_180 = tpu.memref_slice %arg13[%dma_wait3A_178, %dma_wait3A_179] : memref<10240x128xi16, #tpu.memory_space<vmem_shared>> -> memref<10240x128xi16, #tpu.memory_space<vmem_shared>>
          tpu.wait_indirect_dma semaphore(%run_scoped3A_168 : memref<!tpu.dma_semaphore, #tpu.memory_space<semaphore_mem>>) src(%arg10 : memref<96x128xi16, #tpu.memory_space<vmem>>) dst(%dma_wait3A_180 : memref<10240x128xi16, #tpu.memory_space<vmem_shared>>)
          tpu.yield
        }) : () -> ()
        %mul3A_142 = arith.constant 3 : i32
        %mul3A_143 = arith.muli %scan3A_90, %mul3A_142 : i32
        %add3A_144 = arith.constant 2 : i32
        %add3A_145 = arith.addi %mul3A_143, %add3A_144 : i32
        %dma_wait3A_146 = arith.constant 0 : i32
        %dma_wait3A_147 = tpu.memref_slice %arg7[%add3A_145, %dma_wait3A_146] : memref<30x96xi32, #tpu.memory_space<vmem>> -> memref<1x96xi32, #tpu.memory_space<vmem>>
        %dma_wait3A_148 = tpu.memref_squeeze %dma_wait3A_147 : memref<1x96xi32, #tpu.memory_space<vmem>> -> memref<96xi32, #tpu.memory_space<vmem>>
        %dma_wait3A_149 = arith.constant 0 : i32
        %dma_wait3A_150 = arith.constant 0 : i32
        %dma_wait3A_151 = tpu.memref_slice %arg2[%arg0, %dma_wait3A_149, %dma_wait3A_150] : memref<2x10000x128xi16, #tpu.memory_space<hbm>> -> memref<1x10000x128xi16, #tpu.memory_space<hbm>>
        %dma_wait3A_152 = tpu.memref_squeeze %dma_wait3A_151 : memref<1x10000x128xi16, #tpu.memory_space<hbm>> -> memref<10000x128xi16, #tpu.memory_space<hbm>>
        %dma_wait3A_153 = arith.constant 0 : i32
        %dma_wait3A_154 = arith.constant 0 : i32
        %dma_wait3A_155 = tpu.memref_slice %dma_wait3A_152[%dma_wait3A_153, %dma_wait3A_154] : memref<10000x128xi16, #tpu.memory_space<hbm>> -> memref<10000x128xi16, #tpu.memory_space<hbm>>
        tpu.wait_indirect_dma semaphore(%arg16 : memref<!tpu.dma_semaphore, #tpu.memory_space<semaphore_mem>>) src(%dma_wait3A_155 : memref<10000x128xi16, #tpu.memory_space<hbm>>) dst(%arg11 : memref<96x128xi16, #tpu.memory_space<vmem>>)
        %add3A_156 = arith.constant 2 : i32
        %add3A_157 = arith.addi %add3A_145, %add3A_156 : i32
        %dma_start3A_158 = arith.constant 0 : i32
        %dma_start3A_159 = tpu.memref_slice %arg7[%add3A_157, %dma_start3A_158] : memref<30x96xi32, #tpu.memory_space<vmem>> -> memref<1x96xi32, #tpu.memory_space<vmem>>
        %dma_start3A_160 = tpu.memref_squeeze %dma_start3A_159 : memref<1x96xi32, #tpu.memory_space<vmem>> -> memref<96xi32, #tpu.memory_space<vmem>>
        %dma_start3A_161 = arith.constant 0 : i32
        %dma_start3A_162 = arith.constant 0 : i32
        %dma_start3A_163 = tpu.memref_slice %arg2[%arg0, %dma_start3A_161, %dma_start3A_162] : memref<2x10000x128xi16, #tpu.memory_space<hbm>> -> memref<1x10000x128xi16, #tpu.memory_space<hbm>>
        %dma_start3A_164 = tpu.memref_squeeze %dma_start3A_163 : memref<1x10000x128xi16, #tpu.memory_space<hbm>> -> memref<10000x128xi16, #tpu.memory_space<hbm>>
        %dma_start3A_165 = arith.constant 0 : i32
        %dma_start3A_166 = arith.constant 0 : i32
        %dma_start3A_167 = tpu.memref_slice %dma_start3A_164[%dma_start3A_165, %dma_start3A_166] : memref<10000x128xi16, #tpu.memory_space<hbm>> -> memref<10000x128xi16, #tpu.memory_space<hbm>>
        tpu.enqueue_indirect_dma source(%dma_start3A_167 : memref<10000x128xi16, #tpu.memory_space<hbm>>) target(%arg10 : memref<96x128xi16, #tpu.memory_space<vmem>>) offsets(%dma_start3A_160 : memref<96xi32, #tpu.memory_space<vmem>>) semaphore(%arg15 : memref<!tpu.dma_semaphore, #tpu.memory_space<semaphore_mem>>)
        "tpu.region"() ({
          %run_scoped3A_168 = tpu.sem_alloc : memref<!tpu.dma_semaphore, #tpu.memory_space<semaphore_mem>>
          %dma_start3A_169 = arith.constant 0 : i32
          %dma_start3A_170 = tpu.memref_slice %arg8[%add3A_145, %dma_start3A_169] : memref<30x96xi32, #tpu.memory_space<vmem>> -> memref<1x96xi32, #tpu.memory_space<vmem>>
          %dma_start3A_171 = tpu.memref_squeeze %dma_start3A_170 : memref<1x96xi32, #tpu.memory_space<vmem>> -> memref<96xi32, #tpu.memory_space<vmem>>
          %dma_start3A_172 = arith.constant 0 : i32
          %dma_start3A_173 = arith.constant 0 : i32
          %dma_start3A_174 = tpu.memref_slice %arg13[%dma_start3A_172, %dma_start3A_173] : memref<10240x128xi16, #tpu.memory_space<vmem_shared>> -> memref<10240x128xi16, #tpu.memory_space<vmem_shared>>
          tpu.enqueue_indirect_dma source(%arg11 : memref<96x128xi16, #tpu.memory_space<vmem>>) target(%dma_start3A_174 : memref<10240x128xi16, #tpu.memory_space<vmem_shared>>) offsets(%dma_start3A_171 : memref<96xi32, #tpu.memory_space<vmem>>) semaphore(%run_scoped3A_168 : memref<!tpu.dma_semaphore, #tpu.memory_space<semaphore_mem>>) {add = true}
          %dma_wait3A_175 = arith.constant 0 : i32
          %dma_wait3A_176 = tpu.memref_slice %arg8[%add3A_145, %dma_wait3A_175] : memref<30x96xi32, #tpu.memory_space<vmem>> -> memref<1x96xi32, #tpu.memory_space<vmem>>
          %dma_wait3A_177 = tpu.memref_squeeze %dma_wait3A_176 : memref<1x96xi32, #tpu.memory_space<vmem>> -> memref<96xi32, #tpu.memory_space<vmem>>
          %dma_wait3A_178 = arith.constant 0 : i32
          %dma_wait3A_179 = arith.constant 0 : i32
          %dma_wait3A_180 = tpu.memref_slice %arg13[%dma_wait3A_178, %dma_wait3A_179] : memref<10240x128xi16, #tpu.memory_space<vmem_shared>> -> memref<10240x128xi16, #tpu.memory_space<vmem_shared>>
          tpu.wait_indirect_dma semaphore(%run_scoped3A_168 : memref<!tpu.dma_semaphore, #tpu.memory_space<semaphore_mem>>) src(%arg11 : memref<96x128xi16, #tpu.memory_space<vmem>>) dst(%dma_wait3A_180 : memref<10240x128xi16, #tpu.memory_space<vmem_shared>>)
          tpu.yield
        }) : () -> ()
      }
      %scan3A_44 = arith.constant 9 : i32
      %dma_wait3A = arith.constant 27 : i32
      %dma_wait3A_45 = arith.constant 0 : i32
      %dma_wait3A_46 = tpu.memref_slice %arg7[%dma_wait3A, %dma_wait3A_45] : memref<30x96xi32, #tpu.memory_space<vmem>> -> memref<1x96xi32, #tpu.memory_space<vmem>>
      %dma_wait3A_47 = tpu.memref_squeeze %dma_wait3A_46 : memref<1x96xi32, #tpu.memory_space<vmem>> -> memref<96xi32, #tpu.memory_space<vmem>>
      %dma_wait3A_48 = arith.constant 0 : i32
      %dma_wait3A_49 = arith.constant 0 : i32
      %dma_wait3A_50 = tpu.memref_slice %arg2[%arg0, %dma_wait3A_48, %dma_wait3A_49] : memref<2x10000x128xi16, #tpu.memory_space<hbm>> -> memref<1x10000x128xi16, #tpu.memory_space<hbm>>
      %dma_wait3A_51 = tpu.memref_squeeze %dma_wait3A_50 : memref<1x10000x128xi16, #tpu.memory_space<hbm>> -> memref<10000x128xi16, #tpu.memory_space<hbm>>
      %dma_wait3A_52 = arith.constant 0 : i32
      %dma_wait3A_53 = arith.constant 0 : i32
      %dma_wait3A_54 = tpu.memref_slice %dma_wait3A_51[%dma_wait3A_52, %dma_wait3A_53] : memref<10000x128xi16, #tpu.memory_space<hbm>> -> memref<10000x128xi16, #tpu.memory_space<hbm>>
      tpu.wait_indirect_dma semaphore(%arg14 : memref<!tpu.dma_semaphore, #tpu.memory_space<semaphore_mem>>) src(%dma_wait3A_54 : memref<10000x128xi16, #tpu.memory_space<hbm>>) dst(%arg9 : memref<96x128xi16, #tpu.memory_space<vmem>>)
      %dma_start3A_55 = arith.constant 29 : i32
      %dma_start3A_56 = arith.constant 0 : i32
      %dma_start3A_57 = tpu.memref_slice %arg7[%dma_start3A_55, %dma_start3A_56] : memref<30x96xi32, #tpu.memory_space<vmem>> -> memref<1x96xi32, #tpu.memory_space<vmem>>
      %dma_start3A_58 = tpu.memref_squeeze %dma_start3A_57 : memref<1x96xi32, #tpu.memory_space<vmem>> -> memref<96xi32, #tpu.memory_space<vmem>>
      %dma_start3A_59 = arith.constant 0 : i32
      %dma_start3A_60 = arith.constant 0 : i32
      %dma_start3A_61 = tpu.memref_slice %arg2[%arg0, %dma_start3A_59, %dma_start3A_60] : memref<2x10000x128xi16, #tpu.memory_space<hbm>> -> memref<1x10000x128xi16, #tpu.memory_space<hbm>>
      %dma_start3A_62 = tpu.memref_squeeze %dma_start3A_61 : memref<1x10000x128xi16, #tpu.memory_space<hbm>> -> memref<10000x128xi16, #tpu.memory_space<hbm>>
      %dma_start3A_63 = arith.constant 0 : i32
      %dma_start3A_64 = arith.constant 0 : i32
      %dma_start3A_65 = tpu.memref_slice %dma_start3A_62[%dma_start3A_63, %dma_start3A_64] : memref<10000x128xi16, #tpu.memory_space<hbm>> -> memref<10000x128xi16, #tpu.memory_space<hbm>>
      tpu.enqueue_indirect_dma source(%dma_start3A_65 : memref<10000x128xi16, #tpu.memory_space<hbm>>) target(%arg11 : memref<96x128xi16, #tpu.memory_space<vmem>>) offsets(%dma_start3A_58 : memref<96xi32, #tpu.memory_space<vmem>>) semaphore(%arg16 : memref<!tpu.dma_semaphore, #tpu.memory_space<semaphore_mem>>)
      %run_scoped3A = arith.constant 27 : i32
      "tpu.region"() ({
        %run_scoped3A_90 = tpu.sem_alloc : memref<!tpu.dma_semaphore, #tpu.memory_space<semaphore_mem>>
        %dma_start3A_91 = arith.constant 0 : i32
        %dma_start3A_92 = tpu.memref_slice %arg8[%run_scoped3A, %dma_start3A_91] : memref<30x96xi32, #tpu.memory_space<vmem>> -> memref<1x96xi32, #tpu.memory_space<vmem>>
        %dma_start3A_93 = tpu.memref_squeeze %dma_start3A_92 : memref<1x96xi32, #tpu.memory_space<vmem>> -> memref<96xi32, #tpu.memory_space<vmem>>
        %dma_start3A_94 = arith.constant 0 : i32
        %dma_start3A_95 = arith.constant 0 : i32
        %dma_start3A_96 = tpu.memref_slice %arg13[%dma_start3A_94, %dma_start3A_95] : memref<10240x128xi16, #tpu.memory_space<vmem_shared>> -> memref<10240x128xi16, #tpu.memory_space<vmem_shared>>
        tpu.enqueue_indirect_dma source(%arg9 : memref<96x128xi16, #tpu.memory_space<vmem>>) target(%dma_start3A_96 : memref<10240x128xi16, #tpu.memory_space<vmem_shared>>) offsets(%dma_start3A_93 : memref<96xi32, #tpu.memory_space<vmem>>) semaphore(%run_scoped3A_90 : memref<!tpu.dma_semaphore, #tpu.memory_space<semaphore_mem>>) {add = true}
        %dma_wait3A_97 = arith.constant 0 : i32
        %dma_wait3A_98 = tpu.memref_slice %arg8[%run_scoped3A, %dma_wait3A_97] : memref<30x96xi32, #tpu.memory_space<vmem>> -> memref<1x96xi32, #tpu.memory_space<vmem>>
        %dma_wait3A_99 = tpu.memref_squeeze %dma_wait3A_98 : memref<1x96xi32, #tpu.memory_space<vmem>> -> memref<96xi32, #tpu.memory_space<vmem>>
        %dma_wait3A_100 = arith.constant 0 : i32
        %dma_wait3A_101 = arith.constant 0 : i32
        %dma_wait3A_102 = tpu.memref_slice %arg13[%dma_wait3A_100, %dma_wait3A_101] : memref<10240x128xi16, #tpu.memory_space<vmem_shared>> -> memref<10240x128xi16, #tpu.memory_space<vmem_shared>>
        tpu.wait_indirect_dma semaphore(%run_scoped3A_90 : memref<!tpu.dma_semaphore, #tpu.memory_space<semaphore_mem>>) src(%arg9 : memref<96x128xi16, #tpu.memory_space<vmem>>) dst(%dma_wait3A_102 : memref<10240x128xi16, #tpu.memory_space<vmem_shared>>)
        tpu.yield
      }) : () -> ()
      %dma_wait3A_66 = arith.constant 28 : i32
      %dma_wait3A_67 = arith.constant 0 : i32
      %dma_wait3A_68 = tpu.memref_slice %arg7[%dma_wait3A_66, %dma_wait3A_67] : memref<30x96xi32, #tpu.memory_space<vmem>> -> memref<1x96xi32, #tpu.memory_space<vmem>>
      %dma_wait3A_69 = tpu.memref_squeeze %dma_wait3A_68 : memref<1x96xi32, #tpu.memory_space<vmem>> -> memref<96xi32, #tpu.memory_space<vmem>>
      %dma_wait3A_70 = arith.constant 0 : i32
      %dma_wait3A_71 = arith.constant 0 : i32
      %dma_wait3A_72 = tpu.memref_slice %arg2[%arg0, %dma_wait3A_70, %dma_wait3A_71] : memref<2x10000x128xi16, #tpu.memory_space<hbm>> -> memref<1x10000x128xi16, #tpu.memory_space<hbm>>
      %dma_wait3A_73 = tpu.memref_squeeze %dma_wait3A_72 : memref<1x10000x128xi16, #tpu.memory_space<hbm>> -> memref<10000x128xi16, #tpu.memory_space<hbm>>
      %dma_wait3A_74 = arith.constant 0 : i32
      %dma_wait3A_75 = arith.constant 0 : i32
      %dma_wait3A_76 = tpu.memref_slice %dma_wait3A_73[%dma_wait3A_74, %dma_wait3A_75] : memref<10000x128xi16, #tpu.memory_space<hbm>> -> memref<10000x128xi16, #tpu.memory_space<hbm>>
      tpu.wait_indirect_dma semaphore(%arg15 : memref<!tpu.dma_semaphore, #tpu.memory_space<semaphore_mem>>) src(%dma_wait3A_76 : memref<10000x128xi16, #tpu.memory_space<hbm>>) dst(%arg10 : memref<96x128xi16, #tpu.memory_space<vmem>>)
      %run_scoped3A_77 = arith.constant 28 : i32
      "tpu.region"() ({
        %run_scoped3A_90 = tpu.sem_alloc : memref<!tpu.dma_semaphore, #tpu.memory_space<semaphore_mem>>
        %dma_start3A_91 = arith.constant 0 : i32
        %dma_start3A_92 = tpu.memref_slice %arg8[%run_scoped3A_77, %dma_start3A_91] : memref<30x96xi32, #tpu.memory_space<vmem>> -> memref<1x96xi32, #tpu.memory_space<vmem>>
        %dma_start3A_93 = tpu.memref_squeeze %dma_start3A_92 : memref<1x96xi32, #tpu.memory_space<vmem>> -> memref<96xi32, #tpu.memory_space<vmem>>
        %dma_start3A_94 = arith.constant 0 : i32
        %dma_start3A_95 = arith.constant 0 : i32
        %dma_start3A_96 = tpu.memref_slice %arg13[%dma_start3A_94, %dma_start3A_95] : memref<10240x128xi16, #tpu.memory_space<vmem_shared>> -> memref<10240x128xi16, #tpu.memory_space<vmem_shared>>
        tpu.enqueue_indirect_dma source(%arg10 : memref<96x128xi16, #tpu.memory_space<vmem>>) target(%dma_start3A_96 : memref<10240x128xi16, #tpu.memory_space<vmem_shared>>) offsets(%dma_start3A_93 : memref<96xi32, #tpu.memory_space<vmem>>) semaphore(%run_scoped3A_90 : memref<!tpu.dma_semaphore, #tpu.memory_space<semaphore_mem>>) {add = true}
        %dma_wait3A_97 = arith.constant 0 : i32
        %dma_wait3A_98 = tpu.memref_slice %arg8[%run_scoped3A_77, %dma_wait3A_97] : memref<30x96xi32, #tpu.memory_space<vmem>> -> memref<1x96xi32, #tpu.memory_space<vmem>>
        %dma_wait3A_99 = tpu.memref_squeeze %dma_wait3A_98 : memref<1x96xi32, #tpu.memory_space<vmem>> -> memref<96xi32, #tpu.memory_space<vmem>>
        %dma_wait3A_100 = arith.constant 0 : i32
        %dma_wait3A_101 = arith.constant 0 : i32
        %dma_wait3A_102 = tpu.memref_slice %arg13[%dma_wait3A_100, %dma_wait3A_101] : memref<10240x128xi16, #tpu.memory_space<vmem_shared>> -> memref<10240x128xi16, #tpu.memory_space<vmem_shared>>
        tpu.wait_indirect_dma semaphore(%run_scoped3A_90 : memref<!tpu.dma_semaphore, #tpu.memory_space<semaphore_mem>>) src(%arg10 : memref<96x128xi16, #tpu.memory_space<vmem>>) dst(%dma_wait3A_102 : memref<10240x128xi16, #tpu.memory_space<vmem_shared>>)
        tpu.yield
      }) : () -> ()
      %dma_wait3A_78 = arith.constant 29 : i32
      %dma_wait3A_79 = arith.constant 0 : i32
      %dma_wait3A_80 = tpu.memref_slice %arg7[%dma_wait3A_78, %dma_wait3A_79] : memref<30x96xi32, #tpu.memory_space<vmem>> -> memref<1x96xi32, #tpu.memory_space<vmem>>
      %dma_wait3A_81 = tpu.memref_squeeze %dma_wait3A_80 : memref<1x96xi32, #tpu.memory_space<vmem>> -> memref<96xi32, #tpu.memory_space<vmem>>
      %dma_wait3A_82 = arith.constant 0 : i32
      %dma_wait3A_83 = arith.constant 0 : i32
      %dma_wait3A_84 = tpu.memref_slice %arg2[%arg0, %dma_wait3A_82, %dma_wait3A_83] : memref<2x10000x128xi16, #tpu.memory_space<hbm>> -> memref<1x10000x128xi16, #tpu.memory_space<hbm>>
      %dma_wait3A_85 = tpu.memref_squeeze %dma_wait3A_84 : memref<1x10000x128xi16, #tpu.memory_space<hbm>> -> memref<10000x128xi16, #tpu.memory_space<hbm>>
      %dma_wait3A_86 = arith.constant 0 : i32
      %dma_wait3A_87 = arith.constant 0 : i32
      %dma_wait3A_88 = tpu.memref_slice %dma_wait3A_85[%dma_wait3A_86, %dma_wait3A_87] : memref<10000x128xi16, #tpu.memory_space<hbm>> -> memref<10000x128xi16, #tpu.memory_space<hbm>>
      tpu.wait_indirect_dma semaphore(%arg16 : memref<!tpu.dma_semaphore, #tpu.memory_space<semaphore_mem>>) src(%dma_wait3A_88 : memref<10000x128xi16, #tpu.memory_space<hbm>>) dst(%arg11 : memref<96x128xi16, #tpu.memory_space<vmem>>)
      %run_scoped3A_89 = arith.constant 29 : i32
      "tpu.region"() ({
        %run_scoped3A_90 = tpu.sem_alloc : memref<!tpu.dma_semaphore, #tpu.memory_space<semaphore_mem>>
        %dma_start3A_91 = arith.constant 0 : i32
        %dma_start3A_92 = tpu.memref_slice %arg8[%run_scoped3A_89, %dma_start3A_91] : memref<30x96xi32, #tpu.memory_space<vmem>> -> memref<1x96xi32, #tpu.memory_space<vmem>>
        %dma_start3A_93 = tpu.memref_squeeze %dma_start3A_92 : memref<1x96xi32, #tpu.memory_space<vmem>> -> memref<96xi32, #tpu.memory_space<vmem>>
        %dma_start3A_94 = arith.constant 0 : i32
        %dma_start3A_95 = arith.constant 0 : i32
        %dma_start3A_96 = tpu.memref_slice %arg13[%dma_start3A_94, %dma_start3A_95] : memref<10240x128xi16, #tpu.memory_space<vmem_shared>> -> memref<10240x128xi16, #tpu.memory_space<vmem_shared>>
        tpu.enqueue_indirect_dma source(%arg11 : memref<96x128xi16, #tpu.memory_space<vmem>>) target(%dma_start3A_96 : memref<10240x128xi16, #tpu.memory_space<vmem_shared>>) offsets(%dma_start3A_93 : memref<96xi32, #tpu.memory_space<vmem>>) semaphore(%run_scoped3A_90 : memref<!tpu.dma_semaphore, #tpu.memory_space<semaphore_mem>>) {add = true}
        %dma_wait3A_97 = arith.constant 0 : i32
        %dma_wait3A_98 = tpu.memref_slice %arg8[%run_scoped3A_89, %dma_wait3A_97] : memref<30x96xi32, #tpu.memory_space<vmem>> -> memref<1x96xi32, #tpu.memory_space<vmem>>
        %dma_wait3A_99 = tpu.memref_squeeze %dma_wait3A_98 : memref<1x96xi32, #tpu.memory_space<vmem>> -> memref<96xi32, #tpu.memory_space<vmem>>
        %dma_wait3A_100 = arith.constant 0 : i32
        %dma_wait3A_101 = arith.constant 0 : i32
        %dma_wait3A_102 = tpu.memref_slice %arg13[%dma_wait3A_100, %dma_wait3A_101] : memref<10240x128xi16, #tpu.memory_space<vmem_shared>> -> memref<10240x128xi16, #tpu.memory_space<vmem_shared>>
        tpu.wait_indirect_dma semaphore(%run_scoped3A_90 : memref<!tpu.dma_semaphore, #tpu.memory_space<semaphore_mem>>) src(%arg11 : memref<96x128xi16, #tpu.memory_space<vmem>>) dst(%dma_wait3A_102 : memref<10240x128xi16, #tpu.memory_space<vmem_shared>>)
        tpu.yield
      }) : () -> ()
    }
    %scan3A_11 = arith.constant 7 : i32
    %barrier3A_12 = arith.constant 0 : index
    tpu.barrier barrier_id(%barrier3A_12)
    "tpu.region"() ({
      %run_scoped3A = tpu.sem_alloc : memref<!tpu.dma_semaphore, #tpu.memory_space<semaphore_mem>>
      %dma_start3A = arith.constant 0 : i32
      %dma_start3A_13 = arith.constant 0 : i32
      %dma_start3A_14 = tpu.memref_slice %arg6[%arg0, %dma_start3A, %dma_start3A_13] : memref<2x10240x128xi16, #tpu.memory_space<hbm>> -> memref<1x10240x128xi16, #tpu.memory_space<hbm>>
      %dma_start3A_15 = tpu.memref_squeeze %dma_start3A_14 : memref<1x10240x128xi16, #tpu.memory_space<hbm>> -> memref<10240x128xi16, #tpu.memory_space<hbm>>
      %dma_start3A_16 = arith.constant 0 : i32
      %dma_start3A_17 = tpu.memref_slice %dma_start3A_15[%mul3A_0, %dma_start3A_16] : memref<10240x128xi16, #tpu.memory_space<hbm>> -> memref<640x128xi16, #tpu.memory_space<hbm>>
      %dma_start3A_18 = arith.constant 0 : i32
      %dma_start3A_19 = tpu.memref_slice %arg13[%mul3A_0, %dma_start3A_18] : memref<10240x128xi16, #tpu.memory_space<vmem_shared>> -> memref<640x128xi16, #tpu.memory_space<vmem_shared>>
      tpu.enqueue_dma source(%dma_start3A_19 : memref<640x128xi16, #tpu.memory_space<vmem_shared>>) target(%dma_start3A_17 : memref<640x128xi16, #tpu.memory_space<hbm>>) target_semaphore(%run_scoped3A : memref<!tpu.dma_semaphore, #tpu.memory_space<semaphore_mem>>)
      %dma_wait3A = arith.constant 0 : i32
      %dma_wait3A_20 = arith.constant 0 : i32
      %dma_wait3A_21 = tpu.memref_slice %arg6[%arg0, %dma_wait3A, %dma_wait3A_20] : memref<2x10240x128xi16, #tpu.memory_space<hbm>> -> memref<1x10240x128xi16, #tpu.memory_space<hbm>>
      %dma_wait3A_22 = tpu.memref_squeeze %dma_wait3A_21 : memref<1x10240x128xi16, #tpu.memory_space<hbm>> -> memref<10240x128xi16, #tpu.memory_space<hbm>>
      %dma_wait3A_23 = arith.constant 0 : i32
      %dma_wait3A_24 = tpu.memref_slice %dma_wait3A_22[%mul3A_0, %dma_wait3A_23] : memref<10240x128xi16, #tpu.memory_space<hbm>> -> memref<640x128xi16, #tpu.memory_space<hbm>>
      %dma_wait3A_25 = arith.constant 0 : i32
      %dma_wait3A_26 = tpu.memref_slice %arg13[%mul3A_0, %dma_wait3A_25] : memref<10240x128xi16, #tpu.memory_space<vmem_shared>> -> memref<640x128xi16, #tpu.memory_space<vmem_shared>>
      tpu.wait_dma2 semaphore(%run_scoped3A : memref<!tpu.dma_semaphore, #tpu.memory_space<semaphore_mem>>) src(%dma_wait3A_26 : memref<640x128xi16, #tpu.memory_space<vmem_shared>>) dst(%dma_wait3A_24 : memref<640x128xi16, #tpu.memory_space<hbm>>)
      tpu.yield
    }) : () -> ()
    return
  }
}

#map = affine_map<(d0, d1) -> (0, 0, 0)>
#map1 = affine_map<(d0, d1) -> (0, 0)>
module attributes {stable_mosaic.version = 14 : i64} {
  func.func @sc_segsum(%arg0: i32, %arg1: i32, %arg2: memref<2x10000x128xi16, #tpu.memory_space<hbm>>, %arg3: memref<16x210x96xi32, #tpu.memory_space<hbm>>, %arg4: memref<16x210x96xi32, #tpu.memory_space<hbm>>, %arg5: memref<16x128xi16, #tpu.memory_space<hbm>>, %arg6: memref<2x10240x128xi16, #tpu.memory_space<hbm>>, %arg7: memref<30x96xi32, #tpu.memory_space<vmem>>, %arg8: memref<30x96xi32, #tpu.memory_space<vmem>>, %arg9: memref<96x128xi16, #tpu.memory_space<vmem>>, %arg10: memref<96x128xi16, #tpu.memory_space<vmem>>, %arg11: memref<96x128xi16, #tpu.memory_space<vmem>>, %arg12: memref<16x128xi16, #tpu.memory_space<vmem>>, %arg13: memref<10240x128xi16, #tpu.memory_space<vmem_shared>>, %arg14: memref<!tpu.dma_semaphore, #tpu.memory_space<semaphore_mem>>, %arg15: memref<!tpu.dma_semaphore, #tpu.memory_space<semaphore_mem>>, %arg16: memref<!tpu.dma_semaphore, #tpu.memory_space<semaphore_mem>>) attributes {dimension_semantics = [#tpu.dimension_semantics<core_parallel>, #tpu.dimension_semantics<subcore_parallel>], iteration_bounds = array<i64: 2, 16>, scalar_prefetch = 0 : i64, scratch_operands = 10 : i64, tpu.core_type = #tpu.core_type<sc_vector_subcore>, window_params = [{transform_indices = #map}, {transform_indices = #map}, {transform_indices = #map}, {transform_indices = #map1}, {transform_indices = #map}]} {
    %mul3A = arith.constant 640 : i32
    %mul3A_0 = arith.muli %arg1, %mul3A : i32
    "tpu.region"() ({
      %run_scoped3A = tpu.sem_alloc : memref<!tpu.dma_semaphore, #tpu.memory_space<semaphore_mem>>
      tpu.enqueue_dma source(%arg5 : memref<16x128xi16, #tpu.memory_space<hbm>>) target(%arg12 : memref<16x128xi16, #tpu.memory_space<vmem>>) target_semaphore(%run_scoped3A : memref<!tpu.dma_semaphore, #tpu.memory_space<semaphore_mem>>)
      tpu.wait_dma2 semaphore(%run_scoped3A : memref<!tpu.dma_semaphore, #tpu.memory_space<semaphore_mem>>) src(%arg5 : memref<16x128xi16, #tpu.memory_space<hbm>>) dst(%arg12 : memref<16x128xi16, #tpu.memory_space<vmem>>)
      tpu.yield
    }) : () -> ()
    %scan3A = arith.constant 0 : i32
    %scan3A_1 = arith.constant 0 : i32
    %scan3A_2 = arith.constant 40 : i32
    %scan3A_3 = arith.addi %scan3A_1, %scan3A_2 : i32
    %scan3A_4 = arith.constant 1 : i32
    scf.for %scan3A_13 = %scan3A_1 to %scan3A_3 step %scan3A_4  : i32 {
      %mul3A_14 = arith.constant 16 : i32
      %mul3A_15 = arith.muli %scan3A_13, %mul3A_14 : i32
      %add3A = arith.addi %mul3A_0, %mul3A_15 : i32
      "tpu.region"() ({
        %run_scoped3A = tpu.sem_alloc : memref<!tpu.dma_semaphore, #tpu.memory_space<semaphore_mem>>
        %dma_start3A = arith.constant 0 : i32
        %dma_start3A_16 = tpu.memref_slice %arg13[%add3A, %dma_start3A] : memref<10240x128xi16, #tpu.memory_space<vmem_shared>> -> memref<16x128xi16, #tpu.memory_space<vmem_shared>>
        %dma_start3A_17 = arith.constant 0 : i32
        %dma_start3A_18 = tpu.memref_slice %arg13[%add3A, %dma_start3A_17] : memref<10240x128xi16, #tpu.memory_space<vmem_shared>> -> memref<16x128xi16, #tpu.memory_space<vmem_shared>>
        tpu.enqueue_dma source(%arg12 : memref<16x128xi16, #tpu.memory_space<vmem>>) target(%dma_start3A_18 : memref<16x128xi16, #tpu.memory_space<vmem_shared>>) target_semaphore(%run_scoped3A : memref<!tpu.dma_semaphore, #tpu.memory_space<semaphore_mem>>)
        %dma_wait3A = arith.constant 0 : i32
        %dma_wait3A_19 = tpu.memref_slice %arg13[%add3A, %dma_wait3A] : memref<10240x128xi16, #tpu.memory_space<vmem_shared>> -> memref<16x128xi16, #tpu.memory_space<vmem_shared>>
        %dma_wait3A_20 = arith.constant 0 : i32
        %dma_wait3A_21 = tpu.memref_slice %arg13[%add3A, %dma_wait3A_20] : memref<10240x128xi16, #tpu.memory_space<vmem_shared>> -> memref<16x128xi16, #tpu.memory_space<vmem_shared>>
        tpu.wait_dma2 semaphore(%run_scoped3A : memref<!tpu.dma_semaphore, #tpu.memory_space<semaphore_mem>>) src(%arg12 : memref<16x128xi16, #tpu.memory_space<vmem>>) dst(%dma_wait3A_21 : memref<16x128xi16, #tpu.memory_space<vmem_shared>>)
        tpu.yield
      }) : () -> ()
    }
    %scan3A_5 = arith.constant 40 : i32
    %barrier3A = arith.constant 0 : index
    tpu.barrier barrier_id(%barrier3A)
    %scan3A_6 = arith.constant 0 : i32
    %scan3A_7 = arith.constant 0 : i32
    %scan3A_8 = arith.constant 7 : i32
    %scan3A_9 = arith.addi %scan3A_7, %scan3A_8 : i32
    %scan3A_10 = arith.constant 1 : i32
    scf.for %scan3A_13 = %scan3A_7 to %scan3A_9 step %scan3A_10  : i32 {
      %mul3A_14 = arith.constant 30 : i32
      %mul3A_15 = arith.muli %scan3A_13, %mul3A_14 : i32
      "tpu.region"() ({
        %run_scoped3A_90 = tpu.sem_alloc : memref<!tpu.dma_semaphore, #tpu.memory_space<semaphore_mem>>
        %dma_start3A_91 = arith.constant 0 : i32
        %dma_start3A_92 = arith.constant 0 : i32
        %dma_start3A_93 = tpu.memref_slice %arg3[%arg1, %dma_start3A_91, %dma_start3A_92] : memref<16x210x96xi32, #tpu.memory_space<hbm>> -> memref<1x210x96xi32, #tpu.memory_space<hbm>>
        %dma_start3A_94 = tpu.memref_squeeze %dma_start3A_93 : memref<1x210x96xi32, #tpu.memory_space<hbm>> -> memref<210x96xi32, #tpu.memory_space<hbm>>
        %dma_start3A_95 = arith.constant 0 : i32
        %dma_start3A_96 = tpu.memref_slice %dma_start3A_94[%mul3A_15, %dma_start3A_95] : memref<210x96xi32, #tpu.memory_space<hbm>> -> memref<30x96xi32, #tpu.memory_space<hbm>>
        %dma_start3A_97 = arith.constant 0 : i32
        %dma_start3A_98 = arith.constant 0 : i32
        %dma_start3A_99 = tpu.memref_slice %arg3[%arg1, %dma_start3A_97, %dma_start3A_98] : memref<16x210x96xi32, #tpu.memory_space<hbm>> -> memref<1x210x96xi32, #tpu.memory_space<hbm>>
        %dma_start3A_100 = tpu.memref_squeeze %dma_start3A_99 : memref<1x210x96xi32, #tpu.memory_space<hbm>> -> memref<210x96xi32, #tpu.memory_space<hbm>>
        %dma_start3A_101 = arith.constant 0 : i32
        %dma_start3A_102 = tpu.memref_slice %dma_start3A_100[%mul3A_15, %dma_start3A_101] : memref<210x96xi32, #tpu.memory_space<hbm>> -> memref<30x96xi32, #tpu.memory_space<hbm>>
        tpu.enqueue_dma source(%dma_start3A_102 : memref<30x96xi32, #tpu.memory_space<hbm>>) target(%arg7 : memref<30x96xi32, #tpu.memory_space<vmem>>) target_semaphore(%run_scoped3A_90 : memref<!tpu.dma_semaphore, #tpu.memory_space<semaphore_mem>>)
        %dma_wait3A_103 = arith.constant 0 : i32
        %dma_wait3A_104 = arith.constant 0 : i32
        %dma_wait3A_105 = tpu.memref_slice %arg3[%arg1, %dma_wait3A_103, %dma_wait3A_104] : memref<16x210x96xi32, #tpu.memory_space<hbm>> -> memref<1x210x96xi32, #tpu.memory_space<hbm>>
        %dma_wait3A_106 = tpu.memref_squeeze %dma_wait3A_105 : memref<1x210x96xi32, #tpu.memory_space<hbm>> -> memref<210x96xi32, #tpu.memory_space<hbm>>
        %dma_wait3A_107 = arith.constant 0 : i32
        %dma_wait3A_108 = tpu.memref_slice %dma_wait3A_106[%mul3A_15, %dma_wait3A_107] : memref<210x96xi32, #tpu.memory_space<hbm>> -> memref<30x96xi32, #tpu.memory_space<hbm>>
        %dma_wait3A_109 = arith.constant 0 : i32
        %dma_wait3A_110 = arith.constant 0 : i32
        %dma_wait3A_111 = tpu.memref_slice %arg3[%arg1, %dma_wait3A_109, %dma_wait3A_110] : memref<16x210x96xi32, #tpu.memory_space<hbm>> -> memref<1x210x96xi32, #tpu.memory_space<hbm>>
        %dma_wait3A_112 = tpu.memref_squeeze %dma_wait3A_111 : memref<1x210x96xi32, #tpu.memory_space<hbm>> -> memref<210x96xi32, #tpu.memory_space<hbm>>
        %dma_wait3A_113 = arith.constant 0 : i32
        %dma_wait3A_114 = tpu.memref_slice %dma_wait3A_112[%mul3A_15, %dma_wait3A_113] : memref<210x96xi32, #tpu.memory_space<hbm>> -> memref<30x96xi32, #tpu.memory_space<hbm>>
        tpu.wait_dma2 semaphore(%run_scoped3A_90 : memref<!tpu.dma_semaphore, #tpu.memory_space<semaphore_mem>>) src(%dma_wait3A_114 : memref<30x96xi32, #tpu.memory_space<hbm>>) dst(%arg7 : memref<30x96xi32, #tpu.memory_space<vmem>>)
        tpu.yield
      }) : () -> ()
      %mul3A_16 = arith.constant 30 : i32
      %mul3A_17 = arith.muli %scan3A_13, %mul3A_16 : i32
      "tpu.region"() ({
        %run_scoped3A_90 = tpu.sem_alloc : memref<!tpu.dma_semaphore, #tpu.memory_space<semaphore_mem>>
        %dma_start3A_91 = arith.constant 0 : i32
        %dma_start3A_92 = arith.constant 0 : i32
        %dma_start3A_93 = tpu.memref_slice %arg4[%arg1, %dma_start3A_91, %dma_start3A_92] : memref<16x210x96xi32, #tpu.memory_space<hbm>> -> memref<1x210x96xi32, #tpu.memory_space<hbm>>
        %dma_start3A_94 = tpu.memref_squeeze %dma_start3A_93 : memref<1x210x96xi32, #tpu.memory_space<hbm>> -> memref<210x96xi32, #tpu.memory_space<hbm>>
        %dma_start3A_95 = arith.constant 0 : i32
        %dma_start3A_96 = tpu.memref_slice %dma_start3A_94[%mul3A_17, %dma_start3A_95] : memref<210x96xi32, #tpu.memory_space<hbm>> -> memref<30x96xi32, #tpu.memory_space<hbm>>
        %dma_start3A_97 = arith.constant 0 : i32
        %dma_start3A_98 = arith.constant 0 : i32
        %dma_start3A_99 = tpu.memref_slice %arg4[%arg1, %dma_start3A_97, %dma_start3A_98] : memref<16x210x96xi32, #tpu.memory_space<hbm>> -> memref<1x210x96xi32, #tpu.memory_space<hbm>>
        %dma_start3A_100 = tpu.memref_squeeze %dma_start3A_99 : memref<1x210x96xi32, #tpu.memory_space<hbm>> -> memref<210x96xi32, #tpu.memory_space<hbm>>
        %dma_start3A_101 = arith.constant 0 : i32
        %dma_start3A_102 = tpu.memref_slice %dma_start3A_100[%mul3A_17, %dma_start3A_101] : memref<210x96xi32, #tpu.memory_space<hbm>> -> memref<30x96xi32, #tpu.memory_space<hbm>>
        tpu.enqueue_dma source(%dma_start3A_102 : memref<30x96xi32, #tpu.memory_space<hbm>>) target(%arg8 : memref<30x96xi32, #tpu.memory_space<vmem>>) target_semaphore(%run_scoped3A_90 : memref<!tpu.dma_semaphore, #tpu.memory_space<semaphore_mem>>)
        %dma_wait3A_103 = arith.constant 0 : i32
        %dma_wait3A_104 = arith.constant 0 : i32
        %dma_wait3A_105 = tpu.memref_slice %arg4[%arg1, %dma_wait3A_103, %dma_wait3A_104] : memref<16x210x96xi32, #tpu.memory_space<hbm>> -> memref<1x210x96xi32, #tpu.memory_space<hbm>>
        %dma_wait3A_106 = tpu.memref_squeeze %dma_wait3A_105 : memref<1x210x96xi32, #tpu.memory_space<hbm>> -> memref<210x96xi32, #tpu.memory_space<hbm>>
        %dma_wait3A_107 = arith.constant 0 : i32
        %dma_wait3A_108 = tpu.memref_slice %dma_wait3A_106[%mul3A_17, %dma_wait3A_107] : memref<210x96xi32, #tpu.memory_space<hbm>> -> memref<30x96xi32, #tpu.memory_space<hbm>>
        %dma_wait3A_109 = arith.constant 0 : i32
        %dma_wait3A_110 = arith.constant 0 : i32
        %dma_wait3A_111 = tpu.memref_slice %arg4[%arg1, %dma_wait3A_109, %dma_wait3A_110] : memref<16x210x96xi32, #tpu.memory_space<hbm>> -> memref<1x210x96xi32, #tpu.memory_space<hbm>>
        %dma_wait3A_112 = tpu.memref_squeeze %dma_wait3A_111 : memref<1x210x96xi32, #tpu.memory_space<hbm>> -> memref<210x96xi32, #tpu.memory_space<hbm>>
        %dma_wait3A_113 = arith.constant 0 : i32
        %dma_wait3A_114 = tpu.memref_slice %dma_wait3A_112[%mul3A_17, %dma_wait3A_113] : memref<210x96xi32, #tpu.memory_space<hbm>> -> memref<30x96xi32, #tpu.memory_space<hbm>>
        tpu.wait_dma2 semaphore(%run_scoped3A_90 : memref<!tpu.dma_semaphore, #tpu.memory_space<semaphore_mem>>) src(%dma_wait3A_114 : memref<30x96xi32, #tpu.memory_space<hbm>>) dst(%arg8 : memref<30x96xi32, #tpu.memory_space<vmem>>)
        tpu.yield
      }) : () -> ()
      %dma_start3A = arith.constant 0 : i32
      %dma_start3A_18 = arith.constant 0 : i32
      %dma_start3A_19 = tpu.memref_slice %arg7[%dma_start3A, %dma_start3A_18] : memref<30x96xi32, #tpu.memory_space<vmem>> -> memref<1x96xi32, #tpu.memory_space<vmem>>
      %dma_start3A_20 = tpu.memref_squeeze %dma_start3A_19 : memref<1x96xi32, #tpu.memory_space<vmem>> -> memref<96xi32, #tpu.memory_space<vmem>>
      %dma_start3A_21 = arith.constant 0 : i32
      %dma_start3A_22 = arith.constant 0 : i32
      %dma_start3A_23 = tpu.memref_slice %arg2[%arg0, %dma_start3A_21, %dma_start3A_22] : memref<2x10000x128xi16, #tpu.memory_space<hbm>> -> memref<1x10000x128xi16, #tpu.memory_space<hbm>>
      %dma_start3A_24 = tpu.memref_squeeze %dma_start3A_23 : memref<1x10000x128xi16, #tpu.memory_space<hbm>> -> memref<10000x128xi16, #tpu.memory_space<hbm>>
      %dma_start3A_25 = arith.constant 0 : i32
      %dma_start3A_26 = arith.constant 0 : i32
      %dma_start3A_27 = tpu.memref_slice %dma_start3A_24[%dma_start3A_25, %dma_start3A_26] : memref<10000x128xi16, #tpu.memory_space<hbm>> -> memref<10000x128xi16, #tpu.memory_space<hbm>>
      tpu.enqueue_indirect_dma source(%dma_start3A_27 : memref<10000x128xi16, #tpu.memory_space<hbm>>) target(%arg9 : memref<96x128xi16, #tpu.memory_space<vmem>>) offsets(%dma_start3A_20 : memref<96xi32, #tpu.memory_space<vmem>>) semaphore(%arg14 : memref<!tpu.dma_semaphore, #tpu.memory_space<semaphore_mem>>)
      %dma_start3A_28 = arith.constant 1 : i32
      %dma_start3A_29 = arith.constant 0 : i32
      %dma_start3A_30 = tpu.memref_slice %arg7[%dma_start3A_28, %dma_start3A_29] : memref<30x96xi32, #tpu.memory_space<vmem>> -> memref<1x96xi32, #tpu.memory_space<vmem>>
      %dma_start3A_31 = tpu.memref_squeeze %dma_start3A_30 : memref<1x96xi32, #tpu.memory_space<vmem>> -> memref<96xi32, #tpu.memory_space<vmem>>
      %dma_start3A_32 = arith.constant 0 : i32
      %dma_start3A_33 = arith.constant 0 : i32
      %dma_start3A_34 = tpu.memref_slice %arg2[%arg0, %dma_start3A_32, %dma_start3A_33] : memref<2x10000x128xi16, #tpu.memory_space<hbm>> -> memref<1x10000x128xi16, #tpu.memory_space<hbm>>
      %dma_start3A_35 = tpu.memref_squeeze %dma_start3A_34 : memref<1x10000x128xi16, #tpu.memory_space<hbm>> -> memref<10000x128xi16, #tpu.memory_space<hbm>>
      %dma_start3A_36 = arith.constant 0 : i32
      %dma_start3A_37 = arith.constant 0 : i32
      %dma_start3A_38 = tpu.memref_slice %dma_start3A_35[%dma_start3A_36, %dma_start3A_37] : memref<10000x128xi16, #tpu.memory_space<hbm>> -> memref<10000x128xi16, #tpu.memory_space<hbm>>
      tpu.enqueue_indirect_dma source(%dma_start3A_38 : memref<10000x128xi16, #tpu.memory_space<hbm>>) target(%arg10 : memref<96x128xi16, #tpu.memory_space<vmem>>) offsets(%dma_start3A_31 : memref<96xi32, #tpu.memory_space<vmem>>) semaphore(%arg15 : memref<!tpu.dma_semaphore, #tpu.memory_space<semaphore_mem>>)
      %scan3A_39 = arith.constant 0 : i32
      %scan3A_40 = arith.constant 0 : i32
      %scan3A_41 = arith.constant 9 : i32
      %scan3A_42 = arith.addi %scan3A_40, %scan3A_41 : i32
      %scan3A_43 = arith.constant 1 : i32
      scf.for %scan3A_90 = %scan3A_40 to %scan3A_42 step %scan3A_43  : i32 {
        %mul3A_91 = arith.constant 3 : i32
        %mul3A_92 = arith.muli %scan3A_90, %mul3A_91 : i32
        %add3A = arith.constant 0 : i32
        %add3A_93 = arith.addi %mul3A_92, %add3A : i32
        %dma_wait3A_94 = arith.constant 0 : i32
        %dma_wait3A_95 = tpu.memref_slice %arg7[%add3A_93, %dma_wait3A_94] : memref<30x96xi32, #tpu.memory_space<vmem>> -> memref<1x96xi32, #tpu.memory_space<vmem>>
        %dma_wait3A_96 = tpu.memref_squeeze %dma_wait3A_95 : memref<1x96xi32, #tpu.memory_space<vmem>> -> memref<96xi32, #tpu.memory_space<vmem>>
        %dma_wait3A_97 = arith.constant 0 : i32
        %dma_wait3A_98 = arith.constant 0 : i32
        %dma_wait3A_99 = tpu.memref_slice %arg2[%arg0, %dma_wait3A_97, %dma_wait3A_98] : memref<2x10000x128xi16, #tpu.memory_space<hbm>> -> memref<1x10000x128xi16, #tpu.memory_space<hbm>>
        %dma_wait3A_100 = tpu.memref_squeeze %dma_wait3A_99 : memref<1x10000x128xi16, #tpu.memory_space<hbm>> -> memref<10000x128xi16, #tpu.memory_space<hbm>>
        %dma_wait3A_101 = arith.constant 0 : i32
        %dma_wait3A_102 = arith.constant 0 : i32
        %dma_wait3A_103 = tpu.memref_slice %dma_wait3A_100[%dma_wait3A_101, %dma_wait3A_102] : memref<10000x128xi16, #tpu.memory_space<hbm>> -> memref<10000x128xi16, #tpu.memory_space<hbm>>
        tpu.wait_indirect_dma semaphore(%arg14 : memref<!tpu.dma_semaphore, #tpu.memory_space<semaphore_mem>>) src(%dma_wait3A_103 : memref<10000x128xi16, #tpu.memory_space<hbm>>) dst(%arg9 : memref<96x128xi16, #tpu.memory_space<vmem>>)
        %add3A_104 = arith.constant 2 : i32
        %add3A_105 = arith.addi %add3A_93, %add3A_104 : i32
        %dma_start3A_106 = arith.constant 0 : i32
        %dma_start3A_107 = tpu.memref_slice %arg7[%add3A_105, %dma_start3A_106] : memref<30x96xi32, #tpu.memory_space<vmem>> -> memref<1x96xi32, #tpu.memory_space<vmem>>
        %dma_start3A_108 = tpu.memref_squeeze %dma_start3A_107 : memref<1x96xi32, #tpu.memory_space<vmem>> -> memref<96xi32, #tpu.memory_space<vmem>>
        %dma_start3A_109 = arith.constant 0 : i32
        %dma_start3A_110 = arith.constant 0 : i32
        %dma_start3A_111 = tpu.memref_slice %arg2[%arg0, %dma_start3A_109, %dma_start3A_110] : memref<2x10000x128xi16, #tpu.memory_space<hbm>> -> memref<1x10000x128xi16, #tpu.memory_space<hbm>>
        %dma_start3A_112 = tpu.memref_squeeze %dma_start3A_111 : memref<1x10000x128xi16, #tpu.memory_space<hbm>> -> memref<10000x128xi16, #tpu.memory_space<hbm>>
        %dma_start3A_113 = arith.constant 0 : i32
        %dma_start3A_114 = arith.constant 0 : i32
        %dma_start3A_115 = tpu.memref_slice %dma_start3A_112[%dma_start3A_113, %dma_start3A_114] : memref<10000x128xi16, #tpu.memory_space<hbm>> -> memref<10000x128xi16, #tpu.memory_space<hbm>>
        tpu.enqueue_indirect_dma source(%dma_start3A_115 : memref<10000x128xi16, #tpu.memory_space<hbm>>) target(%arg11 : memref<96x128xi16, #tpu.memory_space<vmem>>) offsets(%dma_start3A_108 : memref<96xi32, #tpu.memory_space<vmem>>) semaphore(%arg16 : memref<!tpu.dma_semaphore, #tpu.memory_space<semaphore_mem>>)
        "tpu.region"() ({
          %run_scoped3A_168 = tpu.sem_alloc : memref<!tpu.dma_semaphore, #tpu.memory_space<semaphore_mem>>
          %dma_start3A_169 = arith.constant 0 : i32
          %dma_start3A_170 = tpu.memref_slice %arg8[%add3A_93, %dma_start3A_169] : memref<30x96xi32, #tpu.memory_space<vmem>> -> memref<1x96xi32, #tpu.memory_space<vmem>>
          %dma_start3A_171 = tpu.memref_squeeze %dma_start3A_170 : memref<1x96xi32, #tpu.memory_space<vmem>> -> memref<96xi32, #tpu.memory_space<vmem>>
          %dma_start3A_172 = arith.constant 0 : i32
          %dma_start3A_173 = arith.constant 0 : i32
          %dma_start3A_174 = tpu.memref_slice %arg13[%dma_start3A_172, %dma_start3A_173] : memref<10240x128xi16, #tpu.memory_space<vmem_shared>> -> memref<10240x128xi16, #tpu.memory_space<vmem_shared>>
          tpu.enqueue_indirect_dma source(%arg9 : memref<96x128xi16, #tpu.memory_space<vmem>>) target(%dma_start3A_174 : memref<10240x128xi16, #tpu.memory_space<vmem_shared>>) offsets(%dma_start3A_171 : memref<96xi32, #tpu.memory_space<vmem>>) semaphore(%run_scoped3A_168 : memref<!tpu.dma_semaphore, #tpu.memory_space<semaphore_mem>>) {add = true}
          %dma_wait3A_175 = arith.constant 0 : i32
          %dma_wait3A_176 = tpu.memref_slice %arg8[%add3A_93, %dma_wait3A_175] : memref<30x96xi32, #tpu.memory_space<vmem>> -> memref<1x96xi32, #tpu.memory_space<vmem>>
          %dma_wait3A_177 = tpu.memref_squeeze %dma_wait3A_176 : memref<1x96xi32, #tpu.memory_space<vmem>> -> memref<96xi32, #tpu.memory_space<vmem>>
          %dma_wait3A_178 = arith.constant 0 : i32
          %dma_wait3A_179 = arith.constant 0 : i32
          %dma_wait3A_180 = tpu.memref_slice %arg13[%dma_wait3A_178, %dma_wait3A_179] : memref<10240x128xi16, #tpu.memory_space<vmem_shared>> -> memref<10240x128xi16, #tpu.memory_space<vmem_shared>>
          tpu.wait_indirect_dma semaphore(%run_scoped3A_168 : memref<!tpu.dma_semaphore, #tpu.memory_space<semaphore_mem>>) src(%arg9 : memref<96x128xi16, #tpu.memory_space<vmem>>) dst(%dma_wait3A_180 : memref<10240x128xi16, #tpu.memory_space<vmem_shared>>)
          tpu.yield
        }) : () -> ()
        %mul3A_116 = arith.constant 3 : i32
        %mul3A_117 = arith.muli %scan3A_90, %mul3A_116 : i32
        %add3A_118 = arith.constant 1 : i32
        %add3A_119 = arith.addi %mul3A_117, %add3A_118 : i32
        %dma_wait3A_120 = arith.constant 0 : i32
        %dma_wait3A_121 = tpu.memref_slice %arg7[%add3A_119, %dma_wait3A_120] : memref<30x96xi32, #tpu.memory_space<vmem>> -> memref<1x96xi32, #tpu.memory_space<vmem>>
        %dma_wait3A_122 = tpu.memref_squeeze %dma_wait3A_121 : memref<1x96xi32, #tpu.memory_space<vmem>> -> memref<96xi32, #tpu.memory_space<vmem>>
        %dma_wait3A_123 = arith.constant 0 : i32
        %dma_wait3A_124 = arith.constant 0 : i32
        %dma_wait3A_125 = tpu.memref_slice %arg2[%arg0, %dma_wait3A_123, %dma_wait3A_124] : memref<2x10000x128xi16, #tpu.memory_space<hbm>> -> memref<1x10000x128xi16, #tpu.memory_space<hbm>>
        %dma_wait3A_126 = tpu.memref_squeeze %dma_wait3A_125 : memref<1x10000x128xi16, #tpu.memory_space<hbm>> -> memref<10000x128xi16, #tpu.memory_space<hbm>>
        %dma_wait3A_127 = arith.constant 0 : i32
        %dma_wait3A_128 = arith.constant 0 : i32
        %dma_wait3A_129 = tpu.memref_slice %dma_wait3A_126[%dma_wait3A_127, %dma_wait3A_128] : memref<10000x128xi16, #tpu.memory_space<hbm>> -> memref<10000x128xi16, #tpu.memory_space<hbm>>
        tpu.wait_indirect_dma semaphore(%arg15 : memref<!tpu.dma_semaphore, #tpu.memory_space<semaphore_mem>>) src(%dma_wait3A_129 : memref<10000x128xi16, #tpu.memory_space<hbm>>) dst(%arg10 : memref<96x128xi16, #tpu.memory_space<vmem>>)
        %add3A_130 = arith.constant 2 : i32
        %add3A_131 = arith.addi %add3A_119, %add3A_130 : i32
        %dma_start3A_132 = arith.constant 0 : i32
        %dma_start3A_133 = tpu.memref_slice %arg7[%add3A_131, %dma_start3A_132] : memref<30x96xi32, #tpu.memory_space<vmem>> -> memref<1x96xi32, #tpu.memory_space<vmem>>
        %dma_start3A_134 = tpu.memref_squeeze %dma_start3A_133 : memref<1x96xi32, #tpu.memory_space<vmem>> -> memref<96xi32, #tpu.memory_space<vmem>>
        %dma_start3A_135 = arith.constant 0 : i32
        %dma_start3A_136 = arith.constant 0 : i32
        %dma_start3A_137 = tpu.memref_slice %arg2[%arg0, %dma_start3A_135, %dma_start3A_136] : memref<2x10000x128xi16, #tpu.memory_space<hbm>> -> memref<1x10000x128xi16, #tpu.memory_space<hbm>>
        %dma_start3A_138 = tpu.memref_squeeze %dma_start3A_137 : memref<1x10000x128xi16, #tpu.memory_space<hbm>> -> memref<10000x128xi16, #tpu.memory_space<hbm>>
        %dma_start3A_139 = arith.constant 0 : i32
        %dma_start3A_140 = arith.constant 0 : i32
        %dma_start3A_141 = tpu.memref_slice %dma_start3A_138[%dma_start3A_139, %dma_start3A_140] : memref<10000x128xi16, #tpu.memory_space<hbm>> -> memref<10000x128xi16, #tpu.memory_space<hbm>>
        tpu.enqueue_indirect_dma source(%dma_start3A_141 : memref<10000x128xi16, #tpu.memory_space<hbm>>) target(%arg9 : memref<96x128xi16, #tpu.memory_space<vmem>>) offsets(%dma_start3A_134 : memref<96xi32, #tpu.memory_space<vmem>>) semaphore(%arg14 : memref<!tpu.dma_semaphore, #tpu.memory_space<semaphore_mem>>)
        "tpu.region"() ({
          %run_scoped3A_168 = tpu.sem_alloc : memref<!tpu.dma_semaphore, #tpu.memory_space<semaphore_mem>>
          %dma_start3A_169 = arith.constant 0 : i32
          %dma_start3A_170 = tpu.memref_slice %arg8[%add3A_119, %dma_start3A_169] : memref<30x96xi32, #tpu.memory_space<vmem>> -> memref<1x96xi32, #tpu.memory_space<vmem>>
          %dma_start3A_171 = tpu.memref_squeeze %dma_start3A_170 : memref<1x96xi32, #tpu.memory_space<vmem>> -> memref<96xi32, #tpu.memory_space<vmem>>
          %dma_start3A_172 = arith.constant 0 : i32
          %dma_start3A_173 = arith.constant 0 : i32
          %dma_start3A_174 = tpu.memref_slice %arg13[%dma_start3A_172, %dma_start3A_173] : memref<10240x128xi16, #tpu.memory_space<vmem_shared>> -> memref<10240x128xi16, #tpu.memory_space<vmem_shared>>
          tpu.enqueue_indirect_dma source(%arg10 : memref<96x128xi16, #tpu.memory_space<vmem>>) target(%dma_start3A_174 : memref<10240x128xi16, #tpu.memory_space<vmem_shared>>) offsets(%dma_start3A_171 : memref<96xi32, #tpu.memory_space<vmem>>) semaphore(%run_scoped3A_168 : memref<!tpu.dma_semaphore, #tpu.memory_space<semaphore_mem>>) {add = true}
          %dma_wait3A_175 = arith.constant 0 : i32
          %dma_wait3A_176 = tpu.memref_slice %arg8[%add3A_119, %dma_wait3A_175] : memref<30x96xi32, #tpu.memory_space<vmem>> -> memref<1x96xi32, #tpu.memory_space<vmem>>
          %dma_wait3A_177 = tpu.memref_squeeze %dma_wait3A_176 : memref<1x96xi32, #tpu.memory_space<vmem>> -> memref<96xi32, #tpu.memory_space<vmem>>
          %dma_wait3A_178 = arith.constant 0 : i32
          %dma_wait3A_179 = arith.constant 0 : i32
          %dma_wait3A_180 = tpu.memref_slice %arg13[%dma_wait3A_178, %dma_wait3A_179] : memref<10240x128xi16, #tpu.memory_space<vmem_shared>> -> memref<10240x128xi16, #tpu.memory_space<vmem_shared>>
          tpu.wait_indirect_dma semaphore(%run_scoped3A_168 : memref<!tpu.dma_semaphore, #tpu.memory_space<semaphore_mem>>) src(%arg10 : memref<96x128xi16, #tpu.memory_space<vmem>>) dst(%dma_wait3A_180 : memref<10240x128xi16, #tpu.memory_space<vmem_shared>>)
          tpu.yield
        }) : () -> ()
        %mul3A_142 = arith.constant 3 : i32
        %mul3A_143 = arith.muli %scan3A_90, %mul3A_142 : i32
        %add3A_144 = arith.constant 2 : i32
        %add3A_145 = arith.addi %mul3A_143, %add3A_144 : i32
        %dma_wait3A_146 = arith.constant 0 : i32
        %dma_wait3A_147 = tpu.memref_slice %arg7[%add3A_145, %dma_wait3A_146] : memref<30x96xi32, #tpu.memory_space<vmem>> -> memref<1x96xi32, #tpu.memory_space<vmem>>
        %dma_wait3A_148 = tpu.memref_squeeze %dma_wait3A_147 : memref<1x96xi32, #tpu.memory_space<vmem>> -> memref<96xi32, #tpu.memory_space<vmem>>
        %dma_wait3A_149 = arith.constant 0 : i32
        %dma_wait3A_150 = arith.constant 0 : i32
        %dma_wait3A_151 = tpu.memref_slice %arg2[%arg0, %dma_wait3A_149, %dma_wait3A_150] : memref<2x10000x128xi16, #tpu.memory_space<hbm>> -> memref<1x10000x128xi16, #tpu.memory_space<hbm>>
        %dma_wait3A_152 = tpu.memref_squeeze %dma_wait3A_151 : memref<1x10000x128xi16, #tpu.memory_space<hbm>> -> memref<10000x128xi16, #tpu.memory_space<hbm>>
        %dma_wait3A_153 = arith.constant 0 : i32
        %dma_wait3A_154 = arith.constant 0 : i32
        %dma_wait3A_155 = tpu.memref_slice %dma_wait3A_152[%dma_wait3A_153, %dma_wait3A_154] : memref<10000x128xi16, #tpu.memory_space<hbm>> -> memref<10000x128xi16, #tpu.memory_space<hbm>>
        tpu.wait_indirect_dma semaphore(%arg16 : memref<!tpu.dma_semaphore, #tpu.memory_space<semaphore_mem>>) src(%dma_wait3A_155 : memref<10000x128xi16, #tpu.memory_space<hbm>>) dst(%arg11 : memref<96x128xi16, #tpu.memory_space<vmem>>)
        %add3A_156 = arith.constant 2 : i32
        %add3A_157 = arith.addi %add3A_145, %add3A_156 : i32
        %dma_start3A_158 = arith.constant 0 : i32
        %dma_start3A_159 = tpu.memref_slice %arg7[%add3A_157, %dma_start3A_158] : memref<30x96xi32, #tpu.memory_space<vmem>> -> memref<1x96xi32, #tpu.memory_space<vmem>>
        %dma_start3A_160 = tpu.memref_squeeze %dma_start3A_159 : memref<1x96xi32, #tpu.memory_space<vmem>> -> memref<96xi32, #tpu.memory_space<vmem>>
        %dma_start3A_161 = arith.constant 0 : i32
        %dma_start3A_162 = arith.constant 0 : i32
        %dma_start3A_163 = tpu.memref_slice %arg2[%arg0, %dma_start3A_161, %dma_start3A_162] : memref<2x10000x128xi16, #tpu.memory_space<hbm>> -> memref<1x10000x128xi16, #tpu.memory_space<hbm>>
        %dma_start3A_164 = tpu.memref_squeeze %dma_start3A_163 : memref<1x10000x128xi16, #tpu.memory_space<hbm>> -> memref<10000x128xi16, #tpu.memory_space<hbm>>
        %dma_start3A_165 = arith.constant 0 : i32
        %dma_start3A_166 = arith.constant 0 : i32
        %dma_start3A_167 = tpu.memref_slice %dma_start3A_164[%dma_start3A_165, %dma_start3A_166] : memref<10000x128xi16, #tpu.memory_space<hbm>> -> memref<10000x128xi16, #tpu.memory_space<hbm>>
        tpu.enqueue_indirect_dma source(%dma_start3A_167 : memref<10000x128xi16, #tpu.memory_space<hbm>>) target(%arg10 : memref<96x128xi16, #tpu.memory_space<vmem>>) offsets(%dma_start3A_160 : memref<96xi32, #tpu.memory_space<vmem>>) semaphore(%arg15 : memref<!tpu.dma_semaphore, #tpu.memory_space<semaphore_mem>>)
        "tpu.region"() ({
          %run_scoped3A_168 = tpu.sem_alloc : memref<!tpu.dma_semaphore, #tpu.memory_space<semaphore_mem>>
          %dma_start3A_169 = arith.constant 0 : i32
          %dma_start3A_170 = tpu.memref_slice %arg8[%add3A_145, %dma_start3A_169] : memref<30x96xi32, #tpu.memory_space<vmem>> -> memref<1x96xi32, #tpu.memory_space<vmem>>
          %dma_start3A_171 = tpu.memref_squeeze %dma_start3A_170 : memref<1x96xi32, #tpu.memory_space<vmem>> -> memref<96xi32, #tpu.memory_space<vmem>>
          %dma_start3A_172 = arith.constant 0 : i32
          %dma_start3A_173 = arith.constant 0 : i32
          %dma_start3A_174 = tpu.memref_slice %arg13[%dma_start3A_172, %dma_start3A_173] : memref<10240x128xi16, #tpu.memory_space<vmem_shared>> -> memref<10240x128xi16, #tpu.memory_space<vmem_shared>>
          tpu.enqueue_indirect_dma source(%arg11 : memref<96x128xi16, #tpu.memory_space<vmem>>) target(%dma_start3A_174 : memref<10240x128xi16, #tpu.memory_space<vmem_shared>>) offsets(%dma_start3A_171 : memref<96xi32, #tpu.memory_space<vmem>>) semaphore(%run_scoped3A_168 : memref<!tpu.dma_semaphore, #tpu.memory_space<semaphore_mem>>) {add = true}
          %dma_wait3A_175 = arith.constant 0 : i32
          %dma_wait3A_176 = tpu.memref_slice %arg8[%add3A_145, %dma_wait3A_175] : memref<30x96xi32, #tpu.memory_space<vmem>> -> memref<1x96xi32, #tpu.memory_space<vmem>>
          %dma_wait3A_177 = tpu.memref_squeeze %dma_wait3A_176 : memref<1x96xi32, #tpu.memory_space<vmem>> -> memref<96xi32, #tpu.memory_space<vmem>>
          %dma_wait3A_178 = arith.constant 0 : i32
          %dma_wait3A_179 = arith.constant 0 : i32
          %dma_wait3A_180 = tpu.memref_slice %arg13[%dma_wait3A_178, %dma_wait3A_179] : memref<10240x128xi16, #tpu.memory_space<vmem_shared>> -> memref<10240x128xi16, #tpu.memory_space<vmem_shared>>
          tpu.wait_indirect_dma semaphore(%run_scoped3A_168 : memref<!tpu.dma_semaphore, #tpu.memory_space<semaphore_mem>>) src(%arg11 : memref<96x128xi16, #tpu.memory_space<vmem>>) dst(%dma_wait3A_180 : memref<10240x128xi16, #tpu.memory_space<vmem_shared>>)
          tpu.yield
        }) : () -> ()
      }
      %scan3A_44 = arith.constant 9 : i32
      %dma_wait3A = arith.constant 27 : i32
      %dma_wait3A_45 = arith.constant 0 : i32
      %dma_wait3A_46 = tpu.memref_slice %arg7[%dma_wait3A, %dma_wait3A_45] : memref<30x96xi32, #tpu.memory_space<vmem>> -> memref<1x96xi32, #tpu.memory_space<vmem>>
      %dma_wait3A_47 = tpu.memref_squeeze %dma_wait3A_46 : memref<1x96xi32, #tpu.memory_space<vmem>> -> memref<96xi32, #tpu.memory_space<vmem>>
      %dma_wait3A_48 = arith.constant 0 : i32
      %dma_wait3A_49 = arith.constant 0 : i32
      %dma_wait3A_50 = tpu.memref_slice %arg2[%arg0, %dma_wait3A_48, %dma_wait3A_49] : memref<2x10000x128xi16, #tpu.memory_space<hbm>> -> memref<1x10000x128xi16, #tpu.memory_space<hbm>>
      %dma_wait3A_51 = tpu.memref_squeeze %dma_wait3A_50 : memref<1x10000x128xi16, #tpu.memory_space<hbm>> -> memref<10000x128xi16, #tpu.memory_space<hbm>>
      %dma_wait3A_52 = arith.constant 0 : i32
      %dma_wait3A_53 = arith.constant 0 : i32
      %dma_wait3A_54 = tpu.memref_slice %dma_wait3A_51[%dma_wait3A_52, %dma_wait3A_53] : memref<10000x128xi16, #tpu.memory_space<hbm>> -> memref<10000x128xi16, #tpu.memory_space<hbm>>
      tpu.wait_indirect_dma semaphore(%arg14 : memref<!tpu.dma_semaphore, #tpu.memory_space<semaphore_mem>>) src(%dma_wait3A_54 : memref<10000x128xi16, #tpu.memory_space<hbm>>) dst(%arg9 : memref<96x128xi16, #tpu.memory_space<vmem>>)
      %dma_start3A_55 = arith.constant 29 : i32
      %dma_start3A_56 = arith.constant 0 : i32
      %dma_start3A_57 = tpu.memref_slice %arg7[%dma_start3A_55, %dma_start3A_56] : memref<30x96xi32, #tpu.memory_space<vmem>> -> memref<1x96xi32, #tpu.memory_space<vmem>>
      %dma_start3A_58 = tpu.memref_squeeze %dma_start3A_57 : memref<1x96xi32, #tpu.memory_space<vmem>> -> memref<96xi32, #tpu.memory_space<vmem>>
      %dma_start3A_59 = arith.constant 0 : i32
      %dma_start3A_60 = arith.constant 0 : i32
      %dma_start3A_61 = tpu.memref_slice %arg2[%arg0, %dma_start3A_59, %dma_start3A_60] : memref<2x10000x128xi16, #tpu.memory_space<hbm>> -> memref<1x10000x128xi16, #tpu.memory_space<hbm>>
      %dma_start3A_62 = tpu.memref_squeeze %dma_start3A_61 : memref<1x10000x128xi16, #tpu.memory_space<hbm>> -> memref<10000x128xi16, #tpu.memory_space<hbm>>
      %dma_start3A_63 = arith.constant 0 : i32
      %dma_start3A_64 = arith.constant 0 : i32
      %dma_start3A_65 = tpu.memref_slice %dma_start3A_62[%dma_start3A_63, %dma_start3A_64] : memref<10000x128xi16, #tpu.memory_space<hbm>> -> memref<10000x128xi16, #tpu.memory_space<hbm>>
      tpu.enqueue_indirect_dma source(%dma_start3A_65 : memref<10000x128xi16, #tpu.memory_space<hbm>>) target(%arg11 : memref<96x128xi16, #tpu.memory_space<vmem>>) offsets(%dma_start3A_58 : memref<96xi32, #tpu.memory_space<vmem>>) semaphore(%arg16 : memref<!tpu.dma_semaphore, #tpu.memory_space<semaphore_mem>>)
      %run_scoped3A = arith.constant 27 : i32
      "tpu.region"() ({
        %run_scoped3A_90 = tpu.sem_alloc : memref<!tpu.dma_semaphore, #tpu.memory_space<semaphore_mem>>
        %dma_start3A_91 = arith.constant 0 : i32
        %dma_start3A_92 = tpu.memref_slice %arg8[%run_scoped3A, %dma_start3A_91] : memref<30x96xi32, #tpu.memory_space<vmem>> -> memref<1x96xi32, #tpu.memory_space<vmem>>
        %dma_start3A_93 = tpu.memref_squeeze %dma_start3A_92 : memref<1x96xi32, #tpu.memory_space<vmem>> -> memref<96xi32, #tpu.memory_space<vmem>>
        %dma_start3A_94 = arith.constant 0 : i32
        %dma_start3A_95 = arith.constant 0 : i32
        %dma_start3A_96 = tpu.memref_slice %arg13[%dma_start3A_94, %dma_start3A_95] : memref<10240x128xi16, #tpu.memory_space<vmem_shared>> -> memref<10240x128xi16, #tpu.memory_space<vmem_shared>>
        tpu.enqueue_indirect_dma source(%arg9 : memref<96x128xi16, #tpu.memory_space<vmem>>) target(%dma_start3A_96 : memref<10240x128xi16, #tpu.memory_space<vmem_shared>>) offsets(%dma_start3A_93 : memref<96xi32, #tpu.memory_space<vmem>>) semaphore(%run_scoped3A_90 : memref<!tpu.dma_semaphore, #tpu.memory_space<semaphore_mem>>) {add = true}
        %dma_wait3A_97 = arith.constant 0 : i32
        %dma_wait3A_98 = tpu.memref_slice %arg8[%run_scoped3A, %dma_wait3A_97] : memref<30x96xi32, #tpu.memory_space<vmem>> -> memref<1x96xi32, #tpu.memory_space<vmem>>
        %dma_wait3A_99 = tpu.memref_squeeze %dma_wait3A_98 : memref<1x96xi32, #tpu.memory_space<vmem>> -> memref<96xi32, #tpu.memory_space<vmem>>
        %dma_wait3A_100 = arith.constant 0 : i32
        %dma_wait3A_101 = arith.constant 0 : i32
        %dma_wait3A_102 = tpu.memref_slice %arg13[%dma_wait3A_100, %dma_wait3A_101] : memref<10240x128xi16, #tpu.memory_space<vmem_shared>> -> memref<10240x128xi16, #tpu.memory_space<vmem_shared>>
        tpu.wait_indirect_dma semaphore(%run_scoped3A_90 : memref<!tpu.dma_semaphore, #tpu.memory_space<semaphore_mem>>) src(%arg9 : memref<96x128xi16, #tpu.memory_space<vmem>>) dst(%dma_wait3A_102 : memref<10240x128xi16, #tpu.memory_space<vmem_shared>>)
        tpu.yield
      }) : () -> ()
      %dma_wait3A_66 = arith.constant 28 : i32
      %dma_wait3A_67 = arith.constant 0 : i32
      %dma_wait3A_68 = tpu.memref_slice %arg7[%dma_wait3A_66, %dma_wait3A_67] : memref<30x96xi32, #tpu.memory_space<vmem>> -> memref<1x96xi32, #tpu.memory_space<vmem>>
      %dma_wait3A_69 = tpu.memref_squeeze %dma_wait3A_68 : memref<1x96xi32, #tpu.memory_space<vmem>> -> memref<96xi32, #tpu.memory_space<vmem>>
      %dma_wait3A_70 = arith.constant 0 : i32
      %dma_wait3A_71 = arith.constant 0 : i32
      %dma_wait3A_72 = tpu.memref_slice %arg2[%arg0, %dma_wait3A_70, %dma_wait3A_71] : memref<2x10000x128xi16, #tpu.memory_space<hbm>> -> memref<1x10000x128xi16, #tpu.memory_space<hbm>>
      %dma_wait3A_73 = tpu.memref_squeeze %dma_wait3A_72 : memref<1x10000x128xi16, #tpu.memory_space<hbm>> -> memref<10000x128xi16, #tpu.memory_space<hbm>>
      %dma_wait3A_74 = arith.constant 0 : i32
      %dma_wait3A_75 = arith.constant 0 : i32
      %dma_wait3A_76 = tpu.memref_slice %dma_wait3A_73[%dma_wait3A_74, %dma_wait3A_75] : memref<10000x128xi16, #tpu.memory_space<hbm>> -> memref<10000x128xi16, #tpu.memory_space<hbm>>
      tpu.wait_indirect_dma semaphore(%arg15 : memref<!tpu.dma_semaphore, #tpu.memory_space<semaphore_mem>>) src(%dma_wait3A_76 : memref<10000x128xi16, #tpu.memory_space<hbm>>) dst(%arg10 : memref<96x128xi16, #tpu.memory_space<vmem>>)
      %run_scoped3A_77 = arith.constant 28 : i32
      "tpu.region"() ({
        %run_scoped3A_90 = tpu.sem_alloc : memref<!tpu.dma_semaphore, #tpu.memory_space<semaphore_mem>>
        %dma_start3A_91 = arith.constant 0 : i32
        %dma_start3A_92 = tpu.memref_slice %arg8[%run_scoped3A_77, %dma_start3A_91] : memref<30x96xi32, #tpu.memory_space<vmem>> -> memref<1x96xi32, #tpu.memory_space<vmem>>
        %dma_start3A_93 = tpu.memref_squeeze %dma_start3A_92 : memref<1x96xi32, #tpu.memory_space<vmem>> -> memref<96xi32, #tpu.memory_space<vmem>>
        %dma_start3A_94 = arith.constant 0 : i32
        %dma_start3A_95 = arith.constant 0 : i32
        %dma_start3A_96 = tpu.memref_slice %arg13[%dma_start3A_94, %dma_start3A_95] : memref<10240x128xi16, #tpu.memory_space<vmem_shared>> -> memref<10240x128xi16, #tpu.memory_space<vmem_shared>>
        tpu.enqueue_indirect_dma source(%arg10 : memref<96x128xi16, #tpu.memory_space<vmem>>) target(%dma_start3A_96 : memref<10240x128xi16, #tpu.memory_space<vmem_shared>>) offsets(%dma_start3A_93 : memref<96xi32, #tpu.memory_space<vmem>>) semaphore(%run_scoped3A_90 : memref<!tpu.dma_semaphore, #tpu.memory_space<semaphore_mem>>) {add = true}
        %dma_wait3A_97 = arith.constant 0 : i32
        %dma_wait3A_98 = tpu.memref_slice %arg8[%run_scoped3A_77, %dma_wait3A_97] : memref<30x96xi32, #tpu.memory_space<vmem>> -> memref<1x96xi32, #tpu.memory_space<vmem>>
        %dma_wait3A_99 = tpu.memref_squeeze %dma_wait3A_98 : memref<1x96xi32, #tpu.memory_space<vmem>> -> memref<96xi32, #tpu.memory_space<vmem>>
        %dma_wait3A_100 = arith.constant 0 : i32
        %dma_wait3A_101 = arith.constant 0 : i32
        %dma_wait3A_102 = tpu.memref_slice %arg13[%dma_wait3A_100, %dma_wait3A_101] : memref<10240x128xi16, #tpu.memory_space<vmem_shared>> -> memref<10240x128xi16, #tpu.memory_space<vmem_shared>>
        tpu.wait_indirect_dma semaphore(%run_scoped3A_90 : memref<!tpu.dma_semaphore, #tpu.memory_space<semaphore_mem>>) src(%arg10 : memref<96x128xi16, #tpu.memory_space<vmem>>) dst(%dma_wait3A_102 : memref<10240x128xi16, #tpu.memory_space<vmem_shared>>)
        tpu.yield
      }) : () -> ()
      %dma_wait3A_78 = arith.constant 29 : i32
      %dma_wait3A_79 = arith.constant 0 : i32
      %dma_wait3A_80 = tpu.memref_slice %arg7[%dma_wait3A_78, %dma_wait3A_79] : memref<30x96xi32, #tpu.memory_space<vmem>> -> memref<1x96xi32, #tpu.memory_space<vmem>>
      %dma_wait3A_81 = tpu.memref_squeeze %dma_wait3A_80 : memref<1x96xi32, #tpu.memory_space<vmem>> -> memref<96xi32, #tpu.memory_space<vmem>>
      %dma_wait3A_82 = arith.constant 0 : i32
      %dma_wait3A_83 = arith.constant 0 : i32
      %dma_wait3A_84 = tpu.memref_slice %arg2[%arg0, %dma_wait3A_82, %dma_wait3A_83] : memref<2x10000x128xi16, #tpu.memory_space<hbm>> -> memref<1x10000x128xi16, #tpu.memory_space<hbm>>
      %dma_wait3A_85 = tpu.memref_squeeze %dma_wait3A_84 : memref<1x10000x128xi16, #tpu.memory_space<hbm>> -> memref<10000x128xi16, #tpu.memory_space<hbm>>
      %dma_wait3A_86 = arith.constant 0 : i32
      %dma_wait3A_87 = arith.constant 0 : i32
      %dma_wait3A_88 = tpu.memref_slice %dma_wait3A_85[%dma_wait3A_86, %dma_wait3A_87] : memref<10000x128xi16, #tpu.memory_space<hbm>> -> memref<10000x128xi16, #tpu.memory_space<hbm>>
      tpu.wait_indirect_dma semaphore(%arg16 : memref<!tpu.dma_semaphore, #tpu.memory_space<semaphore_mem>>) src(%dma_wait3A_88 : memref<10000x128xi16, #tpu.memory_space<hbm>>) dst(%arg11 : memref<96x128xi16, #tpu.memory_space<vmem>>)
      %run_scoped3A_89 = arith.constant 29 : i32
      "tpu.region"() ({
        %run_scoped3A_90 = tpu.sem_alloc : memref<!tpu.dma_semaphore, #tpu.memory_space<semaphore_mem>>
        %dma_start3A_91 = arith.constant 0 : i32
        %dma_start3A_92 = tpu.memref_slice %arg8[%run_scoped3A_89, %dma_start3A_91] : memref<30x96xi32, #tpu.memory_space<vmem>> -> memref<1x96xi32, #tpu.memory_space<vmem>>
        %dma_start3A_93 = tpu.memref_squeeze %dma_start3A_92 : memref<1x96xi32, #tpu.memory_space<vmem>> -> memref<96xi32, #tpu.memory_space<vmem>>
        %dma_start3A_94 = arith.constant 0 : i32
        %dma_start3A_95 = arith.constant 0 : i32
        %dma_start3A_96 = tpu.memref_slice %arg13[%dma_start3A_94, %dma_start3A_95] : memref<10240x128xi16, #tpu.memory_space<vmem_shared>> -> memref<10240x128xi16, #tpu.memory_space<vmem_shared>>
        tpu.enqueue_indirect_dma source(%arg11 : memref<96x128xi16, #tpu.memory_space<vmem>>) target(%dma_start3A_96 : memref<10240x128xi16, #tpu.memory_space<vmem_shared>>) offsets(%dma_start3A_93 : memref<96xi32, #tpu.memory_space<vmem>>) semaphore(%run_scoped3A_90 : memref<!tpu.dma_semaphore, #tpu.memory_space<semaphore_mem>>) {add = true}
        %dma_wait3A_97 = arith.constant 0 : i32
        %dma_wait3A_98 = tpu.memref_slice %arg8[%run_scoped3A_89, %dma_wait3A_97] : memref<30x96xi32, #tpu.memory_space<vmem>> -> memref<1x96xi32, #tpu.memory_space<vmem>>
        %dma_wait3A_99 = tpu.memref_squeeze %dma_wait3A_98 : memref<1x96xi32, #tpu.memory_space<vmem>> -> memref<96xi32, #tpu.memory_space<vmem>>
        %dma_wait3A_100 = arith.constant 0 : i32
        %dma_wait3A_101 = arith.constant 0 : i32
        %dma_wait3A_102 = tpu.memref_slice %arg13[%dma_wait3A_100, %dma_wait3A_101] : memref<10240x128xi16, #tpu.memory_space<vmem_shared>> -> memref<10240x128xi16, #tpu.memory_space<vmem_shared>>
        tpu.wait_indirect_dma semaphore(%run_scoped3A_90 : memref<!tpu.dma_semaphore, #tpu.memory_space<semaphore_mem>>) src(%arg11 : memref<96x128xi16, #tpu.memory_space<vmem>>) dst(%dma_wait3A_102 : memref<10240x128xi16, #tpu.memory_space<vmem_shared>>)
        tpu.yield
      }) : () -> ()
    }
    %scan3A_11 = arith.constant 7 : i32
    %barrier3A_12 = arith.constant 0 : index
    tpu.barrier barrier_id(%barrier3A_12)
    "tpu.region"() ({
      %run_scoped3A = tpu.sem_alloc : memref<!tpu.dma_semaphore, #tpu.memory_space<semaphore_mem>>
      %dma_start3A = arith.constant 0 : i32
      %dma_start3A_13 = arith.constant 0 : i32
      %dma_start3A_14 = tpu.memref_slice %arg6[%arg0, %dma_start3A, %dma_start3A_13] : memref<2x10240x128xi16, #tpu.memory_space<hbm>> -> memref<1x10240x128xi16, #tpu.memory_space<hbm>>
      %dma_start3A_15 = tpu.memref_squeeze %dma_start3A_14 : memref<1x10240x128xi16, #tpu.memory_space<hbm>> -> memref<10240x128xi16, #tpu.memory_space<hbm>>
      %dma_start3A_16 = arith.constant 0 : i32
      %dma_start3A_17 = tpu.memref_slice %dma_start3A_15[%mul3A_0, %dma_start3A_16] : memref<10240x128xi16, #tpu.memory_space<hbm>> -> memref<640x128xi16, #tpu.memory_space<hbm>>
      %dma_start3A_18 = arith.constant 0 : i32
      %dma_start3A_19 = tpu.memref_slice %arg13[%mul3A_0, %dma_start3A_18] : memref<10240x128xi16, #tpu.memory_space<vmem_shared>> -> memref<640x128xi16, #tpu.memory_space<vmem_shared>>
      tpu.enqueue_dma source(%dma_start3A_19 : memref<640x128xi16, #tpu.memory_space<vmem_shared>>) target(%dma_start3A_17 : memref<640x128xi16, #tpu.memory_space<hbm>>) target_semaphore(%run_scoped3A : memref<!tpu.dma_semaphore, #tpu.memory_space<semaphore_mem>>)
      %dma_wait3A = arith.constant 0 : i32
      %dma_wait3A_20 = arith.constant 0 : i32
      %dma_wait3A_21 = tpu.memref_slice %arg6[%arg0, %dma_wait3A, %dma_wait3A_20] : memref<2x10240x128xi16, #tpu.memory_space<hbm>> -> memref<1x10240x128xi16, #tpu.memory_space<hbm>>
      %dma_wait3A_22 = tpu.memref_squeeze %dma_wait3A_21 : memref<1x10240x128xi16, #tpu.memory_space<hbm>> -> memref<10240x128xi16, #tpu.memory_space<hbm>>
      %dma_wait3A_23 = arith.constant 0 : i32
      %dma_wait3A_24 = tpu.memref_slice %dma_wait3A_22[%mul3A_0, %dma_wait3A_23] : memref<10240x128xi16, #tpu.memory_space<hbm>> -> memref<640x128xi16, #tpu.memory_space<hbm>>
      %dma_wait3A_25 = arith.constant 0 : i32
      %dma_wait3A_26 = tpu.memref_slice %arg13[%mul3A_0, %dma_wait3A_25] : memref<10240x128xi16, #tpu.memory_space<vmem_shared>> -> memref<640x128xi16, #tpu.memory_space<vmem_shared>>
      tpu.wait_dma2 semaphore(%run_scoped3A : memref<!tpu.dma_semaphore, #tpu.memory_space<semaphore_mem>>) src(%dma_wait3A_26 : memref<640x128xi16, #tpu.memory_space<vmem_shared>>) dst(%dma_wait3A_24 : memref<640x128xi16, #tpu.memory_space<hbm>>)
      tpu.yield
    }) : () -> ()
    return
  }
}

#map = affine_map<(d0, d1) -> (0, 0, 0)>
#map1 = affine_map<(d0, d1) -> (0, 0)>
module attributes {stable_mosaic.version = 14 : i64} {
  func.func @sc_segsum(%arg0: i32, %arg1: i32, %arg2: memref<2x10000x128xi16, #tpu.memory_space<hbm>>, %arg3: memref<16x210x96xi32, #tpu.memory_space<hbm>>, %arg4: memref<16x210x96xi32, #tpu.memory_space<hbm>>, %arg5: memref<16x128xi16, #tpu.memory_space<hbm>>, %arg6: memref<2x10240x128xi16, #tpu.memory_space<hbm>>, %arg7: memref<30x96xi32, #tpu.memory_space<vmem>>, %arg8: memref<30x96xi32, #tpu.memory_space<vmem>>, %arg9: memref<96x128xi16, #tpu.memory_space<vmem>>, %arg10: memref<96x128xi16, #tpu.memory_space<vmem>>, %arg11: memref<96x128xi16, #tpu.memory_space<vmem>>, %arg12: memref<16x128xi16, #tpu.memory_space<vmem>>, %arg13: memref<10240x128xi16, #tpu.memory_space<vmem_shared>>, %arg14: memref<!tpu.dma_semaphore, #tpu.memory_space<semaphore_mem>>, %arg15: memref<!tpu.dma_semaphore, #tpu.memory_space<semaphore_mem>>, %arg16: memref<!tpu.dma_semaphore, #tpu.memory_space<semaphore_mem>>) attributes {dimension_semantics = [#tpu.dimension_semantics<core_parallel>, #tpu.dimension_semantics<subcore_parallel>], iteration_bounds = array<i64: 2, 16>, scalar_prefetch = 0 : i64, scratch_operands = 10 : i64, tpu.core_type = #tpu.core_type<sc_vector_subcore>, window_params = [{transform_indices = #map}, {transform_indices = #map}, {transform_indices = #map}, {transform_indices = #map1}, {transform_indices = #map}]} {
    %mul3A = arith.constant 640 : i32
    %mul3A_0 = arith.muli %arg1, %mul3A : i32
    "tpu.region"() ({
      %run_scoped3A = tpu.sem_alloc : memref<!tpu.dma_semaphore, #tpu.memory_space<semaphore_mem>>
      tpu.enqueue_dma source(%arg5 : memref<16x128xi16, #tpu.memory_space<hbm>>) target(%arg12 : memref<16x128xi16, #tpu.memory_space<vmem>>) target_semaphore(%run_scoped3A : memref<!tpu.dma_semaphore, #tpu.memory_space<semaphore_mem>>)
      tpu.wait_dma2 semaphore(%run_scoped3A : memref<!tpu.dma_semaphore, #tpu.memory_space<semaphore_mem>>) src(%arg5 : memref<16x128xi16, #tpu.memory_space<hbm>>) dst(%arg12 : memref<16x128xi16, #tpu.memory_space<vmem>>)
      tpu.yield
    }) : () -> ()
    %scan3A = arith.constant 0 : i32
    %scan3A_1 = arith.constant 0 : i32
    %scan3A_2 = arith.constant 40 : i32
    %scan3A_3 = arith.addi %scan3A_1, %scan3A_2 : i32
    %scan3A_4 = arith.constant 1 : i32
    scf.for %scan3A_13 = %scan3A_1 to %scan3A_3 step %scan3A_4  : i32 {
      %mul3A_14 = arith.constant 16 : i32
      %mul3A_15 = arith.muli %scan3A_13, %mul3A_14 : i32
      %add3A = arith.addi %mul3A_0, %mul3A_15 : i32
      "tpu.region"() ({
        %run_scoped3A = tpu.sem_alloc : memref<!tpu.dma_semaphore, #tpu.memory_space<semaphore_mem>>
        %dma_start3A = arith.constant 0 : i32
        %dma_start3A_16 = tpu.memref_slice %arg13[%add3A, %dma_start3A] : memref<10240x128xi16, #tpu.memory_space<vmem_shared>> -> memref<16x128xi16, #tpu.memory_space<vmem_shared>>
        %dma_start3A_17 = arith.constant 0 : i32
        %dma_start3A_18 = tpu.memref_slice %arg13[%add3A, %dma_start3A_17] : memref<10240x128xi16, #tpu.memory_space<vmem_shared>> -> memref<16x128xi16, #tpu.memory_space<vmem_shared>>
        tpu.enqueue_dma source(%arg12 : memref<16x128xi16, #tpu.memory_space<vmem>>) target(%dma_start3A_18 : memref<16x128xi16, #tpu.memory_space<vmem_shared>>) target_semaphore(%run_scoped3A : memref<!tpu.dma_semaphore, #tpu.memory_space<semaphore_mem>>)
        %dma_wait3A = arith.constant 0 : i32
        %dma_wait3A_19 = tpu.memref_slice %arg13[%add3A, %dma_wait3A] : memref<10240x128xi16, #tpu.memory_space<vmem_shared>> -> memref<16x128xi16, #tpu.memory_space<vmem_shared>>
        %dma_wait3A_20 = arith.constant 0 : i32
        %dma_wait3A_21 = tpu.memref_slice %arg13[%add3A, %dma_wait3A_20] : memref<10240x128xi16, #tpu.memory_space<vmem_shared>> -> memref<16x128xi16, #tpu.memory_space<vmem_shared>>
        tpu.wait_dma2 semaphore(%run_scoped3A : memref<!tpu.dma_semaphore, #tpu.memory_space<semaphore_mem>>) src(%arg12 : memref<16x128xi16, #tpu.memory_space<vmem>>) dst(%dma_wait3A_21 : memref<16x128xi16, #tpu.memory_space<vmem_shared>>)
        tpu.yield
      }) : () -> ()
    }
    %scan3A_5 = arith.constant 40 : i32
    %barrier3A = arith.constant 0 : index
    tpu.barrier barrier_id(%barrier3A)
    %scan3A_6 = arith.constant 0 : i32
    %scan3A_7 = arith.constant 0 : i32
    %scan3A_8 = arith.constant 7 : i32
    %scan3A_9 = arith.addi %scan3A_7, %scan3A_8 : i32
    %scan3A_10 = arith.constant 1 : i32
    scf.for %scan3A_13 = %scan3A_7 to %scan3A_9 step %scan3A_10  : i32 {
      %mul3A_14 = arith.constant 30 : i32
      %mul3A_15 = arith.muli %scan3A_13, %mul3A_14 : i32
      "tpu.region"() ({
        %run_scoped3A_90 = tpu.sem_alloc : memref<!tpu.dma_semaphore, #tpu.memory_space<semaphore_mem>>
        %dma_start3A_91 = arith.constant 0 : i32
        %dma_start3A_92 = arith.constant 0 : i32
        %dma_start3A_93 = tpu.memref_slice %arg3[%arg1, %dma_start3A_91, %dma_start3A_92] : memref<16x210x96xi32, #tpu.memory_space<hbm>> -> memref<1x210x96xi32, #tpu.memory_space<hbm>>
        %dma_start3A_94 = tpu.memref_squeeze %dma_start3A_93 : memref<1x210x96xi32, #tpu.memory_space<hbm>> -> memref<210x96xi32, #tpu.memory_space<hbm>>
        %dma_start3A_95 = arith.constant 0 : i32
        %dma_start3A_96 = tpu.memref_slice %dma_start3A_94[%mul3A_15, %dma_start3A_95] : memref<210x96xi32, #tpu.memory_space<hbm>> -> memref<30x96xi32, #tpu.memory_space<hbm>>
        %dma_start3A_97 = arith.constant 0 : i32
        %dma_start3A_98 = arith.constant 0 : i32
        %dma_start3A_99 = tpu.memref_slice %arg3[%arg1, %dma_start3A_97, %dma_start3A_98] : memref<16x210x96xi32, #tpu.memory_space<hbm>> -> memref<1x210x96xi32, #tpu.memory_space<hbm>>
        %dma_start3A_100 = tpu.memref_squeeze %dma_start3A_99 : memref<1x210x96xi32, #tpu.memory_space<hbm>> -> memref<210x96xi32, #tpu.memory_space<hbm>>
        %dma_start3A_101 = arith.constant 0 : i32
        %dma_start3A_102 = tpu.memref_slice %dma_start3A_100[%mul3A_15, %dma_start3A_101] : memref<210x96xi32, #tpu.memory_space<hbm>> -> memref<30x96xi32, #tpu.memory_space<hbm>>
        tpu.enqueue_dma source(%dma_start3A_102 : memref<30x96xi32, #tpu.memory_space<hbm>>) target(%arg7 : memref<30x96xi32, #tpu.memory_space<vmem>>) target_semaphore(%run_scoped3A_90 : memref<!tpu.dma_semaphore, #tpu.memory_space<semaphore_mem>>)
        %dma_wait3A_103 = arith.constant 0 : i32
        %dma_wait3A_104 = arith.constant 0 : i32
        %dma_wait3A_105 = tpu.memref_slice %arg3[%arg1, %dma_wait3A_103, %dma_wait3A_104] : memref<16x210x96xi32, #tpu.memory_space<hbm>> -> memref<1x210x96xi32, #tpu.memory_space<hbm>>
        %dma_wait3A_106 = tpu.memref_squeeze %dma_wait3A_105 : memref<1x210x96xi32, #tpu.memory_space<hbm>> -> memref<210x96xi32, #tpu.memory_space<hbm>>
        %dma_wait3A_107 = arith.constant 0 : i32
        %dma_wait3A_108 = tpu.memref_slice %dma_wait3A_106[%mul3A_15, %dma_wait3A_107] : memref<210x96xi32, #tpu.memory_space<hbm>> -> memref<30x96xi32, #tpu.memory_space<hbm>>
        %dma_wait3A_109 = arith.constant 0 : i32
        %dma_wait3A_110 = arith.constant 0 : i32
        %dma_wait3A_111 = tpu.memref_slice %arg3[%arg1, %dma_wait3A_109, %dma_wait3A_110] : memref<16x210x96xi32, #tpu.memory_space<hbm>> -> memref<1x210x96xi32, #tpu.memory_space<hbm>>
        %dma_wait3A_112 = tpu.memref_squeeze %dma_wait3A_111 : memref<1x210x96xi32, #tpu.memory_space<hbm>> -> memref<210x96xi32, #tpu.memory_space<hbm>>
        %dma_wait3A_113 = arith.constant 0 : i32
        %dma_wait3A_114 = tpu.memref_slice %dma_wait3A_112[%mul3A_15, %dma_wait3A_113] : memref<210x96xi32, #tpu.memory_space<hbm>> -> memref<30x96xi32, #tpu.memory_space<hbm>>
        tpu.wait_dma2 semaphore(%run_scoped3A_90 : memref<!tpu.dma_semaphore, #tpu.memory_space<semaphore_mem>>) src(%dma_wait3A_114 : memref<30x96xi32, #tpu.memory_space<hbm>>) dst(%arg7 : memref<30x96xi32, #tpu.memory_space<vmem>>)
        tpu.yield
      }) : () -> ()
      %mul3A_16 = arith.constant 30 : i32
      %mul3A_17 = arith.muli %scan3A_13, %mul3A_16 : i32
      "tpu.region"() ({
        %run_scoped3A_90 = tpu.sem_alloc : memref<!tpu.dma_semaphore, #tpu.memory_space<semaphore_mem>>
        %dma_start3A_91 = arith.constant 0 : i32
        %dma_start3A_92 = arith.constant 0 : i32
        %dma_start3A_93 = tpu.memref_slice %arg4[%arg1, %dma_start3A_91, %dma_start3A_92] : memref<16x210x96xi32, #tpu.memory_space<hbm>> -> memref<1x210x96xi32, #tpu.memory_space<hbm>>
        %dma_start3A_94 = tpu.memref_squeeze %dma_start3A_93 : memref<1x210x96xi32, #tpu.memory_space<hbm>> -> memref<210x96xi32, #tpu.memory_space<hbm>>
        %dma_start3A_95 = arith.constant 0 : i32
        %dma_start3A_96 = tpu.memref_slice %dma_start3A_94[%mul3A_17, %dma_start3A_95] : memref<210x96xi32, #tpu.memory_space<hbm>> -> memref<30x96xi32, #tpu.memory_space<hbm>>
        %dma_start3A_97 = arith.constant 0 : i32
        %dma_start3A_98 = arith.constant 0 : i32
        %dma_start3A_99 = tpu.memref_slice %arg4[%arg1, %dma_start3A_97, %dma_start3A_98] : memref<16x210x96xi32, #tpu.memory_space<hbm>> -> memref<1x210x96xi32, #tpu.memory_space<hbm>>
        %dma_start3A_100 = tpu.memref_squeeze %dma_start3A_99 : memref<1x210x96xi32, #tpu.memory_space<hbm>> -> memref<210x96xi32, #tpu.memory_space<hbm>>
        %dma_start3A_101 = arith.constant 0 : i32
        %dma_start3A_102 = tpu.memref_slice %dma_start3A_100[%mul3A_17, %dma_start3A_101] : memref<210x96xi32, #tpu.memory_space<hbm>> -> memref<30x96xi32, #tpu.memory_space<hbm>>
        tpu.enqueue_dma source(%dma_start3A_102 : memref<30x96xi32, #tpu.memory_space<hbm>>) target(%arg8 : memref<30x96xi32, #tpu.memory_space<vmem>>) target_semaphore(%run_scoped3A_90 : memref<!tpu.dma_semaphore, #tpu.memory_space<semaphore_mem>>)
        %dma_wait3A_103 = arith.constant 0 : i32
        %dma_wait3A_104 = arith.constant 0 : i32
        %dma_wait3A_105 = tpu.memref_slice %arg4[%arg1, %dma_wait3A_103, %dma_wait3A_104] : memref<16x210x96xi32, #tpu.memory_space<hbm>> -> memref<1x210x96xi32, #tpu.memory_space<hbm>>
        %dma_wait3A_106 = tpu.memref_squeeze %dma_wait3A_105 : memref<1x210x96xi32, #tpu.memory_space<hbm>> -> memref<210x96xi32, #tpu.memory_space<hbm>>
        %dma_wait3A_107 = arith.constant 0 : i32
        %dma_wait3A_108 = tpu.memref_slice %dma_wait3A_106[%mul3A_17, %dma_wait3A_107] : memref<210x96xi32, #tpu.memory_space<hbm>> -> memref<30x96xi32, #tpu.memory_space<hbm>>
        %dma_wait3A_109 = arith.constant 0 : i32
        %dma_wait3A_110 = arith.constant 0 : i32
        %dma_wait3A_111 = tpu.memref_slice %arg4[%arg1, %dma_wait3A_109, %dma_wait3A_110] : memref<16x210x96xi32, #tpu.memory_space<hbm>> -> memref<1x210x96xi32, #tpu.memory_space<hbm>>
        %dma_wait3A_112 = tpu.memref_squeeze %dma_wait3A_111 : memref<1x210x96xi32, #tpu.memory_space<hbm>> -> memref<210x96xi32, #tpu.memory_space<hbm>>
        %dma_wait3A_113 = arith.constant 0 : i32
        %dma_wait3A_114 = tpu.memref_slice %dma_wait3A_112[%mul3A_17, %dma_wait3A_113] : memref<210x96xi32, #tpu.memory_space<hbm>> -> memref<30x96xi32, #tpu.memory_space<hbm>>
        tpu.wait_dma2 semaphore(%run_scoped3A_90 : memref<!tpu.dma_semaphore, #tpu.memory_space<semaphore_mem>>) src(%dma_wait3A_114 : memref<30x96xi32, #tpu.memory_space<hbm>>) dst(%arg8 : memref<30x96xi32, #tpu.memory_space<vmem>>)
        tpu.yield
      }) : () -> ()
      %dma_start3A = arith.constant 0 : i32
      %dma_start3A_18 = arith.constant 0 : i32
      %dma_start3A_19 = tpu.memref_slice %arg7[%dma_start3A, %dma_start3A_18] : memref<30x96xi32, #tpu.memory_space<vmem>> -> memref<1x96xi32, #tpu.memory_space<vmem>>
      %dma_start3A_20 = tpu.memref_squeeze %dma_start3A_19 : memref<1x96xi32, #tpu.memory_space<vmem>> -> memref<96xi32, #tpu.memory_space<vmem>>
      %dma_start3A_21 = arith.constant 0 : i32
      %dma_start3A_22 = arith.constant 0 : i32
      %dma_start3A_23 = tpu.memref_slice %arg2[%arg0, %dma_start3A_21, %dma_start3A_22] : memref<2x10000x128xi16, #tpu.memory_space<hbm>> -> memref<1x10000x128xi16, #tpu.memory_space<hbm>>
      %dma_start3A_24 = tpu.memref_squeeze %dma_start3A_23 : memref<1x10000x128xi16, #tpu.memory_space<hbm>> -> memref<10000x128xi16, #tpu.memory_space<hbm>>
      %dma_start3A_25 = arith.constant 0 : i32
      %dma_start3A_26 = arith.constant 0 : i32
      %dma_start3A_27 = tpu.memref_slice %dma_start3A_24[%dma_start3A_25, %dma_start3A_26] : memref<10000x128xi16, #tpu.memory_space<hbm>> -> memref<10000x128xi16, #tpu.memory_space<hbm>>
      tpu.enqueue_indirect_dma source(%dma_start3A_27 : memref<10000x128xi16, #tpu.memory_space<hbm>>) target(%arg9 : memref<96x128xi16, #tpu.memory_space<vmem>>) offsets(%dma_start3A_20 : memref<96xi32, #tpu.memory_space<vmem>>) semaphore(%arg14 : memref<!tpu.dma_semaphore, #tpu.memory_space<semaphore_mem>>)
      %dma_start3A_28 = arith.constant 1 : i32
      %dma_start3A_29 = arith.constant 0 : i32
      %dma_start3A_30 = tpu.memref_slice %arg7[%dma_start3A_28, %dma_start3A_29] : memref<30x96xi32, #tpu.memory_space<vmem>> -> memref<1x96xi32, #tpu.memory_space<vmem>>
      %dma_start3A_31 = tpu.memref_squeeze %dma_start3A_30 : memref<1x96xi32, #tpu.memory_space<vmem>> -> memref<96xi32, #tpu.memory_space<vmem>>
      %dma_start3A_32 = arith.constant 0 : i32
      %dma_start3A_33 = arith.constant 0 : i32
      %dma_start3A_34 = tpu.memref_slice %arg2[%arg0, %dma_start3A_32, %dma_start3A_33] : memref<2x10000x128xi16, #tpu.memory_space<hbm>> -> memref<1x10000x128xi16, #tpu.memory_space<hbm>>
      %dma_start3A_35 = tpu.memref_squeeze %dma_start3A_34 : memref<1x10000x128xi16, #tpu.memory_space<hbm>> -> memref<10000x128xi16, #tpu.memory_space<hbm>>
      %dma_start3A_36 = arith.constant 0 : i32
      %dma_start3A_37 = arith.constant 0 : i32
      %dma_start3A_38 = tpu.memref_slice %dma_start3A_35[%dma_start3A_36, %dma_start3A_37] : memref<10000x128xi16, #tpu.memory_space<hbm>> -> memref<10000x128xi16, #tpu.memory_space<hbm>>
      tpu.enqueue_indirect_dma source(%dma_start3A_38 : memref<10000x128xi16, #tpu.memory_space<hbm>>) target(%arg10 : memref<96x128xi16, #tpu.memory_space<vmem>>) offsets(%dma_start3A_31 : memref<96xi32, #tpu.memory_space<vmem>>) semaphore(%arg15 : memref<!tpu.dma_semaphore, #tpu.memory_space<semaphore_mem>>)
      %scan3A_39 = arith.constant 0 : i32
      %scan3A_40 = arith.constant 0 : i32
      %scan3A_41 = arith.constant 9 : i32
      %scan3A_42 = arith.addi %scan3A_40, %scan3A_41 : i32
      %scan3A_43 = arith.constant 1 : i32
      scf.for %scan3A_90 = %scan3A_40 to %scan3A_42 step %scan3A_43  : i32 {
        %mul3A_91 = arith.constant 3 : i32
        %mul3A_92 = arith.muli %scan3A_90, %mul3A_91 : i32
        %add3A = arith.constant 0 : i32
        %add3A_93 = arith.addi %mul3A_92, %add3A : i32
        %dma_wait3A_94 = arith.constant 0 : i32
        %dma_wait3A_95 = tpu.memref_slice %arg7[%add3A_93, %dma_wait3A_94] : memref<30x96xi32, #tpu.memory_space<vmem>> -> memref<1x96xi32, #tpu.memory_space<vmem>>
        %dma_wait3A_96 = tpu.memref_squeeze %dma_wait3A_95 : memref<1x96xi32, #tpu.memory_space<vmem>> -> memref<96xi32, #tpu.memory_space<vmem>>
        %dma_wait3A_97 = arith.constant 0 : i32
        %dma_wait3A_98 = arith.constant 0 : i32
        %dma_wait3A_99 = tpu.memref_slice %arg2[%arg0, %dma_wait3A_97, %dma_wait3A_98] : memref<2x10000x128xi16, #tpu.memory_space<hbm>> -> memref<1x10000x128xi16, #tpu.memory_space<hbm>>
        %dma_wait3A_100 = tpu.memref_squeeze %dma_wait3A_99 : memref<1x10000x128xi16, #tpu.memory_space<hbm>> -> memref<10000x128xi16, #tpu.memory_space<hbm>>
        %dma_wait3A_101 = arith.constant 0 : i32
        %dma_wait3A_102 = arith.constant 0 : i32
        %dma_wait3A_103 = tpu.memref_slice %dma_wait3A_100[%dma_wait3A_101, %dma_wait3A_102] : memref<10000x128xi16, #tpu.memory_space<hbm>> -> memref<10000x128xi16, #tpu.memory_space<hbm>>
        tpu.wait_indirect_dma semaphore(%arg14 : memref<!tpu.dma_semaphore, #tpu.memory_space<semaphore_mem>>) src(%dma_wait3A_103 : memref<10000x128xi16, #tpu.memory_space<hbm>>) dst(%arg9 : memref<96x128xi16, #tpu.memory_space<vmem>>)
        %add3A_104 = arith.constant 2 : i32
        %add3A_105 = arith.addi %add3A_93, %add3A_104 : i32
        %dma_start3A_106 = arith.constant 0 : i32
        %dma_start3A_107 = tpu.memref_slice %arg7[%add3A_105, %dma_start3A_106] : memref<30x96xi32, #tpu.memory_space<vmem>> -> memref<1x96xi32, #tpu.memory_space<vmem>>
        %dma_start3A_108 = tpu.memref_squeeze %dma_start3A_107 : memref<1x96xi32, #tpu.memory_space<vmem>> -> memref<96xi32, #tpu.memory_space<vmem>>
        %dma_start3A_109 = arith.constant 0 : i32
        %dma_start3A_110 = arith.constant 0 : i32
        %dma_start3A_111 = tpu.memref_slice %arg2[%arg0, %dma_start3A_109, %dma_start3A_110] : memref<2x10000x128xi16, #tpu.memory_space<hbm>> -> memref<1x10000x128xi16, #tpu.memory_space<hbm>>
        %dma_start3A_112 = tpu.memref_squeeze %dma_start3A_111 : memref<1x10000x128xi16, #tpu.memory_space<hbm>> -> memref<10000x128xi16, #tpu.memory_space<hbm>>
        %dma_start3A_113 = arith.constant 0 : i32
        %dma_start3A_114 = arith.constant 0 : i32
        %dma_start3A_115 = tpu.memref_slice %dma_start3A_112[%dma_start3A_113, %dma_start3A_114] : memref<10000x128xi16, #tpu.memory_space<hbm>> -> memref<10000x128xi16, #tpu.memory_space<hbm>>
        tpu.enqueue_indirect_dma source(%dma_start3A_115 : memref<10000x128xi16, #tpu.memory_space<hbm>>) target(%arg11 : memref<96x128xi16, #tpu.memory_space<vmem>>) offsets(%dma_start3A_108 : memref<96xi32, #tpu.memory_space<vmem>>) semaphore(%arg16 : memref<!tpu.dma_semaphore, #tpu.memory_space<semaphore_mem>>)
        "tpu.region"() ({
          %run_scoped3A_168 = tpu.sem_alloc : memref<!tpu.dma_semaphore, #tpu.memory_space<semaphore_mem>>
          %dma_start3A_169 = arith.constant 0 : i32
          %dma_start3A_170 = tpu.memref_slice %arg8[%add3A_93, %dma_start3A_169] : memref<30x96xi32, #tpu.memory_space<vmem>> -> memref<1x96xi32, #tpu.memory_space<vmem>>
          %dma_start3A_171 = tpu.memref_squeeze %dma_start3A_170 : memref<1x96xi32, #tpu.memory_space<vmem>> -> memref<96xi32, #tpu.memory_space<vmem>>
          %dma_start3A_172 = arith.constant 0 : i32
          %dma_start3A_173 = arith.constant 0 : i32
          %dma_start3A_174 = tpu.memref_slice %arg13[%dma_start3A_172, %dma_start3A_173] : memref<10240x128xi16, #tpu.memory_space<vmem_shared>> -> memref<10240x128xi16, #tpu.memory_space<vmem_shared>>
          tpu.enqueue_indirect_dma source(%arg9 : memref<96x128xi16, #tpu.memory_space<vmem>>) target(%dma_start3A_174 : memref<10240x128xi16, #tpu.memory_space<vmem_shared>>) offsets(%dma_start3A_171 : memref<96xi32, #tpu.memory_space<vmem>>) semaphore(%run_scoped3A_168 : memref<!tpu.dma_semaphore, #tpu.memory_space<semaphore_mem>>) {add = true}
          %dma_wait3A_175 = arith.constant 0 : i32
          %dma_wait3A_176 = tpu.memref_slice %arg8[%add3A_93, %dma_wait3A_175] : memref<30x96xi32, #tpu.memory_space<vmem>> -> memref<1x96xi32, #tpu.memory_space<vmem>>
          %dma_wait3A_177 = tpu.memref_squeeze %dma_wait3A_176 : memref<1x96xi32, #tpu.memory_space<vmem>> -> memref<96xi32, #tpu.memory_space<vmem>>
          %dma_wait3A_178 = arith.constant 0 : i32
          %dma_wait3A_179 = arith.constant 0 : i32
          %dma_wait3A_180 = tpu.memref_slice %arg13[%dma_wait3A_178, %dma_wait3A_179] : memref<10240x128xi16, #tpu.memory_space<vmem_shared>> -> memref<10240x128xi16, #tpu.memory_space<vmem_shared>>
          tpu.wait_indirect_dma semaphore(%run_scoped3A_168 : memref<!tpu.dma_semaphore, #tpu.memory_space<semaphore_mem>>) src(%arg9 : memref<96x128xi16, #tpu.memory_space<vmem>>) dst(%dma_wait3A_180 : memref<10240x128xi16, #tpu.memory_space<vmem_shared>>)
          tpu.yield
        }) : () -> ()
        %mul3A_116 = arith.constant 3 : i32
        %mul3A_117 = arith.muli %scan3A_90, %mul3A_116 : i32
        %add3A_118 = arith.constant 1 : i32
        %add3A_119 = arith.addi %mul3A_117, %add3A_118 : i32
        %dma_wait3A_120 = arith.constant 0 : i32
        %dma_wait3A_121 = tpu.memref_slice %arg7[%add3A_119, %dma_wait3A_120] : memref<30x96xi32, #tpu.memory_space<vmem>> -> memref<1x96xi32, #tpu.memory_space<vmem>>
        %dma_wait3A_122 = tpu.memref_squeeze %dma_wait3A_121 : memref<1x96xi32, #tpu.memory_space<vmem>> -> memref<96xi32, #tpu.memory_space<vmem>>
        %dma_wait3A_123 = arith.constant 0 : i32
        %dma_wait3A_124 = arith.constant 0 : i32
        %dma_wait3A_125 = tpu.memref_slice %arg2[%arg0, %dma_wait3A_123, %dma_wait3A_124] : memref<2x10000x128xi16, #tpu.memory_space<hbm>> -> memref<1x10000x128xi16, #tpu.memory_space<hbm>>
        %dma_wait3A_126 = tpu.memref_squeeze %dma_wait3A_125 : memref<1x10000x128xi16, #tpu.memory_space<hbm>> -> memref<10000x128xi16, #tpu.memory_space<hbm>>
        %dma_wait3A_127 = arith.constant 0 : i32
        %dma_wait3A_128 = arith.constant 0 : i32
        %dma_wait3A_129 = tpu.memref_slice %dma_wait3A_126[%dma_wait3A_127, %dma_wait3A_128] : memref<10000x128xi16, #tpu.memory_space<hbm>> -> memref<10000x128xi16, #tpu.memory_space<hbm>>
        tpu.wait_indirect_dma semaphore(%arg15 : memref<!tpu.dma_semaphore, #tpu.memory_space<semaphore_mem>>) src(%dma_wait3A_129 : memref<10000x128xi16, #tpu.memory_space<hbm>>) dst(%arg10 : memref<96x128xi16, #tpu.memory_space<vmem>>)
        %add3A_130 = arith.constant 2 : i32
        %add3A_131 = arith.addi %add3A_119, %add3A_130 : i32
        %dma_start3A_132 = arith.constant 0 : i32
        %dma_start3A_133 = tpu.memref_slice %arg7[%add3A_131, %dma_start3A_132] : memref<30x96xi32, #tpu.memory_space<vmem>> -> memref<1x96xi32, #tpu.memory_space<vmem>>
        %dma_start3A_134 = tpu.memref_squeeze %dma_start3A_133 : memref<1x96xi32, #tpu.memory_space<vmem>> -> memref<96xi32, #tpu.memory_space<vmem>>
        %dma_start3A_135 = arith.constant 0 : i32
        %dma_start3A_136 = arith.constant 0 : i32
        %dma_start3A_137 = tpu.memref_slice %arg2[%arg0, %dma_start3A_135, %dma_start3A_136] : memref<2x10000x128xi16, #tpu.memory_space<hbm>> -> memref<1x10000x128xi16, #tpu.memory_space<hbm>>
        %dma_start3A_138 = tpu.memref_squeeze %dma_start3A_137 : memref<1x10000x128xi16, #tpu.memory_space<hbm>> -> memref<10000x128xi16, #tpu.memory_space<hbm>>
        %dma_start3A_139 = arith.constant 0 : i32
        %dma_start3A_140 = arith.constant 0 : i32
        %dma_start3A_141 = tpu.memref_slice %dma_start3A_138[%dma_start3A_139, %dma_start3A_140] : memref<10000x128xi16, #tpu.memory_space<hbm>> -> memref<10000x128xi16, #tpu.memory_space<hbm>>
        tpu.enqueue_indirect_dma source(%dma_start3A_141 : memref<10000x128xi16, #tpu.memory_space<hbm>>) target(%arg9 : memref<96x128xi16, #tpu.memory_space<vmem>>) offsets(%dma_start3A_134 : memref<96xi32, #tpu.memory_space<vmem>>) semaphore(%arg14 : memref<!tpu.dma_semaphore, #tpu.memory_space<semaphore_mem>>)
        "tpu.region"() ({
          %run_scoped3A_168 = tpu.sem_alloc : memref<!tpu.dma_semaphore, #tpu.memory_space<semaphore_mem>>
          %dma_start3A_169 = arith.constant 0 : i32
          %dma_start3A_170 = tpu.memref_slice %arg8[%add3A_119, %dma_start3A_169] : memref<30x96xi32, #tpu.memory_space<vmem>> -> memref<1x96xi32, #tpu.memory_space<vmem>>
          %dma_start3A_171 = tpu.memref_squeeze %dma_start3A_170 : memref<1x96xi32, #tpu.memory_space<vmem>> -> memref<96xi32, #tpu.memory_space<vmem>>
          %dma_start3A_172 = arith.constant 0 : i32
          %dma_start3A_173 = arith.constant 0 : i32
          %dma_start3A_174 = tpu.memref_slice %arg13[%dma_start3A_172, %dma_start3A_173] : memref<10240x128xi16, #tpu.memory_space<vmem_shared>> -> memref<10240x128xi16, #tpu.memory_space<vmem_shared>>
          tpu.enqueue_indirect_dma source(%arg10 : memref<96x128xi16, #tpu.memory_space<vmem>>) target(%dma_start3A_174 : memref<10240x128xi16, #tpu.memory_space<vmem_shared>>) offsets(%dma_start3A_171 : memref<96xi32, #tpu.memory_space<vmem>>) semaphore(%run_scoped3A_168 : memref<!tpu.dma_semaphore, #tpu.memory_space<semaphore_mem>>) {add = true}
          %dma_wait3A_175 = arith.constant 0 : i32
          %dma_wait3A_176 = tpu.memref_slice %arg8[%add3A_119, %dma_wait3A_175] : memref<30x96xi32, #tpu.memory_space<vmem>> -> memref<1x96xi32, #tpu.memory_space<vmem>>
          %dma_wait3A_177 = tpu.memref_squeeze %dma_wait3A_176 : memref<1x96xi32, #tpu.memory_space<vmem>> -> memref<96xi32, #tpu.memory_space<vmem>>
          %dma_wait3A_178 = arith.constant 0 : i32
          %dma_wait3A_179 = arith.constant 0 : i32
          %dma_wait3A_180 = tpu.memref_slice %arg13[%dma_wait3A_178, %dma_wait3A_179] : memref<10240x128xi16, #tpu.memory_space<vmem_shared>> -> memref<10240x128xi16, #tpu.memory_space<vmem_shared>>
          tpu.wait_indirect_dma semaphore(%run_scoped3A_168 : memref<!tpu.dma_semaphore, #tpu.memory_space<semaphore_mem>>) src(%arg10 : memref<96x128xi16, #tpu.memory_space<vmem>>) dst(%dma_wait3A_180 : memref<10240x128xi16, #tpu.memory_space<vmem_shared>>)
          tpu.yield
        }) : () -> ()
        %mul3A_142 = arith.constant 3 : i32
        %mul3A_143 = arith.muli %scan3A_90, %mul3A_142 : i32
        %add3A_144 = arith.constant 2 : i32
        %add3A_145 = arith.addi %mul3A_143, %add3A_144 : i32
        %dma_wait3A_146 = arith.constant 0 : i32
        %dma_wait3A_147 = tpu.memref_slice %arg7[%add3A_145, %dma_wait3A_146] : memref<30x96xi32, #tpu.memory_space<vmem>> -> memref<1x96xi32, #tpu.memory_space<vmem>>
        %dma_wait3A_148 = tpu.memref_squeeze %dma_wait3A_147 : memref<1x96xi32, #tpu.memory_space<vmem>> -> memref<96xi32, #tpu.memory_space<vmem>>
        %dma_wait3A_149 = arith.constant 0 : i32
        %dma_wait3A_150 = arith.constant 0 : i32
        %dma_wait3A_151 = tpu.memref_slice %arg2[%arg0, %dma_wait3A_149, %dma_wait3A_150] : memref<2x10000x128xi16, #tpu.memory_space<hbm>> -> memref<1x10000x128xi16, #tpu.memory_space<hbm>>
        %dma_wait3A_152 = tpu.memref_squeeze %dma_wait3A_151 : memref<1x10000x128xi16, #tpu.memory_space<hbm>> -> memref<10000x128xi16, #tpu.memory_space<hbm>>
        %dma_wait3A_153 = arith.constant 0 : i32
        %dma_wait3A_154 = arith.constant 0 : i32
        %dma_wait3A_155 = tpu.memref_slice %dma_wait3A_152[%dma_wait3A_153, %dma_wait3A_154] : memref<10000x128xi16, #tpu.memory_space<hbm>> -> memref<10000x128xi16, #tpu.memory_space<hbm>>
        tpu.wait_indirect_dma semaphore(%arg16 : memref<!tpu.dma_semaphore, #tpu.memory_space<semaphore_mem>>) src(%dma_wait3A_155 : memref<10000x128xi16, #tpu.memory_space<hbm>>) dst(%arg11 : memref<96x128xi16, #tpu.memory_space<vmem>>)
        %add3A_156 = arith.constant 2 : i32
        %add3A_157 = arith.addi %add3A_145, %add3A_156 : i32
        %dma_start3A_158 = arith.constant 0 : i32
        %dma_start3A_159 = tpu.memref_slice %arg7[%add3A_157, %dma_start3A_158] : memref<30x96xi32, #tpu.memory_space<vmem>> -> memref<1x96xi32, #tpu.memory_space<vmem>>
        %dma_start3A_160 = tpu.memref_squeeze %dma_start3A_159 : memref<1x96xi32, #tpu.memory_space<vmem>> -> memref<96xi32, #tpu.memory_space<vmem>>
        %dma_start3A_161 = arith.constant 0 : i32
        %dma_start3A_162 = arith.constant 0 : i32
        %dma_start3A_163 = tpu.memref_slice %arg2[%arg0, %dma_start3A_161, %dma_start3A_162] : memref<2x10000x128xi16, #tpu.memory_space<hbm>> -> memref<1x10000x128xi16, #tpu.memory_space<hbm>>
        %dma_start3A_164 = tpu.memref_squeeze %dma_start3A_163 : memref<1x10000x128xi16, #tpu.memory_space<hbm>> -> memref<10000x128xi16, #tpu.memory_space<hbm>>
        %dma_start3A_165 = arith.constant 0 : i32
        %dma_start3A_166 = arith.constant 0 : i32
        %dma_start3A_167 = tpu.memref_slice %dma_start3A_164[%dma_start3A_165, %dma_start3A_166] : memref<10000x128xi16, #tpu.memory_space<hbm>> -> memref<10000x128xi16, #tpu.memory_space<hbm>>
        tpu.enqueue_indirect_dma source(%dma_start3A_167 : memref<10000x128xi16, #tpu.memory_space<hbm>>) target(%arg10 : memref<96x128xi16, #tpu.memory_space<vmem>>) offsets(%dma_start3A_160 : memref<96xi32, #tpu.memory_space<vmem>>) semaphore(%arg15 : memref<!tpu.dma_semaphore, #tpu.memory_space<semaphore_mem>>)
        "tpu.region"() ({
          %run_scoped3A_168 = tpu.sem_alloc : memref<!tpu.dma_semaphore, #tpu.memory_space<semaphore_mem>>
          %dma_start3A_169 = arith.constant 0 : i32
          %dma_start3A_170 = tpu.memref_slice %arg8[%add3A_145, %dma_start3A_169] : memref<30x96xi32, #tpu.memory_space<vmem>> -> memref<1x96xi32, #tpu.memory_space<vmem>>
          %dma_start3A_171 = tpu.memref_squeeze %dma_start3A_170 : memref<1x96xi32, #tpu.memory_space<vmem>> -> memref<96xi32, #tpu.memory_space<vmem>>
          %dma_start3A_172 = arith.constant 0 : i32
          %dma_start3A_173 = arith.constant 0 : i32
          %dma_start3A_174 = tpu.memref_slice %arg13[%dma_start3A_172, %dma_start3A_173] : memref<10240x128xi16, #tpu.memory_space<vmem_shared>> -> memref<10240x128xi16, #tpu.memory_space<vmem_shared>>
          tpu.enqueue_indirect_dma source(%arg11 : memref<96x128xi16, #tpu.memory_space<vmem>>) target(%dma_start3A_174 : memref<10240x128xi16, #tpu.memory_space<vmem_shared>>) offsets(%dma_start3A_171 : memref<96xi32, #tpu.memory_space<vmem>>) semaphore(%run_scoped3A_168 : memref<!tpu.dma_semaphore, #tpu.memory_space<semaphore_mem>>) {add = true}
          %dma_wait3A_175 = arith.constant 0 : i32
          %dma_wait3A_176 = tpu.memref_slice %arg8[%add3A_145, %dma_wait3A_175] : memref<30x96xi32, #tpu.memory_space<vmem>> -> memref<1x96xi32, #tpu.memory_space<vmem>>
          %dma_wait3A_177 = tpu.memref_squeeze %dma_wait3A_176 : memref<1x96xi32, #tpu.memory_space<vmem>> -> memref<96xi32, #tpu.memory_space<vmem>>
          %dma_wait3A_178 = arith.constant 0 : i32
          %dma_wait3A_179 = arith.constant 0 : i32
          %dma_wait3A_180 = tpu.memref_slice %arg13[%dma_wait3A_178, %dma_wait3A_179] : memref<10240x128xi16, #tpu.memory_space<vmem_shared>> -> memref<10240x128xi16, #tpu.memory_space<vmem_shared>>
          tpu.wait_indirect_dma semaphore(%run_scoped3A_168 : memref<!tpu.dma_semaphore, #tpu.memory_space<semaphore_mem>>) src(%arg11 : memref<96x128xi16, #tpu.memory_space<vmem>>) dst(%dma_wait3A_180 : memref<10240x128xi16, #tpu.memory_space<vmem_shared>>)
          tpu.yield
        }) : () -> ()
      }
      %scan3A_44 = arith.constant 9 : i32
      %dma_wait3A = arith.constant 27 : i32
      %dma_wait3A_45 = arith.constant 0 : i32
      %dma_wait3A_46 = tpu.memref_slice %arg7[%dma_wait3A, %dma_wait3A_45] : memref<30x96xi32, #tpu.memory_space<vmem>> -> memref<1x96xi32, #tpu.memory_space<vmem>>
      %dma_wait3A_47 = tpu.memref_squeeze %dma_wait3A_46 : memref<1x96xi32, #tpu.memory_space<vmem>> -> memref<96xi32, #tpu.memory_space<vmem>>
      %dma_wait3A_48 = arith.constant 0 : i32
      %dma_wait3A_49 = arith.constant 0 : i32
      %dma_wait3A_50 = tpu.memref_slice %arg2[%arg0, %dma_wait3A_48, %dma_wait3A_49] : memref<2x10000x128xi16, #tpu.memory_space<hbm>> -> memref<1x10000x128xi16, #tpu.memory_space<hbm>>
      %dma_wait3A_51 = tpu.memref_squeeze %dma_wait3A_50 : memref<1x10000x128xi16, #tpu.memory_space<hbm>> -> memref<10000x128xi16, #tpu.memory_space<hbm>>
      %dma_wait3A_52 = arith.constant 0 : i32
      %dma_wait3A_53 = arith.constant 0 : i32
      %dma_wait3A_54 = tpu.memref_slice %dma_wait3A_51[%dma_wait3A_52, %dma_wait3A_53] : memref<10000x128xi16, #tpu.memory_space<hbm>> -> memref<10000x128xi16, #tpu.memory_space<hbm>>
      tpu.wait_indirect_dma semaphore(%arg14 : memref<!tpu.dma_semaphore, #tpu.memory_space<semaphore_mem>>) src(%dma_wait3A_54 : memref<10000x128xi16, #tpu.memory_space<hbm>>) dst(%arg9 : memref<96x128xi16, #tpu.memory_space<vmem>>)
      %dma_start3A_55 = arith.constant 29 : i32
      %dma_start3A_56 = arith.constant 0 : i32
      %dma_start3A_57 = tpu.memref_slice %arg7[%dma_start3A_55, %dma_start3A_56] : memref<30x96xi32, #tpu.memory_space<vmem>> -> memref<1x96xi32, #tpu.memory_space<vmem>>
      %dma_start3A_58 = tpu.memref_squeeze %dma_start3A_57 : memref<1x96xi32, #tpu.memory_space<vmem>> -> memref<96xi32, #tpu.memory_space<vmem>>
      %dma_start3A_59 = arith.constant 0 : i32
      %dma_start3A_60 = arith.constant 0 : i32
      %dma_start3A_61 = tpu.memref_slice %arg2[%arg0, %dma_start3A_59, %dma_start3A_60] : memref<2x10000x128xi16, #tpu.memory_space<hbm>> -> memref<1x10000x128xi16, #tpu.memory_space<hbm>>
      %dma_start3A_62 = tpu.memref_squeeze %dma_start3A_61 : memref<1x10000x128xi16, #tpu.memory_space<hbm>> -> memref<10000x128xi16, #tpu.memory_space<hbm>>
      %dma_start3A_63 = arith.constant 0 : i32
      %dma_start3A_64 = arith.constant 0 : i32
      %dma_start3A_65 = tpu.memref_slice %dma_start3A_62[%dma_start3A_63, %dma_start3A_64] : memref<10000x128xi16, #tpu.memory_space<hbm>> -> memref<10000x128xi16, #tpu.memory_space<hbm>>
      tpu.enqueue_indirect_dma source(%dma_start3A_65 : memref<10000x128xi16, #tpu.memory_space<hbm>>) target(%arg11 : memref<96x128xi16, #tpu.memory_space<vmem>>) offsets(%dma_start3A_58 : memref<96xi32, #tpu.memory_space<vmem>>) semaphore(%arg16 : memref<!tpu.dma_semaphore, #tpu.memory_space<semaphore_mem>>)
      %run_scoped3A = arith.constant 27 : i32
      "tpu.region"() ({
        %run_scoped3A_90 = tpu.sem_alloc : memref<!tpu.dma_semaphore, #tpu.memory_space<semaphore_mem>>
        %dma_start3A_91 = arith.constant 0 : i32
        %dma_start3A_92 = tpu.memref_slice %arg8[%run_scoped3A, %dma_start3A_91] : memref<30x96xi32, #tpu.memory_space<vmem>> -> memref<1x96xi32, #tpu.memory_space<vmem>>
        %dma_start3A_93 = tpu.memref_squeeze %dma_start3A_92 : memref<1x96xi32, #tpu.memory_space<vmem>> -> memref<96xi32, #tpu.memory_space<vmem>>
        %dma_start3A_94 = arith.constant 0 : i32
        %dma_start3A_95 = arith.constant 0 : i32
        %dma_start3A_96 = tpu.memref_slice %arg13[%dma_start3A_94, %dma_start3A_95] : memref<10240x128xi16, #tpu.memory_space<vmem_shared>> -> memref<10240x128xi16, #tpu.memory_space<vmem_shared>>
        tpu.enqueue_indirect_dma source(%arg9 : memref<96x128xi16, #tpu.memory_space<vmem>>) target(%dma_start3A_96 : memref<10240x128xi16, #tpu.memory_space<vmem_shared>>) offsets(%dma_start3A_93 : memref<96xi32, #tpu.memory_space<vmem>>) semaphore(%run_scoped3A_90 : memref<!tpu.dma_semaphore, #tpu.memory_space<semaphore_mem>>) {add = true}
        %dma_wait3A_97 = arith.constant 0 : i32
        %dma_wait3A_98 = tpu.memref_slice %arg8[%run_scoped3A, %dma_wait3A_97] : memref<30x96xi32, #tpu.memory_space<vmem>> -> memref<1x96xi32, #tpu.memory_space<vmem>>
        %dma_wait3A_99 = tpu.memref_squeeze %dma_wait3A_98 : memref<1x96xi32, #tpu.memory_space<vmem>> -> memref<96xi32, #tpu.memory_space<vmem>>
        %dma_wait3A_100 = arith.constant 0 : i32
        %dma_wait3A_101 = arith.constant 0 : i32
        %dma_wait3A_102 = tpu.memref_slice %arg13[%dma_wait3A_100, %dma_wait3A_101] : memref<10240x128xi16, #tpu.memory_space<vmem_shared>> -> memref<10240x128xi16, #tpu.memory_space<vmem_shared>>
        tpu.wait_indirect_dma semaphore(%run_scoped3A_90 : memref<!tpu.dma_semaphore, #tpu.memory_space<semaphore_mem>>) src(%arg9 : memref<96x128xi16, #tpu.memory_space<vmem>>) dst(%dma_wait3A_102 : memref<10240x128xi16, #tpu.memory_space<vmem_shared>>)
        tpu.yield
      }) : () -> ()
      %dma_wait3A_66 = arith.constant 28 : i32
      %dma_wait3A_67 = arith.constant 0 : i32
      %dma_wait3A_68 = tpu.memref_slice %arg7[%dma_wait3A_66, %dma_wait3A_67] : memref<30x96xi32, #tpu.memory_space<vmem>> -> memref<1x96xi32, #tpu.memory_space<vmem>>
      %dma_wait3A_69 = tpu.memref_squeeze %dma_wait3A_68 : memref<1x96xi32, #tpu.memory_space<vmem>> -> memref<96xi32, #tpu.memory_space<vmem>>
      %dma_wait3A_70 = arith.constant 0 : i32
      %dma_wait3A_71 = arith.constant 0 : i32
      %dma_wait3A_72 = tpu.memref_slice %arg2[%arg0, %dma_wait3A_70, %dma_wait3A_71] : memref<2x10000x128xi16, #tpu.memory_space<hbm>> -> memref<1x10000x128xi16, #tpu.memory_space<hbm>>
      %dma_wait3A_73 = tpu.memref_squeeze %dma_wait3A_72 : memref<1x10000x128xi16, #tpu.memory_space<hbm>> -> memref<10000x128xi16, #tpu.memory_space<hbm>>
      %dma_wait3A_74 = arith.constant 0 : i32
      %dma_wait3A_75 = arith.constant 0 : i32
      %dma_wait3A_76 = tpu.memref_slice %dma_wait3A_73[%dma_wait3A_74, %dma_wait3A_75] : memref<10000x128xi16, #tpu.memory_space<hbm>> -> memref<10000x128xi16, #tpu.memory_space<hbm>>
      tpu.wait_indirect_dma semaphore(%arg15 : memref<!tpu.dma_semaphore, #tpu.memory_space<semaphore_mem>>) src(%dma_wait3A_76 : memref<10000x128xi16, #tpu.memory_space<hbm>>) dst(%arg10 : memref<96x128xi16, #tpu.memory_space<vmem>>)
      %run_scoped3A_77 = arith.constant 28 : i32
      "tpu.region"() ({
        %run_scoped3A_90 = tpu.sem_alloc : memref<!tpu.dma_semaphore, #tpu.memory_space<semaphore_mem>>
        %dma_start3A_91 = arith.constant 0 : i32
        %dma_start3A_92 = tpu.memref_slice %arg8[%run_scoped3A_77, %dma_start3A_91] : memref<30x96xi32, #tpu.memory_space<vmem>> -> memref<1x96xi32, #tpu.memory_space<vmem>>
        %dma_start3A_93 = tpu.memref_squeeze %dma_start3A_92 : memref<1x96xi32, #tpu.memory_space<vmem>> -> memref<96xi32, #tpu.memory_space<vmem>>
        %dma_start3A_94 = arith.constant 0 : i32
        %dma_start3A_95 = arith.constant 0 : i32
        %dma_start3A_96 = tpu.memref_slice %arg13[%dma_start3A_94, %dma_start3A_95] : memref<10240x128xi16, #tpu.memory_space<vmem_shared>> -> memref<10240x128xi16, #tpu.memory_space<vmem_shared>>
        tpu.enqueue_indirect_dma source(%arg10 : memref<96x128xi16, #tpu.memory_space<vmem>>) target(%dma_start3A_96 : memref<10240x128xi16, #tpu.memory_space<vmem_shared>>) offsets(%dma_start3A_93 : memref<96xi32, #tpu.memory_space<vmem>>) semaphore(%run_scoped3A_90 : memref<!tpu.dma_semaphore, #tpu.memory_space<semaphore_mem>>) {add = true}
        %dma_wait3A_97 = arith.constant 0 : i32
        %dma_wait3A_98 = tpu.memref_slice %arg8[%run_scoped3A_77, %dma_wait3A_97] : memref<30x96xi32, #tpu.memory_space<vmem>> -> memref<1x96xi32, #tpu.memory_space<vmem>>
        %dma_wait3A_99 = tpu.memref_squeeze %dma_wait3A_98 : memref<1x96xi32, #tpu.memory_space<vmem>> -> memref<96xi32, #tpu.memory_space<vmem>>
        %dma_wait3A_100 = arith.constant 0 : i32
        %dma_wait3A_101 = arith.constant 0 : i32
        %dma_wait3A_102 = tpu.memref_slice %arg13[%dma_wait3A_100, %dma_wait3A_101] : memref<10240x128xi16, #tpu.memory_space<vmem_shared>> -> memref<10240x128xi16, #tpu.memory_space<vmem_shared>>
        tpu.wait_indirect_dma semaphore(%run_scoped3A_90 : memref<!tpu.dma_semaphore, #tpu.memory_space<semaphore_mem>>) src(%arg10 : memref<96x128xi16, #tpu.memory_space<vmem>>) dst(%dma_wait3A_102 : memref<10240x128xi16, #tpu.memory_space<vmem_shared>>)
        tpu.yield
      }) : () -> ()
      %dma_wait3A_78 = arith.constant 29 : i32
      %dma_wait3A_79 = arith.constant 0 : i32
      %dma_wait3A_80 = tpu.memref_slice %arg7[%dma_wait3A_78, %dma_wait3A_79] : memref<30x96xi32, #tpu.memory_space<vmem>> -> memref<1x96xi32, #tpu.memory_space<vmem>>
      %dma_wait3A_81 = tpu.memref_squeeze %dma_wait3A_80 : memref<1x96xi32, #tpu.memory_space<vmem>> -> memref<96xi32, #tpu.memory_space<vmem>>
      %dma_wait3A_82 = arith.constant 0 : i32
      %dma_wait3A_83 = arith.constant 0 : i32
      %dma_wait3A_84 = tpu.memref_slice %arg2[%arg0, %dma_wait3A_82, %dma_wait3A_83] : memref<2x10000x128xi16, #tpu.memory_space<hbm>> -> memref<1x10000x128xi16, #tpu.memory_space<hbm>>
      %dma_wait3A_85 = tpu.memref_squeeze %dma_wait3A_84 : memref<1x10000x128xi16, #tpu.memory_space<hbm>> -> memref<10000x128xi16, #tpu.memory_space<hbm>>
      %dma_wait3A_86 = arith.constant 0 : i32
      %dma_wait3A_87 = arith.constant 0 : i32
      %dma_wait3A_88 = tpu.memref_slice %dma_wait3A_85[%dma_wait3A_86, %dma_wait3A_87] : memref<10000x128xi16, #tpu.memory_space<hbm>> -> memref<10000x128xi16, #tpu.memory_space<hbm>>
      tpu.wait_indirect_dma semaphore(%arg16 : memref<!tpu.dma_semaphore, #tpu.memory_space<semaphore_mem>>) src(%dma_wait3A_88 : memref<10000x128xi16, #tpu.memory_space<hbm>>) dst(%arg11 : memref<96x128xi16, #tpu.memory_space<vmem>>)
      %run_scoped3A_89 = arith.constant 29 : i32
      "tpu.region"() ({
        %run_scoped3A_90 = tpu.sem_alloc : memref<!tpu.dma_semaphore, #tpu.memory_space<semaphore_mem>>
        %dma_start3A_91 = arith.constant 0 : i32
        %dma_start3A_92 = tpu.memref_slice %arg8[%run_scoped3A_89, %dma_start3A_91] : memref<30x96xi32, #tpu.memory_space<vmem>> -> memref<1x96xi32, #tpu.memory_space<vmem>>
        %dma_start3A_93 = tpu.memref_squeeze %dma_start3A_92 : memref<1x96xi32, #tpu.memory_space<vmem>> -> memref<96xi32, #tpu.memory_space<vmem>>
        %dma_start3A_94 = arith.constant 0 : i32
        %dma_start3A_95 = arith.constant 0 : i32
        %dma_start3A_96 = tpu.memref_slice %arg13[%dma_start3A_94, %dma_start3A_95] : memref<10240x128xi16, #tpu.memory_space<vmem_shared>> -> memref<10240x128xi16, #tpu.memory_space<vmem_shared>>
        tpu.enqueue_indirect_dma source(%arg11 : memref<96x128xi16, #tpu.memory_space<vmem>>) target(%dma_start3A_96 : memref<10240x128xi16, #tpu.memory_space<vmem_shared>>) offsets(%dma_start3A_93 : memref<96xi32, #tpu.memory_space<vmem>>) semaphore(%run_scoped3A_90 : memref<!tpu.dma_semaphore, #tpu.memory_space<semaphore_mem>>) {add = true}
        %dma_wait3A_97 = arith.constant 0 : i32
        %dma_wait3A_98 = tpu.memref_slice %arg8[%run_scoped3A_89, %dma_wait3A_97] : memref<30x96xi32, #tpu.memory_space<vmem>> -> memref<1x96xi32, #tpu.memory_space<vmem>>
        %dma_wait3A_99 = tpu.memref_squeeze %dma_wait3A_98 : memref<1x96xi32, #tpu.memory_space<vmem>> -> memref<96xi32, #tpu.memory_space<vmem>>
        %dma_wait3A_100 = arith.constant 0 : i32
        %dma_wait3A_101 = arith.constant 0 : i32
        %dma_wait3A_102 = tpu.memref_slice %arg13[%dma_wait3A_100, %dma_wait3A_101] : memref<10240x128xi16, #tpu.memory_space<vmem_shared>> -> memref<10240x128xi16, #tpu.memory_space<vmem_shared>>
        tpu.wait_indirect_dma semaphore(%run_scoped3A_90 : memref<!tpu.dma_semaphore, #tpu.memory_space<semaphore_mem>>) src(%arg11 : memref<96x128xi16, #tpu.memory_space<vmem>>) dst(%dma_wait3A_102 : memref<10240x128xi16, #tpu.memory_space<vmem_shared>>)
        tpu.yield
      }) : () -> ()
    }
    %scan3A_11 = arith.constant 7 : i32
    %barrier3A_12 = arith.constant 0 : index
    tpu.barrier barrier_id(%barrier3A_12)
    "tpu.region"() ({
      %run_scoped3A = tpu.sem_alloc : memref<!tpu.dma_semaphore, #tpu.memory_space<semaphore_mem>>
      %dma_start3A = arith.constant 0 : i32
      %dma_start3A_13 = arith.constant 0 : i32
      %dma_start3A_14 = tpu.memref_slice %arg6[%arg0, %dma_start3A, %dma_start3A_13] : memref<2x10240x128xi16, #tpu.memory_space<hbm>> -> memref<1x10240x128xi16, #tpu.memory_space<hbm>>
      %dma_start3A_15 = tpu.memref_squeeze %dma_start3A_14 : memref<1x10240x128xi16, #tpu.memory_space<hbm>> -> memref<10240x128xi16, #tpu.memory_space<hbm>>
      %dma_start3A_16 = arith.constant 0 : i32
      %dma_start3A_17 = tpu.memref_slice %dma_start3A_15[%mul3A_0, %dma_start3A_16] : memref<10240x128xi16, #tpu.memory_space<hbm>> -> memref<640x128xi16, #tpu.memory_space<hbm>>
      %dma_start3A_18 = arith.constant 0 : i32
      %dma_start3A_19 = tpu.memref_slice %arg13[%mul3A_0, %dma_start3A_18] : memref<10240x128xi16, #tpu.memory_space<vmem_shared>> -> memref<640x128xi16, #tpu.memory_space<vmem_shared>>
      tpu.enqueue_dma source(%dma_start3A_19 : memref<640x128xi16, #tpu.memory_space<vmem_shared>>) target(%dma_start3A_17 : memref<640x128xi16, #tpu.memory_space<hbm>>) target_semaphore(%run_scoped3A : memref<!tpu.dma_semaphore, #tpu.memory_space<semaphore_mem>>)
      %dma_wait3A = arith.constant 0 : i32
      %dma_wait3A_20 = arith.constant 0 : i32
      %dma_wait3A_21 = tpu.memref_slice %arg6[%arg0, %dma_wait3A, %dma_wait3A_20] : memref<2x10240x128xi16, #tpu.memory_space<hbm>> -> memref<1x10240x128xi16, #tpu.memory_space<hbm>>
      %dma_wait3A_22 = tpu.memref_squeeze %dma_wait3A_21 : memref<1x10240x128xi16, #tpu.memory_space<hbm>> -> memref<10240x128xi16, #tpu.memory_space<hbm>>
      %dma_wait3A_23 = arith.constant 0 : i32
      %dma_wait3A_24 = tpu.memref_slice %dma_wait3A_22[%mul3A_0, %dma_wait3A_23] : memref<10240x128xi16, #tpu.memory_space<hbm>> -> memref<640x128xi16, #tpu.memory_space<hbm>>
      %dma_wait3A_25 = arith.constant 0 : i32
      %dma_wait3A_26 = tpu.memref_slice %arg13[%mul3A_0, %dma_wait3A_25] : memref<10240x128xi16, #tpu.memory_space<vmem_shared>> -> memref<640x128xi16, #tpu.memory_space<vmem_shared>>
      tpu.wait_dma2 semaphore(%run_scoped3A : memref<!tpu.dma_semaphore, #tpu.memory_space<semaphore_mem>>) src(%dma_wait3A_26 : memref<640x128xi16, #tpu.memory_space<vmem_shared>>) dst(%dma_wait3A_24 : memref<640x128xi16, #tpu.memory_space<hbm>>)
      tpu.yield
    }) : () -> ()
    return
  }
}

module attributes {stable_mosaic.version = 14 : i64} {
  func.func @tc_in_proj(%arg0: i32, %arg1: memref<1000x128xf32, #tpu.memory_space<vmem>>, %arg2: memref<128x512xf32, #tpu.memory_space<vmem>>, %arg3: memref<1x512xf32, #tpu.memory_space<vmem>>, %arg4: memref<512x256xf32, #tpu.memory_space<vmem>>, %arg5: memref<1x256xf32, #tpu.memory_space<vmem>>, %arg6: memref<1x256xf32, #tpu.memory_space<vmem>>, %arg7: memref<1x256xf32, #tpu.memory_space<vmem>>, %arg8: memref<1x256xf32, #tpu.memory_space<vmem>>, %arg9: memref<1x256xf32, #tpu.memory_space<vmem>>, %arg10: memref<256x256xf32, #tpu.memory_space<vmem>>, %arg11: memref<1x256xf32, #tpu.memory_space<vmem>>, %arg12: memref<256x256xf32, #tpu.memory_space<vmem>>, %arg13: memref<1x1xf32, #tpu.memory_space<vmem>>, %arg14: memref<1000x256xf32, #tpu.memory_space<vmem>>, %arg15: memref<2x1000x128xi16, #tpu.memory_space<vmem>>, %arg16: memref<1000x256xf32, #tpu.memory_space<vmem>>) attributes {dimension_semantics = [#tpu.dimension_semantics<arbitrary>], iteration_bounds = array<i64: 10>, scalar_prefetch = 0 : i64, scratch_operands = 0 : i64, tpu.core_type = #tpu.core_type<tc>, window_params = [{transform_indices = @transform_0, window_bounds = array<i64: 1000, 128>}, {pipeline_mode = #tpu.pipeline_mode<synchronous>, transform_indices = @transform_1, window_bounds = array<i64: 128, 512>}, {pipeline_mode = #tpu.pipeline_mode<synchronous>, transform_indices = @transform_2, window_bounds = array<i64: 1, 512>}, {pipeline_mode = #tpu.pipeline_mode<synchronous>, transform_indices = @transform_3, window_bounds = array<i64: 512, 256>}, {pipeline_mode = #tpu.pipeline_mode<synchronous>, transform_indices = @transform_4, window_bounds = array<i64: 1, 256>}, {pipeline_mode = #tpu.pipeline_mode<synchronous>, transform_indices = @transform_5, window_bounds = array<i64: 1, 256>}, {pipeline_mode = #tpu.pipeline_mode<synchronous>, transform_indices = @transform_6, window_bounds = array<i64: 1, 256>}, {pipeline_mode = #tpu.pipeline_mode<synchronous>, transform_indices = @transform_7, window_bounds = array<i64: 1, 256>}, {pipeline_mode = #tpu.pipeline_mode<synchronous>, transform_indices = @transform_8, window_bounds = array<i64: 1, 256>}, {pipeline_mode = #tpu.pipeline_mode<synchronous>, transform_indices = @transform_9, window_bounds = array<i64: 256, 256>}, {pipeline_mode = #tpu.pipeline_mode<synchronous>, transform_indices = @transform_10, window_bounds = array<i64: 1, 256>}, {pipeline_mode = #tpu.pipeline_mode<synchronous>, transform_indices = @transform_11, window_bounds = array<i64: 256, 256>}, {pipeline_mode = #tpu.pipeline_mode<synchronous>, transform_indices = @transform_12, window_bounds = array<i64: 1, 1>}, {transform_indices = @transform_13, window_bounds = array<i64: 1000, 256>}, {transform_indices = @transform_14, window_bounds = array<i64: 2, 1000, 128>}, {transform_indices = @transform_15, window_bounds = array<i64: 1000, 256>}]} {
    %get3A = arith.constant 0 : index
    %get3A_0 = arith.constant 0 : index
    %get3A_1 = vector.load %arg1[%get3A, %get3A_0] : memref<1000x128xf32, #tpu.memory_space<vmem>>, vector<1000x128xf32>
    %get3A_2 = arith.constant 0 : index
    %get3A_3 = arith.constant 0 : index
    %get3A_4 = vector.load %arg2[%get3A_2, %get3A_3] : memref<128x512xf32, #tpu.memory_space<vmem>>, vector<128x512xf32>
    %dot_general3A = arith.constant dense<0.000000e+00> : vector<1000x512xf32>
    %dot_general3A_5 = tpu.matmul %get3A_1, %get3A_4, %dot_general3A {dimension_numbers = #tpu.dot_dimension_numbers<[1], [0], [0], [1], [0, 0, 1, 1], [], []>, transpose_lhs_hint = false} : vector<1000x128xf32>, vector<128x512xf32>, vector<1000x512xf32> -> vector<1000x512xf32>
    %get3A_6 = arith.constant 0 : index
    %get3A_7 = arith.constant 0 : index
    %get3A_8 = vector.load %arg3[%get3A_6, %get3A_7] : memref<1x512xf32, #tpu.memory_space<vmem>>, vector<1x512xf32>
    %add3A = vector.broadcast %get3A_8 : vector<1x512xf32> to vector<1000x512xf32>
    %add3A_9 = arith.addf %dot_general3A_5, %add3A : vector<1000x512xf32>
    %mul3A = arith.constant 5.000000e-01 : f32
    %mul3A_10 = vector.broadcast %mul3A : f32 to vector<1000x512xf32>
    %mul3A_11 = arith.mulf %mul3A_10, %add3A_9 : vector<1000x512xf32>
    %mul3A_12 = arith.constant 0.707106769 : f32
    %mul3A_13 = vector.broadcast %mul3A_12 : f32 to vector<1000x512xf32>
    %mul3A_14 = arith.mulf %add3A_9, %mul3A_13 : vector<1000x512xf32>
    %erf3A = math.erf %mul3A_14 : vector<1000x512xf32>
    %add3A_15 = arith.constant 1.000000e+00 : f32
    %add3A_16 = vector.broadcast %add3A_15 : f32 to vector<1000x512xf32>
    %add3A_17 = arith.addf %add3A_16, %erf3A : vector<1000x512xf32>
    %mul3A_18 = arith.mulf %mul3A_11, %add3A_17 : vector<1000x512xf32>
    %get3A_19 = arith.constant 0 : index
    %get3A_20 = arith.constant 0 : index
    %get3A_21 = vector.load %arg4[%get3A_19, %get3A_20] : memref<512x256xf32, #tpu.memory_space<vmem>>, vector<512x256xf32>
    %dot_general3A_22 = arith.constant dense<0.000000e+00> : vector<1000x256xf32>
    %dot_general3A_23 = tpu.matmul %mul3A_18, %get3A_21, %dot_general3A_22 {dimension_numbers = #tpu.dot_dimension_numbers<[1], [0], [0], [1], [0, 0, 1, 1], [], []>, transpose_lhs_hint = false} : vector<1000x512xf32>, vector<512x256xf32>, vector<1000x256xf32> -> vector<1000x256xf32>
    %get3A_24 = arith.constant 0 : index
    %get3A_25 = arith.constant 0 : index
    %get3A_26 = vector.load %arg5[%get3A_24, %get3A_25] : memref<1x256xf32, #tpu.memory_space<vmem>>, vector<1x256xf32>
    %add3A_27 = vector.broadcast %get3A_26 : vector<1x256xf32> to vector<1000x256xf32>
    %add3A_28 = arith.addf %dot_general3A_23, %add3A_27 : vector<1000x256xf32>
    %get3A_29 = arith.constant 0 : index
    %get3A_30 = arith.constant 0 : index
    %get3A_31 = vector.load %arg6[%get3A_29, %get3A_30] : memref<1x256xf32, #tpu.memory_space<vmem>>, vector<1x256xf32>
    %get3A_32 = arith.constant 0 : index
    %get3A_33 = arith.constant 0 : index
    %get3A_34 = vector.load %arg7[%get3A_32, %get3A_33] : memref<1x256xf32, #tpu.memory_space<vmem>>, vector<1x256xf32>
    %reduce_sum3A = arith.constant dense<0.000000e+00> : vector<1000xf32>
    %reduce_sum3A_35 = vector.multi_reduction <add>, %add3A_28, %reduce_sum3A [1] : vector<1000x256xf32> to vector<1000xf32>
    %broadcast_in_dim3A = vector.shape_cast %reduce_sum3A_35 : vector<1000xf32> to vector<1000x1xf32>
    %div3A = arith.constant 2.560000e+02 : f32
    %div3A_36 = vector.broadcast %div3A : f32 to vector<1000x1xf32>
    %div3A_37 = arith.divf %broadcast_in_dim3A, %div3A_36 : vector<1000x1xf32>
    %sub3A = vector.broadcast %div3A_37 : vector<1000x1xf32> to vector<1000x256xf32>
    %sub3A_38 = arith.subf %add3A_28, %sub3A : vector<1000x256xf32>
    %integer_pow3A = arith.mulf %sub3A_38, %sub3A_38 : vector<1000x256xf32>
    %reduce_sum3A_39 = arith.constant dense<0.000000e+00> : vector<1000xf32>
    %reduce_sum3A_40 = vector.multi_reduction <add>, %integer_pow3A, %reduce_sum3A_39 [1] : vector<1000x256xf32> to vector<1000xf32>
    %broadcast_in_dim3A_41 = vector.shape_cast %reduce_sum3A_40 : vector<1000xf32> to vector<1000x1xf32>
    %div3A_42 = arith.constant 2.560000e+02 : f32
    %div3A_43 = vector.broadcast %div3A_42 : f32 to vector<1000x1xf32>
    %div3A_44 = arith.divf %broadcast_in_dim3A_41, %div3A_43 : vector<1000x1xf32>
    %sub3A_45 = vector.broadcast %div3A_37 : vector<1000x1xf32> to vector<1000x256xf32>
    %sub3A_46 = arith.subf %add3A_28, %sub3A_45 : vector<1000x256xf32>
    %add3A_47 = arith.constant 9.99999974E-6 : f32
    %add3A_48 = vector.broadcast %add3A_47 : f32 to vector<1000x1xf32>
    %add3A_49 = arith.addf %div3A_44, %add3A_48 : vector<1000x1xf32>
    %sqrt3A = math.sqrt %add3A_49 : vector<1000x1xf32>
    %div3A_50 = vector.broadcast %sqrt3A : vector<1000x1xf32> to vector<1000x256xf32>
    %div3A_51 = arith.divf %sub3A_46, %div3A_50 : vector<1000x256xf32>
    %mul3A_52 = vector.broadcast %get3A_31 : vector<1x256xf32> to vector<1000x256xf32>
    %mul3A_53 = arith.mulf %div3A_51, %mul3A_52 : vector<1000x256xf32>
    %add3A_54 = vector.broadcast %get3A_34 : vector<1x256xf32> to vector<1000x256xf32>
    %add3A_55 = arith.addf %mul3A_53, %add3A_54 : vector<1000x256xf32>
    %swap3A = arith.constant 0 : index
    %swap3A_56 = arith.constant 0 : index
    %swap3A_57 = vector.load %arg14[%swap3A, %swap3A_56] : memref<1000x256xf32, #tpu.memory_space<vmem>>, vector<1000x256xf32>
    tpu.vector_store %arg14[%swap3A, %swap3A_56], %add3A_55 {strides = array<i32>} : memref<1000x256xf32, #tpu.memory_space<vmem>>, vector<1000x256xf32>,
    %get3A_58 = arith.constant 0 : index
    %get3A_59 = arith.constant 0 : index
    %get3A_60 = vector.load %arg8[%get3A_58, %get3A_59] : memref<1x256xf32, #tpu.memory_space<vmem>>, vector<1x256xf32>
    %get3A_61 = arith.constant 0 : index
    %get3A_62 = arith.constant 0 : index
    %get3A_63 = vector.load %arg9[%get3A_61, %get3A_62] : memref<1x256xf32, #tpu.memory_space<vmem>>, vector<1x256xf32>
    %reduce_sum3A_64 = arith.constant dense<0.000000e+00> : vector<1000xf32>
    %reduce_sum3A_65 = vector.multi_reduction <add>, %add3A_55, %reduce_sum3A_64 [1] : vector<1000x256xf32> to vector<1000xf32>
    %broadcast_in_dim3A_66 = vector.shape_cast %reduce_sum3A_65 : vector<1000xf32> to vector<1000x1xf32>
    %div3A_67 = arith.constant 2.560000e+02 : f32
    %div3A_68 = vector.broadcast %div3A_67 : f32 to vector<1000x1xf32>
    %div3A_69 = arith.divf %broadcast_in_dim3A_66, %div3A_68 : vector<1000x1xf32>
    %sub3A_70 = vector.broadcast %div3A_69 : vector<1000x1xf32> to vector<1000x256xf32>
    %sub3A_71 = arith.subf %add3A_55, %sub3A_70 : vector<1000x256xf32>
    %integer_pow3A_72 = arith.mulf %sub3A_71, %sub3A_71 : vector<1000x256xf32>
    %reduce_sum3A_73 = arith.constant dense<0.000000e+00> : vector<1000xf32>
    %reduce_sum3A_74 = vector.multi_reduction <add>, %integer_pow3A_72, %reduce_sum3A_73 [1] : vector<1000x256xf32> to vector<1000xf32>
    %broadcast_in_dim3A_75 = vector.shape_cast %reduce_sum3A_74 : vector<1000xf32> to vector<1000x1xf32>
    %div3A_76 = arith.constant 2.560000e+02 : f32
    %div3A_77 = vector.broadcast %div3A_76 : f32 to vector<1000x1xf32>
    %div3A_78 = arith.divf %broadcast_in_dim3A_75, %div3A_77 : vector<1000x1xf32>
    %sub3A_79 = vector.broadcast %div3A_69 : vector<1000x1xf32> to vector<1000x256xf32>
    %sub3A_80 = arith.subf %add3A_55, %sub3A_79 : vector<1000x256xf32>
    %add3A_81 = arith.constant 9.99999974E-6 : f32
    %add3A_82 = vector.broadcast %add3A_81 : f32 to vector<1000x1xf32>
    %add3A_83 = arith.addf %div3A_78, %add3A_82 : vector<1000x1xf32>
    %sqrt3A_84 = math.sqrt %add3A_83 : vector<1000x1xf32>
    %div3A_85 = vector.broadcast %sqrt3A_84 : vector<1000x1xf32> to vector<1000x256xf32>
    %div3A_86 = arith.divf %sub3A_80, %div3A_85 : vector<1000x256xf32>
    %mul3A_87 = vector.broadcast %get3A_60 : vector<1x256xf32> to vector<1000x256xf32>
    %mul3A_88 = arith.mulf %div3A_86, %mul3A_87 : vector<1000x256xf32>
    %add3A_89 = vector.broadcast %get3A_63 : vector<1x256xf32> to vector<1000x256xf32>
    %add3A_90 = arith.addf %mul3A_88, %add3A_89 : vector<1000x256xf32>
    %get3A_91 = arith.constant 0 : index
    %get3A_92 = arith.constant 0 : index
    %get3A_93 = vector.load %arg10[%get3A_91, %get3A_92] : memref<256x256xf32, #tpu.memory_space<vmem>>, vector<256x256xf32>
    %dot_general3A_94 = arith.constant dense<0.000000e+00> : vector<1000x256xf32>
    %dot_general3A_95 = tpu.matmul %add3A_90, %get3A_93, %dot_general3A_94 {dimension_numbers = #tpu.dot_dimension_numbers<[1], [0], [0], [1], [0, 0, 1, 1], [], []>, transpose_lhs_hint = false} : vector<1000x256xf32>, vector<256x256xf32>, vector<1000x256xf32> -> vector<1000x256xf32>
    %get3A_96 = arith.constant 0 : index
    %get3A_97 = arith.constant 0 : index
    %get3A_98 = vector.load %arg11[%get3A_96, %get3A_97] : memref<1x256xf32, #tpu.memory_space<vmem>>, vector<1x256xf32>
    %add3A_99 = vector.broadcast %get3A_98 : vector<1x256xf32> to vector<1000x256xf32>
    %add3A_100 = arith.addf %dot_general3A_95, %add3A_99 : vector<1000x256xf32>
    %max3A = arith.constant 0.000000e+00 : f32
    %max3A_101 = vector.broadcast %max3A : f32 to vector<1000x256xf32>
    %max3A_102 = arith.maximumf %add3A_100, %max3A_101 : vector<1000x256xf32>
    %get3A_103 = arith.constant 0 : index
    %get3A_104 = arith.constant 0 : index
    %get3A_105 = vector.load %arg13[%get3A_103, %get3A_104] : memref<1x1xf32, #tpu.memory_space<vmem>>, vector<1x1xf32>
    %get3A_106 = vector.extract %get3A_105[0, 0] : f32 from vector<1x1xf32>
    %mul3A_107 = vector.broadcast %get3A_106 : f32 to vector<1000x256xf32>
    %mul3A_108 = arith.mulf %max3A_102, %mul3A_107 : vector<1000x256xf32>
    %round3A = math.roundeven %mul3A_108 : vector<1000x256xf32>
    %convert_element_type3A = arith.fptosi %round3A : vector<1000x256xf32> to vector<1000x256xi16>
    %slice3A = vector.extract_strided_slice %convert_element_type3A {offsets = [0, 0], sizes = [1000, 128], strides = [1, 1]} : vector<1000x256xi16> to vector<1000x128xi16>
    %swap3A_109 = arith.constant 0 : index
    %swap3A_110 = arith.constant 0 : index
    %swap3A_111 = arith.constant 0 : index
    %swap3A_112 = vector.load %arg15[%swap3A_109, %swap3A_110, %swap3A_111] : memref<2x1000x128xi16, #tpu.memory_space<vmem>>, vector<1x1000x128xi16>
    %swap3A_113 = vector.shape_cast %swap3A_112 : vector<1x1000x128xi16> to vector<1000x128xi16>
    %swap3A_114 = vector.shape_cast %slice3A : vector<1000x128xi16> to vector<1x1000x128xi16>
    tpu.vector_store %arg15[%swap3A_109, %swap3A_110, %swap3A_111], %swap3A_114 {strides = array<i32>} : memref<2x1000x128xi16, #tpu.memory_space<vmem>>, vector<1x1000x128xi16>,
    %slice3A_115 = vector.extract_strided_slice %convert_element_type3A {offsets = [0, 128], sizes = [1000, 128], strides = [1, 1]} : vector<1000x256xi16> to vector<1000x128xi16>
    %swap3A_116 = arith.constant 1 : index
    %swap3A_117 = arith.constant 0 : index
    %swap3A_118 = arith.constant 0 : index
    %swap3A_119 = vector.load %arg15[%swap3A_116, %swap3A_117, %swap3A_118] : memref<2x1000x128xi16, #tpu.memory_space<vmem>>, vector<1x1000x128xi16>
    %swap3A_120 = vector.shape_cast %swap3A_119 : vector<1x1000x128xi16> to vector<1000x128xi16>
    %swap3A_121 = vector.shape_cast %slice3A_115 : vector<1000x128xi16> to vector<1x1000x128xi16>
    tpu.vector_store %arg15[%swap3A_116, %swap3A_117, %swap3A_118], %swap3A_121 {strides = array<i32>} : memref<2x1000x128xi16, #tpu.memory_space<vmem>>, vector<1x1000x128xi16>,
    %get3A_122 = arith.constant 0 : index
    %get3A_123 = arith.constant 0 : index
    %get3A_124 = vector.load %arg12[%get3A_122, %get3A_123] : memref<256x256xf32, #tpu.memory_space<vmem>>, vector<256x256xf32>
    %dot_general3A_125 = arith.constant dense<0.000000e+00> : vector<1000x256xf32>
    %dot_general3A_126 = tpu.matmul %add3A_90, %get3A_124, %dot_general3A_125 {dimension_numbers = #tpu.dot_dimension_numbers<[1], [0], [0], [1], [0, 0, 1, 1], [], []>, transpose_lhs_hint = false} : vector<1000x256xf32>, vector<256x256xf32>, vector<1000x256xf32> -> vector<1000x256xf32>
    %swap3A_127 = arith.constant 0 : index
    %swap3A_128 = arith.constant 0 : index
    %swap3A_129 = vector.load %arg16[%swap3A_127, %swap3A_128] : memref<1000x256xf32, #tpu.memory_space<vmem>>, vector<1000x256xf32>
    tpu.vector_store %arg16[%swap3A_127, %swap3A_128], %dot_general3A_126 {strides = array<i32>} : memref<1000x256xf32, #tpu.memory_space<vmem>>, vector<1000x256xf32>,
    return
  }
  func.func @transform_0(%arg0: i32) -> (i32, i32) {
    %c0_i32 = arith.constant 0 : i32
    %c0_i32_0 = arith.constant 0 : i32
    return %arg0, %c0_i32 : i32, i32
  }
  func.func @transform_1(%arg0: i32) -> (i32, i32) {
    %c0_i32 = arith.constant 0 : i32
    %c0_i32_0 = arith.constant 0 : i32
    %c0_i32_1 = arith.constant 0 : i32
    return %c0_i32, %c0_i32_0 : i32, i32
  }
  func.func @transform_2(%arg0: i32) -> (i32, i32) {
    %c0_i32 = arith.constant 0 : i32
    %c0_i32_0 = arith.constant 0 : i32
    %c0_i32_1 = arith.constant 0 : i32
    return %c0_i32, %c0_i32_0 : i32, i32
  }
  func.func @transform_3(%arg0: i32) -> (i32, i32) {
    %c0_i32 = arith.constant 0 : i32
    %c0_i32_0 = arith.constant 0 : i32
    %c0_i32_1 = arith.constant 0 : i32
    return %c0_i32, %c0_i32_0 : i32, i32
  }
  func.func @transform_4(%arg0: i32) -> (i32, i32) {
    %c0_i32 = arith.constant 0 : i32
    %c0_i32_0 = arith.constant 0 : i32
    %c0_i32_1 = arith.constant 0 : i32
    return %c0_i32, %c0_i32_0 : i32, i32
  }
  func.func @transform_5(%arg0: i32) -> (i32, i32) {
    %c0_i32 = arith.constant 0 : i32
    %c0_i32_0 = arith.constant 0 : i32
    %c0_i32_1 = arith.constant 0 : i32
    return %c0_i32, %c0_i32_0 : i32, i32
  }
  func.func @transform_6(%arg0: i32) -> (i32, i32) {
    %c0_i32 = arith.constant 0 : i32
    %c0_i32_0 = arith.constant 0 : i32
    %c0_i32_1 = arith.constant 0 : i32
    return %c0_i32, %c0_i32_0 : i32, i32
  }
  func.func @transform_7(%arg0: i32) -> (i32, i32) {
    %c0_i32 = arith.constant 0 : i32
    %c0_i32_0 = arith.constant 0 : i32
    %c0_i32_1 = arith.constant 0 : i32
    return %c0_i32, %c0_i32_0 : i32, i32
  }
  func.func @transform_8(%arg0: i32) -> (i32, i32) {
    %c0_i32 = arith.constant 0 : i32
    %c0_i32_0 = arith.constant 0 : i32
    %c0_i32_1 = arith.constant 0 : i32
    return %c0_i32, %c0_i32_0 : i32, i32
  }
  func.func @transform_9(%arg0: i32) -> (i32, i32) {
    %c0_i32 = arith.constant 0 : i32
    %c0_i32_0 = arith.constant 0 : i32
    %c0_i32_1 = arith.constant 0 : i32
    return %c0_i32, %c0_i32_0 : i32, i32
  }
  func.func @transform_10(%arg0: i32) -> (i32, i32) {
    %c0_i32 = arith.constant 0 : i32
    %c0_i32_0 = arith.constant 0 : i32
    %c0_i32_1 = arith.constant 0 : i32
    return %c0_i32, %c0_i32_0 : i32, i32
  }
  func.func @transform_11(%arg0: i32) -> (i32, i32) {
    %c0_i32 = arith.constant 0 : i32
    %c0_i32_0 = arith.constant 0 : i32
    %c0_i32_1 = arith.constant 0 : i32
    return %c0_i32, %c0_i32_0 : i32, i32
  }
  func.func @transform_12(%arg0: i32) -> (i32, i32) {
    %c0_i32 = arith.constant 0 : i32
    %c0_i32_0 = arith.constant 0 : i32
    %c0_i32_1 = arith.constant 0 : i32
    return %c0_i32, %c0_i32_0 : i32, i32
  }
  func.func @transform_13(%arg0: i32) -> (i32, i32) {
    %c0_i32 = arith.constant 0 : i32
    %c0_i32_0 = arith.constant 0 : i32
    return %arg0, %c0_i32 : i32, i32
  }
  func.func @transform_14(%arg0: i32) -> (i32, i32, i32) {
    %c0_i32 = arith.constant 0 : i32
    %c0_i32_0 = arith.constant 0 : i32
    %c0_i32_1 = arith.constant 0 : i32
    return %c0_i32, %arg0, %c0_i32_0 : i32, i32, i32
  }
  func.func @transform_15(%arg0: i32) -> (i32, i32) {
    %c0_i32 = arith.constant 0 : i32
    %c0_i32_0 = arith.constant 0 : i32
    return %arg0, %c0_i32 : i32, i32
  }
}

module attributes {stable_mosaic.version = 14 : i64} {
  func.func @tc_post(%arg0: i32, %arg1: memref<1000x256xf32, #tpu.memory_space<vmem>>, %arg2: memref<1000x256xf32, #tpu.memory_space<vmem>>, %arg3: memref<2x1000x128xi16, #tpu.memory_space<vmem>>, %arg4: memref<2x1000x16xf32, #tpu.memory_space<vmem>>, %arg5: memref<1x1xf32, #tpu.memory_space<vmem>>, %arg6: memref<1x1xf32, #tpu.memory_space<vmem>>, %arg7: memref<256x256xf32, #tpu.memory_space<vmem>>, %arg8: memref<1x256xf32, #tpu.memory_space<vmem>>, %arg9: memref<512x256xf32, #tpu.memory_space<vmem>>, %arg10: memref<1x256xf32, #tpu.memory_space<vmem>>, %arg11: memref<1x256xf32, #tpu.memory_space<vmem>>, %arg12: memref<1x256xf32, #tpu.memory_space<vmem>>, %arg13: memref<256x256xf32, #tpu.memory_space<vmem>>, %arg14: memref<1x256xf32, #tpu.memory_space<vmem>>, %arg15: memref<256x256xf32, #tpu.memory_space<vmem>>, %arg16: memref<1000x256xf32, #tpu.memory_space<vmem>>, %arg17: memref<2x1000x128xi16, #tpu.memory_space<vmem>>, %arg18: memref<1000x256xf32, #tpu.memory_space<vmem>>) attributes {dimension_semantics = [#tpu.dimension_semantics<arbitrary>], iteration_bounds = array<i64: 10>, scalar_prefetch = 0 : i64, scratch_operands = 0 : i64, tpu.core_type = #tpu.core_type<tc>, window_params = [{transform_indices = @transform_0, window_bounds = array<i64: 1000, 256>}, {transform_indices = @transform_1, window_bounds = array<i64: 1000, 256>}, {transform_indices = @transform_2, window_bounds = array<i64: 2, 1000, 128>}, {transform_indices = @transform_3, window_bounds = array<i64: 2, 1000, 16>}, {pipeline_mode = #tpu.pipeline_mode<synchronous>, transform_indices = @transform_4, window_bounds = array<i64: 1, 1>}, {pipeline_mode = #tpu.pipeline_mode<synchronous>, transform_indices = @transform_5, window_bounds = array<i64: 1, 1>}, {pipeline_mode = #tpu.pipeline_mode<synchronous>, transform_indices = @transform_6, window_bounds = array<i64: 256, 256>}, {pipeline_mode = #tpu.pipeline_mode<synchronous>, transform_indices = @transform_7, window_bounds = array<i64: 1, 256>}, {pipeline_mode = #tpu.pipeline_mode<synchronous>, transform_indices = @transform_8, window_bounds = array<i64: 512, 256>}, {pipeline_mode = #tpu.pipeline_mode<synchronous>, transform_indices = @transform_9, window_bounds = array<i64: 1, 256>}, {pipeline_mode = #tpu.pipeline_mode<synchronous>, transform_indices = @transform_10, window_bounds = array<i64: 1, 256>}, {pipeline_mode = #tpu.pipeline_mode<synchronous>, transform_indices = @transform_11, window_bounds = array<i64: 1, 256>}, {pipeline_mode = #tpu.pipeline_mode<synchronous>, transform_indices = @transform_12, window_bounds = array<i64: 256, 256>}, {pipeline_mode = #tpu.pipeline_mode<synchronous>, transform_indices = @transform_13, window_bounds = array<i64: 1, 256>}, {pipeline_mode = #tpu.pipeline_mode<synchronous>, transform_indices = @transform_14, window_bounds = array<i64: 256, 256>}, {transform_indices = @transform_15, window_bounds = array<i64: 1000, 256>}, {transform_indices = @transform_16, window_bounds = array<i64: 2, 1000, 128>}, {transform_indices = @transform_17, window_bounds = array<i64: 1000, 256>}]} {
    %get3A = arith.constant 0 : index
    %get3A_0 = arith.constant 0 : index
    %get3A_1 = arith.constant 0 : index
    %get3A_2 = vector.load %arg4[%get3A, %get3A_0, %get3A_1] : memref<2x1000x16xf32, #tpu.memory_space<vmem>>, vector<1x1000x1xf32>
    %get3A_3 = vector.shape_cast %get3A_2 : vector<1x1000x1xf32> to vector<1000x1xf32>
    %get3A_4 = arith.constant 1 : index
    %get3A_5 = arith.constant 0 : index
    %get3A_6 = arith.constant 0 : index
    %get3A_7 = vector.load %arg4[%get3A_4, %get3A_5, %get3A_6] : memref<2x1000x16xf32, #tpu.memory_space<vmem>>, vector<1x1000x1xf32>
    %get3A_8 = vector.shape_cast %get3A_7 : vector<1x1000x1xf32> to vector<1000x1xf32>
    %add3A = arith.addf %get3A_3, %get3A_8 : vector<1000x1xf32>
    %get3A_9 = arith.constant 0 : index
    %get3A_10 = arith.constant 0 : index
    %get3A_11 = arith.constant 0 : index
    %get3A_12 = vector.load %arg3[%get3A_9, %get3A_10, %get3A_11] : memref<2x1000x128xi16, #tpu.memory_space<vmem>>, vector<1x1000x128xi16>
    %get3A_13 = vector.shape_cast %get3A_12 : vector<1x1000x128xi16> to vector<1000x128xi16>
    %get3A_14 = arith.constant 1 : index
    %get3A_15 = arith.constant 0 : index
    %get3A_16 = arith.constant 0 : index
    %get3A_17 = vector.load %arg3[%get3A_14, %get3A_15, %get3A_16] : memref<2x1000x128xi16, #tpu.memory_space<vmem>>, vector<1x1000x128xi16>
    %get3A_18 = vector.shape_cast %get3A_17 : vector<1x1000x128xi16> to vector<1000x128xi16>
    %concatenate3A = tpu.concatenate %get3A_13, %get3A_18 in 1 : vector<1000x128xi16>, vector<1000x128xi16> -> vector<1000x256xi16>
    %convert_element_type3A = arith.sitofp %concatenate3A : vector<1000x256xi16> to vector<1000x256xf32>
    %get3A_19 = arith.constant 0 : index
    %get3A_20 = arith.constant 0 : index
    %get3A_21 = vector.load %arg5[%get3A_19, %get3A_20] : memref<1x1xf32, #tpu.memory_space<vmem>>, vector<1x1xf32>
    %get3A_22 = vector.extract %get3A_21[0, 0] : f32 from vector<1x1xf32>
    %max3A = arith.constant 1.000000e+00 : f32
    %max3A_23 = vector.broadcast %max3A : f32 to vector<1000x1xf32>
    %max3A_24 = arith.maximumf %add3A, %max3A_23 : vector<1000x1xf32>
    %div3A = vector.broadcast %get3A_22 : f32 to vector<1000x1xf32>
    %div3A_25 = arith.divf %div3A, %max3A_24 : vector<1000x1xf32>
    %mul3A = vector.broadcast %div3A_25 : vector<1000x1xf32> to vector<1000x256xf32>
    %mul3A_26 = arith.mulf %convert_element_type3A, %mul3A : vector<1000x256xf32>
    %get3A_27 = arith.constant 0 : index
    %get3A_28 = arith.constant 0 : index
    %get3A_29 = vector.load %arg7[%get3A_27, %get3A_28] : memref<256x256xf32, #tpu.memory_space<vmem>>, vector<256x256xf32>
    %dot_general3A = arith.constant dense<0.000000e+00> : vector<1000x256xf32>
    %dot_general3A_30 = tpu.matmul %mul3A_26, %get3A_29, %dot_general3A {dimension_numbers = #tpu.dot_dimension_numbers<[1], [0], [0], [1], [0, 0, 1, 1], [], []>, transpose_lhs_hint = false} : vector<1000x256xf32>, vector<256x256xf32>, vector<1000x256xf32> -> vector<1000x256xf32>
    %get3A_31 = arith.constant 0 : index
    %get3A_32 = arith.constant 0 : index
    %get3A_33 = vector.load %arg8[%get3A_31, %get3A_32] : memref<1x256xf32, #tpu.memory_space<vmem>>, vector<1x256xf32>
    %add3A_34 = vector.broadcast %get3A_33 : vector<1x256xf32> to vector<1000x256xf32>
    %add3A_35 = arith.addf %dot_general3A_30, %add3A_34 : vector<1000x256xf32>
    %get3A_36 = arith.constant 0 : index
    %get3A_37 = arith.constant 0 : index
    %get3A_38 = vector.load %arg2[%get3A_36, %get3A_37] : memref<1000x256xf32, #tpu.memory_space<vmem>>, vector<1000x256xf32>
    %add3A_39 = arith.addf %add3A_35, %get3A_38 : vector<1000x256xf32>
    %mul3A_40 = arith.mulf %add3A_39, %add3A_39 : vector<1000x256xf32>
    %reduce_sum3A = arith.constant dense<0.000000e+00> : vector<1000xf32>
    %reduce_sum3A_41 = vector.multi_reduction <add>, %mul3A_40, %reduce_sum3A [1] : vector<1000x256xf32> to vector<1000xf32>
    %broadcast_in_dim3A = vector.shape_cast %reduce_sum3A_41 : vector<1000xf32> to vector<1000x1xf32>
    %sqrt3A = math.sqrt %broadcast_in_dim3A : vector<1000x1xf32>
    %max3A_42 = arith.constant 9.99999996E-13 : f32
    %max3A_43 = vector.broadcast %max3A_42 : f32 to vector<1000x1xf32>
    %max3A_44 = arith.maximumf %sqrt3A, %max3A_43 : vector<1000x1xf32>
    %div3A_45 = vector.broadcast %max3A_44 : vector<1000x1xf32> to vector<1000x256xf32>
    %div3A_46 = arith.divf %add3A_39, %div3A_45 : vector<1000x256xf32>
    %get3A_47 = arith.constant 0 : index
    %get3A_48 = arith.constant 0 : index
    %get3A_49 = vector.load %arg1[%get3A_47, %get3A_48] : memref<1000x256xf32, #tpu.memory_space<vmem>>, vector<1000x256xf32>
    %mul3A_50 = arith.constant 5.000000e-01 : f32
    %mul3A_51 = vector.broadcast %mul3A_50 : f32 to vector<1000x256xf32>
    %mul3A_52 = arith.mulf %mul3A_51, %div3A_46 : vector<1000x256xf32>
    %mul3A_53 = arith.constant 0.707106769 : f32
    %mul3A_54 = vector.broadcast %mul3A_53 : f32 to vector<1000x256xf32>
    %mul3A_55 = arith.mulf %div3A_46, %mul3A_54 : vector<1000x256xf32>
    %erf3A = math.erf %mul3A_55 : vector<1000x256xf32>
    %add3A_56 = arith.constant 1.000000e+00 : f32
    %add3A_57 = vector.broadcast %add3A_56 : f32 to vector<1000x256xf32>
    %add3A_58 = arith.addf %add3A_57, %erf3A : vector<1000x256xf32>
    %mul3A_59 = arith.mulf %mul3A_52, %add3A_58 : vector<1000x256xf32>
    %add3A_60 = arith.addf %get3A_49, %mul3A_59 : vector<1000x256xf32>
    %get3A_61 = arith.constant 0 : index
    %get3A_62 = arith.constant 0 : index
    %get3A_63 = vector.load %arg1[%get3A_61, %get3A_62] : memref<1000x256xf32, #tpu.memory_space<vmem>>, vector<1000x256xf32>
    %concatenate3A_64 = tpu.concatenate %get3A_63, %add3A_60 in 1 : vector<1000x256xf32>, vector<1000x256xf32> -> vector<1000x512xf32>
    %get3A_65 = arith.constant 0 : index
    %get3A_66 = arith.constant 0 : index
    %get3A_67 = vector.load %arg9[%get3A_65, %get3A_66] : memref<512x256xf32, #tpu.memory_space<vmem>>, vector<512x256xf32>
    %dot_general3A_68 = arith.constant dense<0.000000e+00> : vector<1000x256xf32>
    %dot_general3A_69 = tpu.matmul %concatenate3A_64, %get3A_67, %dot_general3A_68 {dimension_numbers = #tpu.dot_dimension_numbers<[1], [0], [0], [1], [0, 0, 1, 1], [], []>, transpose_lhs_hint = false} : vector<1000x512xf32>, vector<512x256xf32>, vector<1000x256xf32> -> vector<1000x256xf32>
    %get3A_70 = arith.constant 0 : index
    %get3A_71 = arith.constant 0 : index
    %get3A_72 = vector.load %arg10[%get3A_70, %get3A_71] : memref<1x256xf32, #tpu.memory_space<vmem>>, vector<1x256xf32>
    %add3A_73 = vector.broadcast %get3A_72 : vector<1x256xf32> to vector<1000x256xf32>
    %add3A_74 = arith.addf %dot_general3A_69, %add3A_73 : vector<1000x256xf32>
    %logistic3A = arith.negf %add3A_74 : vector<1000x256xf32>
    %logistic3A_75 = math.exp %logistic3A : vector<1000x256xf32>
    %logistic3A_76 = arith.constant 1.000000e+00 : f32
    %logistic3A_77 = vector.broadcast %logistic3A_76 : f32 to vector<1000x256xf32>
    %logistic3A_78 = arith.addf %logistic3A_77, %logistic3A_75 : vector<1000x256xf32>
    %logistic3A_79 = arith.divf %logistic3A_77, %logistic3A_78 : vector<1000x256xf32>
    %mul3A_80 = arith.mulf %logistic3A_79, %add3A_60 : vector<1000x256xf32>
    %add3A_81 = arith.addf %get3A_63, %mul3A_80 : vector<1000x256xf32>
    %swap3A = arith.constant 0 : index
    %swap3A_82 = arith.constant 0 : index
    %swap3A_83 = vector.load %arg16[%swap3A, %swap3A_82] : memref<1000x256xf32, #tpu.memory_space<vmem>>, vector<1000x256xf32>
    tpu.vector_store %arg16[%swap3A, %swap3A_82], %add3A_81 {strides = array<i32>} : memref<1000x256xf32, #tpu.memory_space<vmem>>, vector<1000x256xf32>,
    %get3A_84 = arith.constant 0 : index
    %get3A_85 = arith.constant 0 : index
    %get3A_86 = vector.load %arg11[%get3A_84, %get3A_85] : memref<1x256xf32, #tpu.memory_space<vmem>>, vector<1x256xf32>
    %get3A_87 = arith.constant 0 : index
    %get3A_88 = arith.constant 0 : index
    %get3A_89 = vector.load %arg12[%get3A_87, %get3A_88] : memref<1x256xf32, #tpu.memory_space<vmem>>, vector<1x256xf32>
    %reduce_sum3A_90 = arith.constant dense<0.000000e+00> : vector<1000xf32>
    %reduce_sum3A_91 = vector.multi_reduction <add>, %add3A_81, %reduce_sum3A_90 [1] : vector<1000x256xf32> to vector<1000xf32>
    %broadcast_in_dim3A_92 = vector.shape_cast %reduce_sum3A_91 : vector<1000xf32> to vector<1000x1xf32>
    %div3A_93 = arith.constant 2.560000e+02 : f32
    %div3A_94 = vector.broadcast %div3A_93 : f32 to vector<1000x1xf32>
    %div3A_95 = arith.divf %broadcast_in_dim3A_92, %div3A_94 : vector<1000x1xf32>
    %sub3A = vector.broadcast %div3A_95 : vector<1000x1xf32> to vector<1000x256xf32>
    %sub3A_96 = arith.subf %add3A_81, %sub3A : vector<1000x256xf32>
    %integer_pow3A = arith.mulf %sub3A_96, %sub3A_96 : vector<1000x256xf32>
    %reduce_sum3A_97 = arith.constant dense<0.000000e+00> : vector<1000xf32>
    %reduce_sum3A_98 = vector.multi_reduction <add>, %integer_pow3A, %reduce_sum3A_97 [1] : vector<1000x256xf32> to vector<1000xf32>
    %broadcast_in_dim3A_99 = vector.shape_cast %reduce_sum3A_98 : vector<1000xf32> to vector<1000x1xf32>
    %div3A_100 = arith.constant 2.560000e+02 : f32
    %div3A_101 = vector.broadcast %div3A_100 : f32 to vector<1000x1xf32>
    %div3A_102 = arith.divf %broadcast_in_dim3A_99, %div3A_101 : vector<1000x1xf32>
    %sub3A_103 = vector.broadcast %div3A_95 : vector<1000x1xf32> to vector<1000x256xf32>
    %sub3A_104 = arith.subf %add3A_81, %sub3A_103 : vector<1000x256xf32>
    %add3A_105 = arith.constant 9.99999974E-6 : f32
    %add3A_106 = vector.broadcast %add3A_105 : f32 to vector<1000x1xf32>
    %add3A_107 = arith.addf %div3A_102, %add3A_106 : vector<1000x1xf32>
    %sqrt3A_108 = math.sqrt %add3A_107 : vector<1000x1xf32>
    %div3A_109 = vector.broadcast %sqrt3A_108 : vector<1000x1xf32> to vector<1000x256xf32>
    %div3A_110 = arith.divf %sub3A_104, %div3A_109 : vector<1000x256xf32>
    %mul3A_111 = vector.broadcast %get3A_86 : vector<1x256xf32> to vector<1000x256xf32>
    %mul3A_112 = arith.mulf %div3A_110, %mul3A_111 : vector<1000x256xf32>
    %add3A_113 = vector.broadcast %get3A_89 : vector<1x256xf32> to vector<1000x256xf32>
    %add3A_114 = arith.addf %mul3A_112, %add3A_113 : vector<1000x256xf32>
    %get3A_115 = arith.constant 0 : index
    %get3A_116 = arith.constant 0 : index
    %get3A_117 = vector.load %arg13[%get3A_115, %get3A_116] : memref<256x256xf32, #tpu.memory_space<vmem>>, vector<256x256xf32>
    %dot_general3A_118 = arith.constant dense<0.000000e+00> : vector<1000x256xf32>
    %dot_general3A_119 = tpu.matmul %add3A_114, %get3A_117, %dot_general3A_118 {dimension_numbers = #tpu.dot_dimension_numbers<[1], [0], [0], [1], [0, 0, 1, 1], [], []>, transpose_lhs_hint = false} : vector<1000x256xf32>, vector<256x256xf32>, vector<1000x256xf32> -> vector<1000x256xf32>
    %get3A_120 = arith.constant 0 : index
    %get3A_121 = arith.constant 0 : index
    %get3A_122 = vector.load %arg14[%get3A_120, %get3A_121] : memref<1x256xf32, #tpu.memory_space<vmem>>, vector<1x256xf32>
    %add3A_123 = vector.broadcast %get3A_122 : vector<1x256xf32> to vector<1000x256xf32>
    %add3A_124 = arith.addf %dot_general3A_119, %add3A_123 : vector<1000x256xf32>
    %max3A_125 = arith.constant 0.000000e+00 : f32
    %max3A_126 = vector.broadcast %max3A_125 : f32 to vector<1000x256xf32>
    %max3A_127 = arith.maximumf %add3A_124, %max3A_126 : vector<1000x256xf32>
    %get3A_128 = arith.constant 0 : index
    %get3A_129 = arith.constant 0 : index
    %get3A_130 = vector.load %arg6[%get3A_128, %get3A_129] : memref<1x1xf32, #tpu.memory_space<vmem>>, vector<1x1xf32>
    %get3A_131 = vector.extract %get3A_130[0, 0] : f32 from vector<1x1xf32>
    %mul3A_132 = vector.broadcast %get3A_131 : f32 to vector<1000x256xf32>
    %mul3A_133 = arith.mulf %max3A_127, %mul3A_132 : vector<1000x256xf32>
    %round3A = math.roundeven %mul3A_133 : vector<1000x256xf32>
    %convert_element_type3A_134 = arith.fptosi %round3A : vector<1000x256xf32> to vector<1000x256xi16>
    %slice3A = vector.extract_strided_slice %convert_element_type3A_134 {offsets = [0, 0], sizes = [1000, 128], strides = [1, 1]} : vector<1000x256xi16> to vector<1000x128xi16>
    %swap3A_135 = arith.constant 0 : index
    %swap3A_136 = arith.constant 0 : index
    %swap3A_137 = arith.constant 0 : index
    %swap3A_138 = vector.load %arg17[%swap3A_135, %swap3A_136, %swap3A_137] : memref<2x1000x128xi16, #tpu.memory_space<vmem>>, vector<1x1000x128xi16>
    %swap3A_139 = vector.shape_cast %swap3A_138 : vector<1x1000x128xi16> to vector<1000x128xi16>
    %swap3A_140 = vector.shape_cast %slice3A : vector<1000x128xi16> to vector<1x1000x128xi16>
    tpu.vector_store %arg17[%swap3A_135, %swap3A_136, %swap3A_137], %swap3A_140 {strides = array<i32>} : memref<2x1000x128xi16, #tpu.memory_space<vmem>>, vector<1x1000x128xi16>,
    %slice3A_141 = vector.extract_strided_slice %convert_element_type3A_134 {offsets = [0, 128], sizes = [1000, 128], strides = [1, 1]} : vector<1000x256xi16> to vector<1000x128xi16>
    %swap3A_142 = arith.constant 1 : index
    %swap3A_143 = arith.constant 0 : index
    %swap3A_144 = arith.constant 0 : index
    %swap3A_145 = vector.load %arg17[%swap3A_142, %swap3A_143, %swap3A_144] : memref<2x1000x128xi16, #tpu.memory_space<vmem>>, vector<1x1000x128xi16>
    %swap3A_146 = vector.shape_cast %swap3A_145 : vector<1x1000x128xi16> to vector<1000x128xi16>
    %swap3A_147 = vector.shape_cast %slice3A_141 : vector<1000x128xi16> to vector<1x1000x128xi16>
    tpu.vector_store %arg17[%swap3A_142, %swap3A_143, %swap3A_144], %swap3A_147 {strides = array<i32>} : memref<2x1000x128xi16, #tpu.memory_space<vmem>>, vector<1x1000x128xi16>,
    %get3A_148 = arith.constant 0 : index
    %get3A_149 = arith.constant 0 : index
    %get3A_150 = vector.load %arg15[%get3A_148, %get3A_149] : memref<256x256xf32, #tpu.memory_space<vmem>>, vector<256x256xf32>
    %dot_general3A_151 = arith.constant dense<0.000000e+00> : vector<1000x256xf32>
    %dot_general3A_152 = tpu.matmul %add3A_114, %get3A_150, %dot_general3A_151 {dimension_numbers = #tpu.dot_dimension_numbers<[1], [0], [0], [1], [0, 0, 1, 1], [], []>, transpose_lhs_hint = false} : vector<1000x256xf32>, vector<256x256xf32>, vector<1000x256xf32> -> vector<1000x256xf32>
    %swap3A_153 = arith.constant 0 : index
    %swap3A_154 = arith.constant 0 : index
    %swap3A_155 = vector.load %arg18[%swap3A_153, %swap3A_154] : memref<1000x256xf32, #tpu.memory_space<vmem>>, vector<1000x256xf32>
    tpu.vector_store %arg18[%swap3A_153, %swap3A_154], %dot_general3A_152 {strides = array<i32>} : memref<1000x256xf32, #tpu.memory_space<vmem>>, vector<1000x256xf32>,
    return
  }
  func.func @transform_0(%arg0: i32) -> (i32, i32) {
    %c0_i32 = arith.constant 0 : i32
    %c0_i32_0 = arith.constant 0 : i32
    return %arg0, %c0_i32 : i32, i32
  }
  func.func @transform_1(%arg0: i32) -> (i32, i32) {
    %c0_i32 = arith.constant 0 : i32
    %c0_i32_0 = arith.constant 0 : i32
    return %arg0, %c0_i32 : i32, i32
  }
  func.func @transform_2(%arg0: i32) -> (i32, i32, i32) {
    %c0_i32 = arith.constant 0 : i32
    %c0_i32_0 = arith.constant 0 : i32
    %c0_i32_1 = arith.constant 0 : i32
    return %c0_i32, %arg0, %c0_i32_0 : i32, i32, i32
  }
  func.func @transform_3(%arg0: i32) -> (i32, i32, i32) {
    %c0_i32 = arith.constant 0 : i32
    %c0_i32_0 = arith.constant 0 : i32
    %c0_i32_1 = arith.constant 0 : i32
    return %c0_i32, %arg0, %c0_i32_0 : i32, i32, i32
  }
  func.func @transform_4(%arg0: i32) -> (i32, i32) {
    %c0_i32 = arith.constant 0 : i32
    %c0_i32_0 = arith.constant 0 : i32
    %c0_i32_1 = arith.constant 0 : i32
    return %c0_i32, %c0_i32_0 : i32, i32
  }
  func.func @transform_5(%arg0: i32) -> (i32, i32) {
    %c0_i32 = arith.constant 0 : i32
    %c0_i32_0 = arith.constant 0 : i32
    %c0_i32_1 = arith.constant 0 : i32
    return %c0_i32, %c0_i32_0 : i32, i32
  }
  func.func @transform_6(%arg0: i32) -> (i32, i32) {
    %c0_i32 = arith.constant 0 : i32
    %c0_i32_0 = arith.constant 0 : i32
    %c0_i32_1 = arith.constant 0 : i32
    return %c0_i32, %c0_i32_0 : i32, i32
  }
  func.func @transform_7(%arg0: i32) -> (i32, i32) {
    %c0_i32 = arith.constant 0 : i32
    %c0_i32_0 = arith.constant 0 : i32
    %c0_i32_1 = arith.constant 0 : i32
    return %c0_i32, %c0_i32_0 : i32, i32
  }
  func.func @transform_8(%arg0: i32) -> (i32, i32) {
    %c0_i32 = arith.constant 0 : i32
    %c0_i32_0 = arith.constant 0 : i32
    %c0_i32_1 = arith.constant 0 : i32
    return %c0_i32, %c0_i32_0 : i32, i32
  }
  func.func @transform_9(%arg0: i32) -> (i32, i32) {
    %c0_i32 = arith.constant 0 : i32
    %c0_i32_0 = arith.constant 0 : i32
    %c0_i32_1 = arith.constant 0 : i32
    return %c0_i32, %c0_i32_0 : i32, i32
  }
  func.func @transform_10(%arg0: i32) -> (i32, i32) {
    %c0_i32 = arith.constant 0 : i32
    %c0_i32_0 = arith.constant 0 : i32
    %c0_i32_1 = arith.constant 0 : i32
    return %c0_i32, %c0_i32_0 : i32, i32
  }
  func.func @transform_11(%arg0: i32) -> (i32, i32) {
    %c0_i32 = arith.constant 0 : i32
    %c0_i32_0 = arith.constant 0 : i32
    %c0_i32_1 = arith.constant 0 : i32
    return %c0_i32, %c0_i32_0 : i32, i32
  }
  func.func @transform_12(%arg0: i32) -> (i32, i32) {
    %c0_i32 = arith.constant 0 : i32
    %c0_i32_0 = arith.constant 0 : i32
    %c0_i32_1 = arith.constant 0 : i32
    return %c0_i32, %c0_i32_0 : i32, i32
  }
  func.func @transform_13(%arg0: i32) -> (i32, i32) {
    %c0_i32 = arith.constant 0 : i32
    %c0_i32_0 = arith.constant 0 : i32
    %c0_i32_1 = arith.constant 0 : i32
    return %c0_i32, %c0_i32_0 : i32, i32
  }
  func.func @transform_14(%arg0: i32) -> (i32, i32) {
    %c0_i32 = arith.constant 0 : i32
    %c0_i32_0 = arith.constant 0 : i32
    %c0_i32_1 = arith.constant 0 : i32
    return %c0_i32, %c0_i32_0 : i32, i32
  }
  func.func @transform_15(%arg0: i32) -> (i32, i32) {
    %c0_i32 = arith.constant 0 : i32
    %c0_i32_0 = arith.constant 0 : i32
    return %arg0, %c0_i32 : i32, i32
  }
  func.func @transform_16(%arg0: i32) -> (i32, i32, i32) {
    %c0_i32 = arith.constant 0 : i32
    %c0_i32_0 = arith.constant 0 : i32
    %c0_i32_1 = arith.constant 0 : i32
    return %c0_i32, %arg0, %c0_i32_0 : i32, i32, i32
  }
  func.func @transform_17(%arg0: i32) -> (i32, i32) {
    %c0_i32 = arith.constant 0 : i32
    %c0_i32_0 = arith.constant 0 : i32
    return %arg0, %c0_i32 : i32, i32
  }
}

module attributes {stable_mosaic.version = 14 : i64} {
  func.func @tc_post(%arg0: i32, %arg1: memref<1000x256xf32, #tpu.memory_space<vmem>>, %arg2: memref<1000x256xf32, #tpu.memory_space<vmem>>, %arg3: memref<2x1000x128xi16, #tpu.memory_space<vmem>>, %arg4: memref<2x1000x16xf32, #tpu.memory_space<vmem>>, %arg5: memref<1x1xf32, #tpu.memory_space<vmem>>, %arg6: memref<1x1xf32, #tpu.memory_space<vmem>>, %arg7: memref<256x256xf32, #tpu.memory_space<vmem>>, %arg8: memref<1x256xf32, #tpu.memory_space<vmem>>, %arg9: memref<512x256xf32, #tpu.memory_space<vmem>>, %arg10: memref<1x256xf32, #tpu.memory_space<vmem>>, %arg11: memref<1x256xf32, #tpu.memory_space<vmem>>, %arg12: memref<1x256xf32, #tpu.memory_space<vmem>>, %arg13: memref<256x256xf32, #tpu.memory_space<vmem>>, %arg14: memref<1x256xf32, #tpu.memory_space<vmem>>, %arg15: memref<256x256xf32, #tpu.memory_space<vmem>>, %arg16: memref<1000x256xf32, #tpu.memory_space<vmem>>, %arg17: memref<2x1000x128xi16, #tpu.memory_space<vmem>>, %arg18: memref<1000x256xf32, #tpu.memory_space<vmem>>) attributes {dimension_semantics = [#tpu.dimension_semantics<arbitrary>], iteration_bounds = array<i64: 10>, scalar_prefetch = 0 : i64, scratch_operands = 0 : i64, tpu.core_type = #tpu.core_type<tc>, window_params = [{transform_indices = @transform_0, window_bounds = array<i64: 1000, 256>}, {transform_indices = @transform_1, window_bounds = array<i64: 1000, 256>}, {transform_indices = @transform_2, window_bounds = array<i64: 2, 1000, 128>}, {transform_indices = @transform_3, window_bounds = array<i64: 2, 1000, 16>}, {pipeline_mode = #tpu.pipeline_mode<synchronous>, transform_indices = @transform_4, window_bounds = array<i64: 1, 1>}, {pipeline_mode = #tpu.pipeline_mode<synchronous>, transform_indices = @transform_5, window_bounds = array<i64: 1, 1>}, {pipeline_mode = #tpu.pipeline_mode<synchronous>, transform_indices = @transform_6, window_bounds = array<i64: 256, 256>}, {pipeline_mode = #tpu.pipeline_mode<synchronous>, transform_indices = @transform_7, window_bounds = array<i64: 1, 256>}, {pipeline_mode = #tpu.pipeline_mode<synchronous>, transform_indices = @transform_8, window_bounds = array<i64: 512, 256>}, {pipeline_mode = #tpu.pipeline_mode<synchronous>, transform_indices = @transform_9, window_bounds = array<i64: 1, 256>}, {pipeline_mode = #tpu.pipeline_mode<synchronous>, transform_indices = @transform_10, window_bounds = array<i64: 1, 256>}, {pipeline_mode = #tpu.pipeline_mode<synchronous>, transform_indices = @transform_11, window_bounds = array<i64: 1, 256>}, {pipeline_mode = #tpu.pipeline_mode<synchronous>, transform_indices = @transform_12, window_bounds = array<i64: 256, 256>}, {pipeline_mode = #tpu.pipeline_mode<synchronous>, transform_indices = @transform_13, window_bounds = array<i64: 1, 256>}, {pipeline_mode = #tpu.pipeline_mode<synchronous>, transform_indices = @transform_14, window_bounds = array<i64: 256, 256>}, {transform_indices = @transform_15, window_bounds = array<i64: 1000, 256>}, {transform_indices = @transform_16, window_bounds = array<i64: 2, 1000, 128>}, {transform_indices = @transform_17, window_bounds = array<i64: 1000, 256>}]} {
    %get3A = arith.constant 0 : index
    %get3A_0 = arith.constant 0 : index
    %get3A_1 = arith.constant 0 : index
    %get3A_2 = vector.load %arg4[%get3A, %get3A_0, %get3A_1] : memref<2x1000x16xf32, #tpu.memory_space<vmem>>, vector<1x1000x1xf32>
    %get3A_3 = vector.shape_cast %get3A_2 : vector<1x1000x1xf32> to vector<1000x1xf32>
    %get3A_4 = arith.constant 1 : index
    %get3A_5 = arith.constant 0 : index
    %get3A_6 = arith.constant 0 : index
    %get3A_7 = vector.load %arg4[%get3A_4, %get3A_5, %get3A_6] : memref<2x1000x16xf32, #tpu.memory_space<vmem>>, vector<1x1000x1xf32>
    %get3A_8 = vector.shape_cast %get3A_7 : vector<1x1000x1xf32> to vector<1000x1xf32>
    %add3A = arith.addf %get3A_3, %get3A_8 : vector<1000x1xf32>
    %get3A_9 = arith.constant 0 : index
    %get3A_10 = arith.constant 0 : index
    %get3A_11 = arith.constant 0 : index
    %get3A_12 = vector.load %arg3[%get3A_9, %get3A_10, %get3A_11] : memref<2x1000x128xi16, #tpu.memory_space<vmem>>, vector<1x1000x128xi16>
    %get3A_13 = vector.shape_cast %get3A_12 : vector<1x1000x128xi16> to vector<1000x128xi16>
    %get3A_14 = arith.constant 1 : index
    %get3A_15 = arith.constant 0 : index
    %get3A_16 = arith.constant 0 : index
    %get3A_17 = vector.load %arg3[%get3A_14, %get3A_15, %get3A_16] : memref<2x1000x128xi16, #tpu.memory_space<vmem>>, vector<1x1000x128xi16>
    %get3A_18 = vector.shape_cast %get3A_17 : vector<1x1000x128xi16> to vector<1000x128xi16>
    %concatenate3A = tpu.concatenate %get3A_13, %get3A_18 in 1 : vector<1000x128xi16>, vector<1000x128xi16> -> vector<1000x256xi16>
    %convert_element_type3A = arith.sitofp %concatenate3A : vector<1000x256xi16> to vector<1000x256xf32>
    %get3A_19 = arith.constant 0 : index
    %get3A_20 = arith.constant 0 : index
    %get3A_21 = vector.load %arg5[%get3A_19, %get3A_20] : memref<1x1xf32, #tpu.memory_space<vmem>>, vector<1x1xf32>
    %get3A_22 = vector.extract %get3A_21[0, 0] : f32 from vector<1x1xf32>
    %max3A = arith.constant 1.000000e+00 : f32
    %max3A_23 = vector.broadcast %max3A : f32 to vector<1000x1xf32>
    %max3A_24 = arith.maximumf %add3A, %max3A_23 : vector<1000x1xf32>
    %div3A = vector.broadcast %get3A_22 : f32 to vector<1000x1xf32>
    %div3A_25 = arith.divf %div3A, %max3A_24 : vector<1000x1xf32>
    %mul3A = vector.broadcast %div3A_25 : vector<1000x1xf32> to vector<1000x256xf32>
    %mul3A_26 = arith.mulf %convert_element_type3A, %mul3A : vector<1000x256xf32>
    %get3A_27 = arith.constant 0 : index
    %get3A_28 = arith.constant 0 : index
    %get3A_29 = vector.load %arg7[%get3A_27, %get3A_28] : memref<256x256xf32, #tpu.memory_space<vmem>>, vector<256x256xf32>
    %dot_general3A = arith.constant dense<0.000000e+00> : vector<1000x256xf32>
    %dot_general3A_30 = tpu.matmul %mul3A_26, %get3A_29, %dot_general3A {dimension_numbers = #tpu.dot_dimension_numbers<[1], [0], [0], [1], [0, 0, 1, 1], [], []>, transpose_lhs_hint = false} : vector<1000x256xf32>, vector<256x256xf32>, vector<1000x256xf32> -> vector<1000x256xf32>
    %get3A_31 = arith.constant 0 : index
    %get3A_32 = arith.constant 0 : index
    %get3A_33 = vector.load %arg8[%get3A_31, %get3A_32] : memref<1x256xf32, #tpu.memory_space<vmem>>, vector<1x256xf32>
    %add3A_34 = vector.broadcast %get3A_33 : vector<1x256xf32> to vector<1000x256xf32>
    %add3A_35 = arith.addf %dot_general3A_30, %add3A_34 : vector<1000x256xf32>
    %get3A_36 = arith.constant 0 : index
    %get3A_37 = arith.constant 0 : index
    %get3A_38 = vector.load %arg2[%get3A_36, %get3A_37] : memref<1000x256xf32, #tpu.memory_space<vmem>>, vector<1000x256xf32>
    %add3A_39 = arith.addf %add3A_35, %get3A_38 : vector<1000x256xf32>
    %mul3A_40 = arith.mulf %add3A_39, %add3A_39 : vector<1000x256xf32>
    %reduce_sum3A = arith.constant dense<0.000000e+00> : vector<1000xf32>
    %reduce_sum3A_41 = vector.multi_reduction <add>, %mul3A_40, %reduce_sum3A [1] : vector<1000x256xf32> to vector<1000xf32>
    %broadcast_in_dim3A = vector.shape_cast %reduce_sum3A_41 : vector<1000xf32> to vector<1000x1xf32>
    %sqrt3A = math.sqrt %broadcast_in_dim3A : vector<1000x1xf32>
    %max3A_42 = arith.constant 9.99999996E-13 : f32
    %max3A_43 = vector.broadcast %max3A_42 : f32 to vector<1000x1xf32>
    %max3A_44 = arith.maximumf %sqrt3A, %max3A_43 : vector<1000x1xf32>
    %div3A_45 = vector.broadcast %max3A_44 : vector<1000x1xf32> to vector<1000x256xf32>
    %div3A_46 = arith.divf %add3A_39, %div3A_45 : vector<1000x256xf32>
    %get3A_47 = arith.constant 0 : index
    %get3A_48 = arith.constant 0 : index
    %get3A_49 = vector.load %arg1[%get3A_47, %get3A_48] : memref<1000x256xf32, #tpu.memory_space<vmem>>, vector<1000x256xf32>
    %mul3A_50 = arith.constant 5.000000e-01 : f32
    %mul3A_51 = vector.broadcast %mul3A_50 : f32 to vector<1000x256xf32>
    %mul3A_52 = arith.mulf %mul3A_51, %div3A_46 : vector<1000x256xf32>
    %mul3A_53 = arith.constant 0.707106769 : f32
    %mul3A_54 = vector.broadcast %mul3A_53 : f32 to vector<1000x256xf32>
    %mul3A_55 = arith.mulf %div3A_46, %mul3A_54 : vector<1000x256xf32>
    %erf3A = math.erf %mul3A_55 : vector<1000x256xf32>
    %add3A_56 = arith.constant 1.000000e+00 : f32
    %add3A_57 = vector.broadcast %add3A_56 : f32 to vector<1000x256xf32>
    %add3A_58 = arith.addf %add3A_57, %erf3A : vector<1000x256xf32>
    %mul3A_59 = arith.mulf %mul3A_52, %add3A_58 : vector<1000x256xf32>
    %add3A_60 = arith.addf %get3A_49, %mul3A_59 : vector<1000x256xf32>
    %get3A_61 = arith.constant 0 : index
    %get3A_62 = arith.constant 0 : index
    %get3A_63 = vector.load %arg1[%get3A_61, %get3A_62] : memref<1000x256xf32, #tpu.memory_space<vmem>>, vector<1000x256xf32>
    %concatenate3A_64 = tpu.concatenate %get3A_63, %add3A_60 in 1 : vector<1000x256xf32>, vector<1000x256xf32> -> vector<1000x512xf32>
    %get3A_65 = arith.constant 0 : index
    %get3A_66 = arith.constant 0 : index
    %get3A_67 = vector.load %arg9[%get3A_65, %get3A_66] : memref<512x256xf32, #tpu.memory_space<vmem>>, vector<512x256xf32>
    %dot_general3A_68 = arith.constant dense<0.000000e+00> : vector<1000x256xf32>
    %dot_general3A_69 = tpu.matmul %concatenate3A_64, %get3A_67, %dot_general3A_68 {dimension_numbers = #tpu.dot_dimension_numbers<[1], [0], [0], [1], [0, 0, 1, 1], [], []>, transpose_lhs_hint = false} : vector<1000x512xf32>, vector<512x256xf32>, vector<1000x256xf32> -> vector<1000x256xf32>
    %get3A_70 = arith.constant 0 : index
    %get3A_71 = arith.constant 0 : index
    %get3A_72 = vector.load %arg10[%get3A_70, %get3A_71] : memref<1x256xf32, #tpu.memory_space<vmem>>, vector<1x256xf32>
    %add3A_73 = vector.broadcast %get3A_72 : vector<1x256xf32> to vector<1000x256xf32>
    %add3A_74 = arith.addf %dot_general3A_69, %add3A_73 : vector<1000x256xf32>
    %logistic3A = arith.negf %add3A_74 : vector<1000x256xf32>
    %logistic3A_75 = math.exp %logistic3A : vector<1000x256xf32>
    %logistic3A_76 = arith.constant 1.000000e+00 : f32
    %logistic3A_77 = vector.broadcast %logistic3A_76 : f32 to vector<1000x256xf32>
    %logistic3A_78 = arith.addf %logistic3A_77, %logistic3A_75 : vector<1000x256xf32>
    %logistic3A_79 = arith.divf %logistic3A_77, %logistic3A_78 : vector<1000x256xf32>
    %mul3A_80 = arith.mulf %logistic3A_79, %add3A_60 : vector<1000x256xf32>
    %add3A_81 = arith.addf %get3A_63, %mul3A_80 : vector<1000x256xf32>
    %swap3A = arith.constant 0 : index
    %swap3A_82 = arith.constant 0 : index
    %swap3A_83 = vector.load %arg16[%swap3A, %swap3A_82] : memref<1000x256xf32, #tpu.memory_space<vmem>>, vector<1000x256xf32>
    tpu.vector_store %arg16[%swap3A, %swap3A_82], %add3A_81 {strides = array<i32>} : memref<1000x256xf32, #tpu.memory_space<vmem>>, vector<1000x256xf32>,
    %get3A_84 = arith.constant 0 : index
    %get3A_85 = arith.constant 0 : index
    %get3A_86 = vector.load %arg11[%get3A_84, %get3A_85] : memref<1x256xf32, #tpu.memory_space<vmem>>, vector<1x256xf32>
    %get3A_87 = arith.constant 0 : index
    %get3A_88 = arith.constant 0 : index
    %get3A_89 = vector.load %arg12[%get3A_87, %get3A_88] : memref<1x256xf32, #tpu.memory_space<vmem>>, vector<1x256xf32>
    %reduce_sum3A_90 = arith.constant dense<0.000000e+00> : vector<1000xf32>
    %reduce_sum3A_91 = vector.multi_reduction <add>, %add3A_81, %reduce_sum3A_90 [1] : vector<1000x256xf32> to vector<1000xf32>
    %broadcast_in_dim3A_92 = vector.shape_cast %reduce_sum3A_91 : vector<1000xf32> to vector<1000x1xf32>
    %div3A_93 = arith.constant 2.560000e+02 : f32
    %div3A_94 = vector.broadcast %div3A_93 : f32 to vector<1000x1xf32>
    %div3A_95 = arith.divf %broadcast_in_dim3A_92, %div3A_94 : vector<1000x1xf32>
    %sub3A = vector.broadcast %div3A_95 : vector<1000x1xf32> to vector<1000x256xf32>
    %sub3A_96 = arith.subf %add3A_81, %sub3A : vector<1000x256xf32>
    %integer_pow3A = arith.mulf %sub3A_96, %sub3A_96 : vector<1000x256xf32>
    %reduce_sum3A_97 = arith.constant dense<0.000000e+00> : vector<1000xf32>
    %reduce_sum3A_98 = vector.multi_reduction <add>, %integer_pow3A, %reduce_sum3A_97 [1] : vector<1000x256xf32> to vector<1000xf32>
    %broadcast_in_dim3A_99 = vector.shape_cast %reduce_sum3A_98 : vector<1000xf32> to vector<1000x1xf32>
    %div3A_100 = arith.constant 2.560000e+02 : f32
    %div3A_101 = vector.broadcast %div3A_100 : f32 to vector<1000x1xf32>
    %div3A_102 = arith.divf %broadcast_in_dim3A_99, %div3A_101 : vector<1000x1xf32>
    %sub3A_103 = vector.broadcast %div3A_95 : vector<1000x1xf32> to vector<1000x256xf32>
    %sub3A_104 = arith.subf %add3A_81, %sub3A_103 : vector<1000x256xf32>
    %add3A_105 = arith.constant 9.99999974E-6 : f32
    %add3A_106 = vector.broadcast %add3A_105 : f32 to vector<1000x1xf32>
    %add3A_107 = arith.addf %div3A_102, %add3A_106 : vector<1000x1xf32>
    %sqrt3A_108 = math.sqrt %add3A_107 : vector<1000x1xf32>
    %div3A_109 = vector.broadcast %sqrt3A_108 : vector<1000x1xf32> to vector<1000x256xf32>
    %div3A_110 = arith.divf %sub3A_104, %div3A_109 : vector<1000x256xf32>
    %mul3A_111 = vector.broadcast %get3A_86 : vector<1x256xf32> to vector<1000x256xf32>
    %mul3A_112 = arith.mulf %div3A_110, %mul3A_111 : vector<1000x256xf32>
    %add3A_113 = vector.broadcast %get3A_89 : vector<1x256xf32> to vector<1000x256xf32>
    %add3A_114 = arith.addf %mul3A_112, %add3A_113 : vector<1000x256xf32>
    %get3A_115 = arith.constant 0 : index
    %get3A_116 = arith.constant 0 : index
    %get3A_117 = vector.load %arg13[%get3A_115, %get3A_116] : memref<256x256xf32, #tpu.memory_space<vmem>>, vector<256x256xf32>
    %dot_general3A_118 = arith.constant dense<0.000000e+00> : vector<1000x256xf32>
    %dot_general3A_119 = tpu.matmul %add3A_114, %get3A_117, %dot_general3A_118 {dimension_numbers = #tpu.dot_dimension_numbers<[1], [0], [0], [1], [0, 0, 1, 1], [], []>, transpose_lhs_hint = false} : vector<1000x256xf32>, vector<256x256xf32>, vector<1000x256xf32> -> vector<1000x256xf32>
    %get3A_120 = arith.constant 0 : index
    %get3A_121 = arith.constant 0 : index
    %get3A_122 = vector.load %arg14[%get3A_120, %get3A_121] : memref<1x256xf32, #tpu.memory_space<vmem>>, vector<1x256xf32>
    %add3A_123 = vector.broadcast %get3A_122 : vector<1x256xf32> to vector<1000x256xf32>
    %add3A_124 = arith.addf %dot_general3A_119, %add3A_123 : vector<1000x256xf32>
    %max3A_125 = arith.constant 0.000000e+00 : f32
    %max3A_126 = vector.broadcast %max3A_125 : f32 to vector<1000x256xf32>
    %max3A_127 = arith.maximumf %add3A_124, %max3A_126 : vector<1000x256xf32>
    %get3A_128 = arith.constant 0 : index
    %get3A_129 = arith.constant 0 : index
    %get3A_130 = vector.load %arg6[%get3A_128, %get3A_129] : memref<1x1xf32, #tpu.memory_space<vmem>>, vector<1x1xf32>
    %get3A_131 = vector.extract %get3A_130[0, 0] : f32 from vector<1x1xf32>
    %mul3A_132 = vector.broadcast %get3A_131 : f32 to vector<1000x256xf32>
    %mul3A_133 = arith.mulf %max3A_127, %mul3A_132 : vector<1000x256xf32>
    %round3A = math.roundeven %mul3A_133 : vector<1000x256xf32>
    %convert_element_type3A_134 = arith.fptosi %round3A : vector<1000x256xf32> to vector<1000x256xi16>
    %slice3A = vector.extract_strided_slice %convert_element_type3A_134 {offsets = [0, 0], sizes = [1000, 128], strides = [1, 1]} : vector<1000x256xi16> to vector<1000x128xi16>
    %swap3A_135 = arith.constant 0 : index
    %swap3A_136 = arith.constant 0 : index
    %swap3A_137 = arith.constant 0 : index
    %swap3A_138 = vector.load %arg17[%swap3A_135, %swap3A_136, %swap3A_137] : memref<2x1000x128xi16, #tpu.memory_space<vmem>>, vector<1x1000x128xi16>
    %swap3A_139 = vector.shape_cast %swap3A_138 : vector<1x1000x128xi16> to vector<1000x128xi16>
    %swap3A_140 = vector.shape_cast %slice3A : vector<1000x128xi16> to vector<1x1000x128xi16>
    tpu.vector_store %arg17[%swap3A_135, %swap3A_136, %swap3A_137], %swap3A_140 {strides = array<i32>} : memref<2x1000x128xi16, #tpu.memory_space<vmem>>, vector<1x1000x128xi16>,
    %slice3A_141 = vector.extract_strided_slice %convert_element_type3A_134 {offsets = [0, 128], sizes = [1000, 128], strides = [1, 1]} : vector<1000x256xi16> to vector<1000x128xi16>
    %swap3A_142 = arith.constant 1 : index
    %swap3A_143 = arith.constant 0 : index
    %swap3A_144 = arith.constant 0 : index
    %swap3A_145 = vector.load %arg17[%swap3A_142, %swap3A_143, %swap3A_144] : memref<2x1000x128xi16, #tpu.memory_space<vmem>>, vector<1x1000x128xi16>
    %swap3A_146 = vector.shape_cast %swap3A_145 : vector<1x1000x128xi16> to vector<1000x128xi16>
    %swap3A_147 = vector.shape_cast %slice3A_141 : vector<1000x128xi16> to vector<1x1000x128xi16>
    tpu.vector_store %arg17[%swap3A_142, %swap3A_143, %swap3A_144], %swap3A_147 {strides = array<i32>} : memref<2x1000x128xi16, #tpu.memory_space<vmem>>, vector<1x1000x128xi16>,
    %get3A_148 = arith.constant 0 : index
    %get3A_149 = arith.constant 0 : index
    %get3A_150 = vector.load %arg15[%get3A_148, %get3A_149] : memref<256x256xf32, #tpu.memory_space<vmem>>, vector<256x256xf32>
    %dot_general3A_151 = arith.constant dense<0.000000e+00> : vector<1000x256xf32>
    %dot_general3A_152 = tpu.matmul %add3A_114, %get3A_150, %dot_general3A_151 {dimension_numbers = #tpu.dot_dimension_numbers<[1], [0], [0], [1], [0, 0, 1, 1], [], []>, transpose_lhs_hint = false} : vector<1000x256xf32>, vector<256x256xf32>, vector<1000x256xf32> -> vector<1000x256xf32>
    %swap3A_153 = arith.constant 0 : index
    %swap3A_154 = arith.constant 0 : index
    %swap3A_155 = vector.load %arg18[%swap3A_153, %swap3A_154] : memref<1000x256xf32, #tpu.memory_space<vmem>>, vector<1000x256xf32>
    tpu.vector_store %arg18[%swap3A_153, %swap3A_154], %dot_general3A_152 {strides = array<i32>} : memref<1000x256xf32, #tpu.memory_space<vmem>>, vector<1000x256xf32>,
    return
  }
  func.func @transform_0(%arg0: i32) -> (i32, i32) {
    %c0_i32 = arith.constant 0 : i32
    %c0_i32_0 = arith.constant 0 : i32
    return %arg0, %c0_i32 : i32, i32
  }
  func.func @transform_1(%arg0: i32) -> (i32, i32) {
    %c0_i32 = arith.constant 0 : i32
    %c0_i32_0 = arith.constant 0 : i32
    return %arg0, %c0_i32 : i32, i32
  }
  func.func @transform_2(%arg0: i32) -> (i32, i32, i32) {
    %c0_i32 = arith.constant 0 : i32
    %c0_i32_0 = arith.constant 0 : i32
    %c0_i32_1 = arith.constant 0 : i32
    return %c0_i32, %arg0, %c0_i32_0 : i32, i32, i32
  }
  func.func @transform_3(%arg0: i32) -> (i32, i32, i32) {
    %c0_i32 = arith.constant 0 : i32
    %c0_i32_0 = arith.constant 0 : i32
    %c0_i32_1 = arith.constant 0 : i32
    return %c0_i32, %arg0, %c0_i32_0 : i32, i32, i32
  }
  func.func @transform_4(%arg0: i32) -> (i32, i32) {
    %c0_i32 = arith.constant 0 : i32
    %c0_i32_0 = arith.constant 0 : i32
    %c0_i32_1 = arith.constant 0 : i32
    return %c0_i32, %c0_i32_0 : i32, i32
  }
  func.func @transform_5(%arg0: i32) -> (i32, i32) {
    %c0_i32 = arith.constant 0 : i32
    %c0_i32_0 = arith.constant 0 : i32
    %c0_i32_1 = arith.constant 0 : i32
    return %c0_i32, %c0_i32_0 : i32, i32
  }
  func.func @transform_6(%arg0: i32) -> (i32, i32) {
    %c0_i32 = arith.constant 0 : i32
    %c0_i32_0 = arith.constant 0 : i32
    %c0_i32_1 = arith.constant 0 : i32
    return %c0_i32, %c0_i32_0 : i32, i32
  }
  func.func @transform_7(%arg0: i32) -> (i32, i32) {
    %c0_i32 = arith.constant 0 : i32
    %c0_i32_0 = arith.constant 0 : i32
    %c0_i32_1 = arith.constant 0 : i32
    return %c0_i32, %c0_i32_0 : i32, i32
  }
  func.func @transform_8(%arg0: i32) -> (i32, i32) {
    %c0_i32 = arith.constant 0 : i32
    %c0_i32_0 = arith.constant 0 : i32
    %c0_i32_1 = arith.constant 0 : i32
    return %c0_i32, %c0_i32_0 : i32, i32
  }
  func.func @transform_9(%arg0: i32) -> (i32, i32) {
    %c0_i32 = arith.constant 0 : i32
    %c0_i32_0 = arith.constant 0 : i32
    %c0_i32_1 = arith.constant 0 : i32
    return %c0_i32, %c0_i32_0 : i32, i32
  }
  func.func @transform_10(%arg0: i32) -> (i32, i32) {
    %c0_i32 = arith.constant 0 : i32
    %c0_i32_0 = arith.constant 0 : i32
    %c0_i32_1 = arith.constant 0 : i32
    return %c0_i32, %c0_i32_0 : i32, i32
  }
  func.func @transform_11(%arg0: i32) -> (i32, i32) {
    %c0_i32 = arith.constant 0 : i32
    %c0_i32_0 = arith.constant 0 : i32
    %c0_i32_1 = arith.constant 0 : i32
    return %c0_i32, %c0_i32_0 : i32, i32
  }
  func.func @transform_12(%arg0: i32) -> (i32, i32) {
    %c0_i32 = arith.constant 0 : i32
    %c0_i32_0 = arith.constant 0 : i32
    %c0_i32_1 = arith.constant 0 : i32
    return %c0_i32, %c0_i32_0 : i32, i32
  }
  func.func @transform_13(%arg0: i32) -> (i32, i32) {
    %c0_i32 = arith.constant 0 : i32
    %c0_i32_0 = arith.constant 0 : i32
    %c0_i32_1 = arith.constant 0 : i32
    return %c0_i32, %c0_i32_0 : i32, i32
  }
  func.func @transform_14(%arg0: i32) -> (i32, i32) {
    %c0_i32 = arith.constant 0 : i32
    %c0_i32_0 = arith.constant 0 : i32
    %c0_i32_1 = arith.constant 0 : i32
    return %c0_i32, %c0_i32_0 : i32, i32
  }
  func.func @transform_15(%arg0: i32) -> (i32, i32) {
    %c0_i32 = arith.constant 0 : i32
    %c0_i32_0 = arith.constant 0 : i32
    return %arg0, %c0_i32 : i32, i32
  }
  func.func @transform_16(%arg0: i32) -> (i32, i32, i32) {
    %c0_i32 = arith.constant 0 : i32
    %c0_i32_0 = arith.constant 0 : i32
    %c0_i32_1 = arith.constant 0 : i32
    return %c0_i32, %arg0, %c0_i32_0 : i32, i32, i32
  }
  func.func @transform_17(%arg0: i32) -> (i32, i32) {
    %c0_i32 = arith.constant 0 : i32
    %c0_i32_0 = arith.constant 0 : i32
    return %arg0, %c0_i32 : i32, i32
  }
}

module attributes {stable_mosaic.version = 14 : i64} {
  func.func @tc_post_last(%arg0: i32, %arg1: memref<1000x256xf32, #tpu.memory_space<vmem>>, %arg2: memref<1000x256xf32, #tpu.memory_space<vmem>>, %arg3: memref<2x1000x128xi16, #tpu.memory_space<vmem>>, %arg4: memref<2x1000x16xf32, #tpu.memory_space<vmem>>, %arg5: memref<1x1xf32, #tpu.memory_space<vmem>>, %arg6: memref<1x1xf32, #tpu.memory_space<vmem>>, %arg7: memref<256x256xf32, #tpu.memory_space<vmem>>, %arg8: memref<1x256xf32, #tpu.memory_space<vmem>>, %arg9: memref<512x256xf32, #tpu.memory_space<vmem>>, %arg10: memref<1x256xf32, #tpu.memory_space<vmem>>, %arg11: memref<1x256xf32, #tpu.memory_space<vmem>>, %arg12: memref<1x256xf32, #tpu.memory_space<vmem>>, %arg13: memref<256x256xf32, #tpu.memory_space<vmem>>, %arg14: memref<1x256xf32, #tpu.memory_space<vmem>>, %arg15: memref<256x256xf32, #tpu.memory_space<vmem>>, %arg16: memref<1000x256xf32, #tpu.memory_space<vmem>>) attributes {dimension_semantics = [#tpu.dimension_semantics<arbitrary>], iteration_bounds = array<i64: 10>, scalar_prefetch = 0 : i64, scratch_operands = 0 : i64, tpu.core_type = #tpu.core_type<tc>, window_params = [{transform_indices = @transform_0, window_bounds = array<i64: 1000, 256>}, {transform_indices = @transform_1, window_bounds = array<i64: 1000, 256>}, {transform_indices = @transform_2, window_bounds = array<i64: 2, 1000, 128>}, {transform_indices = @transform_3, window_bounds = array<i64: 2, 1000, 16>}, {pipeline_mode = #tpu.pipeline_mode<synchronous>, transform_indices = @transform_4, window_bounds = array<i64: 1, 1>}, {pipeline_mode = #tpu.pipeline_mode<synchronous>, transform_indices = @transform_5, window_bounds = array<i64: 1, 1>}, {pipeline_mode = #tpu.pipeline_mode<synchronous>, transform_indices = @transform_6, window_bounds = array<i64: 256, 256>}, {pipeline_mode = #tpu.pipeline_mode<synchronous>, transform_indices = @transform_7, window_bounds = array<i64: 1, 256>}, {pipeline_mode = #tpu.pipeline_mode<synchronous>, transform_indices = @transform_8, window_bounds = array<i64: 512, 256>}, {pipeline_mode = #tpu.pipeline_mode<synchronous>, transform_indices = @transform_9, window_bounds = array<i64: 1, 256>}, {pipeline_mode = #tpu.pipeline_mode<synchronous>, transform_indices = @transform_10, window_bounds = array<i64: 1, 256>}, {pipeline_mode = #tpu.pipeline_mode<synchronous>, transform_indices = @transform_11, window_bounds = array<i64: 1, 256>}, {pipeline_mode = #tpu.pipeline_mode<synchronous>, transform_indices = @transform_12, window_bounds = array<i64: 256, 256>}, {pipeline_mode = #tpu.pipeline_mode<synchronous>, transform_indices = @transform_13, window_bounds = array<i64: 1, 256>}, {pipeline_mode = #tpu.pipeline_mode<synchronous>, transform_indices = @transform_14, window_bounds = array<i64: 256, 256>}, {transform_indices = @transform_15, window_bounds = array<i64: 1000, 256>}]} {
    %get3A = arith.constant 0 : index
    %get3A_0 = arith.constant 0 : index
    %get3A_1 = arith.constant 0 : index
    %get3A_2 = vector.load %arg4[%get3A, %get3A_0, %get3A_1] : memref<2x1000x16xf32, #tpu.memory_space<vmem>>, vector<1x1000x1xf32>
    %get3A_3 = vector.shape_cast %get3A_2 : vector<1x1000x1xf32> to vector<1000x1xf32>
    %get3A_4 = arith.constant 1 : index
    %get3A_5 = arith.constant 0 : index
    %get3A_6 = arith.constant 0 : index
    %get3A_7 = vector.load %arg4[%get3A_4, %get3A_5, %get3A_6] : memref<2x1000x16xf32, #tpu.memory_space<vmem>>, vector<1x1000x1xf32>
    %get3A_8 = vector.shape_cast %get3A_7 : vector<1x1000x1xf32> to vector<1000x1xf32>
    %add3A = arith.addf %get3A_3, %get3A_8 : vector<1000x1xf32>
    %get3A_9 = arith.constant 0 : index
    %get3A_10 = arith.constant 0 : index
    %get3A_11 = arith.constant 0 : index
    %get3A_12 = vector.load %arg3[%get3A_9, %get3A_10, %get3A_11] : memref<2x1000x128xi16, #tpu.memory_space<vmem>>, vector<1x1000x128xi16>
    %get3A_13 = vector.shape_cast %get3A_12 : vector<1x1000x128xi16> to vector<1000x128xi16>
    %get3A_14 = arith.constant 1 : index
    %get3A_15 = arith.constant 0 : index
    %get3A_16 = arith.constant 0 : index
    %get3A_17 = vector.load %arg3[%get3A_14, %get3A_15, %get3A_16] : memref<2x1000x128xi16, #tpu.memory_space<vmem>>, vector<1x1000x128xi16>
    %get3A_18 = vector.shape_cast %get3A_17 : vector<1x1000x128xi16> to vector<1000x128xi16>
    %concatenate3A = tpu.concatenate %get3A_13, %get3A_18 in 1 : vector<1000x128xi16>, vector<1000x128xi16> -> vector<1000x256xi16>
    %convert_element_type3A = arith.sitofp %concatenate3A : vector<1000x256xi16> to vector<1000x256xf32>
    %get3A_19 = arith.constant 0 : index
    %get3A_20 = arith.constant 0 : index
    %get3A_21 = vector.load %arg5[%get3A_19, %get3A_20] : memref<1x1xf32, #tpu.memory_space<vmem>>, vector<1x1xf32>
    %get3A_22 = vector.extract %get3A_21[0, 0] : f32 from vector<1x1xf32>
    %max3A = arith.constant 1.000000e+00 : f32
    %max3A_23 = vector.broadcast %max3A : f32 to vector<1000x1xf32>
    %max3A_24 = arith.maximumf %add3A, %max3A_23 : vector<1000x1xf32>
    %div3A = vector.broadcast %get3A_22 : f32 to vector<1000x1xf32>
    %div3A_25 = arith.divf %div3A, %max3A_24 : vector<1000x1xf32>
    %mul3A = vector.broadcast %div3A_25 : vector<1000x1xf32> to vector<1000x256xf32>
    %mul3A_26 = arith.mulf %convert_element_type3A, %mul3A : vector<1000x256xf32>
    %get3A_27 = arith.constant 0 : index
    %get3A_28 = arith.constant 0 : index
    %get3A_29 = vector.load %arg7[%get3A_27, %get3A_28] : memref<256x256xf32, #tpu.memory_space<vmem>>, vector<256x256xf32>
    %dot_general3A = arith.constant dense<0.000000e+00> : vector<1000x256xf32>
    %dot_general3A_30 = tpu.matmul %mul3A_26, %get3A_29, %dot_general3A {dimension_numbers = #tpu.dot_dimension_numbers<[1], [0], [0], [1], [0, 0, 1, 1], [], []>, transpose_lhs_hint = false} : vector<1000x256xf32>, vector<256x256xf32>, vector<1000x256xf32> -> vector<1000x256xf32>
    %get3A_31 = arith.constant 0 : index
    %get3A_32 = arith.constant 0 : index
    %get3A_33 = vector.load %arg8[%get3A_31, %get3A_32] : memref<1x256xf32, #tpu.memory_space<vmem>>, vector<1x256xf32>
    %add3A_34 = vector.broadcast %get3A_33 : vector<1x256xf32> to vector<1000x256xf32>
    %add3A_35 = arith.addf %dot_general3A_30, %add3A_34 : vector<1000x256xf32>
    %get3A_36 = arith.constant 0 : index
    %get3A_37 = arith.constant 0 : index
    %get3A_38 = vector.load %arg2[%get3A_36, %get3A_37] : memref<1000x256xf32, #tpu.memory_space<vmem>>, vector<1000x256xf32>
    %add3A_39 = arith.addf %add3A_35, %get3A_38 : vector<1000x256xf32>
    %mul3A_40 = arith.mulf %add3A_39, %add3A_39 : vector<1000x256xf32>
    %reduce_sum3A = arith.constant dense<0.000000e+00> : vector<1000xf32>
    %reduce_sum3A_41 = vector.multi_reduction <add>, %mul3A_40, %reduce_sum3A [1] : vector<1000x256xf32> to vector<1000xf32>
    %broadcast_in_dim3A = vector.shape_cast %reduce_sum3A_41 : vector<1000xf32> to vector<1000x1xf32>
    %sqrt3A = math.sqrt %broadcast_in_dim3A : vector<1000x1xf32>
    %max3A_42 = arith.constant 9.99999996E-13 : f32
    %max3A_43 = vector.broadcast %max3A_42 : f32 to vector<1000x1xf32>
    %max3A_44 = arith.maximumf %sqrt3A, %max3A_43 : vector<1000x1xf32>
    %div3A_45 = vector.broadcast %max3A_44 : vector<1000x1xf32> to vector<1000x256xf32>
    %div3A_46 = arith.divf %add3A_39, %div3A_45 : vector<1000x256xf32>
    %get3A_47 = arith.constant 0 : index
    %get3A_48 = arith.constant 0 : index
    %get3A_49 = vector.load %arg1[%get3A_47, %get3A_48] : memref<1000x256xf32, #tpu.memory_space<vmem>>, vector<1000x256xf32>
    %mul3A_50 = arith.constant 5.000000e-01 : f32
    %mul3A_51 = vector.broadcast %mul3A_50 : f32 to vector<1000x256xf32>
    %mul3A_52 = arith.mulf %mul3A_51, %div3A_46 : vector<1000x256xf32>
    %mul3A_53 = arith.constant 0.707106769 : f32
    %mul3A_54 = vector.broadcast %mul3A_53 : f32 to vector<1000x256xf32>
    %mul3A_55 = arith.mulf %div3A_46, %mul3A_54 : vector<1000x256xf32>
    %erf3A = math.erf %mul3A_55 : vector<1000x256xf32>
    %add3A_56 = arith.constant 1.000000e+00 : f32
    %add3A_57 = vector.broadcast %add3A_56 : f32 to vector<1000x256xf32>
    %add3A_58 = arith.addf %add3A_57, %erf3A : vector<1000x256xf32>
    %mul3A_59 = arith.mulf %mul3A_52, %add3A_58 : vector<1000x256xf32>
    %add3A_60 = arith.addf %get3A_49, %mul3A_59 : vector<1000x256xf32>
    %get3A_61 = arith.constant 0 : index
    %get3A_62 = arith.constant 0 : index
    %get3A_63 = vector.load %arg1[%get3A_61, %get3A_62] : memref<1000x256xf32, #tpu.memory_space<vmem>>, vector<1000x256xf32>
    %concatenate3A_64 = tpu.concatenate %get3A_63, %add3A_60 in 1 : vector<1000x256xf32>, vector<1000x256xf32> -> vector<1000x512xf32>
    %get3A_65 = arith.constant 0 : index
    %get3A_66 = arith.constant 0 : index
    %get3A_67 = vector.load %arg9[%get3A_65, %get3A_66] : memref<512x256xf32, #tpu.memory_space<vmem>>, vector<512x256xf32>
    %dot_general3A_68 = arith.constant dense<0.000000e+00> : vector<1000x256xf32>
    %dot_general3A_69 = tpu.matmul %concatenate3A_64, %get3A_67, %dot_general3A_68 {dimension_numbers = #tpu.dot_dimension_numbers<[1], [0], [0], [1], [0, 0, 1, 1], [], []>, transpose_lhs_hint = false} : vector<1000x512xf32>, vector<512x256xf32>, vector<1000x256xf32> -> vector<1000x256xf32>
    %get3A_70 = arith.constant 0 : index
    %get3A_71 = arith.constant 0 : index
    %get3A_72 = vector.load %arg10[%get3A_70, %get3A_71] : memref<1x256xf32, #tpu.memory_space<vmem>>, vector<1x256xf32>
    %add3A_73 = vector.broadcast %get3A_72 : vector<1x256xf32> to vector<1000x256xf32>
    %add3A_74 = arith.addf %dot_general3A_69, %add3A_73 : vector<1000x256xf32>
    %logistic3A = arith.negf %add3A_74 : vector<1000x256xf32>
    %logistic3A_75 = math.exp %logistic3A : vector<1000x256xf32>
    %logistic3A_76 = arith.constant 1.000000e+00 : f32
    %logistic3A_77 = vector.broadcast %logistic3A_76 : f32 to vector<1000x256xf32>
    %logistic3A_78 = arith.addf %logistic3A_77, %logistic3A_75 : vector<1000x256xf32>
    %logistic3A_79 = arith.divf %logistic3A_77, %logistic3A_78 : vector<1000x256xf32>
    %mul3A_80 = arith.mulf %logistic3A_79, %add3A_60 : vector<1000x256xf32>
    %add3A_81 = arith.addf %get3A_63, %mul3A_80 : vector<1000x256xf32>
    %get3A_82 = arith.constant 0 : index
    %get3A_83 = arith.constant 0 : index
    %get3A_84 = vector.load %arg11[%get3A_82, %get3A_83] : memref<1x256xf32, #tpu.memory_space<vmem>>, vector<1x256xf32>
    %get3A_85 = arith.constant 0 : index
    %get3A_86 = arith.constant 0 : index
    %get3A_87 = vector.load %arg12[%get3A_85, %get3A_86] : memref<1x256xf32, #tpu.memory_space<vmem>>, vector<1x256xf32>
    %reduce_sum3A_88 = arith.constant dense<0.000000e+00> : vector<1000xf32>
    %reduce_sum3A_89 = vector.multi_reduction <add>, %add3A_81, %reduce_sum3A_88 [1] : vector<1000x256xf32> to vector<1000xf32>
    %broadcast_in_dim3A_90 = vector.shape_cast %reduce_sum3A_89 : vector<1000xf32> to vector<1000x1xf32>
    %div3A_91 = arith.constant 2.560000e+02 : f32
    %div3A_92 = vector.broadcast %div3A_91 : f32 to vector<1000x1xf32>
    %div3A_93 = arith.divf %broadcast_in_dim3A_90, %div3A_92 : vector<1000x1xf32>
    %sub3A = vector.broadcast %div3A_93 : vector<1000x1xf32> to vector<1000x256xf32>
    %sub3A_94 = arith.subf %add3A_81, %sub3A : vector<1000x256xf32>
    %integer_pow3A = arith.mulf %sub3A_94, %sub3A_94 : vector<1000x256xf32>
    %reduce_sum3A_95 = arith.constant dense<0.000000e+00> : vector<1000xf32>
    %reduce_sum3A_96 = vector.multi_reduction <add>, %integer_pow3A, %reduce_sum3A_95 [1] : vector<1000x256xf32> to vector<1000xf32>
    %broadcast_in_dim3A_97 = vector.shape_cast %reduce_sum3A_96 : vector<1000xf32> to vector<1000x1xf32>
    %div3A_98 = arith.constant 2.560000e+02 : f32
    %div3A_99 = vector.broadcast %div3A_98 : f32 to vector<1000x1xf32>
    %div3A_100 = arith.divf %broadcast_in_dim3A_97, %div3A_99 : vector<1000x1xf32>
    %sub3A_101 = vector.broadcast %div3A_93 : vector<1000x1xf32> to vector<1000x256xf32>
    %sub3A_102 = arith.subf %add3A_81, %sub3A_101 : vector<1000x256xf32>
    %add3A_103 = arith.constant 9.99999974E-6 : f32
    %add3A_104 = vector.broadcast %add3A_103 : f32 to vector<1000x1xf32>
    %add3A_105 = arith.addf %div3A_100, %add3A_104 : vector<1000x1xf32>
    %sqrt3A_106 = math.sqrt %add3A_105 : vector<1000x1xf32>
    %div3A_107 = vector.broadcast %sqrt3A_106 : vector<1000x1xf32> to vector<1000x256xf32>
    %div3A_108 = arith.divf %sub3A_102, %div3A_107 : vector<1000x256xf32>
    %mul3A_109 = vector.broadcast %get3A_84 : vector<1x256xf32> to vector<1000x256xf32>
    %mul3A_110 = arith.mulf %div3A_108, %mul3A_109 : vector<1000x256xf32>
    %add3A_111 = vector.broadcast %get3A_87 : vector<1x256xf32> to vector<1000x256xf32>
    %add3A_112 = arith.addf %mul3A_110, %add3A_111 : vector<1000x256xf32>
    %swap3A = arith.constant 0 : index
    %swap3A_113 = arith.constant 0 : index
    %swap3A_114 = vector.load %arg16[%swap3A, %swap3A_113] : memref<1000x256xf32, #tpu.memory_space<vmem>>, vector<1000x256xf32>
    tpu.vector_store %arg16[%swap3A, %swap3A_113], %add3A_112 {strides = array<i32>} : memref<1000x256xf32, #tpu.memory_space<vmem>>, vector<1000x256xf32>,
    return
  }
  func.func @transform_0(%arg0: i32) -> (i32, i32) {
    %c0_i32 = arith.constant 0 : i32
    %c0_i32_0 = arith.constant 0 : i32
    return %arg0, %c0_i32 : i32, i32
  }
  func.func @transform_1(%arg0: i32) -> (i32, i32) {
    %c0_i32 = arith.constant 0 : i32
    %c0_i32_0 = arith.constant 0 : i32
    return %arg0, %c0_i32 : i32, i32
  }
  func.func @transform_2(%arg0: i32) -> (i32, i32, i32) {
    %c0_i32 = arith.constant 0 : i32
    %c0_i32_0 = arith.constant 0 : i32
    %c0_i32_1 = arith.constant 0 : i32
    return %c0_i32, %arg0, %c0_i32_0 : i32, i32, i32
  }
  func.func @transform_3(%arg0: i32) -> (i32, i32, i32) {
    %c0_i32 = arith.constant 0 : i32
    %c0_i32_0 = arith.constant 0 : i32
    %c0_i32_1 = arith.constant 0 : i32
    return %c0_i32, %arg0, %c0_i32_0 : i32, i32, i32
  }
  func.func @transform_4(%arg0: i32) -> (i32, i32) {
    %c0_i32 = arith.constant 0 : i32
    %c0_i32_0 = arith.constant 0 : i32
    %c0_i32_1 = arith.constant 0 : i32
    return %c0_i32, %c0_i32_0 : i32, i32
  }
  func.func @transform_5(%arg0: i32) -> (i32, i32) {
    %c0_i32 = arith.constant 0 : i32
    %c0_i32_0 = arith.constant 0 : i32
    %c0_i32_1 = arith.constant 0 : i32
    return %c0_i32, %c0_i32_0 : i32, i32
  }
  func.func @transform_6(%arg0: i32) -> (i32, i32) {
    %c0_i32 = arith.constant 0 : i32
    %c0_i32_0 = arith.constant 0 : i32
    %c0_i32_1 = arith.constant 0 : i32
    return %c0_i32, %c0_i32_0 : i32, i32
  }
  func.func @transform_7(%arg0: i32) -> (i32, i32) {
    %c0_i32 = arith.constant 0 : i32
    %c0_i32_0 = arith.constant 0 : i32
    %c0_i32_1 = arith.constant 0 : i32
    return %c0_i32, %c0_i32_0 : i32, i32
  }
  func.func @transform_8(%arg0: i32) -> (i32, i32) {
    %c0_i32 = arith.constant 0 : i32
    %c0_i32_0 = arith.constant 0 : i32
    %c0_i32_1 = arith.constant 0 : i32
    return %c0_i32, %c0_i32_0 : i32, i32
  }
  func.func @transform_9(%arg0: i32) -> (i32, i32) {
    %c0_i32 = arith.constant 0 : i32
    %c0_i32_0 = arith.constant 0 : i32
    %c0_i32_1 = arith.constant 0 : i32
    return %c0_i32, %c0_i32_0 : i32, i32
  }
  func.func @transform_10(%arg0: i32) -> (i32, i32) {
    %c0_i32 = arith.constant 0 : i32
    %c0_i32_0 = arith.constant 0 : i32
    %c0_i32_1 = arith.constant 0 : i32
    return %c0_i32, %c0_i32_0 : i32, i32
  }
  func.func @transform_11(%arg0: i32) -> (i32, i32) {
    %c0_i32 = arith.constant 0 : i32
    %c0_i32_0 = arith.constant 0 : i32
    %c0_i32_1 = arith.constant 0 : i32
    return %c0_i32, %c0_i32_0 : i32, i32
  }
  func.func @transform_12(%arg0: i32) -> (i32, i32) {
    %c0_i32 = arith.constant 0 : i32
    %c0_i32_0 = arith.constant 0 : i32
    %c0_i32_1 = arith.constant 0 : i32
    return %c0_i32, %c0_i32_0 : i32, i32
  }
  func.func @transform_13(%arg0: i32) -> (i32, i32) {
    %c0_i32 = arith.constant 0 : i32
    %c0_i32_0 = arith.constant 0 : i32
    %c0_i32_1 = arith.constant 0 : i32
    return %c0_i32, %c0_i32_0 : i32, i32
  }
  func.func @transform_14(%arg0: i32) -> (i32, i32) {
    %c0_i32 = arith.constant 0 : i32
    %c0_i32_0 = arith.constant 0 : i32
    %c0_i32_1 = arith.constant 0 : i32
    return %c0_i32, %c0_i32_0 : i32, i32
  }
  func.func @transform_15(%arg0: i32) -> (i32, i32) {
    %c0_i32 = arith.constant 0 : i32
    %c0_i32_0 = arith.constant 0 : i32
    return %arg0, %c0_i32 : i32, i32
  }
}

</mosaic_0001>

<sc_bundles>
// kernel: sc_deg.3.cloned.1.call-start
scs
__scs_entry_jumppad:
0x0: {  	(pc) =	sbr.rel $0x88, $3  }
0x1: {  	(tag) =	ssettag $0x0;
	lr =	simm.s32 $0x1  }
0x2: {  	[smem:$0x3F8E] =	sst lr;
	_ =	strace $0xD0000000  }
0x3: {  	_ = 	snop  }
0x4: {  	_ = 	snop  }
0x5: {  	_ = 	snop  }
0x6: {  	_ = 	snop  }
0x7: {  	_ = 	snop  }
__scs_overlays_trampoline_lowered:
0x8: {  	[smem:$0x3F9D] =	sst s0  }
0x9: {  	[smem:$0x3F9E] =	sst s1  }
0xa: {  	[smem:$0x3F9F] =	sst s2  }
0xb: {  	[smem:$0x3FA0] =	sst s3  }
0xc: {  	[smem:$0x3FA1] =	sst s4  }
0xd: {  	[smem:$0x3FA2] =	sst s5  }
0xe: {  	[smem:$0x3FA3] =	sst s6  }
0xf: {  	[smem:$0x3FA4] =	sst s7  }
0x10: {  	[smem:$0x3FA5] =	sst s8  }
0x11: {  	[smem:$0x3FA6] =	sst s9;
	s0 =	simm.s32 @!p0 $0x0  }
0x12: {  	s1 =	sld [smem:$0x3F8C];
	s0 =	simm.s32 @p0 $0x1  }
0x13: {  	[smem:$0x3FA7] =	sst s0;
	s0 =	simm.s32 @!p1 $0x0  }
0x14: {  	s2 =	sld [smem:$0x3F8B];
	s0 =	simm.s32 @p1 $0x1  }
0x15: {  	[smem:$0x3FA8] =	sst s0;
	s0 =	simm.s32 @!p2 $0x0  }
0x16: {  	s3 =	sld [smem:$0x3FDB];
	s0 =	simm.s32 @p2 $0x1  }
0x17: {  	s4 =	simm.s32 $0x1BF5;
	[smem:$0x3FAA] =	sst s0  }
0x18: {  	s0 =	sld [smem:$0x3F8D];
	_ =	swait.ge [sflag:s4], $0x0  }
0x19: {  	s7 =	sld [smem:$0x3F8E]  }
0x1a: {  	s8 =	sadd.s32 $0xFFFFE003, lr  }
0x1b: {  	s9 =	sadd.s32 $0xFFFFFEF7, lr;
	s5 =	simm.s32 $0xFFFFFFFF;
	p2 =	slt.u32 s8, $0xFFFFF086  }
0x1c: {  	p1 =	slt.u32 s9, $0xF7A;
	s5 =	simm.s32 @!p2 $0x0  }
0x1d: {  	s5 =	simm.s32 @p1 $0x1;
	p0 =	seq.s32 s7, s2  }
0x1e: {  	s7 =	smul.u32 @!p0 $0xF7A, s2;
	p2 =	seq.s32 @!p0 s5, $0x0  }
0x1f: {  	s9 =	smul.u32 $0xF7A, s1;
	s8 =	simm.s32 @!p0 $0x1BF5;
	p2 =	por !p2, p0  }
0x20: {  	[sflag:s8] =	ssyncset.s32 @!p0 $0xFFFFF086;
	s6 =	sadd.s32 @!p0 s3, s7;
	s7 =	simm.s32 @!p0 $0x108  }
0x21: {  	s3 =	sadd.s32 s3, s9;
	s6 =	sadd.s32 @!p0 $0x88, s6;
	s7 =	simm.s32 @p2 $0x1082  }
0x22: {  	[simem:s7], [sflag:s8] =	dma.local @!p0 [hbm:s6], $0xF7A  }
0x23: {  	s9 =	sor.u32 $0xD0000000, s2;
	s6 =	simm.s32 $0x108;
	_ =	swait.ge @!p0 [sflag:s8], $0x0  }
0x24: {  	s3 =	sadd.s32 $0x88, s3;
	s6 =	simm.s32 @!p1 $0x1082;
	[sflag:s4] =	ssyncset.s32 $0xFFFFF086  }
0x25: {  	[simem:s6], [sflag:s4] =	dma.local [hbm:s3], $0xF7A  }
0x26: {  	[smem:$0x3F8E] =	sst s1;
	(tag) =	ssettag s2;
	_ =	strace s9  }
0x27: {  	s1 =	sld [smem:$0x3F9E]  }
0x28: {  	s2 =	sld [smem:$0x3F9F]  }
0x29: {  	s4 =	sld [smem:$0x3FA1]  }
0x2a: {  	p0 =	seq.s32 s5, $0x0;
	s5 =	sld [smem:$0x3FA2]  }
0x2b: {  	s6 =	sld [smem:$0x3FA3]  }
0x2c: {  	s7 =	sld [smem:$0x3FA4]  }
0x2d: {  	s3 =	simm.s32 $0x108;
	s8 =	sld [smem:$0x3FA5]  }
0x2e: {  	s3 =	simm.s32 @!p0 $0x1082;
	s9 =	sld [smem:$0x3FA6]  }
0x2f: {  	lr =	sadd.s32 s0, s3;
	s0 =	sld [smem:$0x3F9D]  }
0x30: {  	s3 =	sld [smem:$0x3FA0]  }
0x31: {  	[smem:$0x3FA9] =	sst s10  }
0x32: {  	s10 =	sld [smem:$0x3FA7];
	_ =	sdelay $0x3  }
0x33: {  	p0 =	seq.s32 s10, $0x1;
	s10 =	sld [smem:$0x3FA9];
	_ =	sdelay $0x3  }
0x34: {  	[smem:$0x3FA9] =	sst s10  }
0x35: {  	s10 =	sld [smem:$0x3FA8];
	_ =	sdelay $0x3  }
0x36: {  	p1 =	seq.s32 s10, $0x1;
	s10 =	sld [smem:$0x3FA9];
	_ =	sdelay $0x3  }
0x37: {  	[smem:$0x3FA9] =	sst s10  }
0x38: {  	s10 =	sld [smem:$0x3FAA]  }
0x39: {  	_ = 	snop;
	(pc) =	sbr.ind lr, $3  }
0x3a: {  	_ = 	snop  }
0x3b: {  	_ = 	snop  }
0x3c: {  	p2 =	seq.s32 s10, $0x1;
	s10 =	sld [smem:$0x3FA9]  }
0x3d: {  	_ =	shalt  }
0x3e: {  	_ =	shalt  }
0x3f: {  	_ =	shalt  }
0x40: {  	_ =	shalt  }
0x41: {  	_ =	shalt  }
0x42: {  	_ =	shalt  }
0x43: {  	_ =	shalt  }
0x44: {  	_ =	shalt  }
0x45: {  	_ =	shalt  }
0x46: {  	_ =	shalt  }
0x47: {  	_ =	shalt  }
0x48: {  	_ =	shalt  }
0x49: {  	_ =	shalt  }
0x4a: {  	_ =	shalt  }
0x4b: {  	_ =	shalt  }
0x4c: {  	_ =	shalt  }
0x4d: {  	_ =	shalt  }
0x4e: {  	_ =	shalt  }
0x4f: {  	_ =	shalt  }
0x50: {  	_ =	shalt  }
0x51: {  	_ =	shalt  }
0x52: {  	_ =	shalt  }
0x53: {  	_ =	shalt  }
0x54: {  	_ =	shalt  }
0x55: {  	_ =	shalt  }
0x56: {  	_ =	shalt  }
0x57: {  	_ =	shalt  }
0x58: {  	_ =	shalt  }
0x59: {  	_ =	shalt  }
0x5a: {  	_ =	shalt  }
0x5b: {  	_ =	shalt  }
0x5c: {  	_ =	shalt  }
0x5d: {  	_ =	shalt  }
0x5e: {  	_ =	shalt  }
0x5f: {  	_ =	shalt  }
0x60: {  	_ =	shalt  }
0x61: {  	_ =	shalt  }
0x62: {  	_ =	shalt  }
0x63: {  	_ =	shalt  }
0x64: {  	_ =	shalt  }
0x65: {  	_ =	shalt  }
0x66: {  	_ =	shalt  }
0x67: {  	_ =	shalt  }
0x68: {  	_ =	shalt  }
0x69: {  	_ =	shalt  }
0x6a: {  	_ =	shalt  }
0x6b: {  	_ =	shalt  }
0x6c: {  	_ =	shalt  }
0x6d: {  	_ =	shalt  }
0x6e: {  	_ =	shalt  }
0x6f: {  	_ =	shalt  }
0x70: {  	_ =	shalt  }
0x71: {  	_ =	shalt  }
0x72: {  	_ =	shalt  }
0x73: {  	_ =	shalt  }
0x74: {  	_ =	shalt  }
0x75: {  	_ =	shalt  }
0x76: {  	_ =	shalt  }
0x77: {  	_ =	shalt  }
0x78: {  	_ =	shalt  }
0x79: {  	_ =	shalt  }
0x7a: {  	_ =	shalt  }
0x7b: {  	_ =	shalt  }
0x7c: {  	_ =	shalt  }
0x7d: {  	_ =	shalt  }
0x7e: {  	_ =	shalt  }
0x7f: {  	_ =	shalt  }
0x80: {  	_ =	shalt  }
0x81: {  	_ =	shalt  }
0x82: {  	_ =	shalt  }
0x83: {  	_ =	shalt  }
0x84: {  	_ =	shalt  }
0x85: {  	_ =	shalt  }
0x86: {  	_ =	shalt  }
0x87: {  	_ =	shalt  }
.Lfunc_end0:
.L_simem_size_0:
called_computation_lowered:
.L_overlay_start_0:
0x88: {  	s2 =	sld [smem:$0x3FD9]  }
0x89: {  	s3 =	sld [smem:$0x3FFE];
	_ =	sdelay $0x1  }
0x8a: {  	s1 =	srdreg.scid  }
0x8b: {  	s0 =	sand.u32 $0x1, s1  }
0x8c: {  	s17 =	sshll.u32 s0, $0xA;
	s2 =	sadd.s32 s3, s2  }
0x8d: {  	s2 =	sadd.s32 s2, s17  }
0x8e: {  	[smem:$0x3FB5] =	sst s2  }
0x8f: {  	_ = 	snop  }
0x90: {  	s2 =	sld [smem:$0x3FD0];
	(tm) =	ssettm $0x1  }
0x91: {  	s18 =	sld [smem:$0x3FFB];
	_ =	sdelay $0x3  }
0x92: {  	_ =	strace s18  }
0x93: {  	s3 =	sld [smem:$0x3FFC];
	_ =	sdelay $0x3  }
0x94: {  	_ =	strace s3  }
0x95: {  	s3 =	sld [smem:$0x3FFD];
	_ =	sdelay $0x3  }
0x96: {  	_ =	strace s3  }
0x97: {  	_ =	strace $0x8FFFFFFF  }
0x98: {  	s19 =	sld [smem:$0x3FDB];
	_ =	sdelay $0x1  }
0x99: {  	s4 =	simm.s32 $_scs_section_size  }
0x9a: {  	s5 =	simm.s32 $_size__tile_overlayer_lowered;
	s6 =	simm.s32 $_tile_overlayer_lowered  }
0x9b: {  	s22 =	simm.s32 $0x1BFF;
	s21 =	sshll.u32 s6, $0x1;
	s3 =	sadd.s32 s4, s19  }
0x9c: {  	s7 =	simm.s32 $0x0;
	s20 =	sshll.u32 s5, $0x1;
	s5 =	sadd.s32 s21, s3  }
0x9d: {  	[timem:s7], [sflag:s22] =	dma.local [hbm:s5], s20  }
0x9e: {  	_ =	swait.ge [sflag:s22], s20  }
0x9f: {  	s4 =	ssub.s32 $0x0, s20;
	[sflag:s22] =	ssyncset.done $0x0  }
0xa0: {  	[sflag:s22] =	ssyncadd.s32 s4;
	_ =	sdelay $0x1  }
0xa1: {  	s23 =	simm.s32 $0x1B8B  }
0xa2: {  	_ =	swait.ge [sflag:s23], $0x1  }
0xa3: {  	[sflag:s23] =	ssyncset.done $0x0  }
0xa4: {  	s25 =	simm.s32 $0x1B8E;
	s24 =	sld [smem:$0x3FFE];
	[sflag:s23] =	ssyncadd.s32 $0xFFFFFFFF  }
0xa5: {  	s26 =	simm.s32 $execute0_lowered;
	[smem:$0x3FD2] =	sst s25  }
0xa6: {  	s5 =	sshll.u32 s26, $0x1;
	_ =	strace $0x80000046;
	[dreg:$0x1] =	wrdreg $0xFFFFFFFF  }
0xa7: {  	s28 =	simm.s32 $_size_execute0_lowered;
	s3 =	sadd.s32 s3, s5;
	[dreg:$0x0] =	wrdreg $0x0  }
0xa8: {  	s5 =	sshll.u32 s28, $0x1;
	[dreg:$0x2] =	wrdreg s3  }
0xa9: {  	[dreg:$0x3] =	wrdreg s5  }
0xaa: {  	[dreg:$0x4] =	wrdreg $0xC0  }
0xab: {  	_ =	task [dreg:s7], $0x5FFFF  }
0xac: {  	[dreg:$0x1] =	wrdreg $0xFFFFFFFF  }
0xad: {  	[dreg:$0x0] =	wrdreg $0x60  }
0xae: {  	[dreg:$0x2] =	wrdreg s24  }
0xaf: {  	[dreg:$0x3] =	wrdreg s2  }
0xb0: {  	[dreg:$0x4] =	wrdreg $0x11E00  }
0xb1: {  	[dreg:$0x5] =	wrdreg $0x9  }
0xb2: {  	_ =	task.clear_ibuf [dreg:s7], $0x6FFFF;
	_ =	strace $0x90000046  }
0xb3: {  	s29 =	simm.s32 $0x9;
	_ =	strace $0x80000048  }
0xb4: {  	_ =	swait.ge [sflag:s29], $0x1  }
0xb5: {  	[sflag:s29] =	ssyncadd.s32 $0xFFFFFFFF  }
0xb6: {  	_ =	strace $0x90000048  }
0xb7: {  	_ =	sfence  }
0xb8: {  	s30 =	sld [smem:$0x0];
	_ =	sdelay $0x2  }
0xb9: {  	s31 =	sshll.u32 s1, $0xD;
	s1 =	sshrl.u32 s1, $0x2  }
0xba: {  	s3 =	sand.u32 $0x4000, s31;
	s1 =	sadd.s32 s1, s30  }
0xbb: {  	s0 =	sor.u32 s3, s0;
	s1 =	sshll.u32 s1, $0x11  }
0xbc: {  	s0 =	sor.u32 s1, s0  }
0xbd: {  	s0 =	sadd.s32 $0x8F2B, s0  }
0xbe: {  	[sflag:s0] =	ssyncadd.remote.s32 $0x1  }
0xbf: {  	_ =	sfence.sel $0xFFFF  }
0xc0: {  	[dreg:$0x0] =	wrdreg $0xFFFFFFFF;
	(pc) =	sbr.abs _section_cstart, $3  }
0xc1: {  	[dreg:$0x1] =	wrdreg $0xFFFFFFFF  }
0xc2: {  	_ =	task.clear_ibuf [dreg:s7], $0x2FFFF;
	_ =	strace $0x9FFFFFFF  }
0xc3: {  	(tm) =	ssettm $0x7FFFFFFF  }
tec
execute0_lowered:
.L_overlay_start_1:
0x0: {  	(tag) =	ssettag $0x1  }
0x1: {  	s0 =	rddreg [dreg:$0x0]  }
0x2: {  	s1 =	rddreg [dreg:$0x1];
	s3 =	srdreg.scid  }
0x3: {  	s8 =	stileid.u32;
	s2 =	rddreg [dreg:$0x2]  }
0x4: {  	s16 =	simm.s32 $0xDE0;
	s28 =	simm.s32 $0x2A0;
	s29 =	simm.s32 $0x300  }
0x5: {  	s30 =	simm.s32 $0x360;
	s31 =	simm.s32 $0x3C0;
	s6 =	smul.u32 $0xA000, s8  }
0x6: {  	s4 =	sand.u32 $0x1, s3;
	s5 =	sshll.u32 s8, $0x1;
	s8 =	smul.u32 $0x2800, s8  }
0x7: {  	s3 =	simm.s32 $0x0;
	s5 =	sor.u32 s4, s5;
	s7 =	smul.u32 $0x5000, s4  }
0x8: {  	[smem:$0x7FF] =	sst s3;
	s10 =	ssub.s32 $0x2, s4;
	s5 =	smul.u32 $0x4EC, s5  }
0x9: {  	_ =	strace $0x80000047;
	s11 =	sshrl.u32 s10, $0x1;
	s6 =	sshrl.u32 s6, $0x2  }
0xa: {  	s14 =	sshrl.u32 s8, $0x3;
	s15 =	sadd.s32 s8, s2;
	s12 =	sadd.s32 s6, s2  }
0xb: {  	s9 =	ssub.s32 s10, s11;
	s26 =	sshrl.u32 s15, $0x3;
	[dreg:$0x4] =	wrdreg s12  }
0xc: {  	s8 =	simm.s32 $0x5A0;
	s17 =	smax.u32 s9, $0x1;
	[dreg:$0x10] =	wrdreg s26  }
0xd: {  	s13 =	sadd.s32 s1, s7;
	s18 =	sadd.s32 $0x400, s12;
	[dreg:$0x5] =	wrdreg s17  }
0xe: {  	s1 =	simm.s32 $0x420;
	s19 =	sadd.s32 $0x800, s12;
	[dreg:$0x6] =	wrdreg s18  }
0xf: {  	s6 =	simm.s32 $0x4E0;
	s20 =	sadd.s32 $0xC00, s12;
	[dreg:$0x7] =	wrdreg s19  }
0x10: {  	s7 =	simm.s32 $0x540;
	s21 =	sadd.s32 $0x1000, s12;
	[dreg:$0x8] =	wrdreg s20  }
0x11: {  	s10 =	simm.s32 $0x660;
	s22 =	sadd.s32 $0x1400, s12;
	[dreg:$0x9] =	wrdreg s21  }
0x12: {  	s11 =	simm.s32 $0x6C0;
	s23 =	sadd.s32 $0x1800, s12;
	[dreg:$0xa] =	wrdreg s22  }
0x13: {  	s0 =	sadd.s32 s5, s0;
	s24 =	sadd.s32 $0x1C00, s12;
	[dreg:$0xb] =	wrdreg s23  }
0x14: {  	s25 =	sadd.s32 $0x2000, s12;
	s4 =	sadd.s32 $0x2400, s12;
	[dreg:$0xc] =	wrdreg s24  }
0x15: {  	s26 =	simm.s32 $0x240;
	s9 =	simm.s32 $0x600;
	[dreg:$0xd] =	wrdreg s25  }
0x16: {  	s12 =	simm.s32 $0x720;
	s5 =	sadd.s32 $0x5800, s0;
	[dreg:$0xe] =	wrdreg s4  }
0x17: {  	s17 =	simm.s32 $0x1;
	s18 =	simm.s32 $0x60;
	s19 =	simm.s32 $0x7E0  }
0x18: {  	s20 =	simm.s32 $0xC0;
	s21 =	simm.s32 $0x120;
	s22 =	simm.s32 $0x180  }
0x19: {  	s0 =	sadd.s32 s14, s13;
	s24 =	simm.s32 $0x1E0;
	s13 =	simm.s32 $0x780  }
0x1a: {  	v0 =	vimm.f32 $0.0e+00;
	v1 =	vimm.f32 $1.000000000e+00;
	s14 =	simm.s32 $0x0;
	[dreg:$0xf] =	wrdreg s0;
	s0 =	simm.s32 $0x480  }
.LBB2_1:
0x1b: {  	s15 =	simm.s32 $0x40;
	s23 =	simm.s32 $0x0  }
.LBB2_2:
0x1c: {  	p0 =	sne.s32 s15, $0xFC0;
	[tilespmem:s23+$0xDE0] =	vst v0;
	s23 =	smov.u32 s15;
	s15 =	sadd.s32 $0x40, s15  }
.Ltmp0:
0x1d: {  	(pc) =	sbr.rel @p0 .LBB2_2-.Ltmp0, $2  }
0x1e: {  	_ =	sdelay $0x2  }
0x1f: {  	s23 =	sshra.s32 s23, $0x2  }
0x20: {  	[tilespmem:s23+$0xDE0] =	vst v0;
	s4 =	rddreg [dreg:$0x4]  }
0x21: {  	[spmem:s4] =	stream.linear.scatter [tilespmem:s16], [sflag:$0x1], $0x400, $0x38;
	[tilespmem:$0x39E0] =	vst v63  }
0x22: {  	_ =	swait.ge [sflag:s17], $0x400  }
0x23: {  	[sflag:s17] =	ssyncset.done $0x0  }
0x24: {  	s15 =	rddreg [dreg:$0x6];
	[sflag:s17] =	ssyncadd.s32 $0xFFFFFC00  }
0x25: {  	[spmem:s15] =	stream.linear.scatter [tilespmem:s16], [sflag:$0x1], $0x400, $0x38;
	[tilespmem:$0x39E0] =	vst v63  }
0x26: {  	_ =	swait.ge [sflag:s17], $0x400  }
0x27: {  	[sflag:s17] =	ssyncset.done $0x0  }
0x28: {  	s23 =	rddreg [dreg:$0x7];
	[sflag:s17] =	ssyncadd.s32 $0xFFFFFC00  }
0x29: {  	[spmem:s23] =	stream.linear.scatter [tilespmem:s16], [sflag:$0x1], $0x400, $0x38;
	[tilespmem:$0x39E0] =	vst v63  }
0x2a: {  	_ =	swait.ge [sflag:s17], $0x400  }
0x2b: {  	[sflag:s17] =	ssyncset.done $0x0  }
0x2c: {  	s25 =	rddreg [dreg:$0x8];
	[sflag:s17] =	ssyncadd.s32 $0xFFFFFC00  }
0x2d: {  	[spmem:s25] =	stream.linear.scatter [tilespmem:s16], [sflag:$0x1], $0x400, $0x38;
	[tilespmem:$0x39E0] =	vst v63  }
0x2e: {  	_ =	swait.ge [sflag:s17], $0x400  }
0x2f: {  	[sflag:s17] =	ssyncset.done $0x0  }
0x30: {  	s15 =	rddreg [dreg:$0x9];
	[sflag:s17] =	ssyncadd.s32 $0xFFFFFC00  }
0x31: {  	[spmem:s15] =	stream.linear.scatter [tilespmem:s16], [sflag:$0x1], $0x400, $0x38;
	[tilespmem:$0x39E0] =	vst v63  }
0x32: {  	_ =	swait.ge [sflag:s17], $0x400  }
0x33: {  	[sflag:s17] =	ssyncset.done $0x0  }
0x34: {  	s23 =	rddreg [dreg:$0xa];
	[sflag:s17] =	ssyncadd.s32 $0xFFFFFC00  }
0x35: {  	[spmem:s23] =	stream.linear.scatter [tilespmem:s16], [sflag:$0x1], $0x400, $0x38;
	[tilespmem:$0x39E0] =	vst v63  }
0x36: {  	_ =	swait.ge [sflag:s17], $0x400  }
0x37: {  	[sflag:s17] =	ssyncset.done $0x0  }
0x38: {  	s25 =	rddreg [dreg:$0xb];
	[sflag:s17] =	ssyncadd.s32 $0xFFFFFC00  }
0x39: {  	[spmem:s25] =	stream.linear.scatter [tilespmem:s16], [sflag:$0x1], $0x400, $0x38;
	[tilespmem:$0x39E0] =	vst v63  }
0x3a: {  	_ =	swait.ge [sflag:s17], $0x400  }
0x3b: {  	[sflag:s17] =	ssyncset.done $0x0  }
0x3c: {  	s15 =	rddreg [dreg:$0xc];
	[sflag:s17] =	ssyncadd.s32 $0xFFFFFC00  }
0x3d: {  	[spmem:s15] =	stream.linear.scatter [tilespmem:s16], [sflag:$0x1], $0x400, $0x38;
	[tilespmem:$0x39E0] =	vst v63  }
0x3e: {  	_ =	swait.ge [sflag:s17], $0x400  }
0x3f: {  	[sflag:s17] =	ssyncset.done $0x0  }
0x40: {  	s23 =	rddreg [dreg:$0xd];
	[sflag:s17] =	ssyncadd.s32 $0xFFFFFC00  }
0x41: {  	[spmem:s23] =	stream.linear.scatter [tilespmem:s16], [sflag:$0x1], $0x400, $0x38;
	[tilespmem:$0x39E0] =	vst v63  }
0x42: {  	_ =	swait.ge [sflag:s17], $0x400  }
0x43: {  	[sflag:s17] =	ssyncset.done $0x0  }
0x44: {  	s25 =	rddreg [dreg:$0xe];
	[sflag:s17] =	ssyncadd.s32 $0xFFFFFC00  }
0x45: {  	[spmem:s25] =	stream.linear.scatter [tilespmem:s16], [sflag:$0x1], $0x400, $0x38;
	[tilespmem:$0x39E0] =	vst v63  }
0x46: {  	_ =	swait.ge [sflag:s17], $0x400  }
0x47: {  	[sflag:s17] =	ssyncset.done $0x0  }
0x48: {  	s15 =	simm.s32 $0x40;
	s23 =	simm.s32 $0x0;
	[sflag:s17] =	ssyncadd.s32 $0xFFFFFC00  }
.LBB2_4:
0x49: {  	p0 =	sne.s32 s15, $0x17C0;
	[tilespmem:s23+$0x7E0] =	vst v1;
	s23 =	smov.u32 s15;
	s15 =	sadd.s32 $0x40, s15  }
.Ltmp1:
0x4a: {  	(pc) =	sbr.rel @p0 .LBB2_4-.Ltmp1, $2  }
0x4b: {  	_ =	sdelay $0x2  }
0x4c: {  	s23 =	sshra.s32 s23, $0x2  }
0x4d: {  	[tilespmem:s23+$0x7E0] =	vst v1  }
0x4e: {  	s15 =	sadd.s32 $0x0, s5;
	[bflag:$0x0] =	sbarrier.arrive $0xFFFF  }
0x4f: {  	[tilespmem:s3], [sflag:$0x1] =	stream.linear.gather [hbm4b:s15+s3], $0x7E0, $0x38;
	[tilespmem:$0x39E0] =	vst v63  }
0x50: {  	_ =	swait.ge [sflag:s17], $0x7E0  }
0x51: {  	[sflag:s17] =	ssyncset.done $0x0  }
0x52: {  	[sflag:s17] =	ssyncadd.s32 $0xFFFFF820  }
0x53: {  	[spmem:s2] =	stream.indirect.scatter.add.f32 [tilespmem:s19], [sflag:$0x1], $0x10, s3, s18, $0xb8;
	[tilespmem:$0x39E0] =	vst v63  }
0x54: {  	_ =	swait.ge [sflag:s17], $0x600  }
0x55: {  	[sflag:s17] =	ssyncset.done $0x0  }
0x56: {  	[sflag:s17] =	ssyncadd.s32 $0xFFFFFA00  }
0x57: {  	[spmem:s2] =	stream.indirect.scatter.add.f32 [tilespmem:s19], [sflag:$0x1], $0x10, s18, s18, $0xb8;
	[tilespmem:$0x39E0] =	vst v63  }
0x58: {  	_ =	swait.ge [sflag:s17], $0x600  }
0x59: {  	[sflag:s17] =	ssyncset.done $0x0  }
0x5a: {  	[sflag:s17] =	ssyncadd.s32 $0xFFFFFA00  }
0x5b: {  	[spmem:s2] =	stream.indirect.scatter.add.f32 [tilespmem:s19], [sflag:$0x1], $0x10, s20, s18, $0xb8;
	[tilespmem:$0x39E0] =	vst v63  }
0x5c: {  	_ =	swait.ge [sflag:s17], $0x600  }
0x5d: {  	[sflag:s17] =	ssyncset.done $0x0  }
0x5e: {  	[sflag:s17] =	ssyncadd.s32 $0xFFFFFA00  }
0x5f: {  	[spmem:s2] =	stream.indirect.scatter.add.f32 [tilespmem:s19], [sflag:$0x1], $0x10, s21, s18, $0xb8;
	[tilespmem:$0x39E0] =	vst v63  }
0x60: {  	_ =	swait.ge [sflag:s17], $0x600  }
0x61: {  	[sflag:s17] =	ssyncset.done $0x0  }
0x62: {  	[sflag:s17] =	ssyncadd.s32 $0xFFFFFA00  }
0x63: {  	[spmem:s2] =	stream.indirect.scatter.add.f32 [tilespmem:s19], [sflag:$0x1], $0x10, s22, s18, $0xb8;
	[tilespmem:$0x39E0] =	vst v63  }
0x64: {  	_ =	swait.ge [sflag:s17], $0x600  }
0x65: {  	[sflag:s17] =	ssyncset.done $0x0  }
0x66: {  	[sflag:s17] =	ssyncadd.s32 $0xFFFFFA00  }
0x67: {  	[spmem:s2] =	stream.indirect.scatter.add.f32 [tilespmem:s19], [sflag:$0x1], $0x10, s24, s18, $0xb8;
	[tilespmem:$0x39E0] =	vst v63  }
0x68: {  	_ =	swait.ge [sflag:s17], $0x600  }
0x69: {  	[sflag:s17] =	ssyncset.done $0x0  }
0x6a: {  	[sflag:s17] =	ssyncadd.s32 $0xFFFFFA00  }
0x6b: {  	[spmem:s2] =	stream.indirect.scatter.add.f32 [tilespmem:s19], [sflag:$0x1], $0x10, s26, s18, $0xb8;
	[tilespmem:$0x39E0] =	vst v63  }
0x6c: {  	_ =	swait.ge [sflag:s17], $0x600  }
0x6d: {  	[sflag:s17] =	ssyncset.done $0x0  }
0x6e: {  	[sflag:s17] =	ssyncadd.s32 $0xFFFFFA00  }
0x6f: {  	[spmem:s2] =	stream.indirect.scatter.add.f32 [tilespmem:s19], [sflag:$0x1], $0x10, s28, s18, $0xb8;
	[tilespmem:$0x39E0] =	vst v63  }
0x70: {  	_ =	swait.ge [sflag:s17], $0x600  }
0x71: {  	[sflag:s17] =	ssyncset.done $0x0  }
0x72: {  	[sflag:s17] =	ssyncadd.s32 $0xFFFFFA00  }
0x73: {  	[spmem:s2] =	stream.indirect.scatter.add.f32 [tilespmem:s19], [sflag:$0x1], $0x10, s29, s18, $0xb8;
	[tilespmem:$0x39E0] =	vst v63  }
0x74: {  	_ =	swait.ge [sflag:s17], $0x600  }
0x75: {  	[sflag:s17] =	ssyncset.done $0x0  }
0x76: {  	[sflag:s17] =	ssyncadd.s32 $0xFFFFFA00  }
0x77: {  	[spmem:s2] =	stream.indirect.scatter.add.f32 [tilespmem:s19], [sflag:$0x1], $0x10, s30, s18, $0xb8;
	[tilespmem:$0x39E0] =	vst v63  }
0x78: {  	_ =	swait.ge [sflag:s17], $0x600  }
0x79: {  	[sflag:s17] =	ssyncset.done $0x0  }
0x7a: {  	[sflag:s17] =	ssyncadd.s32 $0xFFFFFA00  }
0x7b: {  	[spmem:s2] =	stream.indirect.scatter.add.f32 [tilespmem:s19], [sflag:$0x1], $0x10, s31, s18, $0xb8;
	[tilespmem:$0x39E0] =	vst v63  }
0x7c: {  	_ =	swait.ge [sflag:s17], $0x600  }
0x7d: {  	[sflag:s17] =	ssyncset.done $0x0  }
0x7e: {  	[sflag:s17] =	ssyncadd.s32 $0xFFFFFA00  }
0x7f: {  	[spmem:s2] =	stream.indirect.scatter.add.f32 [tilespmem:s19], [sflag:$0x1], $0x10, s1, s18, $0xb8;
	[tilespmem:$0x39E0] =	vst v63  }
0x80: {  	_ =	swait.ge [sflag:s17], $0x600  }
0x81: {  	[sflag:s17] =	ssyncset.done $0x0  }
0x82: {  	[sflag:s17] =	ssyncadd.s32 $0xFFFFFA00  }
0x83: {  	[spmem:s2] =	stream.indirect.scatter.add.f32 [tilespmem:s19], [sflag:$0x1], $0x10, s0, s18, $0xb8;
	[tilespmem:$0x39E0] =	vst v63  }
0x84: {  	_ =	swait.ge [sflag:s17], $0x600  }
0x85: {  	[sflag:s17] =	ssyncset.done $0x0  }
0x86: {  	[sflag:s17] =	ssyncadd.s32 $0xFFFFFA00  }
0x87: {  	[spmem:s2] =	stream.indirect.scatter.add.f32 [tilespmem:s19], [sflag:$0x1], $0x10, s6, s18, $0xb8;
	[tilespmem:$0x39E0] =	vst v63  }
0x88: {  	_ =	swait.ge [sflag:s17], $0x600  }
0x89: {  	[sflag:s17] =	ssyncset.done $0x0  }
0x8a: {  	[sflag:s17] =	ssyncadd.s32 $0xFFFFFA00  }
0x8b: {  	[spmem:s2] =	stream.indirect.scatter.add.f32 [tilespmem:s19], [sflag:$0x1], $0x10, s7, s18, $0xb8;
	[tilespmem:$0x39E0] =	vst v63  }
0x8c: {  	_ =	swait.ge [sflag:s17], $0x600  }
0x8d: {  	[sflag:s17] =	ssyncset.done $0x0  }
0x8e: {  	[sflag:s17] =	ssyncadd.s32 $0xFFFFFA00  }
0x8f: {  	[spmem:s2] =	stream.indirect.scatter.add.f32 [tilespmem:s19], [sflag:$0x1], $0x10, s8, s18, $0xb8;
	[tilespmem:$0x39E0] =	vst v63  }
0x90: {  	_ =	swait.ge [sflag:s17], $0x600  }
0x91: {  	[sflag:s17] =	ssyncset.done $0x0  }
0x92: {  	[sflag:s17] =	ssyncadd.s32 $0xFFFFFA00  }
0x93: {  	[spmem:s2] =	stream.indirect.scatter.add.f32 [tilespmem:s19], [sflag:$0x1], $0x10, s9, s18, $0xb8;
	[tilespmem:$0x39E0] =	vst v63  }
0x94: {  	_ =	swait.ge [sflag:s17], $0x600  }
0x95: {  	[sflag:s17] =	ssyncset.done $0x0  }
0x96: {  	[sflag:s17] =	ssyncadd.s32 $0xFFFFFA00  }
0x97: {  	[spmem:s2] =	stream.indirect.scatter.add.f32 [tilespmem:s19], [sflag:$0x1], $0x10, s10, s18, $0xb8;
	[tilespmem:$0x39E0] =	vst v63  }
0x98: {  	_ =	swait.ge [sflag:s17], $0x600  }
0x99: {  	[sflag:s17] =	ssyncset.done $0x0  }
0x9a: {  	[sflag:s17] =	ssyncadd.s32 $0xFFFFFA00  }
0x9b: {  	[spmem:s2] =	stream.indirect.scatter.add.f32 [tilespmem:s19], [sflag:$0x1], $0x10, s11, s18, $0xb8;
	[tilespmem:$0x39E0] =	vst v63  }
0x9c: {  	_ =	swait.ge [sflag:s17], $0x600  }
0x9d: {  	[sflag:s17] =	ssyncset.done $0x0  }
0x9e: {  	[sflag:s17] =	ssyncadd.s32 $0xFFFFFA00  }
0x9f: {  	[spmem:s2] =	stream.indirect.scatter.add.f32 [tilespmem:s19], [sflag:$0x1], $0x10, s12, s18, $0xb8;
	[tilespmem:$0x39E0] =	vst v63  }
0xa0: {  	_ =	swait.ge [sflag:s17], $0x600  }
0xa1: {  	[sflag:s17] =	ssyncset.done $0x0  }
0xa2: {  	[sflag:s17] =	ssyncadd.s32 $0xFFFFFA00  }
0xa3: {  	[spmem:s2] =	stream.indirect.scatter.add.f32 [tilespmem:s19], [sflag:$0x1], $0x10, s13, s18, $0xb8;
	[tilespmem:$0x39E0] =	vst v63  }
0xa4: {  	_ =	swait.ge [sflag:s17], $0x600  }
0xa5: {  	s23 =	simm.s32 $0x1F8;
	s15 =	simm.s32 $0xFC;
	[sflag:s17] =	ssyncset.done $0x0  }
.LBB2_6:
0xa6: {  	s4 =	sadd.s32 s15, s5  }
0xa7: {  	[sflag:s17] =	ssyncadd.s32 $0xFFFFFA00;
	s15 =	smov.u32 s23;
	s25 =	sadd.s32 $0xFC, s23  }
0xa8: {  	[tilespmem:s3], [sflag:$0x1] =	stream.linear.gather [hbm4b:s4+s3], $0x7E0, $0x38;
	[tilespmem:$0x39E0] =	vst v63  }
0xa9: {  	p0 =	sne.s32 s23, $0x3F0;
	_ =	swait.ge [sflag:s17], $0x7E0  }
0xaa: {  	[sflag:s17] =	ssyncset.done $0x0  }
0xab: {  	[sflag:s17] =	ssyncadd.s32 $0xFFFFF820  }
0xac: {  	[spmem:s2] =	stream.indirect.scatter.add.f32 [tilespmem:s19], [sflag:$0x1], $0x10, s3, s18, $0xb8;
	[tilespmem:$0x39E0] =	vst v63  }
0xad: {  	_ =	swait.ge [sflag:s17], $0x600  }
0xae: {  	[sflag:s17] =	ssyncset.done $0x0  }
0xaf: {  	[sflag:s17] =	ssyncadd.s32 $0xFFFFFA00  }
0xb0: {  	[spmem:s2] =	stream.indirect.scatter.add.f32 [tilespmem:s19], [sflag:$0x1], $0x10, s18, s18, $0xb8;
	[tilespmem:$0x39E0] =	vst v63  }
0xb1: {  	_ =	swait.ge [sflag:s17], $0x600  }
0xb2: {  	[sflag:s17] =	ssyncset.done $0x0  }
0xb3: {  	[sflag:s17] =	ssyncadd.s32 $0xFFFFFA00  }
0xb4: {  	[spmem:s2] =	stream.indirect.scatter.add.f32 [tilespmem:s19], [sflag:$0x1], $0x10, s20, s18, $0xb8;
	[tilespmem:$0x39E0] =	vst v63  }
0xb5: {  	_ =	swait.ge [sflag:s17], $0x600  }
0xb6: {  	[sflag:s17] =	ssyncset.done $0x0  }
0xb7: {  	[sflag:s17] =	ssyncadd.s32 $0xFFFFFA00  }
0xb8: {  	[spmem:s2] =	stream.indirect.scatter.add.f32 [tilespmem:s19], [sflag:$0x1], $0x10, s21, s18, $0xb8;
	[tilespmem:$0x39E0] =	vst v63  }
0xb9: {  	_ =	swait.ge [sflag:s17], $0x600  }
0xba: {  	[sflag:s17] =	ssyncset.done $0x0  }
0xbb: {  	[sflag:s17] =	ssyncadd.s32 $0xFFFFFA00  }
0xbc: {  	[spmem:s2] =	stream.indirect.scatter.add.f32 [tilespmem:s19], [sflag:$0x1], $0x10, s22, s18, $0xb8;
	[tilespmem:$0x39E0] =	vst v63  }
0xbd: {  	_ =	swait.ge [sflag:s17], $0x600  }
0xbe: {  	[sflag:s17] =	ssyncset.done $0x0  }
0xbf: {  	[sflag:s17] =	ssyncadd.s32 $0xFFFFFA00  }
0xc0: {  	[spmem:s2] =	stream.indirect.scatter.add.f32 [tilespmem:s19], [sflag:$0x1], $0x10, s24, s18, $0xb8;
	[tilespmem:$0x39E0] =	vst v63  }
0xc1: {  	_ =	swait.ge [sflag:s17], $0x600  }
0xc2: {  	[sflag:s17] =	ssyncset.done $0x0  }
0xc3: {  	[sflag:s17] =	ssyncadd.s32 $0xFFFFFA00  }
0xc4: {  	[spmem:s2] =	stream.indirect.scatter.add.f32 [tilespmem:s19], [sflag:$0x1], $0x10, s26, s18, $0xb8;
	[tilespmem:$0x39E0] =	vst v63  }
0xc5: {  	_ =	swait.ge [sflag:s17], $0x600  }
0xc6: {  	[sflag:s17] =	ssyncset.done $0x0  }
0xc7: {  	[sflag:s17] =	ssyncadd.s32 $0xFFFFFA00  }
0xc8: {  	[spmem:s2] =	stream.indirect.scatter.add.f32 [tilespmem:s19], [sflag:$0x1], $0x10, s28, s18, $0xb8;
	[tilespmem:$0x39E0] =	vst v63  }
0xc9: {  	_ =	swait.ge [sflag:s17], $0x600  }
0xca: {  	[sflag:s17] =	ssyncset.done $0x0  }
0xcb: {  	[sflag:s17] =	ssyncadd.s32 $0xFFFFFA00  }
0xcc: {  	[spmem:s2] =	stream.indirect.scatter.add.f32 [tilespmem:s19], [sflag:$0x1], $0x10, s29, s18, $0xb8;
	[tilespmem:$0x39E0] =	vst v63  }
0xcd: {  	_ =	swait.ge [sflag:s17], $0x600  }
0xce: {  	[sflag:s17] =	ssyncset.done $0x0  }
0xcf: {  	[sflag:s17] =	ssyncadd.s32 $0xFFFFFA00  }
0xd0: {  	[spmem:s2] =	stream.indirect.scatter.add.f32 [tilespmem:s19], [sflag:$0x1], $0x10, s30, s18, $0xb8;
	[tilespmem:$0x39E0] =	vst v63  }
0xd1: {  	_ =	swait.ge [sflag:s17], $0x600  }
0xd2: {  	[sflag:s17] =	ssyncset.done $0x0  }
0xd3: {  	[sflag:s17] =	ssyncadd.s32 $0xFFFFFA00  }
0xd4: {  	[spmem:s2] =	stream.indirect.scatter.add.f32 [tilespmem:s19], [sflag:$0x1], $0x10, s31, s18, $0xb8;
	[tilespmem:$0x39E0] =	vst v63  }
0xd5: {  	_ =	swait.ge [sflag:s17], $0x600  }
0xd6: {  	[sflag:s17] =	ssyncset.done $0x0  }
0xd7: {  	[sflag:s17] =	ssyncadd.s32 $0xFFFFFA00  }
0xd8: {  	[spmem:s2] =	stream.indirect.scatter.add.f32 [tilespmem:s19], [sflag:$0x1], $0x10, s1, s18, $0xb8;
	[tilespmem:$0x39E0] =	vst v63  }
0xd9: {  	_ =	swait.ge [sflag:s17], $0x600  }
0xda: {  	[sflag:s17] =	ssyncset.done $0x0  }
0xdb: {  	[sflag:s17] =	ssyncadd.s32 $0xFFFFFA00  }
0xdc: {  	[spmem:s2] =	stream.indirect.scatter.add.f32 [tilespmem:s19], [sflag:$0x1], $0x10, s0, s18, $0xb8;
	[tilespmem:$0x39E0] =	vst v63  }
0xdd: {  	_ =	swait.ge [sflag:s17], $0x600  }
0xde: {  	[sflag:s17] =	ssyncset.done $0x0  }
0xdf: {  	[sflag:s17] =	ssyncadd.s32 $0xFFFFFA00  }
0xe0: {  	[spmem:s2] =	stream.indirect.scatter.add.f32 [tilespmem:s19], [sflag:$0x1], $0x10, s6, s18, $0xb8;
	[tilespmem:$0x39E0] =	vst v63  }
0xe1: {  	_ =	swait.ge [sflag:s17], $0x600  }
0xe2: {  	[sflag:s17] =	ssyncset.done $0x0  }
0xe3: {  	[sflag:s17] =	ssyncadd.s32 $0xFFFFFA00  }
0xe4: {  	[spmem:s2] =	stream.indirect.scatter.add.f32 [tilespmem:s19], [sflag:$0x1], $0x10, s7, s18, $0xb8;
	[tilespmem:$0x39E0] =	vst v63  }
0xe5: {  	_ =	swait.ge [sflag:s17], $0x600  }
0xe6: {  	[sflag:s17] =	ssyncset.done $0x0  }
0xe7: {  	[sflag:s17] =	ssyncadd.s32 $0xFFFFFA00  }
0xe8: {  	[spmem:s2] =	stream.indirect.scatter.add.f32 [tilespmem:s19], [sflag:$0x1], $0x10, s8, s18, $0xb8;
	[tilespmem:$0x39E0] =	vst v63  }
0xe9: {  	_ =	swait.ge [sflag:s17], $0x600  }
0xea: {  	[sflag:s17] =	ssyncset.done $0x0  }
0xeb: {  	[sflag:s17] =	ssyncadd.s32 $0xFFFFFA00  }
0xec: {  	[spmem:s2] =	stream.indirect.scatter.add.f32 [tilespmem:s19], [sflag:$0x1], $0x10, s9, s18, $0xb8;
	[tilespmem:$0x39E0] =	vst v63  }
0xed: {  	_ =	swait.ge [sflag:s17], $0x600  }
0xee: {  	[sflag:s17] =	ssyncset.done $0x0  }
0xef: {  	[sflag:s17] =	ssyncadd.s32 $0xFFFFFA00  }
0xf0: {  	[spmem:s2] =	stream.indirect.scatter.add.f32 [tilespmem:s19], [sflag:$0x1], $0x10, s10, s18, $0xb8;
	[tilespmem:$0x39E0] =	vst v63  }
0xf1: {  	_ =	swait.ge [sflag:s17], $0x600  }
0xf2: {  	[sflag:s17] =	ssyncset.done $0x0  }
0xf3: {  	[sflag:s17] =	ssyncadd.s32 $0xFFFFFA00  }
0xf4: {  	[spmem:s2] =	stream.indirect.scatter.add.f32 [tilespmem:s19], [sflag:$0x1], $0x10, s11, s18, $0xb8;
	[tilespmem:$0x39E0] =	vst v63  }
0xf5: {  	_ =	swait.ge [sflag:s17], $0x600  }
0xf6: {  	[sflag:s17] =	ssyncset.done $0x0  }
0xf7: {  	[sflag:s17] =	ssyncadd.s32 $0xFFFFFA00  }
0xf8: {  	[spmem:s2] =	stream.indirect.scatter.add.f32 [tilespmem:s19], [sflag:$0x1], $0x10, s12, s18, $0xb8;
	[tilespmem:$0x39E0] =	vst v63  }
0xf9: {  	_ =	swait.ge [sflag:s17], $0x600  }
.Ltmp2:
0xfa: {  	[sflag:s17] =	ssyncset.done $0x0;
	(pc) =	sbr.rel @p0 .LBB2_6-.Ltmp2, $4  }
0xfb: {  	[sflag:s17] =	ssyncadd.s32 $0xFFFFFA00  }
0xfc: {  	[spmem:s2] =	stream.indirect.scatter.add.f32 [tilespmem:s19], [sflag:$0x1], $0x10, s13, s18, $0xb8;
	[tilespmem:$0x39E0] =	vst v63  }
0xfd: {  	_ =	swait.ge [sflag:s17], $0x600  }
0xfe: {  	s23 =	smov.u32 s25;
	[sflag:s17] =	ssyncset.done $0x0  }
0xff: {  	s4 =	sadd.s32 s15, s5;
	[sflag:s17] =	ssyncadd.s32 $0xFFFFFA00  }
0x100: {  	[tilespmem:s3], [sflag:$0x1] =	stream.linear.gather [hbm4b:s4+s3], $0x7E0, $0x38;
	[tilespmem:$0x39E0] =	vst v63  }
0x101: {  	_ =	swait.ge [sflag:s17], $0x7E0  }
0x102: {  	[sflag:s17] =	ssyncset.done $0x0  }
0x103: {  	[sflag:s17] =	ssyncadd.s32 $0xFFFFF820  }
0x104: {  	[spmem:s2] =	stream.indirect.scatter.add.f32 [tilespmem:s19], [sflag:$0x1], $0x10, s3, s18, $0xb8;
	[tilespmem:$0x39E0] =	vst v63  }
0x105: {  	_ =	swait.ge [sflag:s17], $0x600  }
0x106: {  	[sflag:s17] =	ssyncset.done $0x0  }
0x107: {  	[sflag:s17] =	ssyncadd.s32 $0xFFFFFA00  }
0x108: {  	[spmem:s2] =	stream.indirect.scatter.add.f32 [tilespmem:s19], [sflag:$0x1], $0x10, s18, s18, $0xb8;
	[tilespmem:$0x39E0] =	vst v63  }
0x109: {  	_ =	swait.ge [sflag:s17], $0x600  }
0x10a: {  	[sflag:s17] =	ssyncset.done $0x0  }
0x10b: {  	[sflag:s17] =	ssyncadd.s32 $0xFFFFFA00  }
0x10c: {  	[spmem:s2] =	stream.indirect.scatter.add.f32 [tilespmem:s19], [sflag:$0x1], $0x10, s20, s18, $0xb8;
	[tilespmem:$0x39E0] =	vst v63  }
0x10d: {  	_ =	swait.ge [sflag:s17], $0x600  }
0x10e: {  	[sflag:s17] =	ssyncset.done $0x0  }
0x10f: {  	[sflag:s17] =	ssyncadd.s32 $0xFFFFFA00  }
0x110: {  	[spmem:s2] =	stream.indirect.scatter.add.f32 [tilespmem:s19], [sflag:$0x1], $0x10, s21, s18, $0xb8;
	[tilespmem:$0x39E0] =	vst v63  }
0x111: {  	_ =	swait.ge [sflag:s17], $0x600  }
0x112: {  	[sflag:s17] =	ssyncset.done $0x0  }
0x113: {  	[sflag:s17] =	ssyncadd.s32 $0xFFFFFA00  }
0x114: {  	[spmem:s2] =	stream.indirect.scatter.add.f32 [tilespmem:s19], [sflag:$0x1], $0x10, s22, s18, $0xb8;
	[tilespmem:$0x39E0] =	vst v63  }
0x115: {  	_ =	swait.ge [sflag:s17], $0x600  }
0x116: {  	[sflag:s17] =	ssyncset.done $0x0  }
0x117: {  	[sflag:s17] =	ssyncadd.s32 $0xFFFFFA00  }
0x118: {  	[spmem:s2] =	stream.indirect.scatter.add.f32 [tilespmem:s19], [sflag:$0x1], $0x10, s24, s18, $0xb8;
	[tilespmem:$0x39E0] =	vst v63  }
0x119: {  	_ =	swait.ge [sflag:s17], $0x600  }
0x11a: {  	[sflag:s17] =	ssyncset.done $0x0  }
0x11b: {  	[sflag:s17] =	ssyncadd.s32 $0xFFFFFA00  }
0x11c: {  	[spmem:s2] =	stream.indirect.scatter.add.f32 [tilespmem:s19], [sflag:$0x1], $0x10, s26, s18, $0xb8;
	[tilespmem:$0x39E0] =	vst v63  }
0x11d: {  	_ =	swait.ge [sflag:s17], $0x600  }
0x11e: {  	[sflag:s17] =	ssyncset.done $0x0  }
0x11f: {  	[sflag:s17] =	ssyncadd.s32 $0xFFFFFA00  }
0x120: {  	[spmem:s2] =	stream.indirect.scatter.add.f32 [tilespmem:s19], [sflag:$0x1], $0x10, s28, s18, $0xb8;
	[tilespmem:$0x39E0] =	vst v63  }
0x121: {  	_ =	swait.ge [sflag:s17], $0x600  }
0x122: {  	[sflag:s17] =	ssyncset.done $0x0  }
0x123: {  	[sflag:s17] =	ssyncadd.s32 $0xFFFFFA00  }
0x124: {  	[spmem:s2] =	stream.indirect.scatter.add.f32 [tilespmem:s19], [sflag:$0x1], $0x10, s29, s18, $0xb8;
	[tilespmem:$0x39E0] =	vst v63  }
0x125: {  	_ =	swait.ge [sflag:s17], $0x600  }
0x126: {  	[sflag:s17] =	ssyncset.done $0x0  }
0x127: {  	[sflag:s17] =	ssyncadd.s32 $0xFFFFFA00  }
0x128: {  	[spmem:s2] =	stream.indirect.scatter.add.f32 [tilespmem:s19], [sflag:$0x1], $0x10, s30, s18, $0xb8;
	[tilespmem:$0x39E0] =	vst v63  }
0x129: {  	_ =	swait.ge [sflag:s17], $0x600  }
0x12a: {  	[sflag:s17] =	ssyncset.done $0x0  }
0x12b: {  	[sflag:s17] =	ssyncadd.s32 $0xFFFFFA00  }
0x12c: {  	[spmem:s2] =	stream.indirect.scatter.add.f32 [tilespmem:s19], [sflag:$0x1], $0x10, s31, s18, $0xb8;
	[tilespmem:$0x39E0] =	vst v63  }
0x12d: {  	_ =	swait.ge [sflag:s17], $0x600  }
0x12e: {  	[sflag:s17] =	ssyncset.done $0x0  }
0x12f: {  	[sflag:s17] =	ssyncadd.s32 $0xFFFFFA00  }
0x130: {  	[spmem:s2] =	stream.indirect.scatter.add.f32 [tilespmem:s19], [sflag:$0x1], $0x10, s1, s18, $0xb8;
	[tilespmem:$0x39E0] =	vst v63  }
0x131: {  	_ =	swait.ge [sflag:s17], $0x600  }
0x132: {  	[sflag:s17] =	ssyncset.done $0x0  }
0x133: {  	[sflag:s17] =	ssyncadd.s32 $0xFFFFFA00  }
0x134: {  	[spmem:s2] =	stream.indirect.scatter.add.f32 [tilespmem:s19], [sflag:$0x1], $0x10, s0, s18, $0xb8;
	[tilespmem:$0x39E0] =	vst v63  }
0x135: {  	_ =	swait.ge [sflag:s17], $0x600  }
0x136: {  	[sflag:s17] =	ssyncset.done $0x0  }
0x137: {  	[sflag:s17] =	ssyncadd.s32 $0xFFFFFA00  }
0x138: {  	[spmem:s2] =	stream.indirect.scatter.add.f32 [tilespmem:s19], [sflag:$0x1], $0x10, s6, s18, $0xb8;
	[tilespmem:$0x39E0] =	vst v63  }
0x139: {  	_ =	swait.ge [sflag:s17], $0x600  }
0x13a: {  	[sflag:s17] =	ssyncset.done $0x0  }
0x13b: {  	[sflag:s17] =	ssyncadd.s32 $0xFFFFFA00  }
0x13c: {  	[spmem:s2] =	stream.indirect.scatter.add.f32 [tilespmem:s19], [sflag:$0x1], $0x10, s7, s18, $0xb8;
	[tilespmem:$0x39E0] =	vst v63  }
0x13d: {  	_ =	swait.ge [sflag:s17], $0x600  }
0x13e: {  	[sflag:s17] =	ssyncset.done $0x0  }
0x13f: {  	[sflag:s17] =	ssyncadd.s32 $0xFFFFFA00  }
0x140: {  	[spmem:s2] =	stream.indirect.scatter.add.f32 [tilespmem:s19], [sflag:$0x1], $0x10, s8, s18, $0xb8;
	[tilespmem:$0x39E0] =	vst v63  }
0x141: {  	_ =	swait.ge [sflag:s17], $0x600  }
0x142: {  	[sflag:s17] =	ssyncset.done $0x0  }
0x143: {  	[sflag:s17] =	ssyncadd.s32 $0xFFFFFA00  }
0x144: {  	[spmem:s2] =	stream.indirect.scatter.add.f32 [tilespmem:s19], [sflag:$0x1], $0x10, s9, s18, $0xb8;
	[tilespmem:$0x39E0] =	vst v63  }
0x145: {  	_ =	swait.ge [sflag:s17], $0x600  }
0x146: {  	[sflag:s17] =	ssyncset.done $0x0  }
0x147: {  	[sflag:s17] =	ssyncadd.s32 $0xFFFFFA00  }
0x148: {  	[spmem:s2] =	stream.indirect.scatter.add.f32 [tilespmem:s19], [sflag:$0x1], $0x10, s10, s18, $0xb8;
	[tilespmem:$0x39E0] =	vst v63  }
0x149: {  	_ =	swait.ge [sflag:s17], $0x600  }
0x14a: {  	[sflag:s17] =	ssyncset.done $0x0  }
0x14b: {  	[sflag:s17] =	ssyncadd.s32 $0xFFFFFA00  }
0x14c: {  	[spmem:s2] =	stream.indirect.scatter.add.f32 [tilespmem:s19], [sflag:$0x1], $0x10, s11, s18, $0xb8;
	[tilespmem:$0x39E0] =	vst v63  }
0x14d: {  	_ =	swait.ge [sflag:s17], $0x600  }
0x14e: {  	[sflag:s17] =	ssyncset.done $0x0  }
0x14f: {  	[sflag:s17] =	ssyncadd.s32 $0xFFFFFA00  }
0x150: {  	[spmem:s2] =	stream.indirect.scatter.add.f32 [tilespmem:s19], [sflag:$0x1], $0x10, s12, s18, $0xb8;
	[tilespmem:$0x39E0] =	vst v63  }
0x151: {  	_ =	swait.ge [sflag:s17], $0x600  }
0x152: {  	[sflag:s17] =	ssyncset.done $0x0  }
0x153: {  	[sflag:s17] =	ssyncadd.s32 $0xFFFFFA00  }
0x154: {  	[spmem:s2] =	stream.indirect.scatter.add.f32 [tilespmem:s19], [sflag:$0x1], $0x10, s13, s18, $0xb8;
	[tilespmem:$0x39E0] =	vst v63  }
0x155: {  	_ =	swait.ge [sflag:s17], $0x600  }
0x156: {  	[sflag:s17] =	ssyncset.done $0x0  }
0x157: {  	[sflag:s17] =	ssyncadd.s32 $0xFFFFFA00  }
0x158: {  	s23 =	stileid.u32;
	[bflag:$0x0] =	sbarrier.arrive $0xFFFF  }
0x159: {  	s4 =	sshll.u32 s23, $0x6;
	s25 =	rddreg [dreg:$0xf]  }
0x15a: {  	s4 =	sor.u32 $0x1C01, s4;
	s23 =	rddreg [dreg:$0x10]  }
0x15b: {  	[hbm:s25], [sflag:s4] =	dma.local [spmem:s23], $0x500  }
0x15c: {  	_ =	swait.ge [sflag:s17], $0x500  }
0x15d: {  	s14 =	sadd.s32 $0x1, s14;
	s25 =	rddreg [dreg:$0x5]  }
0x15e: {  	p0 =	sne.s32 s14, s25  }
.Ltmp3:
0x15f: {  	_ = 	snop;
	(pc) =	sbr.rel @p0 .LBB2_1-.Ltmp3, $3  }
0x160: {  	_ =	sdelay $0x1  }
0x161: {  	[sflag:s17] =	ssyncset.done $0x0  }
0x162: {  	[sflag:s17] =	ssyncadd.s32 $0xFFFFFB00  }
0x163: {  	_ =	sfence.sel $0x180000  }
0x164: {  	[bflag:$0x0] =	sbarrier.arrive $0xFFFF  }
0x165: {  	_ =	strace $0x90000047  }
0x166: {  	s0 =	stileid.u32;
	[bflag:$0x2] =	sbarrier.arrive $0xFFFF  }
0x167: {  	p0 =	sne.s32 s0, $0x0;
	s0 =	rddreg [dreg:$0x3]  }
0x168: {  	s0 =	sadd.s32 @!p0 $0x100000, s0  }
0x169: {  	[sflag:s0] =	ssyncadd.tile.s32 @!p0 $0x1;
	_ =	shalt  }
.Lfunc_end2:
_tile_overlayer_lowered:
.L_overlay_start_2:
0x16a: {  	(tag) =	ssettag $0x2  }
0x16b: {  	s0 =	rddreg [dreg:$0x0];
	s2 =	stileid.u32  }
0x16c: {  	s1 =	rddreg [dreg:$0x1];
	p0 =	sne.s32 s2, $0x0  }
0x16d: {  	s3 =	rddreg [dreg:$0x2];
	[bflag:$0x3] =	sbarrier.arrive $0xFFFF;
	s2 =	simm.s32 @!p0 $0x1C01  }
0x16e: {  	[timem:s3], [sflag:s2] =	dma.local @!p0 [hbm:s0], s1  }
0x16f: {  	s0 =	simm.s32 @!p0 $0x1  }
0x170: {  	_ =	swait.ge @!p0 [sflag:s0], s1  }
0x171: {  	s1 =	ssub.s32 @!p0 $0x0, s1;
	[sflag:s0] =	ssyncset.done @!p0 $0x0  }
0x172: {  	[sflag:s0] =	ssyncadd.s32 @!p0 s1  }
0x173: {  	[bflag:$0x3] =	sbarrier.arrive $0xFFFF  }
0x174: {  	_ =	shalt  }

// kernel: sc_segsum.12.cloned.1.call-start
scs
__scs_entry_jumppad:
0x0: {  	(pc) =	sbr.rel $0x88, $3  }
0x1: {  	(tag) =	ssettag $0x0;
	lr =	simm.s32 $0x1  }
0x2: {  	[smem:$0x3F8E] =	sst lr;
	_ =	strace $0xD0000000  }
0x3: {  	_ = 	snop  }
0x4: {  	_ = 	snop  }
0x5: {  	_ = 	snop  }
0x6: {  	_ = 	snop  }
0x7: {  	_ = 	snop  }
__scs_overlays_trampoline_lowered:
0x8: {  	[smem:$0x3F9D] =	sst s0  }
0x9: {  	[smem:$0x3F9E] =	sst s1  }
0xa: {  	[smem:$0x3F9F] =	sst s2  }
0xb: {  	[smem:$0x3FA0] =	sst s3  }
0xc: {  	[smem:$0x3FA1] =	sst s4  }
0xd: {  	[smem:$0x3FA2] =	sst s5  }
0xe: {  	[smem:$0x3FA3] =	sst s6  }
0xf: {  	[smem:$0x3FA4] =	sst s7  }
0x10: {  	[smem:$0x3FA5] =	sst s8  }
0x11: {  	[smem:$0x3FA6] =	sst s9;
	s0 =	simm.s32 @!p0 $0x0  }
0x12: {  	s1 =	sld [smem:$0x3F8C];
	s0 =	simm.s32 @p0 $0x1  }
0x13: {  	[smem:$0x3FA7] =	sst s0;
	s0 =	simm.s32 @!p1 $0x0  }
0x14: {  	s2 =	sld [smem:$0x3F8B];
	s0 =	simm.s32 @p1 $0x1  }
0x15: {  	[smem:$0x3FA8] =	sst s0;
	s0 =	simm.s32 @!p2 $0x0  }
0x16: {  	s3 =	sld [smem:$0x3FDB];
	s0 =	simm.s32 @p2 $0x1  }
0x17: {  	s4 =	simm.s32 $0x1BF5;
	[smem:$0x3FAA] =	sst s0  }
0x18: {  	s0 =	sld [smem:$0x3F8D];
	_ =	swait.ge [sflag:s4], $0x0  }
0x19: {  	s7 =	sld [smem:$0x3F8E]  }
0x1a: {  	s8 =	sadd.s32 $0xFFFFE003, lr  }
0x1b: {  	s9 =	sadd.s32 $0xFFFFFEF7, lr;
	s5 =	simm.s32 $0xFFFFFFFF;
	p2 =	slt.u32 s8, $0xFFFFF086  }
0x1c: {  	p1 =	slt.u32 s9, $0xF7A;
	s5 =	simm.s32 @!p2 $0x0  }
0x1d: {  	s5 =	simm.s32 @p1 $0x1;
	p0 =	seq.s32 s7, s2  }
0x1e: {  	s7 =	smul.u32 @!p0 $0xF7A, s2;
	p2 =	seq.s32 @!p0 s5, $0x0  }
0x1f: {  	s9 =	smul.u32 $0xF7A, s1;
	s8 =	simm.s32 @!p0 $0x1BF5;
	p2 =	por !p2, p0  }
0x20: {  	[sflag:s8] =	ssyncset.s32 @!p0 $0xFFFFF086;
	s6 =	sadd.s32 @!p0 s3, s7;
	s7 =	simm.s32 @!p0 $0x108  }
0x21: {  	s3 =	sadd.s32 s3, s9;
	s6 =	sadd.s32 @!p0 $0x88, s6;
	s7 =	simm.s32 @p2 $0x1082  }
0x22: {  	[simem:s7], [sflag:s8] =	dma.local @!p0 [hbm:s6], $0xF7A  }
0x23: {  	s9 =	sor.u32 $0xD0000000, s2;
	s6 =	simm.s32 $0x108;
	_ =	swait.ge @!p0 [sflag:s8], $0x0  }
0x24: {  	s3 =	sadd.s32 $0x88, s3;
	s6 =	simm.s32 @!p1 $0x1082;
	[sflag:s4] =	ssyncset.s32 $0xFFFFF086  }
0x25: {  	[simem:s6], [sflag:s4] =	dma.local [hbm:s3], $0xF7A  }
0x26: {  	[smem:$0x3F8E] =	sst s1;
	(tag) =	ssettag s2;
	_ =	strace s9  }
0x27: {  	s1 =	sld [smem:$0x3F9E]  }
0x28: {  	s2 =	sld [smem:$0x3F9F]  }
0x29: {  	s4 =	sld [smem:$0x3FA1]  }
0x2a: {  	p0 =	seq.s32 s5, $0x0;
	s5 =	sld [smem:$0x3FA2]  }
0x2b: {  	s6 =	sld [smem:$0x3FA3]  }
0x2c: {  	s7 =	sld [smem:$0x3FA4]  }
0x2d: {  	s3 =	simm.s32 $0x108;
	s8 =	sld [smem:$0x3FA5]  }
0x2e: {  	s3 =	simm.s32 @!p0 $0x1082;
	s9 =	sld [smem:$0x3FA6]  }
0x2f: {  	lr =	sadd.s32 s0, s3;
	s0 =	sld [smem:$0x3F9D]  }
0x30: {  	s3 =	sld [smem:$0x3FA0]  }
0x31: {  	[smem:$0x3FA9] =	sst s10  }
0x32: {  	s10 =	sld [smem:$0x3FA7];
	_ =	sdelay $0x3  }
0x33: {  	p0 =	seq.s32 s10, $0x1;
	s10 =	sld [smem:$0x3FA9];
	_ =	sdelay $0x3  }
0x34: {  	[smem:$0x3FA9] =	sst s10  }
0x35: {  	s10 =	sld [smem:$0x3FA8];
	_ =	sdelay $0x3  }
0x36: {  	p1 =	seq.s32 s10, $0x1;
	s10 =	sld [smem:$0x3FA9];
	_ =	sdelay $0x3  }
0x37: {  	[smem:$0x3FA9] =	sst s10  }
0x38: {  	s10 =	sld [smem:$0x3FAA]  }
0x39: {  	_ = 	snop;
	(pc) =	sbr.ind lr, $3  }
0x3a: {  	_ = 	snop  }
0x3b: {  	_ = 	snop  }
0x3c: {  	p2 =	seq.s32 s10, $0x1;
	s10 =	sld [smem:$0x3FA9]  }
0x3d: {  	_ =	shalt  }
0x3e: {  	_ =	shalt  }
0x3f: {  	_ =	shalt  }
0x40: {  	_ =	shalt  }
0x41: {  	_ =	shalt  }
0x42: {  	_ =	shalt  }
0x43: {  	_ =	shalt  }
0x44: {  	_ =	shalt  }
0x45: {  	_ =	shalt  }
0x46: {  	_ =	shalt  }
0x47: {  	_ =	shalt  }
0x48: {  	_ =	shalt  }
0x49: {  	_ =	shalt  }
0x4a: {  	_ =	shalt  }
0x4b: {  	_ =	shalt  }
0x4c: {  	_ =	shalt  }
0x4d: {  	_ =	shalt  }
0x4e: {  	_ =	shalt  }
0x4f: {  	_ =	shalt  }
0x50: {  	_ =	shalt  }
0x51: {  	_ =	shalt  }
0x52: {  	_ =	shalt  }
0x53: {  	_ =	shalt  }
0x54: {  	_ =	shalt  }
0x55: {  	_ =	shalt  }
0x56: {  	_ =	shalt  }
0x57: {  	_ =	shalt  }
0x58: {  	_ =	shalt  }
0x59: {  	_ =	shalt  }
0x5a: {  	_ =	shalt  }
0x5b: {  	_ =	shalt  }
0x5c: {  	_ =	shalt  }
0x5d: {  	_ =	shalt  }
0x5e: {  	_ =	shalt  }
0x5f: {  	_ =	shalt  }
0x60: {  	_ =	shalt  }
0x61: {  	_ =	shalt  }
0x62: {  	_ =	shalt  }
0x63: {  	_ =	shalt  }
0x64: {  	_ =	shalt  }
0x65: {  	_ =	shalt  }
0x66: {  	_ =	shalt  }
0x67: {  	_ =	shalt  }
0x68: {  	_ =	shalt  }
0x69: {  	_ =	shalt  }
0x6a: {  	_ =	shalt  }
0x6b: {  	_ =	shalt  }
0x6c: {  	_ =	shalt  }
0x6d: {  	_ =	shalt  }
0x6e: {  	_ =	shalt  }
0x6f: {  	_ =	shalt  }
0x70: {  	_ =	shalt  }
0x71: {  	_ =	shalt  }
0x72: {  	_ =	shalt  }
0x73: {  	_ =	shalt  }
0x74: {  	_ =	shalt  }
0x75: {  	_ =	shalt  }
0x76: {  	_ =	shalt  }
0x77: {  	_ =	shalt  }
0x78: {  	_ =	shalt  }
0x79: {  	_ =	shalt  }
0x7a: {  	_ =	shalt  }
0x7b: {  	_ =	shalt  }
0x7c: {  	_ =	shalt  }
0x7d: {  	_ =	shalt  }
0x7e: {  	_ =	shalt  }
0x7f: {  	_ =	shalt  }
0x80: {  	_ =	shalt  }
0x81: {  	_ =	shalt  }
0x82: {  	_ =	shalt  }
0x83: {  	_ =	shalt  }
0x84: {  	_ =	shalt  }
0x85: {  	_ =	shalt  }
0x86: {  	_ =	shalt  }
0x87: {  	_ =	shalt  }
.Lfunc_end0:
.L_simem_size_0:
called_computation.3_lowered:
.L_overlay_start_0:
0x88: {  	s2 =	sld [smem:$0x3FD9]  }
0x89: {  	s3 =	sld [smem:$0x3FFE];
	_ =	sdelay $0x1  }
0x8a: {  	s1 =	srdreg.scid  }
0x8b: {  	s0 =	sand.u32 $0x1, s1  }
0x8c: {  	s16 =	sshll.u32 s0, $0xA;
	s2 =	sadd.s32 s3, s2  }
0x8d: {  	s2 =	sadd.s32 s2, s16  }
0x8e: {  	[smem:$0x3FB5] =	sst s2  }
0x8f: {  	_ = 	snop  }
0x90: {  	(tm) =	ssettm $0x1  }
0x91: {  	s17 =	sld [smem:$0x3FFB];
	_ =	sdelay $0x3  }
0x92: {  	_ =	strace s17  }
0x93: {  	s2 =	sld [smem:$0x3FFC];
	_ =	sdelay $0x3  }
0x94: {  	_ =	strace s2  }
0x95: {  	s2 =	sld [smem:$0x3FFD];
	_ =	sdelay $0x3  }
0x96: {  	_ =	strace s2  }
0x97: {  	_ =	strace $0x8FFFFFFF  }
0x98: {  	s18 =	sld [smem:$0x3FDB];
	_ =	sdelay $0x1  }
0x99: {  	s19 =	simm.s32 $_scs_section_size  }
0x9a: {  	s4 =	simm.s32 $_size__tile_overlayer_lowered;
	s5 =	simm.s32 $_tile_overlayer_lowered  }
0x9b: {  	s22 =	simm.s32 $0x1BFF;
	s21 =	sshll.u32 s5, $0x1;
	s2 =	sadd.s32 s19, s18  }
0x9c: {  	s6 =	simm.s32 $0x0;
	s20 =	sshll.u32 s4, $0x1;
	s4 =	sadd.s32 s21, s2  }
0x9d: {  	[timem:s6], [sflag:s22] =	dma.local [hbm:s4], s20  }
0x9e: {  	_ =	swait.ge [sflag:s22], s20  }
0x9f: {  	s3 =	ssub.s32 $0x0, s20;
	[sflag:s22] =	ssyncset.done $0x0  }
0xa0: {  	[sflag:s22] =	ssyncadd.s32 s3;
	_ =	sdelay $0x1  }
0xa1: {  	s23 =	simm.s32 $0x1B8B  }
0xa2: {  	_ =	swait.ge [sflag:s23], $0x1  }
0xa3: {  	[sflag:s23] =	ssyncset.done $0x0  }
0xa4: {  	s25 =	simm.s32 $0x1B8E;
	s24 =	sld [smem:$0x3FFE];
	[sflag:s23] =	ssyncadd.s32 $0xFFFFFFFF  }
0xa5: {  	s26 =	simm.s32 $execute0_lowered;
	[smem:$0x3FD2] =	sst s25  }
0xa6: {  	s4 =	sshll.u32 s26, $0x1;
	_ =	strace $0x8000004F;
	[dreg:$0x1] =	wrdreg $0xFFFFFFFF  }
0xa7: {  	s28 =	simm.s32 $_size_execute0_lowered;
	s2 =	sadd.s32 s2, s4;
	[dreg:$0x0] =	wrdreg $0x0  }
0xa8: {  	s4 =	sshll.u32 s28, $0x1;
	[dreg:$0x2] =	wrdreg s2  }
0xa9: {  	[dreg:$0x3] =	wrdreg s4  }
0xaa: {  	[dreg:$0x4] =	wrdreg $0xC0  }
0xab: {  	_ =	task [dreg:s6], $0x5FFFF  }
0xac: {  	[dreg:$0x1] =	wrdreg $0xFFFFFFFF  }
0xad: {  	[dreg:$0x0] =	wrdreg $0x60  }
0xae: {  	[dreg:$0x2] =	wrdreg s24  }
0xaf: {  	[dreg:$0x3] =	wrdreg $0x62800  }
0xb0: {  	[dreg:$0x4] =	wrdreg $0x9  }
0xb1: {  	_ =	task.clear_ibuf [dreg:s6], $0x5FFFF;
	_ =	strace $0x9000004F  }
0xb2: {  	s29 =	simm.s32 $0x9;
	_ =	strace $0x80000051  }
0xb3: {  	_ =	swait.ge [sflag:s29], $0x1  }
0xb4: {  	[sflag:s29] =	ssyncadd.s32 $0xFFFFFFFF  }
0xb5: {  	_ =	strace $0x90000051  }
0xb6: {  	_ =	sfence  }
0xb7: {  	s30 =	sld [smem:$0x0];
	_ =	sdelay $0x2  }
0xb8: {  	s31 =	sshll.u32 s1, $0xD;
	s1 =	sshrl.u32 s1, $0x2  }
0xb9: {  	s3 =	sand.u32 $0x4000, s31;
	s1 =	sadd.s32 s1, s30  }
0xba: {  	s0 =	sor.u32 s3, s0;
	s1 =	sshll.u32 s1, $0x11  }
0xbb: {  	s0 =	sor.u32 s1, s0  }
0xbc: {  	s0 =	sadd.s32 $0x8F2B, s0  }
0xbd: {  	[sflag:s0] =	ssyncadd.remote.s32 $0x1  }
0xbe: {  	_ =	sfence.sel $0xFFFF  }
0xbf: {  	[dreg:$0x0] =	wrdreg $0xFFFFFFFF;
	(pc) =	sbr.abs _section_cstart, $3  }
0xc0: {  	[dreg:$0x1] =	wrdreg $0xFFFFFFFF  }
0xc1: {  	_ =	task.clear_ibuf [dreg:s6], $0x2FFFF;
	_ =	strace $0x9FFFFFFF  }
0xc2: {  	(tm) =	ssettm $0x7FFFFFFF  }
0xc3: {  	_ =	shalt  }
tec
execute0_lowered:
.L_overlay_start_1:
0x0: {  	(tag) =	ssettag $0x1  }
0x1: {  	s5 =	rddreg [dreg:$0x0]  }
0x2: {  	s1 =	rddreg [dreg:$0x1]  }
0x3: {  	s2 =	srdreg.scid;
	s3 =	simm.s32 $0x0;
	s13 =	simm.s32 $0x60  }
0x4: {  	s14 =	simm.s32 $0x1680;
	s15 =	simm.s32 $0x2E80;
	s16 =	simm.s32 $0x1  }
0x5: {  	s17 =	simm.s32 $0x4680;
	s18 =	simm.s32 $0x2;
	s6 =	sand.u32 $0x1, s2  }
0x6: {  	s19 =	simm.s32 $0x3;
	s2 =	stileid.u32;
	s4 =	smul.u32 $0x13880, s6  }
0x7: {  	s20 =	simm.s32 $0xAE0;
	s21 =	simm.s32 $0x1560;
	s7 =	smul.u32 $0x9D8, s2  }
0x8: {  	s22 =	simm.s32 $0x15C0;
	s26 =	simm.s32 $0x0;
	s8 =	smul.u32 $0x14000, s6  }
0x9: {  	[smem:$0x7FF] =	sst s3;
	s10 =	smul.u32 $0x28000, s2;
	s28 =	ssub.s32 $0x2, s6  }
0xa: {  	_ =	strace $0x80000050;
	s30 =	smul.u32 $0x14000, s2;
	s6 =	sshrl.u32 s28, $0x1  }
0xb: {  	s9 =	sadd.s32 s4, s5;
	s7 =	sadd.s32 s7, s5;
	s4 =	sadd.s32 $0x19400, s5  }
0xc: {  	s11 =	sadd.s32 s8, s5;
	s29 =	sshrl.u32 s10, $0x2;
	s12 =	ssub.s32 s28, s6  }
0xd: {  	s31 =	sshrl.u32 s30, $0x1;
	s24 =	sshrl.u32 s30, $0x4;
	s10 =	simm.s32 $0x5E80  }
0xe: {  	s5 =	sadd.s32 s29, s1;
	s6 =	sadd.s32 $0xF600, s7;
	s7 =	sadd.s32 $0x5800, s7  }
0xf: {  	s8 =	sadd.s32 $0xBFA00, s9;
	s23 =	sadd.s32 $0x113200, s11;
	s25 =	sadd.s32 s31, s1  }
0x10: {  	s9 =	smax.u32 s12, $0x1;
	s11 =	simm.s32 $0x4;
	s12 =	simm.s32 $0xB40  }
0x11: {  	s23 =	sadd.s32 s24, s23;
	s24 =	simm.s32 $0x1620;
	s25 =	sshrl.u32 s25, $0x3  }
.LBB2_1:
0x12: {  	[tilespmem:s10], [sflag:$0x4] =	stream.linear.gather [hbm4b:s4+s3], $0x400, $0x38;
	[tilespmem:$0x10280] =	vst v63  }
0x13: {  	_ =	swait.ge [sflag:s11], $0x400  }
0x14: {  	[sflag:s11] =	ssyncset.done $0x0  }
0x15: {  	s28 =	sadd.s32 $0x0, s5;
	[sflag:s11] =	ssyncadd.s32 $0xFFFFFC00  }
0x16: {  	[spmem:s28] =	stream.linear.scatter [tilespmem:s10], [sflag:$0x4], $0x400, $0x38;
	[tilespmem:$0x10280] =	vst v63  }
0x17: {  	s28 =	simm.s32 $0x1000;
	_ =	swait.ge [sflag:s11], $0x400  }
.LBB2_2:
0x18: {  	s29 =	sshra.s32 s28, $0x2;
	[sflag:s11] =	ssyncset.done $0x0;
	p0 =	sne.s32 s28, $0x27000  }
.Ltmp0:
0x19: {  	s29 =	sadd.s32 s29, s5;
	[sflag:s11] =	ssyncadd.s32 $0xFFFFFC00;
	(pc) =	sbr.rel @p0 .LBB2_2-.Ltmp0, $3  }
0x1a: {  	[spmem:s29] =	stream.linear.scatter [tilespmem:s10], [sflag:$0x4], $0x400, $0x38;
	[tilespmem:$0x10280] =	vst v63  }
0x1b: {  	s28 =	sadd.s32 $0x1000, s28;
	_ =	sdelay $0x1  }
0x1c: {  	_ =	swait.ge [sflag:s11], $0x400  }
0x1d: {  	[sflag:s11] =	ssyncset.done $0x0  }
0x1e: {  	[sflag:s11] =	ssyncadd.s32 $0xFFFFFC00  }
0x1f: {  	s28 =	simm.s32 $0x0;
	s29 =	simm.s32 $0x0;
	[bflag:$0x0] =	sbarrier.arrive $0xFFFF  }
.LBB2_4:
0x20: {  	s30 =	smul.u32 $0x168, s29;
	_ =	sdelay $0x1  }
0x21: {  	s31 =	sadd.s32 s30, s6  }
0x22: {  	[tilespmem:s28], [sflag:$0x4] =	stream.linear.gather [hbm4b:s31+s28], $0xB40, $0x38;
	[tilespmem:$0x10280] =	vst v63  }
0x23: {  	_ =	swait.ge [sflag:s11], $0xB40  }
0x24: {  	[sflag:s11] =	ssyncset.done $0x0  }
0x25: {  	s30 =	sadd.s32 s30, s7;
	[sflag:s11] =	ssyncadd.s32 $0xFFFFF4C0  }
0x26: {  	[tilespmem:s12], [sflag:$0x4] =	stream.linear.gather [hbm4b:s30+s28], $0xB40, $0x38;
	[tilespmem:$0x10280] =	vst v63  }
0x27: {  	_ =	swait.ge [sflag:s11], $0xB40  }
0x28: {  	[sflag:s11] =	ssyncset.done $0x0  }
0x29: {  	[sflag:s11] =	ssyncadd.s32 $0xFFFFF4C0  }
0x2a: {  	[tilespmem:s14], [sflag:$0x1] =	stream.indirect.gather [hbm4b:s8+s13], $0x40, s28, s13, $0xb8;
	[tilespmem:$0x10280] =	vst v63  }
0x2b: {  	_ = 	snop  }
0x2c: {  	[tilespmem:s15], [sflag:$0x2] =	stream.indirect.gather [hbm4b:s8+s13], $0x40, s13, s13, $0xb8;
	[tilespmem:$0x10280] =	vst v63  }
0x2d: {  	_ =	swait.ge [sflag:s16], $0x1800  }
0x2e: {  	[sflag:s16] =	ssyncset.done $0x0  }
0x2f: {  	s30 =	simm.s32 $0xC0;
	[sflag:s16] =	ssyncadd.s32 $0xFFFFE800  }
0x30: {  	[tilespmem:s17], [sflag:$0x3] =	stream.indirect.gather [hbm4b:s8+s13], $0x40, s30, s13, $0xb8;
	[tilespmem:$0x10280] =	vst v63  }
0x31: {  	s30 =	simm.s32 $0xB40  }
0x32: {  	[spmem:s1] =	stream.indirect.scatter.add.s16 [tilespmem:s14], [sflag:$0x4], $0x40, s30, s13, $0xb8;
	[tilespmem:$0x10280] =	vst v63  }
0x33: {  	_ =	swait.ge [sflag:s11], $0x1800  }
0x34: {  	[sflag:s11] =	ssyncset.done $0x0  }
0x35: {  	[sflag:s11] =	ssyncadd.s32 $0xFFFFE800  }
0x36: {  	_ =	swait.ge [sflag:s18], $0x1800  }
0x37: {  	[sflag:s18] =	ssyncset.done $0x0  }
0x38: {  	s30 =	simm.s32 $0x120;
	[sflag:s18] =	ssyncadd.s32 $0xFFFFE800  }
0x39: {  	[tilespmem:s14], [sflag:$0x1] =	stream.indirect.gather [hbm4b:s8+s13], $0x40, s30, s13, $0xb8;
	[tilespmem:$0x10280] =	vst v63  }
0x3a: {  	s30 =	simm.s32 $0xBA0  }
0x3b: {  	[spmem:s1] =	stream.indirect.scatter.add.s16 [tilespmem:s15], [sflag:$0x4], $0x40, s30, s13, $0xb8;
	[tilespmem:$0x10280] =	vst v63  }
0x3c: {  	_ =	swait.ge [sflag:s11], $0x1800  }
0x3d: {  	[sflag:s11] =	ssyncset.done $0x0  }
0x3e: {  	[sflag:s11] =	ssyncadd.s32 $0xFFFFE800  }
0x3f: {  	_ =	swait.ge [sflag:s19], $0x1800  }
0x40: {  	[sflag:s19] =	ssyncset.done $0x0  }
0x41: {  	s30 =	simm.s32 $0x180;
	[sflag:s19] =	ssyncadd.s32 $0xFFFFE800  }
0x42: {  	[tilespmem:s15], [sflag:$0x2] =	stream.indirect.gather [hbm4b:s8+s13], $0x40, s30, s13, $0xb8;
	[tilespmem:$0x10280] =	vst v63  }
0x43: {  	s30 =	simm.s32 $0xC00  }
0x44: {  	[spmem:s1] =	stream.indirect.scatter.add.s16 [tilespmem:s17], [sflag:$0x4], $0x40, s30, s13, $0xb8;
	[tilespmem:$0x10280] =	vst v63  }
0x45: {  	_ =	swait.ge [sflag:s11], $0x1800  }
0x46: {  	s30 =	simm.s32 $0x480;
	[sflag:s11] =	ssyncset.done $0x0  }
.LBB2_5:
0x47: {  	p0 =	sne.s32 s30, $0x2400  }
0x48: {  	[sflag:s11] =	ssyncadd.s32 $0xFFFFE800;
	s31 =	smov.u32 s30;
	s30 =	sadd.s32 $0x480, s30  }
0x49: {  	_ = 	snop  }
0x4a: {  	_ =	swait.ge [sflag:s16], $0x1800  }
0x4b: {  	s31 =	sshra.s32 s31, $0x2;
	[sflag:s16] =	ssyncset.done $0x0  }
0x4c: {  	s0 =	sadd.s32 $0xC0, s31;
	[sflag:s16] =	ssyncadd.s32 $0xFFFFE800  }
0x4d: {  	[tilespmem:s17], [sflag:$0x3] =	stream.indirect.gather [hbm4b:s8+s13], $0x40, s0, s13, $0xb8;
	[tilespmem:$0x10280] =	vst v63  }
0x4e: {  	s0 =	sadd.s32 $0xB40, s31  }
0x4f: {  	[spmem:s1] =	stream.indirect.scatter.add.s16 [tilespmem:s14], [sflag:$0x4], $0x40, s0, s13, $0xb8;
	[tilespmem:$0x10280] =	vst v63  }
0x50: {  	_ =	swait.ge [sflag:s11], $0x1800  }
0x51: {  	[sflag:s11] =	ssyncset.done $0x0  }
0x52: {  	[sflag:s11] =	ssyncadd.s32 $0xFFFFE800  }
0x53: {  	_ =	swait.ge [sflag:s18], $0x1800  }
0x54: {  	[sflag:s18] =	ssyncset.done $0x0  }
0x55: {  	s0 =	sadd.s32 $0x120, s31;
	[sflag:s18] =	ssyncadd.s32 $0xFFFFE800  }
0x56: {  	[tilespmem:s14], [sflag:$0x1] =	stream.indirect.gather [hbm4b:s8+s13], $0x40, s0, s13, $0xb8;
	[tilespmem:$0x10280] =	vst v63  }
0x57: {  	s0 =	sadd.s32 $0xBA0, s31  }
0x58: {  	[spmem:s1] =	stream.indirect.scatter.add.s16 [tilespmem:s15], [sflag:$0x4], $0x40, s0, s13, $0xb8;
	[tilespmem:$0x10280] =	vst v63  }
0x59: {  	_ =	swait.ge [sflag:s11], $0x1800  }
0x5a: {  	[sflag:s11] =	ssyncset.done $0x0  }
0x5b: {  	[sflag:s11] =	ssyncadd.s32 $0xFFFFE800  }
0x5c: {  	_ =	swait.ge [sflag:s19], $0x1800  }
0x5d: {  	[sflag:s19] =	ssyncset.done $0x0  }
0x5e: {  	s0 =	sadd.s32 $0x180, s31;
	[sflag:s19] =	ssyncadd.s32 $0xFFFFE800  }
0x5f: {  	[tilespmem:s15], [sflag:$0x2] =	stream.indirect.gather [hbm4b:s8+s13], $0x40, s0, s13, $0xb8;
	[tilespmem:$0x10280] =	vst v63  }
.Ltmp1:
0x60: {  	_ = 	snop;
	(pc) =	sbr.rel @p0 .LBB2_5-.Ltmp1, $4  }
0x61: {  	s0 =	sadd.s32 $0xC00, s31  }
0x62: {  	[spmem:s1] =	stream.indirect.scatter.add.s16 [tilespmem:s17], [sflag:$0x4], $0x40, s0, s13, $0xb8;
	[tilespmem:$0x10280] =	vst v63  }
0x63: {  	_ =	swait.ge [sflag:s11], $0x1800  }
0x64: {  	[sflag:s11] =	ssyncset.done $0x0  }
0x65: {  	[sflag:s11] =	ssyncadd.s32 $0xFFFFE800  }
0x66: {  	_ =	swait.ge [sflag:s16], $0x1800  }
0x67: {  	[sflag:s16] =	ssyncset.done $0x0  }
0x68: {  	[sflag:s16] =	ssyncadd.s32 $0xFFFFE800  }
0x69: {  	[tilespmem:s17], [sflag:$0x3] =	stream.indirect.gather [hbm4b:s8+s13], $0x40, s20, s13, $0xb8;
	[tilespmem:$0x10280] =	vst v63  }
0x6a: {  	_ = 	snop  }
0x6b: {  	[spmem:s1] =	stream.indirect.scatter.add.s16 [tilespmem:s14], [sflag:$0x4], $0x40, s21, s13, $0xb8;
	[tilespmem:$0x10280] =	vst v63  }
0x6c: {  	_ =	swait.ge [sflag:s11], $0x1800  }
0x6d: {  	[sflag:s11] =	ssyncset.done $0x0  }
0x6e: {  	[sflag:s11] =	ssyncadd.s32 $0xFFFFE800  }
0x6f: {  	_ =	swait.ge [sflag:s18], $0x1800  }
0x70: {  	[sflag:s18] =	ssyncset.done $0x0  }
0x71: {  	[sflag:s18] =	ssyncadd.s32 $0xFFFFE800  }
0x72: {  	[spmem:s1] =	stream.indirect.scatter.add.s16 [tilespmem:s15], [sflag:$0x4], $0x40, s22, s13, $0xb8;
	[tilespmem:$0x10280] =	vst v63  }
0x73: {  	_ =	swait.ge [sflag:s11], $0x1800  }
0x74: {  	[sflag:s11] =	ssyncset.done $0x0  }
0x75: {  	[sflag:s11] =	ssyncadd.s32 $0xFFFFE800  }
0x76: {  	s29 =	sadd.s32 $0x1, s29;
	_ =	swait.ge [sflag:s19], $0x1800  }
0x77: {  	p0 =	sne.s32 s29, $0x7;
	[sflag:s19] =	ssyncset.done $0x0  }
.Ltmp2:
0x78: {  	[sflag:s19] =	ssyncadd.s32 $0xFFFFE800;
	(pc) =	sbr.rel @p0 .LBB2_4-.Ltmp2, $4  }
0x79: {  	[spmem:s1] =	stream.indirect.scatter.add.s16 [tilespmem:s17], [sflag:$0x4], $0x40, s24, s13, $0xb8;
	[tilespmem:$0x10280] =	vst v63  }
0x7a: {  	_ =	swait.ge [sflag:s11], $0x1800  }
0x7b: {  	[sflag:s11] =	ssyncset.done $0x0  }
0x7c: {  	[sflag:s11] =	ssyncadd.s32 $0xFFFFE800  }
0x7d: {  	s26 =	sadd.s32 $0x1, s26  }
0x7e: {  	s0 =	sshll.u32 s2, $0x6;
	p0 =	sne.s32 s26, s9  }
.Ltmp3:
0x7f: {  	[bflag:$0x0] =	sbarrier.arrive $0xFFFF;
	s0 =	sor.u32 $0x1C04, s0;
	(pc) =	sbr.rel @p0 .LBB2_1-.Ltmp3, $4  }
0x80: {  	[hbm:s23], [sflag:s0] =	dma.local [spmem:s25], $0x1400  }
0x81: {  	_ =	swait.ge [sflag:s11], $0x1400  }
0x82: {  	[sflag:s11] =	ssyncset.done $0x0  }
0x83: {  	[sflag:s11] =	ssyncadd.s32 $0xFFFFEC00  }
0x84: {  	_ =	sfence.sel $0x180000  }
0x85: {  	[bflag:$0x0] =	sbarrier.arrive $0xFFFF  }
0x86: {  	_ =	strace $0x90000050  }
0x87: {  	[bflag:$0x2] =	sbarrier.arrive $0xFFFF  }
0x88: {  	p0 =	sne.s32 s2, $0x0;
	s0 =	rddreg [dreg:$0x2]  }
0x89: {  	s0 =	sadd.s32 @!p0 $0x100000, s0  }
0x8a: {  	[sflag:s0] =	ssyncadd.tile.s32 @!p0 $0x1;
	_ =	shalt  }
.Lfunc_end2:
_tile_overlayer_lowered:
.L_overlay_start_2:
0x8b: {  	(tag) =	ssettag $0x2  }
0x8c: {  	s0 =	rddreg [dreg:$0x0];
	s2 =	stileid.u32  }
0x8d: {  	s1 =	rddreg [dreg:$0x1];
	p0 =	sne.s32 s2, $0x0  }
0x8e: {  	s3 =	rddreg [dreg:$0x2];
	[bflag:$0x3] =	sbarrier.arrive $0xFFFF;
	s2 =	simm.s32 @!p0 $0x1C04  }
0x8f: {  	[timem:s3], [sflag:s2] =	dma.local @!p0 [hbm:s0], s1  }
0x90: {  	s0 =	simm.s32 @!p0 $0x4  }
0x91: {  	_ =	swait.ge @!p0 [sflag:s0], s1  }
0x92: {  	s1 =	ssub.s32 @!p0 $0x0, s1;
	[sflag:s0] =	ssyncset.done @!p0 $0x0  }
0x93: {  	[sflag:s0] =	ssyncadd.s32 @!p0 s1  }
0x94: {  	[bflag:$0x3] =	sbarrier.arrive $0xFFFF  }
0x95: {  	_ =	shalt  }

// kernel: sc_segsum.15.cloned.1.call-start
scs
__scs_entry_jumppad:
0x0: {  	(pc) =	sbr.rel $0x88, $3  }
0x1: {  	(tag) =	ssettag $0x0;
	lr =	simm.s32 $0x1  }
0x2: {  	[smem:$0x3F8E] =	sst lr;
	_ =	strace $0xD0000000  }
0x3: {  	_ = 	snop  }
0x4: {  	_ = 	snop  }
0x5: {  	_ = 	snop  }
0x6: {  	_ = 	snop  }
0x7: {  	_ = 	snop  }
__scs_overlays_trampoline_lowered:
0x8: {  	[smem:$0x3F9D] =	sst s0  }
0x9: {  	[smem:$0x3F9E] =	sst s1  }
0xa: {  	[smem:$0x3F9F] =	sst s2  }
0xb: {  	[smem:$0x3FA0] =	sst s3  }
0xc: {  	[smem:$0x3FA1] =	sst s4  }
0xd: {  	[smem:$0x3FA2] =	sst s5  }
0xe: {  	[smem:$0x3FA3] =	sst s6  }
0xf: {  	[smem:$0x3FA4] =	sst s7  }
0x10: {  	[smem:$0x3FA5] =	sst s8  }
0x11: {  	[smem:$0x3FA6] =	sst s9;
	s0 =	simm.s32 @!p0 $0x0  }
0x12: {  	s1 =	sld [smem:$0x3F8C];
	s0 =	simm.s32 @p0 $0x1  }
0x13: {  	[smem:$0x3FA7] =	sst s0;
	s0 =	simm.s32 @!p1 $0x0  }
0x14: {  	s2 =	sld [smem:$0x3F8B];
	s0 =	simm.s32 @p1 $0x1  }
0x15: {  	[smem:$0x3FA8] =	sst s0;
	s0 =	simm.s32 @!p2 $0x0  }
0x16: {  	s3 =	sld [smem:$0x3FDB];
	s0 =	simm.s32 @p2 $0x1  }
0x17: {  	s4 =	simm.s32 $0x1BF5;
	[smem:$0x3FAA] =	sst s0  }
0x18: {  	s0 =	sld [smem:$0x3F8D];
	_ =	swait.ge [sflag:s4], $0x0  }
0x19: {  	s7 =	sld [smem:$0x3F8E]  }
0x1a: {  	s8 =	sadd.s32 $0xFFFFE003, lr  }
0x1b: {  	s9 =	sadd.s32 $0xFFFFFEF7, lr;
	s5 =	simm.s32 $0xFFFFFFFF;
	p2 =	slt.u32 s8, $0xFFFFF086  }
0x1c: {  	p1 =	slt.u32 s9, $0xF7A;
	s5 =	simm.s32 @!p2 $0x0  }
0x1d: {  	s5 =	simm.s32 @p1 $0x1;
	p0 =	seq.s32 s7, s2  }
0x1e: {  	s7 =	smul.u32 @!p0 $0xF7A, s2;
	p2 =	seq.s32 @!p0 s5, $0x0  }
0x1f: {  	s9 =	smul.u32 $0xF7A, s1;
	s8 =	simm.s32 @!p0 $0x1BF5;
	p2 =	por !p2, p0  }
0x20: {  	[sflag:s8] =	ssyncset.s32 @!p0 $0xFFFFF086;
	s6 =	sadd.s32 @!p0 s3, s7;
	s7 =	simm.s32 @!p0 $0x108  }
0x21: {  	s3 =	sadd.s32 s3, s9;
	s6 =	sadd.s32 @!p0 $0x88, s6;
	s7 =	simm.s32 @p2 $0x1082  }
0x22: {  	[simem:s7], [sflag:s8] =	dma.local @!p0 [hbm:s6], $0xF7A  }
0x23: {  	s9 =	sor.u32 $0xD0000000, s2;
	s6 =	simm.s32 $0x108;
	_ =	swait.ge @!p0 [sflag:s8], $0x0  }
0x24: {  	s3 =	sadd.s32 $0x88, s3;
	s6 =	simm.s32 @!p1 $0x1082;
	[sflag:s4] =	ssyncset.s32 $0xFFFFF086  }
0x25: {  	[simem:s6], [sflag:s4] =	dma.local [hbm:s3], $0xF7A  }
0x26: {  	[smem:$0x3F8E] =	sst s1;
	(tag) =	ssettag s2;
	_ =	strace s9  }
0x27: {  	s1 =	sld [smem:$0x3F9E]  }
0x28: {  	s2 =	sld [smem:$0x3F9F]  }
0x29: {  	s4 =	sld [smem:$0x3FA1]  }
0x2a: {  	p0 =	seq.s32 s5, $0x0;
	s5 =	sld [smem:$0x3FA2]  }
0x2b: {  	s6 =	sld [smem:$0x3FA3]  }
0x2c: {  	s7 =	sld [smem:$0x3FA4]  }
0x2d: {  	s3 =	simm.s32 $0x108;
	s8 =	sld [smem:$0x3FA5]  }
0x2e: {  	s3 =	simm.s32 @!p0 $0x1082;
	s9 =	sld [smem:$0x3FA6]  }
0x2f: {  	lr =	sadd.s32 s0, s3;
	s0 =	sld [smem:$0x3F9D]  }
0x30: {  	s3 =	sld [smem:$0x3FA0]  }
0x31: {  	[smem:$0x3FA9] =	sst s10  }
0x32: {  	s10 =	sld [smem:$0x3FA7];
	_ =	sdelay $0x3  }
0x33: {  	p0 =	seq.s32 s10, $0x1;
	s10 =	sld [smem:$0x3FA9];
	_ =	sdelay $0x3  }
0x34: {  	[smem:$0x3FA9] =	sst s10  }
0x35: {  	s10 =	sld [smem:$0x3FA8];
	_ =	sdelay $0x3  }
0x36: {  	p1 =	seq.s32 s10, $0x1;
	s10 =	sld [smem:$0x3FA9];
	_ =	sdelay $0x3  }
0x37: {  	[smem:$0x3FA9] =	sst s10  }
0x38: {  	s10 =	sld [smem:$0x3FAA]  }
0x39: {  	_ = 	snop;
	(pc) =	sbr.ind lr, $3  }
0x3a: {  	_ = 	snop  }
0x3b: {  	_ = 	snop  }
0x3c: {  	p2 =	seq.s32 s10, $0x1;
	s10 =	sld [smem:$0x3FA9]  }
0x3d: {  	_ =	shalt  }
0x3e: {  	_ =	shalt  }
0x3f: {  	_ =	shalt  }
0x40: {  	_ =	shalt  }
0x41: {  	_ =	shalt  }
0x42: {  	_ =	shalt  }
0x43: {  	_ =	shalt  }
0x44: {  	_ =	shalt  }
0x45: {  	_ =	shalt  }
0x46: {  	_ =	shalt  }
0x47: {  	_ =	shalt  }
0x48: {  	_ =	shalt  }
0x49: {  	_ =	shalt  }
0x4a: {  	_ =	shalt  }
0x4b: {  	_ =	shalt  }
0x4c: {  	_ =	shalt  }
0x4d: {  	_ =	shalt  }
0x4e: {  	_ =	shalt  }
0x4f: {  	_ =	shalt  }
0x50: {  	_ =	shalt  }
0x51: {  	_ =	shalt  }
0x52: {  	_ =	shalt  }
0x53: {  	_ =	shalt  }
0x54: {  	_ =	shalt  }
0x55: {  	_ =	shalt  }
0x56: {  	_ =	shalt  }
0x57: {  	_ =	shalt  }
0x58: {  	_ =	shalt  }
0x59: {  	_ =	shalt  }
0x5a: {  	_ =	shalt  }
0x5b: {  	_ =	shalt  }
0x5c: {  	_ =	shalt  }
0x5d: {  	_ =	shalt  }
0x5e: {  	_ =	shalt  }
0x5f: {  	_ =	shalt  }
0x60: {  	_ =	shalt  }
0x61: {  	_ =	shalt  }
0x62: {  	_ =	shalt  }
0x63: {  	_ =	shalt  }
0x64: {  	_ =	shalt  }
0x65: {  	_ =	shalt  }
0x66: {  	_ =	shalt  }
0x67: {  	_ =	shalt  }
0x68: {  	_ =	shalt  }
0x69: {  	_ =	shalt  }
0x6a: {  	_ =	shalt  }
0x6b: {  	_ =	shalt  }
0x6c: {  	_ =	shalt  }
0x6d: {  	_ =	shalt  }
0x6e: {  	_ =	shalt  }
0x6f: {  	_ =	shalt  }
0x70: {  	_ =	shalt  }
0x71: {  	_ =	shalt  }
0x72: {  	_ =	shalt  }
0x73: {  	_ =	shalt  }
0x74: {  	_ =	shalt  }
0x75: {  	_ =	shalt  }
0x76: {  	_ =	shalt  }
0x77: {  	_ =	shalt  }
0x78: {  	_ =	shalt  }
0x79: {  	_ =	shalt  }
0x7a: {  	_ =	shalt  }
0x7b: {  	_ =	shalt  }
0x7c: {  	_ =	shalt  }
0x7d: {  	_ =	shalt  }
0x7e: {  	_ =	shalt  }
0x7f: {  	_ =	shalt  }
0x80: {  	_ =	shalt  }
0x81: {  	_ =	shalt  }
0x82: {  	_ =	shalt  }
0x83: {  	_ =	shalt  }
0x84: {  	_ =	shalt  }
0x85: {  	_ =	shalt  }
0x86: {  	_ =	shalt  }
0x87: {  	_ =	shalt  }
.Lfunc_end0:
.L_simem_size_0:
called_computation.4_lowered:
.L_overlay_start_0:
0x88: {  	s2 =	sld [smem:$0x3FD9]  }
0x89: {  	s3 =	sld [smem:$0x3FFE];
	_ =	sdelay $0x1  }
0x8a: {  	s1 =	srdreg.scid  }
0x8b: {  	s0 =	sand.u32 $0x1, s1  }
0x8c: {  	s17 =	sshll.u32 s0, $0xA;
	s2 =	sadd.s32 s3, s2  }
0x8d: {  	s2 =	sadd.s32 s2, s17  }
0x8e: {  	[smem:$0x3FB5] =	sst s2  }
0x8f: {  	_ = 	snop  }
0x90: {  	s2 =	sld [smem:$0x3FD0];
	(tm) =	ssettm $0x1  }
0x91: {  	s18 =	sld [smem:$0x3FFB];
	_ =	sdelay $0x3  }
0x92: {  	_ =	strace s18  }
0x93: {  	s3 =	sld [smem:$0x3FFC];
	_ =	sdelay $0x3  }
0x94: {  	_ =	strace s3  }
0x95: {  	s3 =	sld [smem:$0x3FFD];
	_ =	sdelay $0x3  }
0x96: {  	_ =	strace s3  }
0x97: {  	_ =	strace $0x8FFFFFFF  }
0x98: {  	s19 =	sld [smem:$0x3FDB];
	_ =	sdelay $0x1  }
0x99: {  	s4 =	simm.s32 $_scs_section_size  }
0x9a: {  	s5 =	simm.s32 $_size__tile_overlayer_lowered;
	s6 =	simm.s32 $_tile_overlayer_lowered  }
0x9b: {  	s22 =	simm.s32 $0x1BFF;
	s21 =	sshll.u32 s6, $0x1;
	s3 =	sadd.s32 s4, s19  }
0x9c: {  	s7 =	simm.s32 $0x0;
	s20 =	sshll.u32 s5, $0x1;
	s5 =	sadd.s32 s21, s3  }
0x9d: {  	[timem:s7], [sflag:s22] =	dma.local [hbm:s5], s20  }
0x9e: {  	_ =	swait.ge [sflag:s22], s20  }
0x9f: {  	s4 =	ssub.s32 $0x0, s20;
	[sflag:s22] =	ssyncset.done $0x0  }
0xa0: {  	[sflag:s22] =	ssyncadd.s32 s4;
	_ =	sdelay $0x1  }
0xa1: {  	s23 =	simm.s32 $0x1B8B  }
0xa2: {  	_ =	swait.ge [sflag:s23], $0x1  }
0xa3: {  	[sflag:s23] =	ssyncset.done $0x0  }
0xa4: {  	s25 =	simm.s32 $0x1B8E;
	s24 =	sld [smem:$0x3FFE];
	[sflag:s23] =	ssyncadd.s32 $0xFFFFFFFF  }
0xa5: {  	s26 =	simm.s32 $execute0_lowered;
	[smem:$0x3FD2] =	sst s25  }
0xa6: {  	s5 =	sshll.u32 s26, $0x1;
	_ =	strace $0x80000052;
	[dreg:$0x1] =	wrdreg $0xFFFFFFFF  }
0xa7: {  	s28 =	simm.s32 $_size_execute0_lowered;
	s3 =	sadd.s32 s3, s5;
	[dreg:$0x0] =	wrdreg $0x0  }
0xa8: {  	s5 =	sshll.u32 s28, $0x1;
	[dreg:$0x2] =	wrdreg s3  }
0xa9: {  	[dreg:$0x3] =	wrdreg s5  }
0xaa: {  	[dreg:$0x4] =	wrdreg $0xC0  }
0xab: {  	_ =	task [dreg:s7], $0x5FFFF  }
0xac: {  	[dreg:$0x1] =	wrdreg $0xFFFFFFFF  }
0xad: {  	[dreg:$0x0] =	wrdreg $0x60  }
0xae: {  	[dreg:$0x2] =	wrdreg s24  }
0xaf: {  	[dreg:$0x3] =	wrdreg s2  }
0xb0: {  	[dreg:$0x4] =	wrdreg $0x62800  }
0xb1: {  	[dreg:$0x5] =	wrdreg $0x9  }
0xb2: {  	_ =	task.clear_ibuf [dreg:s7], $0x6FFFF;
	_ =	strace $0x90000052  }
0xb3: {  	s29 =	simm.s32 $0x9;
	_ =	strace $0x80000054  }
0xb4: {  	_ =	swait.ge [sflag:s29], $0x1  }
0xb5: {  	[sflag:s29] =	ssyncadd.s32 $0xFFFFFFFF  }
0xb6: {  	_ =	strace $0x90000054  }
0xb7: {  	_ =	sfence  }
0xb8: {  	s30 =	sld [smem:$0x0];
	_ =	sdelay $0x2  }
0xb9: {  	s31 =	sshll.u32 s1, $0xD;
	s1 =	sshrl.u32 s1, $0x2  }
0xba: {  	s3 =	sand.u32 $0x4000, s31;
	s1 =	sadd.s32 s1, s30  }
0xbb: {  	s0 =	sor.u32 s3, s0;
	s1 =	sshll.u32 s1, $0x11  }
0xbc: {  	s0 =	sor.u32 s1, s0  }
0xbd: {  	s0 =	sadd.s32 $0x8F2B, s0  }
0xbe: {  	[sflag:s0] =	ssyncadd.remote.s32 $0x1  }
0xbf: {  	_ =	sfence.sel $0xFFFF  }
0xc0: {  	[dreg:$0x0] =	wrdreg $0xFFFFFFFF;
	(pc) =	sbr.abs _section_cstart, $3  }
0xc1: {  	[dreg:$0x1] =	wrdreg $0xFFFFFFFF  }
0xc2: {  	_ =	task.clear_ibuf [dreg:s7], $0x2FFFF;
	_ =	strace $0x9FFFFFFF  }
0xc3: {  	(tm) =	ssettm $0x7FFFFFFF  }
tec
execute0_lowered:
.L_overlay_start_1:
0x0: {  	(tag) =	ssettag $0x1  }
0x1: {  	s4 =	rddreg [dreg:$0x0]  }
0x2: {  	s9 =	rddreg [dreg:$0x1]  }
0x3: {  	s1 =	rddreg [dreg:$0x2];
	s2 =	simm.s32 $0x0;
	s3 =	srdreg.scid  }
0x4: {  	s14 =	simm.s32 $0x1680;
	s15 =	simm.s32 $0x2E80;
	s16 =	simm.s32 $0x1  }
0x5: {  	s17 =	simm.s32 $0x4680;
	s18 =	simm.s32 $0x2;
	s7 =	sand.u32 $0x1, s3  }
0x6: {  	s19 =	simm.s32 $0x3;
	s3 =	stileid.u32;
	s5 =	smul.u32 $0x13880, s7  }
0x7: {  	s20 =	simm.s32 $0xAE0;
	s21 =	simm.s32 $0x1560;
	s6 =	smul.u32 $0x9D8, s3  }
0x8: {  	s22 =	simm.s32 $0x15C0;
	[smem:$0x7FF] =	sst s2;
	s10 =	smul.u32 $0x28000, s3  }
0x9: {  	_ =	strace $0x80000053;
	s26 =	ssub.s32 $0x2, s7;
	s30 =	smul.u32 $0x14000, s3  }
0xa: {  	s13 =	smul.u32 $0x14000, s7;
	s28 =	sshrl.u32 s26, $0x1;
	s8 =	sadd.s32 s5, s4  }
0xb: {  	s11 =	sadd.s32 s6, s4;
	s4 =	sadd.s32 $0x19400, s4;
	s12 =	ssub.s32 s26, s28  }
0xc: {  	s29 =	sshrl.u32 s10, $0x2;
	s31 =	sshrl.u32 s30, $0x1;
	s23 =	sadd.s32 s9, s13  }
0xd: {  	s24 =	sshrl.u32 s30, $0x4;
	s10 =	simm.s32 $0x5E80;
	s13 =	simm.s32 $0x60  }
0xe: {  	s26 =	simm.s32 $0x0;
	s5 =	sadd.s32 s29, s1;
	s6 =	sadd.s32 $0xF600, s11  }
0xf: {  	s7 =	sadd.s32 $0x5800, s11;
	s8 =	sadd.s32 $0x71800, s8;
	s25 =	sadd.s32 s31, s1  }
0x10: {  	s9 =	smax.u32 s12, $0x1;
	s11 =	simm.s32 $0x4;
	s12 =	simm.s32 $0xB40  }
0x11: {  	s23 =	sadd.s32 s24, s23;
	s24 =	simm.s32 $0x1620;
	s25 =	sshrl.u32 s25, $0x3  }
.LBB2_1:
0x12: {  	[tilespmem:s10], [sflag:$0x4] =	stream.linear.gather [hbm4b:s4+s2], $0x400, $0x38;
	[tilespmem:$0x10280] =	vst v63  }
0x13: {  	_ =	swait.ge [sflag:s11], $0x400  }
0x14: {  	[sflag:s11] =	ssyncset.done $0x0  }
0x15: {  	s28 =	sadd.s32 $0x0, s5;
	[sflag:s11] =	ssyncadd.s32 $0xFFFFFC00  }
0x16: {  	[spmem:s28] =	stream.linear.scatter [tilespmem:s10], [sflag:$0x4], $0x400, $0x38;
	[tilespmem:$0x10280] =	vst v63  }
0x17: {  	s28 =	simm.s32 $0x1000;
	_ =	swait.ge [sflag:s11], $0x400  }
.LBB2_2:
0x18: {  	s29 =	sshra.s32 s28, $0x2;
	[sflag:s11] =	ssyncset.done $0x0;
	p0 =	sne.s32 s28, $0x27000  }
.Ltmp0:
0x19: {  	s29 =	sadd.s32 s29, s5;
	[sflag:s11] =	ssyncadd.s32 $0xFFFFFC00;
	(pc) =	sbr.rel @p0 .LBB2_2-.Ltmp0, $3  }
0x1a: {  	[spmem:s29] =	stream.linear.scatter [tilespmem:s10], [sflag:$0x4], $0x400, $0x38;
	[tilespmem:$0x10280] =	vst v63  }
0x1b: {  	s28 =	sadd.s32 $0x1000, s28;
	_ =	sdelay $0x1  }
0x1c: {  	_ =	swait.ge [sflag:s11], $0x400  }
0x1d: {  	[sflag:s11] =	ssyncset.done $0x0  }
0x1e: {  	[sflag:s11] =	ssyncadd.s32 $0xFFFFFC00  }
0x1f: {  	s28 =	simm.s32 $0x0;
	s29 =	simm.s32 $0x0;
	[bflag:$0x0] =	sbarrier.arrive $0xFFFF  }
.LBB2_4:
0x20: {  	s30 =	smul.u32 $0x168, s29;
	_ =	sdelay $0x1  }
0x21: {  	s31 =	sadd.s32 s30, s6  }
0x22: {  	[tilespmem:s28], [sflag:$0x4] =	stream.linear.gather [hbm4b:s31+s28], $0xB40, $0x38;
	[tilespmem:$0x10280] =	vst v63  }
0x23: {  	_ =	swait.ge [sflag:s11], $0xB40  }
0x24: {  	[sflag:s11] =	ssyncset.done $0x0  }
0x25: {  	s30 =	sadd.s32 s30, s7;
	[sflag:s11] =	ssyncadd.s32 $0xFFFFF4C0  }
0x26: {  	[tilespmem:s12], [sflag:$0x4] =	stream.linear.gather [hbm4b:s30+s28], $0xB40, $0x38;
	[tilespmem:$0x10280] =	vst v63  }
0x27: {  	_ =	swait.ge [sflag:s11], $0xB40  }
0x28: {  	[sflag:s11] =	ssyncset.done $0x0  }
0x29: {  	[sflag:s11] =	ssyncadd.s32 $0xFFFFF4C0  }
0x2a: {  	[tilespmem:s14], [sflag:$0x1] =	stream.indirect.gather [hbm4b:s8+s13], $0x40, s28, s13, $0xb8;
	[tilespmem:$0x10280] =	vst v63  }
0x2b: {  	_ = 	snop  }
0x2c: {  	[tilespmem:s15], [sflag:$0x2] =	stream.indirect.gather [hbm4b:s8+s13], $0x40, s13, s13, $0xb8;
	[tilespmem:$0x10280] =	vst v63  }
0x2d: {  	_ =	swait.ge [sflag:s16], $0x1800  }
0x2e: {  	[sflag:s16] =	ssyncset.done $0x0  }
0x2f: {  	s30 =	simm.s32 $0xC0;
	[sflag:s16] =	ssyncadd.s32 $0xFFFFE800  }
0x30: {  	[tilespmem:s17], [sflag:$0x3] =	stream.indirect.gather [hbm4b:s8+s13], $0x40, s30, s13, $0xb8;
	[tilespmem:$0x10280] =	vst v63  }
0x31: {  	s30 =	simm.s32 $0xB40  }
0x32: {  	[spmem:s1] =	stream.indirect.scatter.add.s16 [tilespmem:s14], [sflag:$0x4], $0x40, s30, s13, $0xb8;
	[tilespmem:$0x10280] =	vst v63  }
0x33: {  	_ =	swait.ge [sflag:s11], $0x1800  }
0x34: {  	[sflag:s11] =	ssyncset.done $0x0  }
0x35: {  	[sflag:s11] =	ssyncadd.s32 $0xFFFFE800  }
0x36: {  	_ =	swait.ge [sflag:s18], $0x1800  }
0x37: {  	[sflag:s18] =	ssyncset.done $0x0  }
0x38: {  	s30 =	simm.s32 $0x120;
	[sflag:s18] =	ssyncadd.s32 $0xFFFFE800  }
0x39: {  	[tilespmem:s14], [sflag:$0x1] =	stream.indirect.gather [hbm4b:s8+s13], $0x40, s30, s13, $0xb8;
	[tilespmem:$0x10280] =	vst v63  }
0x3a: {  	s30 =	simm.s32 $0xBA0  }
0x3b: {  	[spmem:s1] =	stream.indirect.scatter.add.s16 [tilespmem:s15], [sflag:$0x4], $0x40, s30, s13, $0xb8;
	[tilespmem:$0x10280] =	vst v63  }
0x3c: {  	_ =	swait.ge [sflag:s11], $0x1800  }
0x3d: {  	[sflag:s11] =	ssyncset.done $0x0  }
0x3e: {  	[sflag:s11] =	ssyncadd.s32 $0xFFFFE800  }
0x3f: {  	_ =	swait.ge [sflag:s19], $0x1800  }
0x40: {  	[sflag:s19] =	ssyncset.done $0x0  }
0x41: {  	s30 =	simm.s32 $0x180;
	[sflag:s19] =	ssyncadd.s32 $0xFFFFE800  }
0x42: {  	[tilespmem:s15], [sflag:$0x2] =	stream.indirect.gather [hbm4b:s8+s13], $0x40, s30, s13, $0xb8;
	[tilespmem:$0x10280] =	vst v63  }
0x43: {  	s30 =	simm.s32 $0xC00  }
0x44: {  	[spmem:s1] =	stream.indirect.scatter.add.s16 [tilespmem:s17], [sflag:$0x4], $0x40, s30, s13, $0xb8;
	[tilespmem:$0x10280] =	vst v63  }
0x45: {  	_ =	swait.ge [sflag:s11], $0x1800  }
0x46: {  	s30 =	simm.s32 $0x480;
	[sflag:s11] =	ssyncset.done $0x0  }
.LBB2_5:
0x47: {  	p0 =	sne.s32 s30, $0x2400  }
0x48: {  	[sflag:s11] =	ssyncadd.s32 $0xFFFFE800;
	s31 =	smov.u32 s30;
	s30 =	sadd.s32 $0x480, s30  }
0x49: {  	_ = 	snop  }
0x4a: {  	_ =	swait.ge [sflag:s16], $0x1800  }
0x4b: {  	s31 =	sshra.s32 s31, $0x2;
	[sflag:s16] =	ssyncset.done $0x0  }
0x4c: {  	s0 =	sadd.s32 $0xC0, s31;
	[sflag:s16] =	ssyncadd.s32 $0xFFFFE800  }
0x4d: {  	[tilespmem:s17], [sflag:$0x3] =	stream.indirect.gather [hbm4b:s8+s13], $0x40, s0, s13, $0xb8;
	[tilespmem:$0x10280] =	vst v63  }
0x4e: {  	s0 =	sadd.s32 $0xB40, s31  }
0x4f: {  	[spmem:s1] =	stream.indirect.scatter.add.s16 [tilespmem:s14], [sflag:$0x4], $0x40, s0, s13, $0xb8;
	[tilespmem:$0x10280] =	vst v63  }
0x50: {  	_ =	swait.ge [sflag:s11], $0x1800  }
0x51: {  	[sflag:s11] =	ssyncset.done $0x0  }
0x52: {  	[sflag:s11] =	ssyncadd.s32 $0xFFFFE800  }
0x53: {  	_ =	swait.ge [sflag:s18], $0x1800  }
0x54: {  	[sflag:s18] =	ssyncset.done $0x0  }
0x55: {  	s0 =	sadd.s32 $0x120, s31;
	[sflag:s18] =	ssyncadd.s32 $0xFFFFE800  }
0x56: {  	[tilespmem:s14], [sflag:$0x1] =	stream.indirect.gather [hbm4b:s8+s13], $0x40, s0, s13, $0xb8;
	[tilespmem:$0x10280] =	vst v63  }
0x57: {  	s0 =	sadd.s32 $0xBA0, s31  }
0x58: {  	[spmem:s1] =	stream.indirect.scatter.add.s16 [tilespmem:s15], [sflag:$0x4], $0x40, s0, s13, $0xb8;
	[tilespmem:$0x10280] =	vst v63  }
0x59: {  	_ =	swait.ge [sflag:s11], $0x1800  }
0x5a: {  	[sflag:s11] =	ssyncset.done $0x0  }
0x5b: {  	[sflag:s11] =	ssyncadd.s32 $0xFFFFE800  }
0x5c: {  	_ =	swait.ge [sflag:s19], $0x1800  }
0x5d: {  	[sflag:s19] =	ssyncset.done $0x0  }
0x5e: {  	s0 =	sadd.s32 $0x180, s31;
	[sflag:s19] =	ssyncadd.s32 $0xFFFFE800  }
0x5f: {  	[tilespmem:s15], [sflag:$0x2] =	stream.indirect.gather [hbm4b:s8+s13], $0x40, s0, s13, $0xb8;
	[tilespmem:$0x10280] =	vst v63  }
.Ltmp1:
0x60: {  	_ = 	snop;
	(pc) =	sbr.rel @p0 .LBB2_5-.Ltmp1, $4  }
0x61: {  	s0 =	sadd.s32 $0xC00, s31  }
0x62: {  	[spmem:s1] =	stream.indirect.scatter.add.s16 [tilespmem:s17], [sflag:$0x4], $0x40, s0, s13, $0xb8;
	[tilespmem:$0x10280] =	vst v63  }
0x63: {  	_ =	swait.ge [sflag:s11], $0x1800  }
0x64: {  	[sflag:s11] =	ssyncset.done $0x0  }
0x65: {  	[sflag:s11] =	ssyncadd.s32 $0xFFFFE800  }
0x66: {  	_ =	swait.ge [sflag:s16], $0x1800  }
0x67: {  	[sflag:s16] =	ssyncset.done $0x0  }
0x68: {  	[sflag:s16] =	ssyncadd.s32 $0xFFFFE800  }
0x69: {  	[tilespmem:s17], [sflag:$0x3] =	stream.indirect.gather [hbm4b:s8+s13], $0x40, s20, s13, $0xb8;
	[tilespmem:$0x10280] =	vst v63  }
0x6a: {  	_ = 	snop  }
0x6b: {  	[spmem:s1] =	stream.indirect.scatter.add.s16 [tilespmem:s14], [sflag:$0x4], $0x40, s21, s13, $0xb8;
	[tilespmem:$0x10280] =	vst v63  }
0x6c: {  	_ =	swait.ge [sflag:s11], $0x1800  }
0x6d: {  	[sflag:s11] =	ssyncset.done $0x0  }
0x6e: {  	[sflag:s11] =	ssyncadd.s32 $0xFFFFE800  }
0x6f: {  	_ =	swait.ge [sflag:s18], $0x1800  }
0x70: {  	[sflag:s18] =	ssyncset.done $0x0  }
0x71: {  	[sflag:s18] =	ssyncadd.s32 $0xFFFFE800  }
0x72: {  	[spmem:s1] =	stream.indirect.scatter.add.s16 [tilespmem:s15], [sflag:$0x4], $0x40, s22, s13, $0xb8;
	[tilespmem:$0x10280] =	vst v63  }
0x73: {  	_ =	swait.ge [sflag:s11], $0x1800  }
0x74: {  	[sflag:s11] =	ssyncset.done $0x0  }
0x75: {  	[sflag:s11] =	ssyncadd.s32 $0xFFFFE800  }
0x76: {  	s29 =	sadd.s32 $0x1, s29;
	_ =	swait.ge [sflag:s19], $0x1800  }
0x77: {  	p0 =	sne.s32 s29, $0x7;
	[sflag:s19] =	ssyncset.done $0x0  }
.Ltmp2:
0x78: {  	[sflag:s19] =	ssyncadd.s32 $0xFFFFE800;
	(pc) =	sbr.rel @p0 .LBB2_4-.Ltmp2, $4  }
0x79: {  	[spmem:s1] =	stream.indirect.scatter.add.s16 [tilespmem:s17], [sflag:$0x4], $0x40, s24, s13, $0xb8;
	[tilespmem:$0x10280] =	vst v63  }
0x7a: {  	_ =	swait.ge [sflag:s11], $0x1800  }
0x7b: {  	[sflag:s11] =	ssyncset.done $0x0  }
0x7c: {  	[sflag:s11] =	ssyncadd.s32 $0xFFFFE800  }
0x7d: {  	s26 =	sadd.s32 $0x1, s26  }
0x7e: {  	s0 =	sshll.u32 s3, $0x6;
	p0 =	sne.s32 s26, s9  }
.Ltmp3:
0x7f: {  	[bflag:$0x0] =	sbarrier.arrive $0xFFFF;
	s0 =	sor.u32 $0x1C04, s0;
	(pc) =	sbr.rel @p0 .LBB2_1-.Ltmp3, $4  }
0x80: {  	[hbm:s23], [sflag:s0] =	dma.local [spmem:s25], $0x1400  }
0x81: {  	_ =	swait.ge [sflag:s11], $0x1400  }
0x82: {  	[sflag:s11] =	ssyncset.done $0x0  }
0x83: {  	[sflag:s11] =	ssyncadd.s32 $0xFFFFEC00  }
0x84: {  	_ =	sfence.sel $0x180000  }
0x85: {  	[bflag:$0x0] =	sbarrier.arrive $0xFFFF  }
0x86: {  	_ =	strace $0x90000053  }
0x87: {  	[bflag:$0x2] =	sbarrier.arrive $0xFFFF  }
0x88: {  	p0 =	sne.s32 s3, $0x0;
	s0 =	rddreg [dreg:$0x3]  }
0x89: {  	s0 =	sadd.s32 @!p0 $0x100000, s0  }
0x8a: {  	[sflag:s0] =	ssyncadd.tile.s32 @!p0 $0x1;
	_ =	shalt  }
.Lfunc_end2:
_tile_overlayer_lowered:
.L_overlay_start_2:
0x8b: {  	(tag) =	ssettag $0x2  }
0x8c: {  	s0 =	rddreg [dreg:$0x0];
	s2 =	stileid.u32  }
0x8d: {  	s1 =	rddreg [dreg:$0x1];
	p0 =	sne.s32 s2, $0x0  }
0x8e: {  	s3 =	rddreg [dreg:$0x2];
	[bflag:$0x3] =	sbarrier.arrive $0xFFFF;
	s2 =	simm.s32 @!p0 $0x1C04  }
0x8f: {  	[timem:s3], [sflag:s2] =	dma.local @!p0 [hbm:s0], s1  }
0x90: {  	s0 =	simm.s32 @!p0 $0x4  }
0x91: {  	_ =	swait.ge @!p0 [sflag:s0], s1  }
0x92: {  	s1 =	ssub.s32 @!p0 $0x0, s1;
	[sflag:s0] =	ssyncset.done @!p0 $0x0  }
0x93: {  	[sflag:s0] =	ssyncadd.s32 @!p0 s1  }
0x94: {  	[bflag:$0x3] =	sbarrier.arrive $0xFFFF  }
0x95: {  	_ =	shalt  }

// kernel: sc_segsum.6.cloned.1.call-start
scs
__scs_entry_jumppad:
0x0: {  	(pc) =	sbr.rel $0x88, $3  }
0x1: {  	(tag) =	ssettag $0x0;
	lr =	simm.s32 $0x1  }
0x2: {  	[smem:$0x3F8E] =	sst lr;
	_ =	strace $0xD0000000  }
0x3: {  	_ = 	snop  }
0x4: {  	_ = 	snop  }
0x5: {  	_ = 	snop  }
0x6: {  	_ = 	snop  }
0x7: {  	_ = 	snop  }
__scs_overlays_trampoline_lowered:
0x8: {  	[smem:$0x3F9D] =	sst s0  }
0x9: {  	[smem:$0x3F9E] =	sst s1  }
0xa: {  	[smem:$0x3F9F] =	sst s2  }
0xb: {  	[smem:$0x3FA0] =	sst s3  }
0xc: {  	[smem:$0x3FA1] =	sst s4  }
0xd: {  	[smem:$0x3FA2] =	sst s5  }
0xe: {  	[smem:$0x3FA3] =	sst s6  }
0xf: {  	[smem:$0x3FA4] =	sst s7  }
0x10: {  	[smem:$0x3FA5] =	sst s8  }
0x11: {  	[smem:$0x3FA6] =	sst s9;
	s0 =	simm.s32 @!p0 $0x0  }
0x12: {  	s1 =	sld [smem:$0x3F8C];
	s0 =	simm.s32 @p0 $0x1  }
0x13: {  	[smem:$0x3FA7] =	sst s0;
	s0 =	simm.s32 @!p1 $0x0  }
0x14: {  	s2 =	sld [smem:$0x3F8B];
	s0 =	simm.s32 @p1 $0x1  }
0x15: {  	[smem:$0x3FA8] =	sst s0;
	s0 =	simm.s32 @!p2 $0x0  }
0x16: {  	s3 =	sld [smem:$0x3FDB];
	s0 =	simm.s32 @p2 $0x1  }
0x17: {  	s4 =	simm.s32 $0x1BF5;
	[smem:$0x3FAA] =	sst s0  }
0x18: {  	s0 =	sld [smem:$0x3F8D];
	_ =	swait.ge [sflag:s4], $0x0  }
0x19: {  	s7 =	sld [smem:$0x3F8E]  }
0x1a: {  	s8 =	sadd.s32 $0xFFFFE003, lr  }
0x1b: {  	s9 =	sadd.s32 $0xFFFFFEF7, lr;
	s5 =	simm.s32 $0xFFFFFFFF;
	p2 =	slt.u32 s8, $0xFFFFF086  }
0x1c: {  	p1 =	slt.u32 s9, $0xF7A;
	s5 =	simm.s32 @!p2 $0x0  }
0x1d: {  	s5 =	simm.s32 @p1 $0x1;
	p0 =	seq.s32 s7, s2  }
0x1e: {  	s7 =	smul.u32 @!p0 $0xF7A, s2;
	p2 =	seq.s32 @!p0 s5, $0x0  }
0x1f: {  	s9 =	smul.u32 $0xF7A, s1;
	s8 =	simm.s32 @!p0 $0x1BF5;
	p2 =	por !p2, p0  }
0x20: {  	[sflag:s8] =	ssyncset.s32 @!p0 $0xFFFFF086;
	s6 =	sadd.s32 @!p0 s3, s7;
	s7 =	simm.s32 @!p0 $0x108  }
0x21: {  	s3 =	sadd.s32 s3, s9;
	s6 =	sadd.s32 @!p0 $0x88, s6;
	s7 =	simm.s32 @p2 $0x1082  }
0x22: {  	[simem:s7], [sflag:s8] =	dma.local @!p0 [hbm:s6], $0xF7A  }
0x23: {  	s9 =	sor.u32 $0xD0000000, s2;
	s6 =	simm.s32 $0x108;
	_ =	swait.ge @!p0 [sflag:s8], $0x0  }
0x24: {  	s3 =	sadd.s32 $0x88, s3;
	s6 =	simm.s32 @!p1 $0x1082;
	[sflag:s4] =	ssyncset.s32 $0xFFFFF086  }
0x25: {  	[simem:s6], [sflag:s4] =	dma.local [hbm:s3], $0xF7A  }
0x26: {  	[smem:$0x3F8E] =	sst s1;
	(tag) =	ssettag s2;
	_ =	strace s9  }
0x27: {  	s1 =	sld [smem:$0x3F9E]  }
0x28: {  	s2 =	sld [smem:$0x3F9F]  }
0x29: {  	s4 =	sld [smem:$0x3FA1]  }
0x2a: {  	p0 =	seq.s32 s5, $0x0;
	s5 =	sld [smem:$0x3FA2]  }
0x2b: {  	s6 =	sld [smem:$0x3FA3]  }
0x2c: {  	s7 =	sld [smem:$0x3FA4]  }
0x2d: {  	s3 =	simm.s32 $0x108;
	s8 =	sld [smem:$0x3FA5]  }
0x2e: {  	s3 =	simm.s32 @!p0 $0x1082;
	s9 =	sld [smem:$0x3FA6]  }
0x2f: {  	lr =	sadd.s32 s0, s3;
	s0 =	sld [smem:$0x3F9D]  }
0x30: {  	s3 =	sld [smem:$0x3FA0]  }
0x31: {  	[smem:$0x3FA9] =	sst s10  }
0x32: {  	s10 =	sld [smem:$0x3FA7];
	_ =	sdelay $0x3  }
0x33: {  	p0 =	seq.s32 s10, $0x1;
	s10 =	sld [smem:$0x3FA9];
	_ =	sdelay $0x3  }
0x34: {  	[smem:$0x3FA9] =	sst s10  }
0x35: {  	s10 =	sld [smem:$0x3FA8];
	_ =	sdelay $0x3  }
0x36: {  	p1 =	seq.s32 s10, $0x1;
	s10 =	sld [smem:$0x3FA9];
	_ =	sdelay $0x3  }
0x37: {  	[smem:$0x3FA9] =	sst s10  }
0x38: {  	s10 =	sld [smem:$0x3FAA]  }
0x39: {  	_ = 	snop;
	(pc) =	sbr.ind lr, $3  }
0x3a: {  	_ = 	snop  }
0x3b: {  	_ = 	snop  }
0x3c: {  	p2 =	seq.s32 s10, $0x1;
	s10 =	sld [smem:$0x3FA9]  }
0x3d: {  	_ =	shalt  }
0x3e: {  	_ =	shalt  }
0x3f: {  	_ =	shalt  }
0x40: {  	_ =	shalt  }
0x41: {  	_ =	shalt  }
0x42: {  	_ =	shalt  }
0x43: {  	_ =	shalt  }
0x44: {  	_ =	shalt  }
0x45: {  	_ =	shalt  }
0x46: {  	_ =	shalt  }
0x47: {  	_ =	shalt  }
0x48: {  	_ =	shalt  }
0x49: {  	_ =	shalt  }
0x4a: {  	_ =	shalt  }
0x4b: {  	_ =	shalt  }
0x4c: {  	_ =	shalt  }
0x4d: {  	_ =	shalt  }
0x4e: {  	_ =	shalt  }
0x4f: {  	_ =	shalt  }
0x50: {  	_ =	shalt  }
0x51: {  	_ =	shalt  }
0x52: {  	_ =	shalt  }
0x53: {  	_ =	shalt  }
0x54: {  	_ =	shalt  }
0x55: {  	_ =	shalt  }
0x56: {  	_ =	shalt  }
0x57: {  	_ =	shalt  }
0x58: {  	_ =	shalt  }
0x59: {  	_ =	shalt  }
0x5a: {  	_ =	shalt  }
0x5b: {  	_ =	shalt  }
0x5c: {  	_ =	shalt  }
0x5d: {  	_ =	shalt  }
0x5e: {  	_ =	shalt  }
0x5f: {  	_ =	shalt  }
0x60: {  	_ =	shalt  }
0x61: {  	_ =	shalt  }
0x62: {  	_ =	shalt  }
0x63: {  	_ =	shalt  }
0x64: {  	_ =	shalt  }
0x65: {  	_ =	shalt  }
0x66: {  	_ =	shalt  }
0x67: {  	_ =	shalt  }
0x68: {  	_ =	shalt  }
0x69: {  	_ =	shalt  }
0x6a: {  	_ =	shalt  }
0x6b: {  	_ =	shalt  }
0x6c: {  	_ =	shalt  }
0x6d: {  	_ =	shalt  }
0x6e: {  	_ =	shalt  }
0x6f: {  	_ =	shalt  }
0x70: {  	_ =	shalt  }
0x71: {  	_ =	shalt  }
0x72: {  	_ =	shalt  }
0x73: {  	_ =	shalt  }
0x74: {  	_ =	shalt  }
0x75: {  	_ =	shalt  }
0x76: {  	_ =	shalt  }
0x77: {  	_ =	shalt  }
0x78: {  	_ =	shalt  }
0x79: {  	_ =	shalt  }
0x7a: {  	_ =	shalt  }
0x7b: {  	_ =	shalt  }
0x7c: {  	_ =	shalt  }
0x7d: {  	_ =	shalt  }
0x7e: {  	_ =	shalt  }
0x7f: {  	_ =	shalt  }
0x80: {  	_ =	shalt  }
0x81: {  	_ =	shalt  }
0x82: {  	_ =	shalt  }
0x83: {  	_ =	shalt  }
0x84: {  	_ =	shalt  }
0x85: {  	_ =	shalt  }
0x86: {  	_ =	shalt  }
0x87: {  	_ =	shalt  }
.Lfunc_end0:
.L_simem_size_0:
called_computation.1_lowered:
.L_overlay_start_0:
0x88: {  	s2 =	sld [smem:$0x3FD9]  }
0x89: {  	s3 =	sld [smem:$0x3FFE];
	_ =	sdelay $0x1  }
0x8a: {  	s1 =	srdreg.scid  }
0x8b: {  	s0 =	sand.u32 $0x1, s1  }
0x8c: {  	s16 =	sshll.u32 s0, $0xA;
	s2 =	sadd.s32 s3, s2  }
0x8d: {  	s2 =	sadd.s32 s2, s16  }
0x8e: {  	[smem:$0x3FB5] =	sst s2  }
0x8f: {  	_ = 	snop  }
0x90: {  	(tm) =	ssettm $0x1  }
0x91: {  	s17 =	sld [smem:$0x3FFB];
	_ =	sdelay $0x3  }
0x92: {  	_ =	strace s17  }
0x93: {  	s2 =	sld [smem:$0x3FFC];
	_ =	sdelay $0x3  }
0x94: {  	_ =	strace s2  }
0x95: {  	s2 =	sld [smem:$0x3FFD];
	_ =	sdelay $0x3  }
0x96: {  	_ =	strace s2  }
0x97: {  	_ =	strace $0x8FFFFFFF  }
0x98: {  	s18 =	sld [smem:$0x3FDB];
	_ =	sdelay $0x1  }
0x99: {  	s19 =	simm.s32 $_scs_section_size  }
0x9a: {  	s4 =	simm.s32 $_size__tile_overlayer_lowered;
	s5 =	simm.s32 $_tile_overlayer_lowered  }
0x9b: {  	s22 =	simm.s32 $0x1BFF;
	s21 =	sshll.u32 s5, $0x1;
	s2 =	sadd.s32 s19, s18  }
0x9c: {  	s6 =	simm.s32 $0x0;
	s20 =	sshll.u32 s4, $0x1;
	s4 =	sadd.s32 s21, s2  }
0x9d: {  	[timem:s6], [sflag:s22] =	dma.local [hbm:s4], s20  }
0x9e: {  	_ =	swait.ge [sflag:s22], s20  }
0x9f: {  	s3 =	ssub.s32 $0x0, s20;
	[sflag:s22] =	ssyncset.done $0x0  }
0xa0: {  	[sflag:s22] =	ssyncadd.s32 s3;
	_ =	sdelay $0x1  }
0xa1: {  	s23 =	simm.s32 $0x1B8B  }
0xa2: {  	_ =	swait.ge [sflag:s23], $0x1  }
0xa3: {  	[sflag:s23] =	ssyncset.done $0x0  }
0xa4: {  	s25 =	simm.s32 $0x1B8E;
	s24 =	sld [smem:$0x3FFE];
	[sflag:s23] =	ssyncadd.s32 $0xFFFFFFFF  }
0xa5: {  	s26 =	simm.s32 $execute0_lowered;
	[smem:$0x3FD2] =	sst s25  }
0xa6: {  	s4 =	sshll.u32 s26, $0x1;
	_ =	strace $0x80000049;
	[dreg:$0x1] =	wrdreg $0xFFFFFFFF  }
0xa7: {  	s28 =	simm.s32 $_size_execute0_lowered;
	s2 =	sadd.s32 s2, s4;
	[dreg:$0x0] =	wrdreg $0x0  }
0xa8: {  	s4 =	sshll.u32 s28, $0x1;
	[dreg:$0x2] =	wrdreg s2  }
0xa9: {  	[dreg:$0x3] =	wrdreg s4  }
0xaa: {  	[dreg:$0x4] =	wrdreg $0xC0  }
0xab: {  	_ =	task [dreg:s6], $0x5FFFF  }
0xac: {  	[dreg:$0x1] =	wrdreg $0xFFFFFFFF  }
0xad: {  	[dreg:$0x0] =	wrdreg $0x60  }
0xae: {  	[dreg:$0x2] =	wrdreg s24  }
0xaf: {  	[dreg:$0x3] =	wrdreg $0x62800  }
0xb0: {  	[dreg:$0x4] =	wrdreg $0x9  }
0xb1: {  	_ =	task.clear_ibuf [dreg:s6], $0x5FFFF;
	_ =	strace $0x90000049  }
0xb2: {  	s29 =	simm.s32 $0x9;
	_ =	strace $0x8000004B  }
0xb3: {  	_ =	swait.ge [sflag:s29], $0x1  }
0xb4: {  	[sflag:s29] =	ssyncadd.s32 $0xFFFFFFFF  }
0xb5: {  	_ =	strace $0x9000004B  }
0xb6: {  	_ =	sfence  }
0xb7: {  	s30 =	sld [smem:$0x0];
	_ =	sdelay $0x2  }
0xb8: {  	s31 =	sshll.u32 s1, $0xD;
	s1 =	sshrl.u32 s1, $0x2  }
0xb9: {  	s3 =	sand.u32 $0x4000, s31;
	s1 =	sadd.s32 s1, s30  }
0xba: {  	s0 =	sor.u32 s3, s0;
	s1 =	sshll.u32 s1, $0x11  }
0xbb: {  	s0 =	sor.u32 s1, s0  }
0xbc: {  	s0 =	sadd.s32 $0x8F2B, s0  }
0xbd: {  	[sflag:s0] =	ssyncadd.remote.s32 $0x1  }
0xbe: {  	_ =	sfence.sel $0xFFFF  }
0xbf: {  	[dreg:$0x0] =	wrdreg $0xFFFFFFFF;
	(pc) =	sbr.abs _section_cstart, $3  }
0xc0: {  	[dreg:$0x1] =	wrdreg $0xFFFFFFFF  }
0xc1: {  	_ =	task.clear_ibuf [dreg:s6], $0x2FFFF;
	_ =	strace $0x9FFFFFFF  }
0xc2: {  	(tm) =	ssettm $0x7FFFFFFF  }
0xc3: {  	_ =	shalt  }
tec
execute0_lowered:
.L_overlay_start_1:
0x0: {  	(tag) =	ssettag $0x1  }
0x1: {  	s5 =	rddreg [dreg:$0x0]  }
0x2: {  	s1 =	rddreg [dreg:$0x1]  }
0x3: {  	s2 =	srdreg.scid;
	s3 =	simm.s32 $0x0;
	s13 =	simm.s32 $0x60  }
0x4: {  	s14 =	simm.s32 $0x1680;
	s15 =	simm.s32 $0x2E80;
	s16 =	simm.s32 $0x1  }
0x5: {  	s17 =	simm.s32 $0x4680;
	s18 =	simm.s32 $0x2;
	s6 =	sand.u32 $0x1, s2  }
0x6: {  	s19 =	simm.s32 $0x3;
	s2 =	stileid.u32;
	s4 =	smul.u32 $0x13880, s6  }
0x7: {  	s20 =	simm.s32 $0xAE0;
	s21 =	simm.s32 $0x1560;
	s7 =	smul.u32 $0x9D8, s2  }
0x8: {  	s22 =	simm.s32 $0x15C0;
	s26 =	simm.s32 $0x0;
	s8 =	smul.u32 $0x14000, s6  }
0x9: {  	[smem:$0x7FF] =	sst s3;
	s10 =	smul.u32 $0x28000, s2;
	s28 =	ssub.s32 $0x2, s6  }
0xa: {  	_ =	strace $0x8000004A;
	s30 =	smul.u32 $0x14000, s2;
	s6 =	sshrl.u32 s28, $0x1  }
0xb: {  	s9 =	sadd.s32 s4, s5;
	s7 =	sadd.s32 s7, s5;
	s4 =	sadd.s32 $0x19400, s5  }
0xc: {  	s11 =	sadd.s32 s8, s5;
	s29 =	sshrl.u32 s10, $0x2;
	s12 =	ssub.s32 s28, s6  }
0xd: {  	s31 =	sshrl.u32 s30, $0x1;
	s24 =	sshrl.u32 s30, $0x4;
	s10 =	simm.s32 $0x5E80  }
0xe: {  	s5 =	sadd.s32 s29, s1;
	s6 =	sadd.s32 $0xF600, s7;
	s7 =	sadd.s32 $0x5800, s7  }
0xf: {  	s8 =	sadd.s32 $0xBFA00, s9;
	s23 =	sadd.s32 $0xE6C00, s11;
	s25 =	sadd.s32 s31, s1  }
0x10: {  	s9 =	smax.u32 s12, $0x1;
	s11 =	simm.s32 $0x4;
	s12 =	simm.s32 $0xB40  }
0x11: {  	s23 =	sadd.s32 s24, s23;
	s24 =	simm.s32 $0x1620;
	s25 =	sshrl.u32 s25, $0x3  }
.LBB2_1:
0x12: {  	[tilespmem:s10], [sflag:$0x4] =	stream.linear.gather [hbm4b:s4+s3], $0x400, $0x38;
	[tilespmem:$0x10280] =	vst v63  }
0x13: {  	_ =	swait.ge [sflag:s11], $0x400  }
0x14: {  	[sflag:s11] =	ssyncset.done $0x0  }
0x15: {  	s28 =	sadd.s32 $0x0, s5;
	[sflag:s11] =	ssyncadd.s32 $0xFFFFFC00  }
0x16: {  	[spmem:s28] =	stream.linear.scatter [tilespmem:s10], [sflag:$0x4], $0x400, $0x38;
	[tilespmem:$0x10280] =	vst v63  }
0x17: {  	s28 =	simm.s32 $0x1000;
	_ =	swait.ge [sflag:s11], $0x400  }
.LBB2_2:
0x18: {  	s29 =	sshra.s32 s28, $0x2;
	[sflag:s11] =	ssyncset.done $0x0;
	p0 =	sne.s32 s28, $0x27000  }
.Ltmp0:
0x19: {  	s29 =	sadd.s32 s29, s5;
	[sflag:s11] =	ssyncadd.s32 $0xFFFFFC00;
	(pc) =	sbr.rel @p0 .LBB2_2-.Ltmp0, $3  }
0x1a: {  	[spmem:s29] =	stream.linear.scatter [tilespmem:s10], [sflag:$0x4], $0x400, $0x38;
	[tilespmem:$0x10280] =	vst v63  }
0x1b: {  	s28 =	sadd.s32 $0x1000, s28;
	_ =	sdelay $0x1  }
0x1c: {  	_ =	swait.ge [sflag:s11], $0x400  }
0x1d: {  	[sflag:s11] =	ssyncset.done $0x0  }
0x1e: {  	[sflag:s11] =	ssyncadd.s32 $0xFFFFFC00  }
0x1f: {  	s28 =	simm.s32 $0x0;
	s29 =	simm.s32 $0x0;
	[bflag:$0x0] =	sbarrier.arrive $0xFFFF  }
.LBB2_4:
0x20: {  	s30 =	smul.u32 $0x168, s29;
	_ =	sdelay $0x1  }
0x21: {  	s31 =	sadd.s32 s30, s6  }
0x22: {  	[tilespmem:s28], [sflag:$0x4] =	stream.linear.gather [hbm4b:s31+s28], $0xB40, $0x38;
	[tilespmem:$0x10280] =	vst v63  }
0x23: {  	_ =	swait.ge [sflag:s11], $0xB40  }
0x24: {  	[sflag:s11] =	ssyncset.done $0x0  }
0x25: {  	s30 =	sadd.s32 s30, s7;
	[sflag:s11] =	ssyncadd.s32 $0xFFFFF4C0  }
0x26: {  	[tilespmem:s12], [sflag:$0x4] =	stream.linear.gather [hbm4b:s30+s28], $0xB40, $0x38;
	[tilespmem:$0x10280] =	vst v63  }
0x27: {  	_ =	swait.ge [sflag:s11], $0xB40  }
0x28: {  	[sflag:s11] =	ssyncset.done $0x0  }
0x29: {  	[sflag:s11] =	ssyncadd.s32 $0xFFFFF4C0  }
0x2a: {  	[tilespmem:s14], [sflag:$0x1] =	stream.indirect.gather [hbm4b:s8+s13], $0x40, s28, s13, $0xb8;
	[tilespmem:$0x10280] =	vst v63  }
0x2b: {  	_ = 	snop  }
0x2c: {  	[tilespmem:s15], [sflag:$0x2] =	stream.indirect.gather [hbm4b:s8+s13], $0x40, s13, s13, $0xb8;
	[tilespmem:$0x10280] =	vst v63  }
0x2d: {  	_ =	swait.ge [sflag:s16], $0x1800  }
0x2e: {  	[sflag:s16] =	ssyncset.done $0x0  }
0x2f: {  	s30 =	simm.s32 $0xC0;
	[sflag:s16] =	ssyncadd.s32 $0xFFFFE800  }
0x30: {  	[tilespmem:s17], [sflag:$0x3] =	stream.indirect.gather [hbm4b:s8+s13], $0x40, s30, s13, $0xb8;
	[tilespmem:$0x10280] =	vst v63  }
0x31: {  	s30 =	simm.s32 $0xB40  }
0x32: {  	[spmem:s1] =	stream.indirect.scatter.add.s16 [tilespmem:s14], [sflag:$0x4], $0x40, s30, s13, $0xb8;
	[tilespmem:$0x10280] =	vst v63  }
0x33: {  	_ =	swait.ge [sflag:s11], $0x1800  }
0x34: {  	[sflag:s11] =	ssyncset.done $0x0  }
0x35: {  	[sflag:s11] =	ssyncadd.s32 $0xFFFFE800  }
0x36: {  	_ =	swait.ge [sflag:s18], $0x1800  }
0x37: {  	[sflag:s18] =	ssyncset.done $0x0  }
0x38: {  	s30 =	simm.s32 $0x120;
	[sflag:s18] =	ssyncadd.s32 $0xFFFFE800  }
0x39: {  	[tilespmem:s14], [sflag:$0x1] =	stream.indirect.gather [hbm4b:s8+s13], $0x40, s30, s13, $0xb8;
	[tilespmem:$0x10280] =	vst v63  }
0x3a: {  	s30 =	simm.s32 $0xBA0  }
0x3b: {  	[spmem:s1] =	stream.indirect.scatter.add.s16 [tilespmem:s15], [sflag:$0x4], $0x40, s30, s13, $0xb8;
	[tilespmem:$0x10280] =	vst v63  }
0x3c: {  	_ =	swait.ge [sflag:s11], $0x1800  }
0x3d: {  	[sflag:s11] =	ssyncset.done $0x0  }
0x3e: {  	[sflag:s11] =	ssyncadd.s32 $0xFFFFE800  }
0x3f: {  	_ =	swait.ge [sflag:s19], $0x1800  }
0x40: {  	[sflag:s19] =	ssyncset.done $0x0  }
0x41: {  	s30 =	simm.s32 $0x180;
	[sflag:s19] =	ssyncadd.s32 $0xFFFFE800  }
0x42: {  	[tilespmem:s15], [sflag:$0x2] =	stream.indirect.gather [hbm4b:s8+s13], $0x40, s30, s13, $0xb8;
	[tilespmem:$0x10280] =	vst v63  }
0x43: {  	s30 =	simm.s32 $0xC00  }
0x44: {  	[spmem:s1] =	stream.indirect.scatter.add.s16 [tilespmem:s17], [sflag:$0x4], $0x40, s30, s13, $0xb8;
	[tilespmem:$0x10280] =	vst v63  }
0x45: {  	_ =	swait.ge [sflag:s11], $0x1800  }
0x46: {  	s30 =	simm.s32 $0x480;
	[sflag:s11] =	ssyncset.done $0x0  }
.LBB2_5:
0x47: {  	p0 =	sne.s32 s30, $0x2400  }
0x48: {  	[sflag:s11] =	ssyncadd.s32 $0xFFFFE800;
	s31 =	smov.u32 s30;
	s30 =	sadd.s32 $0x480, s30  }
0x49: {  	_ = 	snop  }
0x4a: {  	_ =	swait.ge [sflag:s16], $0x1800  }
0x4b: {  	s31 =	sshra.s32 s31, $0x2;
	[sflag:s16] =	ssyncset.done $0x0  }
0x4c: {  	s0 =	sadd.s32 $0xC0, s31;
	[sflag:s16] =	ssyncadd.s32 $0xFFFFE800  }
0x4d: {  	[tilespmem:s17], [sflag:$0x3] =	stream.indirect.gather [hbm4b:s8+s13], $0x40, s0, s13, $0xb8;
	[tilespmem:$0x10280] =	vst v63  }
0x4e: {  	s0 =	sadd.s32 $0xB40, s31  }
0x4f: {  	[spmem:s1] =	stream.indirect.scatter.add.s16 [tilespmem:s14], [sflag:$0x4], $0x40, s0, s13, $0xb8;
	[tilespmem:$0x10280] =	vst v63  }
0x50: {  	_ =	swait.ge [sflag:s11], $0x1800  }
0x51: {  	[sflag:s11] =	ssyncset.done $0x0  }
0x52: {  	[sflag:s11] =	ssyncadd.s32 $0xFFFFE800  }
0x53: {  	_ =	swait.ge [sflag:s18], $0x1800  }
0x54: {  	[sflag:s18] =	ssyncset.done $0x0  }
0x55: {  	s0 =	sadd.s32 $0x120, s31;
	[sflag:s18] =	ssyncadd.s32 $0xFFFFE800  }
0x56: {  	[tilespmem:s14], [sflag:$0x1] =	stream.indirect.gather [hbm4b:s8+s13], $0x40, s0, s13, $0xb8;
	[tilespmem:$0x10280] =	vst v63  }
0x57: {  	s0 =	sadd.s32 $0xBA0, s31  }
0x58: {  	[spmem:s1] =	stream.indirect.scatter.add.s16 [tilespmem:s15], [sflag:$0x4], $0x40, s0, s13, $0xb8;
	[tilespmem:$0x10280] =	vst v63  }
0x59: {  	_ =	swait.ge [sflag:s11], $0x1800  }
0x5a: {  	[sflag:s11] =	ssyncset.done $0x0  }
0x5b: {  	[sflag:s11] =	ssyncadd.s32 $0xFFFFE800  }
0x5c: {  	_ =	swait.ge [sflag:s19], $0x1800  }
0x5d: {  	[sflag:s19] =	ssyncset.done $0x0  }
0x5e: {  	s0 =	sadd.s32 $0x180, s31;
	[sflag:s19] =	ssyncadd.s32 $0xFFFFE800  }
0x5f: {  	[tilespmem:s15], [sflag:$0x2] =	stream.indirect.gather [hbm4b:s8+s13], $0x40, s0, s13, $0xb8;
	[tilespmem:$0x10280] =	vst v63  }
.Ltmp1:
0x60: {  	_ = 	snop;
	(pc) =	sbr.rel @p0 .LBB2_5-.Ltmp1, $4  }
0x61: {  	s0 =	sadd.s32 $0xC00, s31  }
0x62: {  	[spmem:s1] =	stream.indirect.scatter.add.s16 [tilespmem:s17], [sflag:$0x4], $0x40, s0, s13, $0xb8;
	[tilespmem:$0x10280] =	vst v63  }
0x63: {  	_ =	swait.ge [sflag:s11], $0x1800  }
0x64: {  	[sflag:s11] =	ssyncset.done $0x0  }
0x65: {  	[sflag:s11] =	ssyncadd.s32 $0xFFFFE800  }
0x66: {  	_ =	swait.ge [sflag:s16], $0x1800  }
0x67: {  	[sflag:s16] =	ssyncset.done $0x0  }
0x68: {  	[sflag:s16] =	ssyncadd.s32 $0xFFFFE800  }
0x69: {  	[tilespmem:s17], [sflag:$0x3] =	stream.indirect.gather [hbm4b:s8+s13], $0x40, s20, s13, $0xb8;
	[tilespmem:$0x10280] =	vst v63  }
0x6a: {  	_ = 	snop  }
0x6b: {  	[spmem:s1] =	stream.indirect.scatter.add.s16 [tilespmem:s14], [sflag:$0x4], $0x40, s21, s13, $0xb8;
	[tilespmem:$0x10280] =	vst v63  }
0x6c: {  	_ =	swait.ge [sflag:s11], $0x1800  }
0x6d: {  	[sflag:s11] =	ssyncset.done $0x0  }
0x6e: {  	[sflag:s11] =	ssyncadd.s32 $0xFFFFE800  }
0x6f: {  	_ =	swait.ge [sflag:s18], $0x1800  }
0x70: {  	[sflag:s18] =	ssyncset.done $0x0  }
0x71: {  	[sflag:s18] =	ssyncadd.s32 $0xFFFFE800  }
0x72: {  	[spmem:s1] =	stream.indirect.scatter.add.s16 [tilespmem:s15], [sflag:$0x4], $0x40, s22, s13, $0xb8;
	[tilespmem:$0x10280] =	vst v63  }
0x73: {  	_ =	swait.ge [sflag:s11], $0x1800  }
0x74: {  	[sflag:s11] =	ssyncset.done $0x0  }
0x75: {  	[sflag:s11] =	ssyncadd.s32 $0xFFFFE800  }
0x76: {  	s29 =	sadd.s32 $0x1, s29;
	_ =	swait.ge [sflag:s19], $0x1800  }
0x77: {  	p0 =	sne.s32 s29, $0x7;
	[sflag:s19] =	ssyncset.done $0x0  }
.Ltmp2:
0x78: {  	[sflag:s19] =	ssyncadd.s32 $0xFFFFE800;
	(pc) =	sbr.rel @p0 .LBB2_4-.Ltmp2, $4  }
0x79: {  	[spmem:s1] =	stream.indirect.scatter.add.s16 [tilespmem:s17], [sflag:$0x4], $0x40, s24, s13, $0xb8;
	[tilespmem:$0x10280] =	vst v63  }
0x7a: {  	_ =	swait.ge [sflag:s11], $0x1800  }
0x7b: {  	[sflag:s11] =	ssyncset.done $0x0  }
0x7c: {  	[sflag:s11] =	ssyncadd.s32 $0xFFFFE800  }
0x7d: {  	s26 =	sadd.s32 $0x1, s26  }
0x7e: {  	s0 =	sshll.u32 s2, $0x6;
	p0 =	sne.s32 s26, s9  }
.Ltmp3:
0x7f: {  	[bflag:$0x0] =	sbarrier.arrive $0xFFFF;
	s0 =	sor.u32 $0x1C04, s0;
	(pc) =	sbr.rel @p0 .LBB2_1-.Ltmp3, $4  }
0x80: {  	[hbm:s23], [sflag:s0] =	dma.local [spmem:s25], $0x1400  }
0x81: {  	_ =	swait.ge [sflag:s11], $0x1400  }
0x82: {  	[sflag:s11] =	ssyncset.done $0x0  }
0x83: {  	[sflag:s11] =	ssyncadd.s32 $0xFFFFEC00  }
0x84: {  	_ =	sfence.sel $0x180000  }
0x85: {  	[bflag:$0x0] =	sbarrier.arrive $0xFFFF  }
0x86: {  	_ =	strace $0x9000004A  }
0x87: {  	[bflag:$0x2] =	sbarrier.arrive $0xFFFF  }
0x88: {  	p0 =	sne.s32 s2, $0x0;
	s0 =	rddreg [dreg:$0x2]  }
0x89: {  	s0 =	sadd.s32 @!p0 $0x100000, s0  }
0x8a: {  	[sflag:s0] =	ssyncadd.tile.s32 @!p0 $0x1;
	_ =	shalt  }
.Lfunc_end2:
_tile_overlayer_lowered:
.L_overlay_start_2:
0x8b: {  	(tag) =	ssettag $0x2  }
0x8c: {  	s0 =	rddreg [dreg:$0x0];
	s2 =	stileid.u32  }
0x8d: {  	s1 =	rddreg [dreg:$0x1];
	p0 =	sne.s32 s2, $0x0  }
0x8e: {  	s3 =	rddreg [dreg:$0x2];
	[bflag:$0x3] =	sbarrier.arrive $0xFFFF;
	s2 =	simm.s32 @!p0 $0x1C04  }
0x8f: {  	[timem:s3], [sflag:s2] =	dma.local @!p0 [hbm:s0], s1  }
0x90: {  	s0 =	simm.s32 @!p0 $0x4  }
0x91: {  	_ =	swait.ge @!p0 [sflag:s0], s1  }
0x92: {  	s1 =	ssub.s32 @!p0 $0x0, s1;
	[sflag:s0] =	ssyncset.done @!p0 $0x0  }
0x93: {  	[sflag:s0] =	ssyncadd.s32 @!p0 s1  }
0x94: {  	[bflag:$0x3] =	sbarrier.arrive $0xFFFF  }
0x95: {  	_ =	shalt  }

// kernel: sc_segsum.9.cloned.1.call-start
scs
__scs_entry_jumppad:
0x0: {  	(pc) =	sbr.rel $0x88, $3  }
0x1: {  	(tag) =	ssettag $0x0;
	lr =	simm.s32 $0x1  }
0x2: {  	[smem:$0x3F8E] =	sst lr;
	_ =	strace $0xD0000000  }
0x3: {  	_ = 	snop  }
0x4: {  	_ = 	snop  }
0x5: {  	_ = 	snop  }
0x6: {  	_ = 	snop  }
0x7: {  	_ = 	snop  }
__scs_overlays_trampoline_lowered:
0x8: {  	[smem:$0x3F9D] =	sst s0  }
0x9: {  	[smem:$0x3F9E] =	sst s1  }
0xa: {  	[smem:$0x3F9F] =	sst s2  }
0xb: {  	[smem:$0x3FA0] =	sst s3  }
0xc: {  	[smem:$0x3FA1] =	sst s4  }
0xd: {  	[smem:$0x3FA2] =	sst s5  }
0xe: {  	[smem:$0x3FA3] =	sst s6  }
0xf: {  	[smem:$0x3FA4] =	sst s7  }
0x10: {  	[smem:$0x3FA5] =	sst s8  }
0x11: {  	[smem:$0x3FA6] =	sst s9;
	s0 =	simm.s32 @!p0 $0x0  }
0x12: {  	s1 =	sld [smem:$0x3F8C];
	s0 =	simm.s32 @p0 $0x1  }
0x13: {  	[smem:$0x3FA7] =	sst s0;
	s0 =	simm.s32 @!p1 $0x0  }
0x14: {  	s2 =	sld [smem:$0x3F8B];
	s0 =	simm.s32 @p1 $0x1  }
0x15: {  	[smem:$0x3FA8] =	sst s0;
	s0 =	simm.s32 @!p2 $0x0  }
0x16: {  	s3 =	sld [smem:$0x3FDB];
	s0 =	simm.s32 @p2 $0x1  }
0x17: {  	s4 =	simm.s32 $0x1BF5;
	[smem:$0x3FAA] =	sst s0  }
0x18: {  	s0 =	sld [smem:$0x3F8D];
	_ =	swait.ge [sflag:s4], $0x0  }
0x19: {  	s7 =	sld [smem:$0x3F8E]  }
0x1a: {  	s8 =	sadd.s32 $0xFFFFE003, lr  }
0x1b: {  	s9 =	sadd.s32 $0xFFFFFEF7, lr;
	s5 =	simm.s32 $0xFFFFFFFF;
	p2 =	slt.u32 s8, $0xFFFFF086  }
0x1c: {  	p1 =	slt.u32 s9, $0xF7A;
	s5 =	simm.s32 @!p2 $0x0  }
0x1d: {  	s5 =	simm.s32 @p1 $0x1;
	p0 =	seq.s32 s7, s2  }
0x1e: {  	s7 =	smul.u32 @!p0 $0xF7A, s2;
	p2 =	seq.s32 @!p0 s5, $0x0  }
0x1f: {  	s9 =	smul.u32 $0xF7A, s1;
	s8 =	simm.s32 @!p0 $0x1BF5;
	p2 =	por !p2, p0  }
0x20: {  	[sflag:s8] =	ssyncset.s32 @!p0 $0xFFFFF086;
	s6 =	sadd.s32 @!p0 s3, s7;
	s7 =	simm.s32 @!p0 $0x108  }
0x21: {  	s3 =	sadd.s32 s3, s9;
	s6 =	sadd.s32 @!p0 $0x88, s6;
	s7 =	simm.s32 @p2 $0x1082  }
0x22: {  	[simem:s7], [sflag:s8] =	dma.local @!p0 [hbm:s6], $0xF7A  }
0x23: {  	s9 =	sor.u32 $0xD0000000, s2;
	s6 =	simm.s32 $0x108;
	_ =	swait.ge @!p0 [sflag:s8], $0x0  }
0x24: {  	s3 =	sadd.s32 $0x88, s3;
	s6 =	simm.s32 @!p1 $0x1082;
	[sflag:s4] =	ssyncset.s32 $0xFFFFF086  }
0x25: {  	[simem:s6], [sflag:s4] =	dma.local [hbm:s3], $0xF7A  }
0x26: {  	[smem:$0x3F8E] =	sst s1;
	(tag) =	ssettag s2;
	_ =	strace s9  }
0x27: {  	s1 =	sld [smem:$0x3F9E]  }
0x28: {  	s2 =	sld [smem:$0x3F9F]  }
0x29: {  	s4 =	sld [smem:$0x3FA1]  }
0x2a: {  	p0 =	seq.s32 s5, $0x0;
	s5 =	sld [smem:$0x3FA2]  }
0x2b: {  	s6 =	sld [smem:$0x3FA3]  }
0x2c: {  	s7 =	sld [smem:$0x3FA4]  }
0x2d: {  	s3 =	simm.s32 $0x108;
	s8 =	sld [smem:$0x3FA5]  }
0x2e: {  	s3 =	simm.s32 @!p0 $0x1082;
	s9 =	sld [smem:$0x3FA6]  }
0x2f: {  	lr =	sadd.s32 s0, s3;
	s0 =	sld [smem:$0x3F9D]  }
0x30: {  	s3 =	sld [smem:$0x3FA0]  }
0x31: {  	[smem:$0x3FA9] =	sst s10  }
0x32: {  	s10 =	sld [smem:$0x3FA7];
	_ =	sdelay $0x3  }
0x33: {  	p0 =	seq.s32 s10, $0x1;
	s10 =	sld [smem:$0x3FA9];
	_ =	sdelay $0x3  }
0x34: {  	[smem:$0x3FA9] =	sst s10  }
0x35: {  	s10 =	sld [smem:$0x3FA8];
	_ =	sdelay $0x3  }
0x36: {  	p1 =	seq.s32 s10, $0x1;
	s10 =	sld [smem:$0x3FA9];
	_ =	sdelay $0x3  }
0x37: {  	[smem:$0x3FA9] =	sst s10  }
0x38: {  	s10 =	sld [smem:$0x3FAA]  }
0x39: {  	_ = 	snop;
	(pc) =	sbr.ind lr, $3  }
0x3a: {  	_ = 	snop  }
0x3b: {  	_ = 	snop  }
0x3c: {  	p2 =	seq.s32 s10, $0x1;
	s10 =	sld [smem:$0x3FA9]  }
0x3d: {  	_ =	shalt  }
0x3e: {  	_ =	shalt  }
0x3f: {  	_ =	shalt  }
0x40: {  	_ =	shalt  }
0x41: {  	_ =	shalt  }
0x42: {  	_ =	shalt  }
0x43: {  	_ =	shalt  }
0x44: {  	_ =	shalt  }
0x45: {  	_ =	shalt  }
0x46: {  	_ =	shalt  }
0x47: {  	_ =	shalt  }
0x48: {  	_ =	shalt  }
0x49: {  	_ =	shalt  }
0x4a: {  	_ =	shalt  }
0x4b: {  	_ =	shalt  }
0x4c: {  	_ =	shalt  }
0x4d: {  	_ =	shalt  }
0x4e: {  	_ =	shalt  }
0x4f: {  	_ =	shalt  }
0x50: {  	_ =	shalt  }
0x51: {  	_ =	shalt  }
0x52: {  	_ =	shalt  }
0x53: {  	_ =	shalt  }
0x54: {  	_ =	shalt  }
0x55: {  	_ =	shalt  }
0x56: {  	_ =	shalt  }
0x57: {  	_ =	shalt  }
0x58: {  	_ =	shalt  }
0x59: {  	_ =	shalt  }
0x5a: {  	_ =	shalt  }
0x5b: {  	_ =	shalt  }
0x5c: {  	_ =	shalt  }
0x5d: {  	_ =	shalt  }
0x5e: {  	_ =	shalt  }
0x5f: {  	_ =	shalt  }
0x60: {  	_ =	shalt  }
0x61: {  	_ =	shalt  }
0x62: {  	_ =	shalt  }
0x63: {  	_ =	shalt  }
0x64: {  	_ =	shalt  }
0x65: {  	_ =	shalt  }
0x66: {  	_ =	shalt  }
0x67: {  	_ =	shalt  }
0x68: {  	_ =	shalt  }
0x69: {  	_ =	shalt  }
0x6a: {  	_ =	shalt  }
0x6b: {  	_ =	shalt  }
0x6c: {  	_ =	shalt  }
0x6d: {  	_ =	shalt  }
0x6e: {  	_ =	shalt  }
0x6f: {  	_ =	shalt  }
0x70: {  	_ =	shalt  }
0x71: {  	_ =	shalt  }
0x72: {  	_ =	shalt  }
0x73: {  	_ =	shalt  }
0x74: {  	_ =	shalt  }
0x75: {  	_ =	shalt  }
0x76: {  	_ =	shalt  }
0x77: {  	_ =	shalt  }
0x78: {  	_ =	shalt  }
0x79: {  	_ =	shalt  }
0x7a: {  	_ =	shalt  }
0x7b: {  	_ =	shalt  }
0x7c: {  	_ =	shalt  }
0x7d: {  	_ =	shalt  }
0x7e: {  	_ =	shalt  }
0x7f: {  	_ =	shalt  }
0x80: {  	_ =	shalt  }
0x81: {  	_ =	shalt  }
0x82: {  	_ =	shalt  }
0x83: {  	_ =	shalt  }
0x84: {  	_ =	shalt  }
0x85: {  	_ =	shalt  }
0x86: {  	_ =	shalt  }
0x87: {  	_ =	shalt  }
.Lfunc_end0:
.L_simem_size_0:
called_computation.2_lowered:
.L_overlay_start_0:
0x88: {  	s2 =	sld [smem:$0x3FD9]  }
0x89: {  	s3 =	sld [smem:$0x3FFE];
	_ =	sdelay $0x1  }
0x8a: {  	s1 =	srdreg.scid  }
0x8b: {  	s0 =	sand.u32 $0x1, s1  }
0x8c: {  	s16 =	sshll.u32 s0, $0xA;
	s2 =	sadd.s32 s3, s2  }
0x8d: {  	s2 =	sadd.s32 s2, s16  }
0x8e: {  	[smem:$0x3FB5] =	sst s2  }
0x8f: {  	_ = 	snop  }
0x90: {  	(tm) =	ssettm $0x1  }
0x91: {  	s17 =	sld [smem:$0x3FFB];
	_ =	sdelay $0x3  }
0x92: {  	_ =	strace s17  }
0x93: {  	s2 =	sld [smem:$0x3FFC];
	_ =	sdelay $0x3  }
0x94: {  	_ =	strace s2  }
0x95: {  	s2 =	sld [smem:$0x3FFD];
	_ =	sdelay $0x3  }
0x96: {  	_ =	strace s2  }
0x97: {  	_ =	strace $0x8FFFFFFF  }
0x98: {  	s18 =	sld [smem:$0x3FDB];
	_ =	sdelay $0x1  }
0x99: {  	s19 =	simm.s32 $_scs_section_size  }
0x9a: {  	s4 =	simm.s32 $_size__tile_overlayer_lowered;
	s5 =	simm.s32 $_tile_overlayer_lowered  }
0x9b: {  	s22 =	simm.s32 $0x1BFF;
	s21 =	sshll.u32 s5, $0x1;
	s2 =	sadd.s32 s19, s18  }
0x9c: {  	s6 =	simm.s32 $0x0;
	s20 =	sshll.u32 s4, $0x1;
	s4 =	sadd.s32 s21, s2  }
0x9d: {  	[timem:s6], [sflag:s22] =	dma.local [hbm:s4], s20  }
0x9e: {  	_ =	swait.ge [sflag:s22], s20  }
0x9f: {  	s3 =	ssub.s32 $0x0, s20;
	[sflag:s22] =	ssyncset.done $0x0  }
0xa0: {  	[sflag:s22] =	ssyncadd.s32 s3;
	_ =	sdelay $0x1  }
0xa1: {  	s23 =	simm.s32 $0x1B8B  }
0xa2: {  	_ =	swait.ge [sflag:s23], $0x1  }
0xa3: {  	[sflag:s23] =	ssyncset.done $0x0  }
0xa4: {  	s25 =	simm.s32 $0x1B8E;
	s24 =	sld [smem:$0x3FFE];
	[sflag:s23] =	ssyncadd.s32 $0xFFFFFFFF  }
0xa5: {  	s26 =	simm.s32 $execute0_lowered;
	[smem:$0x3FD2] =	sst s25  }
0xa6: {  	s4 =	sshll.u32 s26, $0x1;
	_ =	strace $0x8000004C;
	[dreg:$0x1] =	wrdreg $0xFFFFFFFF  }
0xa7: {  	s28 =	simm.s32 $_size_execute0_lowered;
	s2 =	sadd.s32 s2, s4;
	[dreg:$0x0] =	wrdreg $0x0  }
0xa8: {  	s4 =	sshll.u32 s28, $0x1;
	[dreg:$0x2] =	wrdreg s2  }
0xa9: {  	[dreg:$0x3] =	wrdreg s4  }
0xaa: {  	[dreg:$0x4] =	wrdreg $0xC0  }
0xab: {  	_ =	task [dreg:s6], $0x5FFFF  }
0xac: {  	[dreg:$0x1] =	wrdreg $0xFFFFFFFF  }
0xad: {  	[dreg:$0x0] =	wrdreg $0x60  }
0xae: {  	[dreg:$0x2] =	wrdreg s24  }
0xaf: {  	[dreg:$0x3] =	wrdreg $0x62800  }
0xb0: {  	[dreg:$0x4] =	wrdreg $0x9  }
0xb1: {  	_ =	task.clear_ibuf [dreg:s6], $0x5FFFF;
	_ =	strace $0x9000004C  }
0xb2: {  	s29 =	simm.s32 $0x9;
	_ =	strace $0x8000004E  }
0xb3: {  	_ =	swait.ge [sflag:s29], $0x1  }
0xb4: {  	[sflag:s29] =	ssyncadd.s32 $0xFFFFFFFF  }
0xb5: {  	_ =	strace $0x9000004E  }
0xb6: {  	_ =	sfence  }
0xb7: {  	s30 =	sld [smem:$0x0];
	_ =	sdelay $0x2  }
0xb8: {  	s31 =	sshll.u32 s1, $0xD;
	s1 =	sshrl.u32 s1, $0x2  }
0xb9: {  	s3 =	sand.u32 $0x4000, s31;
	s1 =	sadd.s32 s1, s30  }
0xba: {  	s0 =	sor.u32 s3, s0;
	s1 =	sshll.u32 s1, $0x11  }
0xbb: {  	s0 =	sor.u32 s1, s0  }
0xbc: {  	s0 =	sadd.s32 $0x8F2B, s0  }
0xbd: {  	[sflag:s0] =	ssyncadd.remote.s32 $0x1  }
0xbe: {  	_ =	sfence.sel $0xFFFF  }
0xbf: {  	[dreg:$0x0] =	wrdreg $0xFFFFFFFF;
	(pc) =	sbr.abs _section_cstart, $3  }
0xc0: {  	[dreg:$0x1] =	wrdreg $0xFFFFFFFF  }
0xc1: {  	_ =	task.clear_ibuf [dreg:s6], $0x2FFFF;
	_ =	strace $0x9FFFFFFF  }
0xc2: {  	(tm) =	ssettm $0x7FFFFFFF  }
0xc3: {  	_ =	shalt  }
tec
execute0_lowered:
.L_overlay_start_1:
0x0: {  	(tag) =	ssettag $0x1  }
0x1: {  	s5 =	rddreg [dreg:$0x0]  }
0x2: {  	s1 =	rddreg [dreg:$0x1]  }
0x3: {  	s2 =	srdreg.scid;
	s3 =	simm.s32 $0x0;
	s13 =	simm.s32 $0x60  }
0x4: {  	s14 =	simm.s32 $0x1680;
	s15 =	simm.s32 $0x2E80;
	s16 =	simm.s32 $0x1  }
0x5: {  	s17 =	simm.s32 $0x4680;
	s18 =	simm.s32 $0x2;
	s6 =	sand.u32 $0x1, s2  }
0x6: {  	s19 =	simm.s32 $0x3;
	s2 =	stileid.u32;
	s4 =	smul.u32 $0x13880, s6  }
0x7: {  	s20 =	simm.s32 $0xAE0;
	s21 =	simm.s32 $0x1560;
	s7 =	smul.u32 $0x9D8, s2  }
0x8: {  	s22 =	simm.s32 $0x15C0;
	s26 =	simm.s32 $0x0;
	s8 =	smul.u32 $0x14000, s6  }
0x9: {  	[smem:$0x7FF] =	sst s3;
	s10 =	smul.u32 $0x28000, s2;
	s28 =	ssub.s32 $0x2, s6  }
0xa: {  	_ =	strace $0x8000004D;
	s30 =	smul.u32 $0x14000, s2;
	s6 =	sshrl.u32 s28, $0x1  }
0xb: {  	s9 =	sadd.s32 s4, s5;
	s7 =	sadd.s32 s7, s5;
	s4 =	sadd.s32 $0x19400, s5  }
0xc: {  	s11 =	sadd.s32 s8, s5;
	s29 =	sshrl.u32 s10, $0x2;
	s12 =	ssub.s32 s28, s6  }
0xd: {  	s31 =	sshrl.u32 s30, $0x1;
	s24 =	sshrl.u32 s30, $0x4;
	s10 =	simm.s32 $0x5E80  }
0xe: {  	s5 =	sadd.s32 s29, s1;
	s6 =	sadd.s32 $0xF600, s7;
	s7 =	sadd.s32 $0x5800, s7  }
0xf: {  	s8 =	sadd.s32 $0x71800, s9;
	s23 =	sadd.s32 $0x113200, s11;
	s25 =	sadd.s32 s31, s1  }
0x10: {  	s9 =	smax.u32 s12, $0x1;
	s11 =	simm.s32 $0x4;
	s12 =	simm.s32 $0xB40  }
0x11: {  	s23 =	sadd.s32 s24, s23;
	s24 =	simm.s32 $0x1620;
	s25 =	sshrl.u32 s25, $0x3  }
.LBB2_1:
0x12: {  	[tilespmem:s10], [sflag:$0x4] =	stream.linear.gather [hbm4b:s4+s3], $0x400, $0x38;
	[tilespmem:$0x10280] =	vst v63  }
0x13: {  	_ =	swait.ge [sflag:s11], $0x400  }
0x14: {  	[sflag:s11] =	ssyncset.done $0x0  }
0x15: {  	s28 =	sadd.s32 $0x0, s5;
	[sflag:s11] =	ssyncadd.s32 $0xFFFFFC00  }
0x16: {  	[spmem:s28] =	stream.linear.scatter [tilespmem:s10], [sflag:$0x4], $0x400, $0x38;
	[tilespmem:$0x10280] =	vst v63  }
0x17: {  	s28 =	simm.s32 $0x1000;
	_ =	swait.ge [sflag:s11], $0x400  }
.LBB2_2:
0x18: {  	s29 =	sshra.s32 s28, $0x2;
	[sflag:s11] =	ssyncset.done $0x0;
	p0 =	sne.s32 s28, $0x27000  }
.Ltmp0:
0x19: {  	s29 =	sadd.s32 s29, s5;
	[sflag:s11] =	ssyncadd.s32 $0xFFFFFC00;
	(pc) =	sbr.rel @p0 .LBB2_2-.Ltmp0, $3  }
0x1a: {  	[spmem:s29] =	stream.linear.scatter [tilespmem:s10], [sflag:$0x4], $0x400, $0x38;
	[tilespmem:$0x10280] =	vst v63  }
0x1b: {  	s28 =	sadd.s32 $0x1000, s28;
	_ =	sdelay $0x1  }
0x1c: {  	_ =	swait.ge [sflag:s11], $0x400  }
0x1d: {  	[sflag:s11] =	ssyncset.done $0x0  }
0x1e: {  	[sflag:s11] =	ssyncadd.s32 $0xFFFFFC00  }
0x1f: {  	s28 =	simm.s32 $0x0;
	s29 =	simm.s32 $0x0;
	[bflag:$0x0] =	sbarrier.arrive $0xFFFF  }
.LBB2_4:
0x20: {  	s30 =	smul.u32 $0x168, s29;
	_ =	sdelay $0x1  }
0x21: {  	s31 =	sadd.s32 s30, s6  }
0x22: {  	[tilespmem:s28], [sflag:$0x4] =	stream.linear.gather [hbm4b:s31+s28], $0xB40, $0x38;
	[tilespmem:$0x10280] =	vst v63  }
0x23: {  	_ =	swait.ge [sflag:s11], $0xB40  }
0x24: {  	[sflag:s11] =	ssyncset.done $0x0  }
0x25: {  	s30 =	sadd.s32 s30, s7;
	[sflag:s11] =	ssyncadd.s32 $0xFFFFF4C0  }
0x26: {  	[tilespmem:s12], [sflag:$0x4] =	stream.linear.gather [hbm4b:s30+s28], $0xB40, $0x38;
	[tilespmem:$0x10280] =	vst v63  }
0x27: {  	_ =	swait.ge [sflag:s11], $0xB40  }
0x28: {  	[sflag:s11] =	ssyncset.done $0x0  }
0x29: {  	[sflag:s11] =	ssyncadd.s32 $0xFFFFF4C0  }
0x2a: {  	[tilespmem:s14], [sflag:$0x1] =	stream.indirect.gather [hbm4b:s8+s13], $0x40, s28, s13, $0xb8;
	[tilespmem:$0x10280] =	vst v63  }
0x2b: {  	_ = 	snop  }
0x2c: {  	[tilespmem:s15], [sflag:$0x2] =	stream.indirect.gather [hbm4b:s8+s13], $0x40, s13, s13, $0xb8;
	[tilespmem:$0x10280] =	vst v63  }
0x2d: {  	_ =	swait.ge [sflag:s16], $0x1800  }
0x2e: {  	[sflag:s16] =	ssyncset.done $0x0  }
0x2f: {  	s30 =	simm.s32 $0xC0;
	[sflag:s16] =	ssyncadd.s32 $0xFFFFE800  }
0x30: {  	[tilespmem:s17], [sflag:$0x3] =	stream.indirect.gather [hbm4b:s8+s13], $0x40, s30, s13, $0xb8;
	[tilespmem:$0x10280] =	vst v63  }
0x31: {  	s30 =	simm.s32 $0xB40  }
0x32: {  	[spmem:s1] =	stream.indirect.scatter.add.s16 [tilespmem:s14], [sflag:$0x4], $0x40, s30, s13, $0xb8;
	[tilespmem:$0x10280] =	vst v63  }
0x33: {  	_ =	swait.ge [sflag:s11], $0x1800  }
0x34: {  	[sflag:s11] =	ssyncset.done $0x0  }
0x35: {  	[sflag:s11] =	ssyncadd.s32 $0xFFFFE800  }
0x36: {  	_ =	swait.ge [sflag:s18], $0x1800  }
0x37: {  	[sflag:s18] =	ssyncset.done $0x0  }
0x38: {  	s30 =	simm.s32 $0x120;
	[sflag:s18] =	ssyncadd.s32 $0xFFFFE800  }
0x39: {  	[tilespmem:s14], [sflag:$0x1] =	stream.indirect.gather [hbm4b:s8+s13], $0x40, s30, s13, $0xb8;
	[tilespmem:$0x10280] =	vst v63  }
0x3a: {  	s30 =	simm.s32 $0xBA0  }
0x3b: {  	[spmem:s1] =	stream.indirect.scatter.add.s16 [tilespmem:s15], [sflag:$0x4], $0x40, s30, s13, $0xb8;
	[tilespmem:$0x10280] =	vst v63  }
0x3c: {  	_ =	swait.ge [sflag:s11], $0x1800  }
0x3d: {  	[sflag:s11] =	ssyncset.done $0x0  }
0x3e: {  	[sflag:s11] =	ssyncadd.s32 $0xFFFFE800  }
0x3f: {  	_ =	swait.ge [sflag:s19], $0x1800  }
0x40: {  	[sflag:s19] =	ssyncset.done $0x0  }
0x41: {  	s30 =	simm.s32 $0x180;
	[sflag:s19] =	ssyncadd.s32 $0xFFFFE800  }
0x42: {  	[tilespmem:s15], [sflag:$0x2] =	stream.indirect.gather [hbm4b:s8+s13], $0x40, s30, s13, $0xb8;
	[tilespmem:$0x10280] =	vst v63  }
0x43: {  	s30 =	simm.s32 $0xC00  }
0x44: {  	[spmem:s1] =	stream.indirect.scatter.add.s16 [tilespmem:s17], [sflag:$0x4], $0x40, s30, s13, $0xb8;
	[tilespmem:$0x10280] =	vst v63  }
0x45: {  	_ =	swait.ge [sflag:s11], $0x1800  }
0x46: {  	s30 =	simm.s32 $0x480;
	[sflag:s11] =	ssyncset.done $0x0  }
.LBB2_5:
0x47: {  	p0 =	sne.s32 s30, $0x2400  }
0x48: {  	[sflag:s11] =	ssyncadd.s32 $0xFFFFE800;
	s31 =	smov.u32 s30;
	s30 =	sadd.s32 $0x480, s30  }
0x49: {  	_ = 	snop  }
0x4a: {  	_ =	swait.ge [sflag:s16], $0x1800  }
0x4b: {  	s31 =	sshra.s32 s31, $0x2;
	[sflag:s16] =	ssyncset.done $0x0  }
0x4c: {  	s0 =	sadd.s32 $0xC0, s31;
	[sflag:s16] =	ssyncadd.s32 $0xFFFFE800  }
0x4d: {  	[tilespmem:s17], [sflag:$0x3] =	stream.indirect.gather [hbm4b:s8+s13], $0x40, s0, s13, $0xb8;
	[tilespmem:$0x10280] =	vst v63  }
0x4e: {  	s0 =	sadd.s32 $0xB40, s31  }
0x4f: {  	[spmem:s1] =	stream.indirect.scatter.add.s16 [tilespmem:s14], [sflag:$0x4], $0x40, s0, s13, $0xb8;
	[tilespmem:$0x10280] =	vst v63  }
0x50: {  	_ =	swait.ge [sflag:s11], $0x1800  }
0x51: {  	[sflag:s11] =	ssyncset.done $0x0  }
0x52: {  	[sflag:s11] =	ssyncadd.s32 $0xFFFFE800  }
0x53: {  	_ =	swait.ge [sflag:s18], $0x1800  }
0x54: {  	[sflag:s18] =	ssyncset.done $0x0  }
0x55: {  	s0 =	sadd.s32 $0x120, s31;
	[sflag:s18] =	ssyncadd.s32 $0xFFFFE800  }
0x56: {  	[tilespmem:s14], [sflag:$0x1] =	stream.indirect.gather [hbm4b:s8+s13], $0x40, s0, s13, $0xb8;
	[tilespmem:$0x10280] =	vst v63  }
0x57: {  	s0 =	sadd.s32 $0xBA0, s31  }
0x58: {  	[spmem:s1] =	stream.indirect.scatter.add.s16 [tilespmem:s15], [sflag:$0x4], $0x40, s0, s13, $0xb8;
	[tilespmem:$0x10280] =	vst v63  }
0x59: {  	_ =	swait.ge [sflag:s11], $0x1800  }
0x5a: {  	[sflag:s11] =	ssyncset.done $0x0  }
0x5b: {  	[sflag:s11] =	ssyncadd.s32 $0xFFFFE800  }
0x5c: {  	_ =	swait.ge [sflag:s19], $0x1800  }
0x5d: {  	[sflag:s19] =	ssyncset.done $0x0  }
0x5e: {  	s0 =	sadd.s32 $0x180, s31;
	[sflag:s19] =	ssyncadd.s32 $0xFFFFE800  }
0x5f: {  	[tilespmem:s15], [sflag:$0x2] =	stream.indirect.gather [hbm4b:s8+s13], $0x40, s0, s13, $0xb8;
	[tilespmem:$0x10280] =	vst v63  }
.Ltmp1:
0x60: {  	_ = 	snop;
	(pc) =	sbr.rel @p0 .LBB2_5-.Ltmp1, $4  }
0x61: {  	s0 =	sadd.s32 $0xC00, s31  }
0x62: {  	[spmem:s1] =	stream.indirect.scatter.add.s16 [tilespmem:s17], [sflag:$0x4], $0x40, s0, s13, $0xb8;
	[tilespmem:$0x10280] =	vst v63  }
0x63: {  	_ =	swait.ge [sflag:s11], $0x1800  }
0x64: {  	[sflag:s11] =	ssyncset.done $0x0  }
0x65: {  	[sflag:s11] =	ssyncadd.s32 $0xFFFFE800  }
0x66: {  	_ =	swait.ge [sflag:s16], $0x1800  }
0x67: {  	[sflag:s16] =	ssyncset.done $0x0  }
0x68: {  	[sflag:s16] =	ssyncadd.s32 $0xFFFFE800  }
0x69: {  	[tilespmem:s17], [sflag:$0x3] =	stream.indirect.gather [hbm4b:s8+s13], $0x40, s20, s13, $0xb8;
	[tilespmem:$0x10280] =	vst v63  }
0x6a: {  	_ = 	snop  }
0x6b: {  	[spmem:s1] =	stream.indirect.scatter.add.s16 [tilespmem:s14], [sflag:$0x4], $0x40, s21, s13, $0xb8;
	[tilespmem:$0x10280] =	vst v63  }
0x6c: {  	_ =	swait.ge [sflag:s11], $0x1800  }
0x6d: {  	[sflag:s11] =	ssyncset.done $0x0  }
0x6e: {  	[sflag:s11] =	ssyncadd.s32 $0xFFFFE800  }
0x6f: {  	_ =	swait.ge [sflag:s18], $0x1800  }
0x70: {  	[sflag:s18] =	ssyncset.done $0x0  }
0x71: {  	[sflag:s18] =	ssyncadd.s32 $0xFFFFE800  }
0x72: {  	[spmem:s1] =	stream.indirect.scatter.add.s16 [tilespmem:s15], [sflag:$0x4], $0x40, s22, s13, $0xb8;
	[tilespmem:$0x10280] =	vst v63  }
0x73: {  	_ =	swait.ge [sflag:s11], $0x1800  }
0x74: {  	[sflag:s11] =	ssyncset.done $0x0  }
0x75: {  	[sflag:s11] =	ssyncadd.s32 $0xFFFFE800  }
0x76: {  	s29 =	sadd.s32 $0x1, s29;
	_ =	swait.ge [sflag:s19], $0x1800  }
0x77: {  	p0 =	sne.s32 s29, $0x7;
	[sflag:s19] =	ssyncset.done $0x0  }
.Ltmp2:
0x78: {  	[sflag:s19] =	ssyncadd.s32 $0xFFFFE800;
	(pc) =	sbr.rel @p0 .LBB2_4-.Ltmp2, $4  }
0x79: {  	[spmem:s1] =	stream.indirect.scatter.add.s16 [tilespmem:s17], [sflag:$0x4], $0x40, s24, s13, $0xb8;
	[tilespmem:$0x10280] =	vst v63  }
0x7a: {  	_ =	swait.ge [sflag:s11], $0x1800  }
0x7b: {  	[sflag:s11] =	ssyncset.done $0x0  }
0x7c: {  	[sflag:s11] =	ssyncadd.s32 $0xFFFFE800  }
0x7d: {  	s26 =	sadd.s32 $0x1, s26  }
0x7e: {  	s0 =	sshll.u32 s2, $0x6;
	p0 =	sne.s32 s26, s9  }
.Ltmp3:
0x7f: {  	[bflag:$0x0] =	sbarrier.arrive $0xFFFF;
	s0 =	sor.u32 $0x1C04, s0;
	(pc) =	sbr.rel @p0 .LBB2_1-.Ltmp3, $4  }
0x80: {  	[hbm:s23], [sflag:s0] =	dma.local [spmem:s25], $0x1400  }
0x81: {  	_ =	swait.ge [sflag:s11], $0x1400  }
0x82: {  	[sflag:s11] =	ssyncset.done $0x0  }
0x83: {  	[sflag:s11] =	ssyncadd.s32 $0xFFFFEC00  }
0x84: {  	_ =	sfence.sel $0x180000  }
0x85: {  	[bflag:$0x0] =	sbarrier.arrive $0xFFFF  }
0x86: {  	_ =	strace $0x9000004D  }
0x87: {  	[bflag:$0x2] =	sbarrier.arrive $0xFFFF  }
0x88: {  	p0 =	sne.s32 s2, $0x0;
	s0 =	rddreg [dreg:$0x2]  }
0x89: {  	s0 =	sadd.s32 @!p0 $0x100000, s0  }
0x8a: {  	[sflag:s0] =	ssyncadd.tile.s32 @!p0 $0x1;
	_ =	shalt  }
.Lfunc_end2:
_tile_overlayer_lowered:
.L_overlay_start_2:
0x8b: {  	(tag) =	ssettag $0x2  }
0x8c: {  	s0 =	rddreg [dreg:$0x0];
	s2 =	stileid.u32  }
0x8d: {  	s1 =	rddreg [dreg:$0x1];
	p0 =	sne.s32 s2, $0x0  }
0x8e: {  	s3 =	rddreg [dreg:$0x2];
	[bflag:$0x3] =	sbarrier.arrive $0xFFFF;
	s2 =	simm.s32 @!p0 $0x1C04  }
0x8f: {  	[timem:s3], [sflag:s2] =	dma.local @!p0 [hbm:s0], s1  }
0x90: {  	s0 =	simm.s32 @!p0 $0x4  }
0x91: {  	_ =	swait.ge @!p0 [sflag:s0], s1  }
0x92: {  	s1 =	ssub.s32 @!p0 $0x0, s1;
	[sflag:s0] =	ssyncset.done @!p0 $0x0  }
0x93: {  	[sflag:s0] =	ssyncadd.s32 @!p0 s1  }
0x94: {  	[bflag:$0x3] =	sbarrier.arrive $0xFFFF  }
0x95: {  	_ =	shalt  }

</sc_bundles>
